<compile_context>
chip_gen: v7x
topology: tpu7x:2x2x1
jax: 0.10.2.dev20260603
libtpu: 0.0.44.dev20260713+nightly
codegen_flags: <defaults>
</compile_context>

<pallas_src>
import functools
import math

import jax
import jax.numpy as jnp
import numpy as np
from jax import lax
from jax.experimental import pallas as pl
from jax.experimental.pallas import tpu as pltpu
from jax.experimental.pallas import tpu_sc as plsc

NLAT = 128
NLON = 256
LMAX = 50
MMAX = 50
N = 1024
B = 2
G = NLAT * NLON
TOTQ = B * G
QW = 2048
NCHUNK = N // 16

_PI = math.pi


def _cc_quad_weights(n):
    tj = np.pi * np.arange(n) / (n - 1)
    x = np.cos(tj)
    Nn = n - 1
    w = np.zeros(n)
    for j in range(n):
        tmp = 0.0
        for k in range(1, Nn // 2 + 1):
            bk = 1.0 if 2 * k == Nn else 2.0
            tmp += bk / (4.0 * k * k - 1.0) * np.cos(2.0 * k * tj[j])
        wj = 1.0 - tmp
        wj = wj / Nn if (j == 0 or j == Nn) else 2.0 * wj / Nn
        w[j] = wj
    return x, w


def _legpoly(mmax, lmax, x):
    nlat = x.shape[0]
    pct = np.zeros((mmax, lmax, nlat))
    sint = np.sqrt(np.clip(1.0 - x * x, 0.0, None))
    pmm = np.full(nlat, math.sqrt(1.0 / (4.0 * math.pi)))
    for m in range(mmax):
        if m > 0:
            pmm = -math.sqrt((2.0 * m + 1.0) / (2.0 * m)) * sint * pmm
        if m < lmax:
            pct[m, m] = pmm
        if m + 1 < lmax:
            pct[m, m + 1] = math.sqrt(2.0 * m + 3.0) * x * pmm
        for l in range(m + 2, lmax):
            a = math.sqrt((4.0 * l * l - 1.0) / (l * l - m * m))
            b = math.sqrt((((l - 1.0) ** 2) - m * m) / (4.0 * (l - 1.0) ** 2 - 1.0))
            pct[m, l] = a * (x * pct[m, l - 1] - b * pct[m, l - 2])
    return pct


_COST, _WQ = _cc_quad_weights(NLAT)
_SHT_W = (_legpoly(MMAX, LMAX, _COST) * _WQ[None, None, :]).astype(np.float32)
_WT = np.ascontiguousarray(np.transpose(_SHT_W, (2, 1, 0)))
_ROWPERM = np.array([(q // 8) + 16 * (q % 8) for q in range(NLAT)])
_WTP = np.ascontiguousarray(_WT[_ROWPERM])
_j = np.arange(NLON)[:, None].astype(np.float64)
_m = np.arange(MMAX)[None, :].astype(np.float64)
_COS = np.cos(2.0 * np.pi * _j * _m / NLON).astype(np.float32)
_RW = np.exp(-((LMAX - np.arange(1, LMAX + 1)) ** 2) / (2.0 * LMAX ** 2)).astype(np.float32)[:, None]


def _sph_sort_kernel(px_ref, py_ref, pz_ref, sxsp_ref, sysp_ref, ftsp_ref):
    x = px_ref[0]
    y = py_ref[0]
    z = pz_ref[0]
    r = jnp.sqrt(x * x + y * y + z * z)
    rho = jnp.sqrt(y * y + z * z)

    def acos(v):
        return jnp.arctan2(jnp.sqrt((1.0 - v) * (1.0 + v)), v)

    theta = acos(jnp.clip(x / r, -1.0, 1.0))
    a = acos(jnp.clip(y / rho, -1.0, 1.0))
    phi = jnp.where(z < 0.0, 2.0 * _PI - a, a) - _PI

    def outer(row_a, row_b):
        return lax.dot_general(
            row_a, row_b, (((0,), (0,)), ((), ())),
            precision=lax.Precision.HIGHEST,
            preferred_element_type=jnp.float32)

    ones_row = jnp.ones((1, N), jnp.float32)
    thc = outer(theta, ones_row)
    ic = lax.broadcasted_iota(jnp.int32, (N, N), 0)
    ir = lax.broadcasted_iota(jnp.int32, (N, N), 1)
    m = (thc < theta) | ((thc == theta) & (ic < ir))
    rank_row = jnp.sum(m.astype(jnp.float32), axis=0, keepdims=True)

    rankc = outer(rank_row, ones_row).astype(jnp.int32)
    pt2 = (rankc == ir).astype(jnp.float32)
    vals_rows = jnp.concatenate([theta, phi, r], axis=0)
    svals = lax.dot_general(
        vals_rows, pt2, (((1,), (0,)), ((), ())),
        precision=lax.Precision.HIGHEST,
        preferred_element_type=jnp.float32)

    ones16 = jnp.ones((1, 16), jnp.float32)
    sxsp_ref[...] = outer(svals[0:1], ones16).reshape(1, N, 16)
    sysp_ref[...] = outer(svals[1:2], ones16).reshape(1, N, 16)
    ftsp_ref[...] = outer(svals[2:3], ones16).reshape(1, N, 16)


_SC_MESH = plsc.VectorSubcoreMesh(core_axis_name="c", subcore_axis_name="s")


@functools.partial(
    pl.kernel,
    mesh=_SC_MESH,
    out_type=[jax.ShapeDtypeStruct((TOTQ,), jnp.float32) for _ in range(6)],
    scratch_types=[
        pltpu.VMEM((N * 16,), jnp.float32),
        pltpu.VMEM((N * 16,), jnp.float32),
        pltpu.VMEM((N * 16,), jnp.float32),
        pltpu.VMEM((QW,), jnp.float32),
        pltpu.VMEM((QW,), jnp.float32),
        pltpu.VMEM((QW,), jnp.float32),
        pltpu.VMEM((QW,), jnp.float32),
        pltpu.VMEM((QW,), jnp.float32),
        pltpu.VMEM((QW,), jnp.float32),
    ],
)
def _sc_knn(sxsp_hbm, sysp_hbm, ftsp_hbm,
            o_f1, o_f2, o_f3, o_d1, o_d2, o_d3,
            sxspv, syspv, ftspv,
            bf1, bf2, bf3, bd1, bd2, bd3):
    b = lax.axis_index("c")
    s = lax.axis_index("s")

    pltpu.sync_copy(sxsp_hbm.at[b], sxspv)
    pltpu.sync_copy(sysp_hbm.at[b], syspv)
    pltpu.sync_copy(ftsp_hbm.at[b], ftspv)

    lanes = lax.iota(jnp.int32, 16)
    scale = jnp.float32(_PI / NLAT)
    inf = jnp.full((16,), jnp.inf, jnp.float32)
    zero = jnp.zeros((16,), jnp.float32)

    def qstep(i, carry_):
        j = i >> 4
        c16 = i & 15
        row = s + 16 * j
        tqs = row.astype(jnp.float32) * scale
        tq = jnp.broadcast_to(tqs, (16,))
        col = c16 * 16 + lanes
        pq = (col.astype(jnp.float32) - np.float32(NLAT)) * scale

        def bstep(k, lh):
            lo, hi = lh
            mid = (lo + hi) >> 1
            c = sxspv[pl.ds(mid * 256, 16)][0] <= tqs
            return (jnp.where(c, mid, lo), jnp.where(c, hi, mid))

        c0, _ = lax.fori_loop(0, 6, bstep, (jnp.int32(0), jnp.int32(NCHUNK)))

        def scan_chunk(c, ks):
            m1, m2, m3, f1, f2, f3 = ks
            for jj in range(16):
                o = c * 256 + jj * 16
                rx = sxspv[pl.ds(o, 16)]
                ry = syspv[pl.ds(o, 16)]
                rf = ftspv[pl.ds(o, 16)]
                dx = tq - rx
                dy = pq - ry
                d2 = dx * dx + dy * dy
                c1 = d2 < m1
                c2 = d2 < m2
                c3 = d2 < m3
                m3 = jnp.where(c2, m2, jnp.where(c3, d2, m3))
                f3 = jnp.where(c2, f2, jnp.where(c3, rf, f3))
                m2 = jnp.where(c1, m1, jnp.where(c2, d2, m2))
                f2 = jnp.where(c1, f1, jnp.where(c2, rf, f2))
                m1 = jnp.where(c1, d2, m1)
                f1 = jnp.where(c1, rf, f1)
            return m1, m2, m3, f1, f2, f3

        ca = jnp.maximum(c0 - 3, 0)
        cb = jnp.minimum(c0 + 4, jnp.int32(NCHUNK))

        @pl.loop(ca, cb, init_carry=(inf, inf, inf, zero, zero, zero))
        def seed_ks(c, ks):
            return scan_chunk(c, ks)

        m3v = seed_ks[2]
        maxm3 = m3v[0]
        for t in range(1, 16):
            maxm3 = jnp.maximum(maxm3, m3v[t])

        def lstep(k, lh):
            lo, hi = lh
            mid = (lo + hi + 1) >> 1
            th = sxspv[pl.ds(jnp.maximum(mid * 16 - 1, 0) * 16, 16)][0]
            g = tqs - th
            p = (mid == 0) | (maxm3 <= g * g)
            return (jnp.where(p, mid, lo), jnp.where(p, hi, mid - 1))

        wl, _ = lax.fori_loop(0, 6, lstep, (jnp.int32(0), ca))

        def rstep(k, lh):
            lo, hi = lh
            mid = (lo + hi) >> 1
            th = sxspv[pl.ds(jnp.minimum(mid * 16, N - 1) * 16, 16)][0]
            g = th - tqs
            p = (mid == NCHUNK) | (maxm3 <= g * g)
            return (jnp.where(p, lo, mid + 1), jnp.where(p, mid, hi))

        _, wr = lax.fori_loop(0, 6, rstep, (cb, jnp.int32(NCHUNK)))

        @pl.loop(wl, ca, init_carry=seed_ks)
        def left_ks(c, ks):
            return scan_chunk(c, ks)

        @pl.loop(cb, wr, init_carry=left_ks)
        def right_ks(c, ks):
            return scan_chunk(c, ks)

        m1, m2, m3, f1, f2, f3 = right_ks

        off = pl.ds(i * 16, 16)
        bd1[off] = m1
        bd2[off] = m2
        bd3[off] = m3
        bf1[off] = f1
        bf2[off] = f2
        bf3[off] = f3
        return carry_

    lax.fori_loop(0, QW // 16, qstep, 0)

    dst = pl.ds((b * 16 + s) * QW, QW)
    pltpu.sync_copy(bf1, o_f1.at[dst])
    pltpu.sync_copy(bf2, o_f2.at[dst])
    pltpu.sync_copy(bf3, o_f3.at[dst])
    pltpu.sync_copy(bd1, o_d1.at[dst])
    pltpu.sync_copy(bd2, o_d2.at[dst])
    pltpu.sync_copy(bd3, o_d3.at[dst])


def _sht_kernel(f1_ref, f2_ref, f3_ref, d1_ref, d2_ref, d3_ref,
                t_ref, cos_ref, wt_ref, rw_ref, out_ref):
    w1 = jnp.sqrt(jnp.maximum(d1_ref[...], 1e-12))
    w2 = jnp.sqrt(jnp.maximum(d2_ref[...], 1e-12))
    w3 = jnp.sqrt(jnp.maximum(d3_ref[...], 1e-12))
    x = (f1_ref[...] * w1 + f2_ref[...] * w2 + f3_ref[...] * w3) / (w1 + w2 + w3)
    xr = lax.dot(x, cos_ref[...], precision=lax.Precision.HIGHEST,
                 preferred_element_type=jnp.float32)
    xr = xr * np.float32(2.0 * _PI / NLON)
    wt = wt_ref[...]
    rw = rw_ref[...]
    loss = jnp.float32(0.0)
    for b in range(B):
        xb = xr[b * NLAT:(b + 1) * NLAT]
        cb = jnp.sum(wt * xb[:, None, :], axis=0)
        resid = cb - t_ref[b]
        loss = loss + jnp.sum(resid * resid * rw)
    out_ref[...] = (loss / B).reshape(1, 1)


def kernel(pred, target_coeffs):
    px = pred[:, :, 0].reshape(B, 1, N)
    py = pred[:, :, 1].reshape(B, 1, N)
    pz = pred[:, :, 2].reshape(B, 1, N)

    sxsp, sysp, ftsp = pl.pallas_call(
        _sph_sort_kernel,
        grid=(B,),
        in_specs=[pl.BlockSpec((1, 1, N), lambda b: (b, 0, 0))] * 3,
        out_specs=[pl.BlockSpec((1, N, 16), lambda b: (b, 0, 0))] * 3,
        out_shape=[jax.ShapeDtypeStruct((B, N, 16), jnp.float32)] * 3,
    )(px, py, pz)

    f1, f2, f3, d1, d2, d3 = _sc_knn(
        sxsp.reshape(B, N * 16), sysp.reshape(B, N * 16), ftsp.reshape(B, N * 16))

    shp = (B * NLAT, NLON)
    loss = pl.pallas_call(
        _sht_kernel,
        out_shape=jax.ShapeDtypeStruct((1, 1), jnp.float32),
    )(f1.reshape(shp), f2.reshape(shp), f3.reshape(shp),
      d1.reshape(shp), d2.reshape(shp), d3.reshape(shp),
      target_coeffs, jnp.asarray(_COS), jnp.asarray(_WTP), jnp.asarray(_RW))
    return loss[0, 0]

# --- scband reference (transcript-rebuilt; emitter-appended) ---
"""Pipeline reference for scband-fre-loss-precomputed-5643587027146 (READ-ONLY COPY).

The authoritative reference and input builder live on the scoring server;
editing this copy changes nothing except your own understanding.
"""

import jax, jax.numpy as jnp
import numpy as np
import math

NLAT = 128
NLON = 256
LMAX = 50
MMAX = 50
B = 2
N = 1024


def _cc_nodes_weights(n):
    # Clenshaw-Curtis nodes/weights on [-1,1] (equiangular grid incl. poles), as in torch_harmonics
    tj = np.pi * np.arange(n) / (n - 1)
    x = np.cos(tj)
    Nn = n - 1
    w = np.zeros(n)
    for j in range(n):
        tmp = 0.0
        for k in range(1, Nn // 2 + 1):
            bk = 1.0 if 2 * k == Nn else 2.0
            tmp += bk / (4.0 * k * k - 1.0) * np.cos(2.0 * k * tj[j])
        wj = 1.0 - tmp
        wj = wj / Nn if (j == 0 or j == Nn) else 2.0 * wj / Nn
        w[j] = wj
    return x, w


def _legpoly(mmax, lmax, x):
    # orthonormal associated Legendre P_l^m(x) with Condon-Shortley phase
    nlat = x.shape[0]
    pct = np.zeros((mmax, lmax, nlat))
    sint = np.sqrt(np.clip(1.0 - x * x, 0.0, None))
    pmm = np.full(nlat, math.sqrt(1.0 / (4.0 * math.pi)))
    for m in range(mmax):
        if m > 0:
            pmm = -math.sqrt((2.0 * m + 1.0) / (2.0 * m)) * sint * pmm
        if m < lmax:
            pct[m, m] = pmm
        if m + 1 < lmax:
            pct[m, m + 1] = math.sqrt(2.0 * m + 3.0) * x * pmm
        for l in range(m + 2, lmax):
            a = math.sqrt((4.0 * l * l - 1.0) / (l * l - m * m))
            b = math.sqrt((((l - 1.0) ** 2) - m * m) / (4.0 * (l - 1.0) ** 2 - 1.0))
            pct[m, l] = a * (x * pct[m, l - 1] - b * pct[m, l - 2])
    return pct


_COST, _WQ = _cc_nodes_weights(NLAT)
SHT_W = jnp.asarray((_legpoly(MMAX, LMAX, _COST) * _WQ[None, None, :]).astype(np.float32))
_gx, _gy = np.meshgrid(np.arange(NLAT), np.arange(-NLAT, NLAT), indexing='ij')
GRID = jnp.asarray((np.stack([_gx.ravel(), _gy.ravel()], axis=-1)[None].astype(np.float32) / NLAT) * math.pi)
RECT_W = jnp.asarray(np.exp(-((LMAX - np.arange(1, LMAX + 1)) ** 2) / (2.0 * LMAX ** 2)).astype(np.float32))[None, :, None]


def to_spherical(coords):
    n = coords.shape[-1]
    r = jnp.linalg.norm(coords, axis=-1, keepdims=True)
    expanded = jnp.broadcast_to(jnp.flip(coords, -1)[..., None, :], coords.shape + (n,))
    phi_norms = jnp.flip(jnp.linalg.norm(jnp.tril(expanded), axis=-1), -1)
    phi = jnp.arccos(jnp.clip(coords[..., :-2] / phi_norms[..., :-2], -1.0, 1.0))
    a = jnp.arccos(jnp.clip(coords[..., -2:-1] / phi_norms[..., -2:-1], -1.0, 1.0))
    phi_final = a + (2.0 * math.pi - 2.0 * a) * (coords[..., -1:] < 0)
    return jnp.transpose(r, (0, 2, 1)), jnp.concatenate([phi, phi_final], axis=-1)


def _forward(pred, target_coeffs):
    feats, sph = to_spherical(pred)
    sph = sph.at[:, :, 1].add(-math.pi)
    b = pred.shape[0]
    grid = jnp.broadcast_to(GRID, (b, GRID.shape[1], GRID.shape[2]))
    # brute-force KNN (k=3): query = grid points, reference = predicted spherical coords
    q2 = jnp.sum(grid * grid, axis=-1)
    r2 = jnp.sum(sph * sph, axis=-1)
    d2 = q2[:, :, None] + r2[:, None, :] - 2.0 * jnp.einsum('bgd,bnd->bgn', grid, sph)
    neg, idx = jax.lax.top_k(-d2, 3)
    dist = jnp.sqrt(jnp.maximum(-neg, 1e-12))
    dist = dist / jnp.sum(dist, axis=-1, keepdims=True)
    # three_interpolate: out[b,g] = sum_k feats[b, idx[b,g,k]] * dist[b,g,k]  (C=1 channel = radius)
    gathered = jax.vmap(lambda fv, iv: fv[iv])(feats[:, 0, :], idx)
    interp = jnp.sum(gathered * dist, axis=-1)
    x = interp.reshape(-1, NLAT, NLON)
    # RealSHT forward: rfft over lon (norm=forward) * 2pi, then Legendre-quadrature contraction over lat
    xf = 2.0 * math.pi * jnp.fft.rfft(x, axis=-1) / NLON
    xr = jnp.real(xf[..., :MMAX])
    coeffs_real = jnp.einsum('bkm,mlk->blm', xr, SHT_W)
    return jnp.mean(jnp.sum((coeffs_real - target_coeffs) ** 2 * RECT_W, axis=(1, 2)))


def setup_inputs(seed: int = 0) -> dict:
    key = jax.random.key(seed)
    k1, k2 = jax.random.split(key)
    pred = jax.random.normal(k1, (B, N, 3), dtype=jnp.float32)
    target_coeffs = jax.random.normal(k2, (B, LMAX, MMAX), dtype=jnp.float32)
    return {"pred": pred, "target_coeffs": target_coeffs}


def reference(pred, target_coeffs):
    return _forward(pred, target_coeffs)

if __name__ == "__main__":
    import jax
    _d = setup_inputs()
    print(jax.jit(kernel)(*tuple(_d.values())))

</pallas_src>

<mosaic_0001>
#map = affine_map<(d0, d1) -> (0, 0)>
#map1 = affine_map<(d0, d1) -> (0)>
module attributes {stable_mosaic.version = 14 : i64} {
  func.func @_sc_knn(%arg0: i32, %arg1: i32, %arg2: memref<2x16384xf32, #tpu.memory_space<hbm>>, %arg3: memref<2x16384xf32, #tpu.memory_space<hbm>>, %arg4: memref<2x16384xf32, #tpu.memory_space<hbm>>, %arg5: memref<65536xf32, #tpu.memory_space<hbm>>, %arg6: memref<65536xf32, #tpu.memory_space<hbm>>, %arg7: memref<65536xf32, #tpu.memory_space<hbm>>, %arg8: memref<65536xf32, #tpu.memory_space<hbm>>, %arg9: memref<65536xf32, #tpu.memory_space<hbm>>, %arg10: memref<65536xf32, #tpu.memory_space<hbm>>, %arg11: memref<16384xf32, #tpu.memory_space<vmem>>, %arg12: memref<16384xf32, #tpu.memory_space<vmem>>, %arg13: memref<16384xf32, #tpu.memory_space<vmem>>, %arg14: memref<2048xf32, #tpu.memory_space<vmem>>, %arg15: memref<2048xf32, #tpu.memory_space<vmem>>, %arg16: memref<2048xf32, #tpu.memory_space<vmem>>, %arg17: memref<2048xf32, #tpu.memory_space<vmem>>, %arg18: memref<2048xf32, #tpu.memory_space<vmem>>, %arg19: memref<2048xf32, #tpu.memory_space<vmem>>) attributes {dimension_semantics = [#tpu.dimension_semantics<core_parallel>, #tpu.dimension_semantics<subcore_parallel>], iteration_bounds = array<i64: 2, 16>, scalar_prefetch = 0 : i64, scratch_operands = 9 : i64, tpu.core_type = #tpu.core_type<sc_vector_subcore>, window_params = [{transform_indices = #map}, {transform_indices = #map}, {transform_indices = #map}, {transform_indices = #map1}, {transform_indices = #map1}, {transform_indices = #map1}, {transform_indices = #map1}, {transform_indices = #map1}, {transform_indices = #map1}]} {
    "tpu.region"() ({
      %run_scoped3A = tpu.sem_alloc : memref<!tpu.dma_semaphore, #tpu.memory_space<semaphore_mem>>
      %dma_start3A = arith.constant 0 : i32
      %dma_start3A_12 = tpu.memref_slice %arg2[%arg0, %dma_start3A] : memref<2x16384xf32, #tpu.memory_space<hbm>> -> memref<1x16384xf32, #tpu.memory_space<hbm>>
      %dma_start3A_13 = tpu.memref_squeeze %dma_start3A_12 : memref<1x16384xf32, #tpu.memory_space<hbm>> -> memref<16384xf32, #tpu.memory_space<hbm>>
      %dma_start3A_14 = arith.constant 0 : i32
      %dma_start3A_15 = tpu.memref_slice %arg2[%arg0, %dma_start3A_14] : memref<2x16384xf32, #tpu.memory_space<hbm>> -> memref<1x16384xf32, #tpu.memory_space<hbm>>
      %dma_start3A_16 = tpu.memref_squeeze %dma_start3A_15 : memref<1x16384xf32, #tpu.memory_space<hbm>> -> memref<16384xf32, #tpu.memory_space<hbm>>
      tpu.enqueue_dma source(%dma_start3A_16 : memref<16384xf32, #tpu.memory_space<hbm>>) target(%arg11 : memref<16384xf32, #tpu.memory_space<vmem>>) target_semaphore(%run_scoped3A : memref<!tpu.dma_semaphore, #tpu.memory_space<semaphore_mem>>)
      %dma_wait3A = arith.constant 0 : i32
      %dma_wait3A_17 = tpu.memref_slice %arg2[%arg0, %dma_wait3A] : memref<2x16384xf32, #tpu.memory_space<hbm>> -> memref<1x16384xf32, #tpu.memory_space<hbm>>
      %dma_wait3A_18 = tpu.memref_squeeze %dma_wait3A_17 : memref<1x16384xf32, #tpu.memory_space<hbm>> -> memref<16384xf32, #tpu.memory_space<hbm>>
      %dma_wait3A_19 = arith.constant 0 : i32
      %dma_wait3A_20 = tpu.memref_slice %arg2[%arg0, %dma_wait3A_19] : memref<2x16384xf32, #tpu.memory_space<hbm>> -> memref<1x16384xf32, #tpu.memory_space<hbm>>
      %dma_wait3A_21 = tpu.memref_squeeze %dma_wait3A_20 : memref<1x16384xf32, #tpu.memory_space<hbm>> -> memref<16384xf32, #tpu.memory_space<hbm>>
      tpu.wait_dma2 semaphore(%run_scoped3A : memref<!tpu.dma_semaphore, #tpu.memory_space<semaphore_mem>>) src(%dma_wait3A_21 : memref<16384xf32, #tpu.memory_space<hbm>>) dst(%arg11 : memref<16384xf32, #tpu.memory_space<vmem>>)
      tpu.yield
    }) : () -> ()
    "tpu.region"() ({
      %run_scoped3A = tpu.sem_alloc : memref<!tpu.dma_semaphore, #tpu.memory_space<semaphore_mem>>
      %dma_start3A = arith.constant 0 : i32
      %dma_start3A_12 = tpu.memref_slice %arg3[%arg0, %dma_start3A] : memref<2x16384xf32, #tpu.memory_space<hbm>> -> memref<1x16384xf32, #tpu.memory_space<hbm>>
      %dma_start3A_13 = tpu.memref_squeeze %dma_start3A_12 : memref<1x16384xf32, #tpu.memory_space<hbm>> -> memref<16384xf32, #tpu.memory_space<hbm>>
      %dma_start3A_14 = arith.constant 0 : i32
      %dma_start3A_15 = tpu.memref_slice %arg3[%arg0, %dma_start3A_14] : memref<2x16384xf32, #tpu.memory_space<hbm>> -> memref<1x16384xf32, #tpu.memory_space<hbm>>
      %dma_start3A_16 = tpu.memref_squeeze %dma_start3A_15 : memref<1x16384xf32, #tpu.memory_space<hbm>> -> memref<16384xf32, #tpu.memory_space<hbm>>
      tpu.enqueue_dma source(%dma_start3A_16 : memref<16384xf32, #tpu.memory_space<hbm>>) target(%arg12 : memref<16384xf32, #tpu.memory_space<vmem>>) target_semaphore(%run_scoped3A : memref<!tpu.dma_semaphore, #tpu.memory_space<semaphore_mem>>)
      %dma_wait3A = arith.constant 0 : i32
      %dma_wait3A_17 = tpu.memref_slice %arg3[%arg0, %dma_wait3A] : memref<2x16384xf32, #tpu.memory_space<hbm>> -> memref<1x16384xf32, #tpu.memory_space<hbm>>
      %dma_wait3A_18 = tpu.memref_squeeze %dma_wait3A_17 : memref<1x16384xf32, #tpu.memory_space<hbm>> -> memref<16384xf32, #tpu.memory_space<hbm>>
      %dma_wait3A_19 = arith.constant 0 : i32
      %dma_wait3A_20 = tpu.memref_slice %arg3[%arg0, %dma_wait3A_19] : memref<2x16384xf32, #tpu.memory_space<hbm>> -> memref<1x16384xf32, #tpu.memory_space<hbm>>
      %dma_wait3A_21 = tpu.memref_squeeze %dma_wait3A_20 : memref<1x16384xf32, #tpu.memory_space<hbm>> -> memref<16384xf32, #tpu.memory_space<hbm>>
      tpu.wait_dma2 semaphore(%run_scoped3A : memref<!tpu.dma_semaphore, #tpu.memory_space<semaphore_mem>>) src(%dma_wait3A_21 : memref<16384xf32, #tpu.memory_space<hbm>>) dst(%arg12 : memref<16384xf32, #tpu.memory_space<vmem>>)
      tpu.yield
    }) : () -> ()
    "tpu.region"() ({
      %run_scoped3A = tpu.sem_alloc : memref<!tpu.dma_semaphore, #tpu.memory_space<semaphore_mem>>
      %dma_start3A = arith.constant 0 : i32
      %dma_start3A_12 = tpu.memref_slice %arg4[%arg0, %dma_start3A] : memref<2x16384xf32, #tpu.memory_space<hbm>> -> memref<1x16384xf32, #tpu.memory_space<hbm>>
      %dma_start3A_13 = tpu.memref_squeeze %dma_start3A_12 : memref<1x16384xf32, #tpu.memory_space<hbm>> -> memref<16384xf32, #tpu.memory_space<hbm>>
      %dma_start3A_14 = arith.constant 0 : i32
      %dma_start3A_15 = tpu.memref_slice %arg4[%arg0, %dma_start3A_14] : memref<2x16384xf32, #tpu.memory_space<hbm>> -> memref<1x16384xf32, #tpu.memory_space<hbm>>
      %dma_start3A_16 = tpu.memref_squeeze %dma_start3A_15 : memref<1x16384xf32, #tpu.memory_space<hbm>> -> memref<16384xf32, #tpu.memory_space<hbm>>
      tpu.enqueue_dma source(%dma_start3A_16 : memref<16384xf32, #tpu.memory_space<hbm>>) target(%arg13 : memref<16384xf32, #tpu.memory_space<vmem>>) target_semaphore(%run_scoped3A : memref<!tpu.dma_semaphore, #tpu.memory_space<semaphore_mem>>)
      %dma_wait3A = arith.constant 0 : i32
      %dma_wait3A_17 = tpu.memref_slice %arg4[%arg0, %dma_wait3A] : memref<2x16384xf32, #tpu.memory_space<hbm>> -> memref<1x16384xf32, #tpu.memory_space<hbm>>
      %dma_wait3A_18 = tpu.memref_squeeze %dma_wait3A_17 : memref<1x16384xf32, #tpu.memory_space<hbm>> -> memref<16384xf32, #tpu.memory_space<hbm>>
      %dma_wait3A_19 = arith.constant 0 : i32
      %dma_wait3A_20 = tpu.memref_slice %arg4[%arg0, %dma_wait3A_19] : memref<2x16384xf32, #tpu.memory_space<hbm>> -> memref<1x16384xf32, #tpu.memory_space<hbm>>
      %dma_wait3A_21 = tpu.memref_squeeze %dma_wait3A_20 : memref<1x16384xf32, #tpu.memory_space<hbm>> -> memref<16384xf32, #tpu.memory_space<hbm>>
      tpu.wait_dma2 semaphore(%run_scoped3A : memref<!tpu.dma_semaphore, #tpu.memory_space<semaphore_mem>>) src(%dma_wait3A_21 : memref<16384xf32, #tpu.memory_space<hbm>>) dst(%arg13 : memref<16384xf32, #tpu.memory_space<vmem>>)
      tpu.yield
    }) : () -> ()
    %iota3A = tpu.iota {dimensions = array<i32: 0>} : vector<16xi32>
    %broadcast_in_dim3A = arith.constant 0x7F800000 : f32
    %broadcast_in_dim3A_0 = vector.broadcast %broadcast_in_dim3A : f32 to vector<16xf32>
    %broadcast_in_dim3A_1 = arith.constant 0.000000e+00 : f32
    %broadcast_in_dim3A_2 = vector.broadcast %broadcast_in_dim3A_1 : f32 to vector<16xf32>
    %scan3A = arith.constant 0 : i32
    %scan3A_3 = arith.constant 0.0245436933 : f32
    %scan3A_4 = arith.constant 0 : i32
    %scan3A_5 = arith.constant 128 : i32
    %scan3A_6 = arith.addi %scan3A_4, %scan3A_5 : i32
    %scan3A_7 = arith.constant 1 : i32
    scf.for %scan3A_12 = %scan3A_4 to %scan3A_6 step %scan3A_7  : i32 {
      %shift_right_arithmetic3A = arith.constant 4 : i32
      %shift_right_arithmetic3A_13 = arith.shrsi %scan3A_12, %shift_right_arithmetic3A : i32
      %and3A = arith.constant 15 : i32
      %and3A_14 = arith.andi %scan3A_12, %and3A : i32
      %mul3A_15 = arith.constant 16 : i32
      %mul3A_16 = arith.muli %mul3A_15, %shift_right_arithmetic3A_13 : i32
      %add3A_17 = arith.addi %arg1, %mul3A_16 : i32
      %convert_element_type3A = arith.sitofp %add3A_17 : i32 to f32
      %mul3A_18 = arith.mulf %convert_element_type3A, %scan3A_3 : f32
      %broadcast_in_dim3A_19 = vector.broadcast %mul3A_18 : f32 to vector<16xf32>
      %mul3A_20 = arith.constant 16 : i32
      %mul3A_21 = arith.muli %and3A_14, %mul3A_20 : i32
      %add3A_22 = vector.broadcast %mul3A_21 : i32 to vector<16xi32>
      %add3A_23 = arith.addi %add3A_22, %iota3A : vector<16xi32>
      %convert_element_type3A_24 = arith.sitofp %add3A_23 : vector<16xi32> to vector<16xf32>
      %sub3A = arith.constant 1.280000e+02 : f32
      %sub3A_25 = vector.broadcast %sub3A : f32 to vector<16xf32>
      %sub3A_26 = arith.subf %convert_element_type3A_24, %sub3A_25 : vector<16xf32>
      %mul3A_27 = vector.broadcast %scan3A_3 : f32 to vector<16xf32>
      %mul3A_28 = arith.mulf %sub3A_26, %mul3A_27 : vector<16xf32>
      %scan3A_29 = arith.constant 0 : i32
      %scan3A_30 = arith.constant 64 : i32
      %scan3A_31 = arith.constant 0 : i32
      %scan3A_32 = arith.constant 6 : i32
      %scan3A_33 = arith.addi %scan3A_31, %scan3A_32 : i32
      %scan3A_34 = arith.constant 1 : i32
      %scan3A_35:2 = scf.for %scan3A_182 = %scan3A_31 to %scan3A_33 step %scan3A_34 iter_args(%scan3A_183 = %scan3A_29, %scan3A_184 = %scan3A_30) -> (i32, i32)  : i32 {
        %add3A_185 = arith.addi %scan3A_183, %scan3A_184 : i32
        %shift_right_arithmetic3A_186 = arith.constant 1 : i32
        %shift_right_arithmetic3A_187 = arith.shrsi %add3A_185, %shift_right_arithmetic3A_186 : i32
        %mul3A_188 = arith.constant 256 : i32
        %mul3A_189 = arith.muli %shift_right_arithmetic3A_187, %mul3A_188 : i32
        %get3A = arith.index_cast %mul3A_189 : i32 to index
        %get3A_190 = tpu.vector_load %arg11[%get3A] {strides = array<i32>} : memref<16384xf32, #tpu.memory_space<vmem>>, vector<16xf32>,
        %get3A_191 = vector.shape_cast %get3A_190 : vector<16xf32> to vector<16xf32>
        %slice3A_192 = vector.extract_strided_slice %get3A_191 {offsets = [0], sizes = [1], strides = [1]} : vector<16xf32> to vector<1xf32>
        %squeeze3A_193 = vector.extract %slice3A_192[0] : f32 from vector<1xf32>
        %le3A = arith.cmpf ole, %squeeze3A_193, %mul3A_18 : f32
        %select_n3A = arith.select %le3A, %shift_right_arithmetic3A_187, %scan3A_183 : i32
        %select_n3A_194 = arith.select %le3A, %scan3A_184, %shift_right_arithmetic3A_187 : i32
        scf.yield %select_n3A, %select_n3A_194 : i32, i32
      }
      %scan3A_36 = arith.constant 6 : i32
      %sub3A_37 = arith.constant 3 : i32
      %sub3A_38 = arith.subi %scan3A_35#0, %sub3A_37 : i32
      %max3A = arith.constant 0 : i32
      %max3A_39 = arith.maxsi %sub3A_38, %max3A : i32
      %add3A_40 = arith.constant 4 : i32
      %add3A_41 = arith.addi %scan3A_35#0, %add3A_40 : i32
      %min3A = arith.constant 64 : i32
      %min3A_42 = arith.minsi %add3A_41, %min3A : i32
      %sub3A_43 = arith.subi %min3A_42, %max3A_39 : i32
      %sub3A_44 = arith.constant 1 : i32
      %sub3A_45 = arith.constant 1 : i32
      %sub3A_46 = arith.subi %sub3A_44, %sub3A_45 : i32
      %add3A_47 = arith.addi %sub3A_43, %sub3A_46 : i32
      %div3A = arith.constant 1 : i32
      %div3A_48 = arith.divsi %add3A_47, %div3A : i32
      %while3A = arith.constant 1 : i32
      %while3A_49 = arith.constant 0 : i32
      %while3A_50 = arith.subi %div3A_48, %while3A_49 : i32
      %while3A_51 = arith.addi %while3A_49, %while3A_50 : i32
      %while3A_52 = arith.constant 1 : i32
      %while3A_53 = arith.divsi %while3A_50, %while3A_52 : i32
      %while3A_54 = arith.muli %while3A_53, %while3A_52 : i32
      %while3A_55 = arith.addi %while3A_49, %while3A_54 : i32
      %while3A_56 = arith.constant 1 : i32
      %while3A_57:6 = scf.for %while3A_182 = %while3A_49 to %while3A_55 step %while3A_56 iter_args(%while3A_183 = %broadcast_in_dim3A_0, %while3A_184 = %broadcast_in_dim3A_0, %while3A_185 = %broadcast_in_dim3A_0, %while3A_186 = %broadcast_in_dim3A_2, %while3A_187 = %broadcast_in_dim3A_2, %while3A_188 = %broadcast_in_dim3A_2) -> (vector<16xf32>, vector<16xf32>, vector<16xf32>, vector<16xf32>, vector<16xf32>, vector<16xf32>)  : i32 {
        %mul3A_189 = arith.muli %while3A_182, %while3A : i32
        %add3A_190 = arith.addi %max3A_39, %mul3A_189 : i32
        %mul3A_191 = arith.constant 256 : i32
        %mul3A_192 = arith.muli %add3A_190, %mul3A_191 : i32
        %add3A_193 = arith.constant 0 : i32
        %add3A_194 = arith.addi %mul3A_192, %add3A_193 : i32
        %get3A = arith.index_cast %add3A_194 : i32 to index
        %get3A_195 = tpu.vector_load %arg11[%get3A] {strides = array<i32>} : memref<16384xf32, #tpu.memory_space<vmem>>, vector<16xf32>,
        %get3A_196 = vector.shape_cast %get3A_195 : vector<16xf32> to vector<16xf32>
        %get3A_197 = arith.index_cast %add3A_194 : i32 to index
        %get3A_198 = tpu.vector_load %arg12[%get3A_197] {strides = array<i32>} : memref<16384xf32, #tpu.memory_space<vmem>>, vector<16xf32>,
        %get3A_199 = vector.shape_cast %get3A_198 : vector<16xf32> to vector<16xf32>
        %get3A_200 = arith.index_cast %add3A_194 : i32 to index
        %get3A_201 = tpu.vector_load %arg13[%get3A_200] {strides = array<i32>} : memref<16384xf32, #tpu.memory_space<vmem>>, vector<16xf32>,
        %get3A_202 = vector.shape_cast %get3A_201 : vector<16xf32> to vector<16xf32>
        %sub3A_203 = arith.subf %broadcast_in_dim3A_19, %get3A_196 : vector<16xf32>
        %sub3A_204 = arith.subf %mul3A_28, %get3A_199 : vector<16xf32>
        %mul3A_205 = arith.mulf %sub3A_203, %sub3A_203 : vector<16xf32>
        %mul3A_206 = arith.mulf %sub3A_204, %sub3A_204 : vector<16xf32>
        %add3A_207 = arith.addf %mul3A_205, %mul3A_206 : vector<16xf32>
        %lt3A = arith.cmpf olt, %add3A_207, %while3A_183 : vector<16xf32>
        %lt3A_208 = arith.cmpf olt, %add3A_207, %while3A_184 : vector<16xf32>
        %lt3A_209 = arith.cmpf olt, %add3A_207, %while3A_185 : vector<16xf32>
        %select_n3A = arith.select %lt3A_209, %add3A_207, %while3A_185 : vector<16xi1>, vector<16xf32>
        %select_n3A_210 = arith.select %lt3A_208, %while3A_184, %select_n3A : vector<16xi1>, vector<16xf32>
        %select_n3A_211 = arith.select %lt3A_209, %get3A_202, %while3A_188 : vector<16xi1>, vector<16xf32>
        %select_n3A_212 = arith.select %lt3A_208, %while3A_187, %select_n3A_211 : vector<16xi1>, vector<16xf32>
        %select_n3A_213 = arith.select %lt3A_208, %add3A_207, %while3A_184 : vector<16xi1>, vector<16xf32>
        %select_n3A_214 = arith.select %lt3A, %while3A_183, %select_n3A_213 : vector<16xi1>, vector<16xf32>
        %select_n3A_215 = arith.select %lt3A_208, %get3A_202, %while3A_187 : vector<16xi1>, vector<16xf32>
        %select_n3A_216 = arith.select %lt3A, %while3A_186, %select_n3A_215 : vector<16xi1>, vector<16xf32>
        %select_n3A_217 = arith.select %lt3A, %add3A_207, %while3A_183 : vector<16xi1>, vector<16xf32>
        %select_n3A_218 = arith.select %lt3A, %get3A_202, %while3A_186 : vector<16xi1>, vector<16xf32>
        %mul3A_219 = arith.constant 256 : i32
        %mul3A_220 = arith.muli %add3A_190, %mul3A_219 : i32
        %add3A_221 = arith.constant 16 : i32
        %add3A_222 = arith.addi %mul3A_220, %add3A_221 : i32
        %get3A_223 = arith.index_cast %add3A_222 : i32 to index
        %get3A_224 = tpu.vector_load %arg11[%get3A_223] {strides = array<i32>} : memref<16384xf32, #tpu.memory_space<vmem>>, vector<16xf32>,
        %get3A_225 = vector.shape_cast %get3A_224 : vector<16xf32> to vector<16xf32>
        %get3A_226 = arith.index_cast %add3A_222 : i32 to index
        %get3A_227 = tpu.vector_load %arg12[%get3A_226] {strides = array<i32>} : memref<16384xf32, #tpu.memory_space<vmem>>, vector<16xf32>,
        %get3A_228 = vector.shape_cast %get3A_227 : vector<16xf32> to vector<16xf32>
        %get3A_229 = arith.index_cast %add3A_222 : i32 to index
        %get3A_230 = tpu.vector_load %arg13[%get3A_229] {strides = array<i32>} : memref<16384xf32, #tpu.memory_space<vmem>>, vector<16xf32>,
        %get3A_231 = vector.shape_cast %get3A_230 : vector<16xf32> to vector<16xf32>
        %sub3A_232 = arith.subf %broadcast_in_dim3A_19, %get3A_225 : vector<16xf32>
        %sub3A_233 = arith.subf %mul3A_28, %get3A_228 : vector<16xf32>
        %mul3A_234 = arith.mulf %sub3A_232, %sub3A_232 : vector<16xf32>
        %mul3A_235 = arith.mulf %sub3A_233, %sub3A_233 : vector<16xf32>
        %add3A_236 = arith.addf %mul3A_234, %mul3A_235 : vector<16xf32>
        %lt3A_237 = arith.cmpf olt, %add3A_236, %select_n3A_217 : vector<16xf32>
        %lt3A_238 = arith.cmpf olt, %add3A_236, %select_n3A_214 : vector<16xf32>
        %lt3A_239 = arith.cmpf olt, %add3A_236, %select_n3A_210 : vector<16xf32>
        %select_n3A_240 = arith.select %lt3A_239, %add3A_236, %select_n3A_210 : vector<16xi1>, vector<16xf32>
        %select_n3A_241 = arith.select %lt3A_238, %select_n3A_214, %select_n3A_240 : vector<16xi1>, vector<16xf32>
        %select_n3A_242 = arith.select %lt3A_239, %get3A_231, %select_n3A_212 : vector<16xi1>, vector<16xf32>
        %select_n3A_243 = arith.select %lt3A_238, %select_n3A_216, %select_n3A_242 : vector<16xi1>, vector<16xf32>
        %select_n3A_244 = arith.select %lt3A_238, %add3A_236, %select_n3A_214 : vector<16xi1>, vector<16xf32>
        %select_n3A_245 = arith.select %lt3A_237, %select_n3A_217, %select_n3A_244 : vector<16xi1>, vector<16xf32>
        %select_n3A_246 = arith.select %lt3A_238, %get3A_231, %select_n3A_216 : vector<16xi1>, vector<16xf32>
        %select_n3A_247 = arith.select %lt3A_237, %select_n3A_218, %select_n3A_246 : vector<16xi1>, vector<16xf32>
        %select_n3A_248 = arith.select %lt3A_237, %add3A_236, %select_n3A_217 : vector<16xi1>, vector<16xf32>
        %select_n3A_249 = arith.select %lt3A_237, %get3A_231, %select_n3A_218 : vector<16xi1>, vector<16xf32>
        %mul3A_250 = arith.constant 256 : i32
        %mul3A_251 = arith.muli %add3A_190, %mul3A_250 : i32
        %add3A_252 = arith.constant 32 : i32
        %add3A_253 = arith.addi %mul3A_251, %add3A_252 : i32
        %get3A_254 = arith.index_cast %add3A_253 : i32 to index
        %get3A_255 = tpu.vector_load %arg11[%get3A_254] {strides = array<i32>} : memref<16384xf32, #tpu.memory_space<vmem>>, vector<16xf32>,
        %get3A_256 = vector.shape_cast %get3A_255 : vector<16xf32> to vector<16xf32>
        %get3A_257 = arith.index_cast %add3A_253 : i32 to index
        %get3A_258 = tpu.vector_load %arg12[%get3A_257] {strides = array<i32>} : memref<16384xf32, #tpu.memory_space<vmem>>, vector<16xf32>,
        %get3A_259 = vector.shape_cast %get3A_258 : vector<16xf32> to vector<16xf32>
        %get3A_260 = arith.index_cast %add3A_253 : i32 to index
        %get3A_261 = tpu.vector_load %arg13[%get3A_260] {strides = array<i32>} : memref<16384xf32, #tpu.memory_space<vmem>>, vector<16xf32>,
        %get3A_262 = vector.shape_cast %get3A_261 : vector<16xf32> to vector<16xf32>
        %sub3A_263 = arith.subf %broadcast_in_dim3A_19, %get3A_256 : vector<16xf32>
        %sub3A_264 = arith.subf %mul3A_28, %get3A_259 : vector<16xf32>
        %mul3A_265 = arith.mulf %sub3A_263, %sub3A_263 : vector<16xf32>
        %mul3A_266 = arith.mulf %sub3A_264, %sub3A_264 : vector<16xf32>
        %add3A_267 = arith.addf %mul3A_265, %mul3A_266 : vector<16xf32>
        %lt3A_268 = arith.cmpf olt, %add3A_267, %select_n3A_248 : vector<16xf32>
        %lt3A_269 = arith.cmpf olt, %add3A_267, %select_n3A_245 : vector<16xf32>
        %lt3A_270 = arith.cmpf olt, %add3A_267, %select_n3A_241 : vector<16xf32>
        %select_n3A_271 = arith.select %lt3A_270, %add3A_267, %select_n3A_241 : vector<16xi1>, vector<16xf32>
        %select_n3A_272 = arith.select %lt3A_269, %select_n3A_245, %select_n3A_271 : vector<16xi1>, vector<16xf32>
        %select_n3A_273 = arith.select %lt3A_270, %get3A_262, %select_n3A_243 : vector<16xi1>, vector<16xf32>
        %select_n3A_274 = arith.select %lt3A_269, %select_n3A_247, %select_n3A_273 : vector<16xi1>, vector<16xf32>
        %select_n3A_275 = arith.select %lt3A_269, %add3A_267, %select_n3A_245 : vector<16xi1>, vector<16xf32>
        %select_n3A_276 = arith.select %lt3A_268, %select_n3A_248, %select_n3A_275 : vector<16xi1>, vector<16xf32>
        %select_n3A_277 = arith.select %lt3A_269, %get3A_262, %select_n3A_247 : vector<16xi1>, vector<16xf32>
        %select_n3A_278 = arith.select %lt3A_268, %select_n3A_249, %select_n3A_277 : vector<16xi1>, vector<16xf32>
        %select_n3A_279 = arith.select %lt3A_268, %add3A_267, %select_n3A_248 : vector<16xi1>, vector<16xf32>
        %select_n3A_280 = arith.select %lt3A_268, %get3A_262, %select_n3A_249 : vector<16xi1>, vector<16xf32>
        %mul3A_281 = arith.constant 256 : i32
        %mul3A_282 = arith.muli %add3A_190, %mul3A_281 : i32
        %add3A_283 = arith.constant 48 : i32
        %add3A_284 = arith.addi %mul3A_282, %add3A_283 : i32
        %get3A_285 = arith.index_cast %add3A_284 : i32 to index
        %get3A_286 = tpu.vector_load %arg11[%get3A_285] {strides = array<i32>} : memref<16384xf32, #tpu.memory_space<vmem>>, vector<16xf32>,
        %get3A_287 = vector.shape_cast %get3A_286 : vector<16xf32> to vector<16xf32>
        %get3A_288 = arith.index_cast %add3A_284 : i32 to index
        %get3A_289 = tpu.vector_load %arg12[%get3A_288] {strides = array<i32>} : memref<16384xf32, #tpu.memory_space<vmem>>, vector<16xf32>,
        %get3A_290 = vector.shape_cast %get3A_289 : vector<16xf32> to vector<16xf32>
        %get3A_291 = arith.index_cast %add3A_284 : i32 to index
        %get3A_292 = tpu.vector_load %arg13[%get3A_291] {strides = array<i32>} : memref<16384xf32, #tpu.memory_space<vmem>>, vector<16xf32>,
        %get3A_293 = vector.shape_cast %get3A_292 : vector<16xf32> to vector<16xf32>
        %sub3A_294 = arith.subf %broadcast_in_dim3A_19, %get3A_287 : vector<16xf32>
        %sub3A_295 = arith.subf %mul3A_28, %get3A_290 : vector<16xf32>
        %mul3A_296 = arith.mulf %sub3A_294, %sub3A_294 : vector<16xf32>
        %mul3A_297 = arith.mulf %sub3A_295, %sub3A_295 : vector<16xf32>
        %add3A_298 = arith.addf %mul3A_296, %mul3A_297 : vector<16xf32>
        %lt3A_299 = arith.cmpf olt, %add3A_298, %select_n3A_279 : vector<16xf32>
        %lt3A_300 = arith.cmpf olt, %add3A_298, %select_n3A_276 : vector<16xf32>
        %lt3A_301 = arith.cmpf olt, %add3A_298, %select_n3A_272 : vector<16xf32>
        %select_n3A_302 = arith.select %lt3A_301, %add3A_298, %select_n3A_272 : vector<16xi1>, vector<16xf32>
        %select_n3A_303 = arith.select %lt3A_300, %select_n3A_276, %select_n3A_302 : vector<16xi1>, vector<16xf32>
        %select_n3A_304 = arith.select %lt3A_301, %get3A_293, %select_n3A_274 : vector<16xi1>, vector<16xf32>
        %select_n3A_305 = arith.select %lt3A_300, %select_n3A_278, %select_n3A_304 : vector<16xi1>, vector<16xf32>
        %select_n3A_306 = arith.select %lt3A_300, %add3A_298, %select_n3A_276 : vector<16xi1>, vector<16xf32>
        %select_n3A_307 = arith.select %lt3A_299, %select_n3A_279, %select_n3A_306 : vector<16xi1>, vector<16xf32>
        %select_n3A_308 = arith.select %lt3A_300, %get3A_293, %select_n3A_278 : vector<16xi1>, vector<16xf32>
        %select_n3A_309 = arith.select %lt3A_299, %select_n3A_280, %select_n3A_308 : vector<16xi1>, vector<16xf32>
        %select_n3A_310 = arith.select %lt3A_299, %add3A_298, %select_n3A_279 : vector<16xi1>, vector<16xf32>
        %select_n3A_311 = arith.select %lt3A_299, %get3A_293, %select_n3A_280 : vector<16xi1>, vector<16xf32>
        %mul3A_312 = arith.constant 256 : i32
        %mul3A_313 = arith.muli %add3A_190, %mul3A_312 : i32
        %add3A_314 = arith.constant 64 : i32
        %add3A_315 = arith.addi %mul3A_313, %add3A_314 : i32
        %get3A_316 = arith.index_cast %add3A_315 : i32 to index
        %get3A_317 = tpu.vector_load %arg11[%get3A_316] {strides = array<i32>} : memref<16384xf32, #tpu.memory_space<vmem>>, vector<16xf32>,
        %get3A_318 = vector.shape_cast %get3A_317 : vector<16xf32> to vector<16xf32>
        %get3A_319 = arith.index_cast %add3A_315 : i32 to index
        %get3A_320 = tpu.vector_load %arg12[%get3A_319] {strides = array<i32>} : memref<16384xf32, #tpu.memory_space<vmem>>, vector<16xf32>,
        %get3A_321 = vector.shape_cast %get3A_320 : vector<16xf32> to vector<16xf32>
        %get3A_322 = arith.index_cast %add3A_315 : i32 to index
        %get3A_323 = tpu.vector_load %arg13[%get3A_322] {strides = array<i32>} : memref<16384xf32, #tpu.memory_space<vmem>>, vector<16xf32>,
        %get3A_324 = vector.shape_cast %get3A_323 : vector<16xf32> to vector<16xf32>
        %sub3A_325 = arith.subf %broadcast_in_dim3A_19, %get3A_318 : vector<16xf32>
        %sub3A_326 = arith.subf %mul3A_28, %get3A_321 : vector<16xf32>
        %mul3A_327 = arith.mulf %sub3A_325, %sub3A_325 : vector<16xf32>
        %mul3A_328 = arith.mulf %sub3A_326, %sub3A_326 : vector<16xf32>
        %add3A_329 = arith.addf %mul3A_327, %mul3A_328 : vector<16xf32>
        %lt3A_330 = arith.cmpf olt, %add3A_329, %select_n3A_310 : vector<16xf32>
        %lt3A_331 = arith.cmpf olt, %add3A_329, %select_n3A_307 : vector<16xf32>
        %lt3A_332 = arith.cmpf olt, %add3A_329, %select_n3A_303 : vector<16xf32>
        %select_n3A_333 = arith.select %lt3A_332, %add3A_329, %select_n3A_303 : vector<16xi1>, vector<16xf32>
        %select_n3A_334 = arith.select %lt3A_331, %select_n3A_307, %select_n3A_333 : vector<16xi1>, vector<16xf32>
        %select_n3A_335 = arith.select %lt3A_332, %get3A_324, %select_n3A_305 : vector<16xi1>, vector<16xf32>
        %select_n3A_336 = arith.select %lt3A_331, %select_n3A_309, %select_n3A_335 : vector<16xi1>, vector<16xf32>
        %select_n3A_337 = arith.select %lt3A_331, %add3A_329, %select_n3A_307 : vector<16xi1>, vector<16xf32>
        %select_n3A_338 = arith.select %lt3A_330, %select_n3A_310, %select_n3A_337 : vector<16xi1>, vector<16xf32>
        %select_n3A_339 = arith.select %lt3A_331, %get3A_324, %select_n3A_309 : vector<16xi1>, vector<16xf32>
        %select_n3A_340 = arith.select %lt3A_330, %select_n3A_311, %select_n3A_339 : vector<16xi1>, vector<16xf32>
        %select_n3A_341 = arith.select %lt3A_330, %add3A_329, %select_n3A_310 : vector<16xi1>, vector<16xf32>
        %select_n3A_342 = arith.select %lt3A_330, %get3A_324, %select_n3A_311 : vector<16xi1>, vector<16xf32>
        %mul3A_343 = arith.constant 256 : i32
        %mul3A_344 = arith.muli %add3A_190, %mul3A_343 : i32
        %add3A_345 = arith.constant 80 : i32
        %add3A_346 = arith.addi %mul3A_344, %add3A_345 : i32
        %get3A_347 = arith.index_cast %add3A_346 : i32 to index
        %get3A_348 = tpu.vector_load %arg11[%get3A_347] {strides = array<i32>} : memref<16384xf32, #tpu.memory_space<vmem>>, vector<16xf32>,
        %get3A_349 = vector.shape_cast %get3A_348 : vector<16xf32> to vector<16xf32>
        %get3A_350 = arith.index_cast %add3A_346 : i32 to index
        %get3A_351 = tpu.vector_load %arg12[%get3A_350] {strides = array<i32>} : memref<16384xf32, #tpu.memory_space<vmem>>, vector<16xf32>,
        %get3A_352 = vector.shape_cast %get3A_351 : vector<16xf32> to vector<16xf32>
        %get3A_353 = arith.index_cast %add3A_346 : i32 to index
        %get3A_354 = tpu.vector_load %arg13[%get3A_353] {strides = array<i32>} : memref<16384xf32, #tpu.memory_space<vmem>>, vector<16xf32>,
        %get3A_355 = vector.shape_cast %get3A_354 : vector<16xf32> to vector<16xf32>
        %sub3A_356 = arith.subf %broadcast_in_dim3A_19, %get3A_349 : vector<16xf32>
        %sub3A_357 = arith.subf %mul3A_28, %get3A_352 : vector<16xf32>
        %mul3A_358 = arith.mulf %sub3A_356, %sub3A_356 : vector<16xf32>
        %mul3A_359 = arith.mulf %sub3A_357, %sub3A_357 : vector<16xf32>
        %add3A_360 = arith.addf %mul3A_358, %mul3A_359 : vector<16xf32>
        %lt3A_361 = arith.cmpf olt, %add3A_360, %select_n3A_341 : vector<16xf32>
        %lt3A_362 = arith.cmpf olt, %add3A_360, %select_n3A_338 : vector<16xf32>
        %lt3A_363 = arith.cmpf olt, %add3A_360, %select_n3A_334 : vector<16xf32>
        %select_n3A_364 = arith.select %lt3A_363, %add3A_360, %select_n3A_334 : vector<16xi1>, vector<16xf32>
        %select_n3A_365 = arith.select %lt3A_362, %select_n3A_338, %select_n3A_364 : vector<16xi1>, vector<16xf32>
        %select_n3A_366 = arith.select %lt3A_363, %get3A_355, %select_n3A_336 : vector<16xi1>, vector<16xf32>
        %select_n3A_367 = arith.select %lt3A_362, %select_n3A_340, %select_n3A_366 : vector<16xi1>, vector<16xf32>
        %select_n3A_368 = arith.select %lt3A_362, %add3A_360, %select_n3A_338 : vector<16xi1>, vector<16xf32>
        %select_n3A_369 = arith.select %lt3A_361, %select_n3A_341, %select_n3A_368 : vector<16xi1>, vector<16xf32>
        %select_n3A_370 = arith.select %lt3A_362, %get3A_355, %select_n3A_340 : vector<16xi1>, vector<16xf32>
        %select_n3A_371 = arith.select %lt3A_361, %select_n3A_342, %select_n3A_370 : vector<16xi1>, vector<16xf32>
        %select_n3A_372 = arith.select %lt3A_361, %add3A_360, %select_n3A_341 : vector<16xi1>, vector<16xf32>
        %select_n3A_373 = arith.select %lt3A_361, %get3A_355, %select_n3A_342 : vector<16xi1>, vector<16xf32>
        %mul3A_374 = arith.constant 256 : i32
        %mul3A_375 = arith.muli %add3A_190, %mul3A_374 : i32
        %add3A_376 = arith.constant 96 : i32
        %add3A_377 = arith.addi %mul3A_375, %add3A_376 : i32
        %get3A_378 = arith.index_cast %add3A_377 : i32 to index
        %get3A_379 = tpu.vector_load %arg11[%get3A_378] {strides = array<i32>} : memref<16384xf32, #tpu.memory_space<vmem>>, vector<16xf32>,
        %get3A_380 = vector.shape_cast %get3A_379 : vector<16xf32> to vector<16xf32>
        %get3A_381 = arith.index_cast %add3A_377 : i32 to index
        %get3A_382 = tpu.vector_load %arg12[%get3A_381] {strides = array<i32>} : memref<16384xf32, #tpu.memory_space<vmem>>, vector<16xf32>,
        %get3A_383 = vector.shape_cast %get3A_382 : vector<16xf32> to vector<16xf32>
        %get3A_384 = arith.index_cast %add3A_377 : i32 to index
        %get3A_385 = tpu.vector_load %arg13[%get3A_384] {strides = array<i32>} : memref<16384xf32, #tpu.memory_space<vmem>>, vector<16xf32>,
        %get3A_386 = vector.shape_cast %get3A_385 : vector<16xf32> to vector<16xf32>
        %sub3A_387 = arith.subf %broadcast_in_dim3A_19, %get3A_380 : vector<16xf32>
        %sub3A_388 = arith.subf %mul3A_28, %get3A_383 : vector<16xf32>
        %mul3A_389 = arith.mulf %sub3A_387, %sub3A_387 : vector<16xf32>
        %mul3A_390 = arith.mulf %sub3A_388, %sub3A_388 : vector<16xf32>
        %add3A_391 = arith.addf %mul3A_389, %mul3A_390 : vector<16xf32>
        %lt3A_392 = arith.cmpf olt, %add3A_391, %select_n3A_372 : vector<16xf32>
        %lt3A_393 = arith.cmpf olt, %add3A_391, %select_n3A_369 : vector<16xf32>
        %lt3A_394 = arith.cmpf olt, %add3A_391, %select_n3A_365 : vector<16xf32>
        %select_n3A_395 = arith.select %lt3A_394, %add3A_391, %select_n3A_365 : vector<16xi1>, vector<16xf32>
        %select_n3A_396 = arith.select %lt3A_393, %select_n3A_369, %select_n3A_395 : vector<16xi1>, vector<16xf32>
        %select_n3A_397 = arith.select %lt3A_394, %get3A_386, %select_n3A_367 : vector<16xi1>, vector<16xf32>
        %select_n3A_398 = arith.select %lt3A_393, %select_n3A_371, %select_n3A_397 : vector<16xi1>, vector<16xf32>
        %select_n3A_399 = arith.select %lt3A_393, %add3A_391, %select_n3A_369 : vector<16xi1>, vector<16xf32>
        %select_n3A_400 = arith.select %lt3A_392, %select_n3A_372, %select_n3A_399 : vector<16xi1>, vector<16xf32>
        %select_n3A_401 = arith.select %lt3A_393, %get3A_386, %select_n3A_371 : vector<16xi1>, vector<16xf32>
        %select_n3A_402 = arith.select %lt3A_392, %select_n3A_373, %select_n3A_401 : vector<16xi1>, vector<16xf32>
        %select_n3A_403 = arith.select %lt3A_392, %add3A_391, %select_n3A_372 : vector<16xi1>, vector<16xf32>
        %select_n3A_404 = arith.select %lt3A_392, %get3A_386, %select_n3A_373 : vector<16xi1>, vector<16xf32>
        %mul3A_405 = arith.constant 256 : i32
        %mul3A_406 = arith.muli %add3A_190, %mul3A_405 : i32
        %add3A_407 = arith.constant 112 : i32
        %add3A_408 = arith.addi %mul3A_406, %add3A_407 : i32
        %get3A_409 = arith.index_cast %add3A_408 : i32 to index
        %get3A_410 = tpu.vector_load %arg11[%get3A_409] {strides = array<i32>} : memref<16384xf32, #tpu.memory_space<vmem>>, vector<16xf32>,
        %get3A_411 = vector.shape_cast %get3A_410 : vector<16xf32> to vector<16xf32>
        %get3A_412 = arith.index_cast %add3A_408 : i32 to index
        %get3A_413 = tpu.vector_load %arg12[%get3A_412] {strides = array<i32>} : memref<16384xf32, #tpu.memory_space<vmem>>, vector<16xf32>,
        %get3A_414 = vector.shape_cast %get3A_413 : vector<16xf32> to vector<16xf32>
        %get3A_415 = arith.index_cast %add3A_408 : i32 to index
        %get3A_416 = tpu.vector_load %arg13[%get3A_415] {strides = array<i32>} : memref<16384xf32, #tpu.memory_space<vmem>>, vector<16xf32>,
        %get3A_417 = vector.shape_cast %get3A_416 : vector<16xf32> to vector<16xf32>
        %sub3A_418 = arith.subf %broadcast_in_dim3A_19, %get3A_411 : vector<16xf32>
        %sub3A_419 = arith.subf %mul3A_28, %get3A_414 : vector<16xf32>
        %mul3A_420 = arith.mulf %sub3A_418, %sub3A_418 : vector<16xf32>
        %mul3A_421 = arith.mulf %sub3A_419, %sub3A_419 : vector<16xf32>
        %add3A_422 = arith.addf %mul3A_420, %mul3A_421 : vector<16xf32>
        %lt3A_423 = arith.cmpf olt, %add3A_422, %select_n3A_403 : vector<16xf32>
        %lt3A_424 = arith.cmpf olt, %add3A_422, %select_n3A_400 : vector<16xf32>
        %lt3A_425 = arith.cmpf olt, %add3A_422, %select_n3A_396 : vector<16xf32>
        %select_n3A_426 = arith.select %lt3A_425, %add3A_422, %select_n3A_396 : vector<16xi1>, vector<16xf32>
        %select_n3A_427 = arith.select %lt3A_424, %select_n3A_400, %select_n3A_426 : vector<16xi1>, vector<16xf32>
        %select_n3A_428 = arith.select %lt3A_425, %get3A_417, %select_n3A_398 : vector<16xi1>, vector<16xf32>
        %select_n3A_429 = arith.select %lt3A_424, %select_n3A_402, %select_n3A_428 : vector<16xi1>, vector<16xf32>
        %select_n3A_430 = arith.select %lt3A_424, %add3A_422, %select_n3A_400 : vector<16xi1>, vector<16xf32>
        %select_n3A_431 = arith.select %lt3A_423, %select_n3A_403, %select_n3A_430 : vector<16xi1>, vector<16xf32>
        %select_n3A_432 = arith.select %lt3A_424, %get3A_417, %select_n3A_402 : vector<16xi1>, vector<16xf32>
        %select_n3A_433 = arith.select %lt3A_423, %select_n3A_404, %select_n3A_432 : vector<16xi1>, vector<16xf32>
        %select_n3A_434 = arith.select %lt3A_423, %add3A_422, %select_n3A_403 : vector<16xi1>, vector<16xf32>
        %select_n3A_435 = arith.select %lt3A_423, %get3A_417, %select_n3A_404 : vector<16xi1>, vector<16xf32>
        %mul3A_436 = arith.constant 256 : i32
        %mul3A_437 = arith.muli %add3A_190, %mul3A_436 : i32
        %add3A_438 = arith.constant 128 : i32
        %add3A_439 = arith.addi %mul3A_437, %add3A_438 : i32
        %get3A_440 = arith.index_cast %add3A_439 : i32 to index
        %get3A_441 = tpu.vector_load %arg11[%get3A_440] {strides = array<i32>} : memref<16384xf32, #tpu.memory_space<vmem>>, vector<16xf32>,
        %get3A_442 = vector.shape_cast %get3A_441 : vector<16xf32> to vector<16xf32>
        %get3A_443 = arith.index_cast %add3A_439 : i32 to index
        %get3A_444 = tpu.vector_load %arg12[%get3A_443] {strides = array<i32>} : memref<16384xf32, #tpu.memory_space<vmem>>, vector<16xf32>,
        %get3A_445 = vector.shape_cast %get3A_444 : vector<16xf32> to vector<16xf32>
        %get3A_446 = arith.index_cast %add3A_439 : i32 to index
        %get3A_447 = tpu.vector_load %arg13[%get3A_446] {strides = array<i32>} : memref<16384xf32, #tpu.memory_space<vmem>>, vector<16xf32>,
        %get3A_448 = vector.shape_cast %get3A_447 : vector<16xf32> to vector<16xf32>
        %sub3A_449 = arith.subf %broadcast_in_dim3A_19, %get3A_442 : vector<16xf32>
        %sub3A_450 = arith.subf %mul3A_28, %get3A_445 : vector<16xf32>
        %mul3A_451 = arith.mulf %sub3A_449, %sub3A_449 : vector<16xf32>
        %mul3A_452 = arith.mulf %sub3A_450, %sub3A_450 : vector<16xf32>
        %add3A_453 = arith.addf %mul3A_451, %mul3A_452 : vector<16xf32>
        %lt3A_454 = arith.cmpf olt, %add3A_453, %select_n3A_434 : vector<16xf32>
        %lt3A_455 = arith.cmpf olt, %add3A_453, %select_n3A_431 : vector<16xf32>
        %lt3A_456 = arith.cmpf olt, %add3A_453, %select_n3A_427 : vector<16xf32>
        %select_n3A_457 = arith.select %lt3A_456, %add3A_453, %select_n3A_427 : vector<16xi1>, vector<16xf32>
        %select_n3A_458 = arith.select %lt3A_455, %select_n3A_431, %select_n3A_457 : vector<16xi1>, vector<16xf32>
        %select_n3A_459 = arith.select %lt3A_456, %get3A_448, %select_n3A_429 : vector<16xi1>, vector<16xf32>
        %select_n3A_460 = arith.select %lt3A_455, %select_n3A_433, %select_n3A_459 : vector<16xi1>, vector<16xf32>
        %select_n3A_461 = arith.select %lt3A_455, %add3A_453, %select_n3A_431 : vector<16xi1>, vector<16xf32>
        %select_n3A_462 = arith.select %lt3A_454, %select_n3A_434, %select_n3A_461 : vector<16xi1>, vector<16xf32>
        %select_n3A_463 = arith.select %lt3A_455, %get3A_448, %select_n3A_433 : vector<16xi1>, vector<16xf32>
        %select_n3A_464 = arith.select %lt3A_454, %select_n3A_435, %select_n3A_463 : vector<16xi1>, vector<16xf32>
        %select_n3A_465 = arith.select %lt3A_454, %add3A_453, %select_n3A_434 : vector<16xi1>, vector<16xf32>
        %select_n3A_466 = arith.select %lt3A_454, %get3A_448, %select_n3A_435 : vector<16xi1>, vector<16xf32>
        %mul3A_467 = arith.constant 256 : i32
        %mul3A_468 = arith.muli %add3A_190, %mul3A_467 : i32
        %add3A_469 = arith.constant 144 : i32
        %add3A_470 = arith.addi %mul3A_468, %add3A_469 : i32
        %get3A_471 = arith.index_cast %add3A_470 : i32 to index
        %get3A_472 = tpu.vector_load %arg11[%get3A_471] {strides = array<i32>} : memref<16384xf32, #tpu.memory_space<vmem>>, vector<16xf32>,
        %get3A_473 = vector.shape_cast %get3A_472 : vector<16xf32> to vector<16xf32>
        %get3A_474 = arith.index_cast %add3A_470 : i32 to index
        %get3A_475 = tpu.vector_load %arg12[%get3A_474] {strides = array<i32>} : memref<16384xf32, #tpu.memory_space<vmem>>, vector<16xf32>,
        %get3A_476 = vector.shape_cast %get3A_475 : vector<16xf32> to vector<16xf32>
        %get3A_477 = arith.index_cast %add3A_470 : i32 to index
        %get3A_478 = tpu.vector_load %arg13[%get3A_477] {strides = array<i32>} : memref<16384xf32, #tpu.memory_space<vmem>>, vector<16xf32>,
        %get3A_479 = vector.shape_cast %get3A_478 : vector<16xf32> to vector<16xf32>
        %sub3A_480 = arith.subf %broadcast_in_dim3A_19, %get3A_473 : vector<16xf32>
        %sub3A_481 = arith.subf %mul3A_28, %get3A_476 : vector<16xf32>
        %mul3A_482 = arith.mulf %sub3A_480, %sub3A_480 : vector<16xf32>
        %mul3A_483 = arith.mulf %sub3A_481, %sub3A_481 : vector<16xf32>
        %add3A_484 = arith.addf %mul3A_482, %mul3A_483 : vector<16xf32>
        %lt3A_485 = arith.cmpf olt, %add3A_484, %select_n3A_465 : vector<16xf32>
        %lt3A_486 = arith.cmpf olt, %add3A_484, %select_n3A_462 : vector<16xf32>
        %lt3A_487 = arith.cmpf olt, %add3A_484, %select_n3A_458 : vector<16xf32>
        %select_n3A_488 = arith.select %lt3A_487, %add3A_484, %select_n3A_458 : vector<16xi1>, vector<16xf32>
        %select_n3A_489 = arith.select %lt3A_486, %select_n3A_462, %select_n3A_488 : vector<16xi1>, vector<16xf32>
        %select_n3A_490 = arith.select %lt3A_487, %get3A_479, %select_n3A_460 : vector<16xi1>, vector<16xf32>
        %select_n3A_491 = arith.select %lt3A_486, %select_n3A_464, %select_n3A_490 : vector<16xi1>, vector<16xf32>
        %select_n3A_492 = arith.select %lt3A_486, %add3A_484, %select_n3A_462 : vector<16xi1>, vector<16xf32>
        %select_n3A_493 = arith.select %lt3A_485, %select_n3A_465, %select_n3A_492 : vector<16xi1>, vector<16xf32>
        %select_n3A_494 = arith.select %lt3A_486, %get3A_479, %select_n3A_464 : vector<16xi1>, vector<16xf32>
        %select_n3A_495 = arith.select %lt3A_485, %select_n3A_466, %select_n3A_494 : vector<16xi1>, vector<16xf32>
        %select_n3A_496 = arith.select %lt3A_485, %add3A_484, %select_n3A_465 : vector<16xi1>, vector<16xf32>
        %select_n3A_497 = arith.select %lt3A_485, %get3A_479, %select_n3A_466 : vector<16xi1>, vector<16xf32>
        %mul3A_498 = arith.constant 256 : i32
        %mul3A_499 = arith.muli %add3A_190, %mul3A_498 : i32
        %add3A_500 = arith.constant 160 : i32
        %add3A_501 = arith.addi %mul3A_499, %add3A_500 : i32
        %get3A_502 = arith.index_cast %add3A_501 : i32 to index
        %get3A_503 = tpu.vector_load %arg11[%get3A_502] {strides = array<i32>} : memref<16384xf32, #tpu.memory_space<vmem>>, vector<16xf32>,
        %get3A_504 = vector.shape_cast %get3A_503 : vector<16xf32> to vector<16xf32>
        %get3A_505 = arith.index_cast %add3A_501 : i32 to index
        %get3A_506 = tpu.vector_load %arg12[%get3A_505] {strides = array<i32>} : memref<16384xf32, #tpu.memory_space<vmem>>, vector<16xf32>,
        %get3A_507 = vector.shape_cast %get3A_506 : vector<16xf32> to vector<16xf32>
        %get3A_508 = arith.index_cast %add3A_501 : i32 to index
        %get3A_509 = tpu.vector_load %arg13[%get3A_508] {strides = array<i32>} : memref<16384xf32, #tpu.memory_space<vmem>>, vector<16xf32>,
        %get3A_510 = vector.shape_cast %get3A_509 : vector<16xf32> to vector<16xf32>
        %sub3A_511 = arith.subf %broadcast_in_dim3A_19, %get3A_504 : vector<16xf32>
        %sub3A_512 = arith.subf %mul3A_28, %get3A_507 : vector<16xf32>
        %mul3A_513 = arith.mulf %sub3A_511, %sub3A_511 : vector<16xf32>
        %mul3A_514 = arith.mulf %sub3A_512, %sub3A_512 : vector<16xf32>
        %add3A_515 = arith.addf %mul3A_513, %mul3A_514 : vector<16xf32>
        %lt3A_516 = arith.cmpf olt, %add3A_515, %select_n3A_496 : vector<16xf32>
        %lt3A_517 = arith.cmpf olt, %add3A_515, %select_n3A_493 : vector<16xf32>
        %lt3A_518 = arith.cmpf olt, %add3A_515, %select_n3A_489 : vector<16xf32>
        %select_n3A_519 = arith.select %lt3A_518, %add3A_515, %select_n3A_489 : vector<16xi1>, vector<16xf32>
        %select_n3A_520 = arith.select %lt3A_517, %select_n3A_493, %select_n3A_519 : vector<16xi1>, vector<16xf32>
        %select_n3A_521 = arith.select %lt3A_518, %get3A_510, %select_n3A_491 : vector<16xi1>, vector<16xf32>
        %select_n3A_522 = arith.select %lt3A_517, %select_n3A_495, %select_n3A_521 : vector<16xi1>, vector<16xf32>
        %select_n3A_523 = arith.select %lt3A_517, %add3A_515, %select_n3A_493 : vector<16xi1>, vector<16xf32>
        %select_n3A_524 = arith.select %lt3A_516, %select_n3A_496, %select_n3A_523 : vector<16xi1>, vector<16xf32>
        %select_n3A_525 = arith.select %lt3A_517, %get3A_510, %select_n3A_495 : vector<16xi1>, vector<16xf32>
        %select_n3A_526 = arith.select %lt3A_516, %select_n3A_497, %select_n3A_525 : vector<16xi1>, vector<16xf32>
        %select_n3A_527 = arith.select %lt3A_516, %add3A_515, %select_n3A_496 : vector<16xi1>, vector<16xf32>
        %select_n3A_528 = arith.select %lt3A_516, %get3A_510, %select_n3A_497 : vector<16xi1>, vector<16xf32>
        %mul3A_529 = arith.constant 256 : i32
        %mul3A_530 = arith.muli %add3A_190, %mul3A_529 : i32
        %add3A_531 = arith.constant 176 : i32
        %add3A_532 = arith.addi %mul3A_530, %add3A_531 : i32
        %get3A_533 = arith.index_cast %add3A_532 : i32 to index
        %get3A_534 = tpu.vector_load %arg11[%get3A_533] {strides = array<i32>} : memref<16384xf32, #tpu.memory_space<vmem>>, vector<16xf32>,
        %get3A_535 = vector.shape_cast %get3A_534 : vector<16xf32> to vector<16xf32>
        %get3A_536 = arith.index_cast %add3A_532 : i32 to index
        %get3A_537 = tpu.vector_load %arg12[%get3A_536] {strides = array<i32>} : memref<16384xf32, #tpu.memory_space<vmem>>, vector<16xf32>,
        %get3A_538 = vector.shape_cast %get3A_537 : vector<16xf32> to vector<16xf32>
        %get3A_539 = arith.index_cast %add3A_532 : i32 to index
        %get3A_540 = tpu.vector_load %arg13[%get3A_539] {strides = array<i32>} : memref<16384xf32, #tpu.memory_space<vmem>>, vector<16xf32>,
        %get3A_541 = vector.shape_cast %get3A_540 : vector<16xf32> to vector<16xf32>
        %sub3A_542 = arith.subf %broadcast_in_dim3A_19, %get3A_535 : vector<16xf32>
        %sub3A_543 = arith.subf %mul3A_28, %get3A_538 : vector<16xf32>
        %mul3A_544 = arith.mulf %sub3A_542, %sub3A_542 : vector<16xf32>
        %mul3A_545 = arith.mulf %sub3A_543, %sub3A_543 : vector<16xf32>
        %add3A_546 = arith.addf %mul3A_544, %mul3A_545 : vector<16xf32>
        %lt3A_547 = arith.cmpf olt, %add3A_546, %select_n3A_527 : vector<16xf32>
        %lt3A_548 = arith.cmpf olt, %add3A_546, %select_n3A_524 : vector<16xf32>
        %lt3A_549 = arith.cmpf olt, %add3A_546, %select_n3A_520 : vector<16xf32>
        %select_n3A_550 = arith.select %lt3A_549, %add3A_546, %select_n3A_520 : vector<16xi1>, vector<16xf32>
        %select_n3A_551 = arith.select %lt3A_548, %select_n3A_524, %select_n3A_550 : vector<16xi1>, vector<16xf32>
        %select_n3A_552 = arith.select %lt3A_549, %get3A_541, %select_n3A_522 : vector<16xi1>, vector<16xf32>
        %select_n3A_553 = arith.select %lt3A_548, %select_n3A_526, %select_n3A_552 : vector<16xi1>, vector<16xf32>
        %select_n3A_554 = arith.select %lt3A_548, %add3A_546, %select_n3A_524 : vector<16xi1>, vector<16xf32>
        %select_n3A_555 = arith.select %lt3A_547, %select_n3A_527, %select_n3A_554 : vector<16xi1>, vector<16xf32>
        %select_n3A_556 = arith.select %lt3A_548, %get3A_541, %select_n3A_526 : vector<16xi1>, vector<16xf32>
        %select_n3A_557 = arith.select %lt3A_547, %select_n3A_528, %select_n3A_556 : vector<16xi1>, vector<16xf32>
        %select_n3A_558 = arith.select %lt3A_547, %add3A_546, %select_n3A_527 : vector<16xi1>, vector<16xf32>
        %select_n3A_559 = arith.select %lt3A_547, %get3A_541, %select_n3A_528 : vector<16xi1>, vector<16xf32>
        %mul3A_560 = arith.constant 256 : i32
        %mul3A_561 = arith.muli %add3A_190, %mul3A_560 : i32
        %add3A_562 = arith.constant 192 : i32
        %add3A_563 = arith.addi %mul3A_561, %add3A_562 : i32
        %get3A_564 = arith.index_cast %add3A_563 : i32 to index
        %get3A_565 = tpu.vector_load %arg11[%get3A_564] {strides = array<i32>} : memref<16384xf32, #tpu.memory_space<vmem>>, vector<16xf32>,
        %get3A_566 = vector.shape_cast %get3A_565 : vector<16xf32> to vector<16xf32>
        %get3A_567 = arith.index_cast %add3A_563 : i32 to index
        %get3A_568 = tpu.vector_load %arg12[%get3A_567] {strides = array<i32>} : memref<16384xf32, #tpu.memory_space<vmem>>, vector<16xf32>,
        %get3A_569 = vector.shape_cast %get3A_568 : vector<16xf32> to vector<16xf32>
        %get3A_570 = arith.index_cast %add3A_563 : i32 to index
        %get3A_571 = tpu.vector_load %arg13[%get3A_570] {strides = array<i32>} : memref<16384xf32, #tpu.memory_space<vmem>>, vector<16xf32>,
        %get3A_572 = vector.shape_cast %get3A_571 : vector<16xf32> to vector<16xf32>
        %sub3A_573 = arith.subf %broadcast_in_dim3A_19, %get3A_566 : vector<16xf32>
        %sub3A_574 = arith.subf %mul3A_28, %get3A_569 : vector<16xf32>
        %mul3A_575 = arith.mulf %sub3A_573, %sub3A_573 : vector<16xf32>
        %mul3A_576 = arith.mulf %sub3A_574, %sub3A_574 : vector<16xf32>
        %add3A_577 = arith.addf %mul3A_575, %mul3A_576 : vector<16xf32>
        %lt3A_578 = arith.cmpf olt, %add3A_577, %select_n3A_558 : vector<16xf32>
        %lt3A_579 = arith.cmpf olt, %add3A_577, %select_n3A_555 : vector<16xf32>
        %lt3A_580 = arith.cmpf olt, %add3A_577, %select_n3A_551 : vector<16xf32>
        %select_n3A_581 = arith.select %lt3A_580, %add3A_577, %select_n3A_551 : vector<16xi1>, vector<16xf32>
        %select_n3A_582 = arith.select %lt3A_579, %select_n3A_555, %select_n3A_581 : vector<16xi1>, vector<16xf32>
        %select_n3A_583 = arith.select %lt3A_580, %get3A_572, %select_n3A_553 : vector<16xi1>, vector<16xf32>
        %select_n3A_584 = arith.select %lt3A_579, %select_n3A_557, %select_n3A_583 : vector<16xi1>, vector<16xf32>
        %select_n3A_585 = arith.select %lt3A_579, %add3A_577, %select_n3A_555 : vector<16xi1>, vector<16xf32>
        %select_n3A_586 = arith.select %lt3A_578, %select_n3A_558, %select_n3A_585 : vector<16xi1>, vector<16xf32>
        %select_n3A_587 = arith.select %lt3A_579, %get3A_572, %select_n3A_557 : vector<16xi1>, vector<16xf32>
        %select_n3A_588 = arith.select %lt3A_578, %select_n3A_559, %select_n3A_587 : vector<16xi1>, vector<16xf32>
        %select_n3A_589 = arith.select %lt3A_578, %add3A_577, %select_n3A_558 : vector<16xi1>, vector<16xf32>
        %select_n3A_590 = arith.select %lt3A_578, %get3A_572, %select_n3A_559 : vector<16xi1>, vector<16xf32>
        %mul3A_591 = arith.constant 256 : i32
        %mul3A_592 = arith.muli %add3A_190, %mul3A_591 : i32
        %add3A_593 = arith.constant 208 : i32
        %add3A_594 = arith.addi %mul3A_592, %add3A_593 : i32
        %get3A_595 = arith.index_cast %add3A_594 : i32 to index
        %get3A_596 = tpu.vector_load %arg11[%get3A_595] {strides = array<i32>} : memref<16384xf32, #tpu.memory_space<vmem>>, vector<16xf32>,
        %get3A_597 = vector.shape_cast %get3A_596 : vector<16xf32> to vector<16xf32>
        %get3A_598 = arith.index_cast %add3A_594 : i32 to index
        %get3A_599 = tpu.vector_load %arg12[%get3A_598] {strides = array<i32>} : memref<16384xf32, #tpu.memory_space<vmem>>, vector<16xf32>,
        %get3A_600 = vector.shape_cast %get3A_599 : vector<16xf32> to vector<16xf32>
        %get3A_601 = arith.index_cast %add3A_594 : i32 to index
        %get3A_602 = tpu.vector_load %arg13[%get3A_601] {strides = array<i32>} : memref<16384xf32, #tpu.memory_space<vmem>>, vector<16xf32>,
        %get3A_603 = vector.shape_cast %get3A_602 : vector<16xf32> to vector<16xf32>
        %sub3A_604 = arith.subf %broadcast_in_dim3A_19, %get3A_597 : vector<16xf32>
        %sub3A_605 = arith.subf %mul3A_28, %get3A_600 : vector<16xf32>
        %mul3A_606 = arith.mulf %sub3A_604, %sub3A_604 : vector<16xf32>
        %mul3A_607 = arith.mulf %sub3A_605, %sub3A_605 : vector<16xf32>
        %add3A_608 = arith.addf %mul3A_606, %mul3A_607 : vector<16xf32>
        %lt3A_609 = arith.cmpf olt, %add3A_608, %select_n3A_589 : vector<16xf32>
        %lt3A_610 = arith.cmpf olt, %add3A_608, %select_n3A_586 : vector<16xf32>
        %lt3A_611 = arith.cmpf olt, %add3A_608, %select_n3A_582 : vector<16xf32>
        %select_n3A_612 = arith.select %lt3A_611, %add3A_608, %select_n3A_582 : vector<16xi1>, vector<16xf32>
        %select_n3A_613 = arith.select %lt3A_610, %select_n3A_586, %select_n3A_612 : vector<16xi1>, vector<16xf32>
        %select_n3A_614 = arith.select %lt3A_611, %get3A_603, %select_n3A_584 : vector<16xi1>, vector<16xf32>
        %select_n3A_615 = arith.select %lt3A_610, %select_n3A_588, %select_n3A_614 : vector<16xi1>, vector<16xf32>
        %select_n3A_616 = arith.select %lt3A_610, %add3A_608, %select_n3A_586 : vector<16xi1>, vector<16xf32>
        %select_n3A_617 = arith.select %lt3A_609, %select_n3A_589, %select_n3A_616 : vector<16xi1>, vector<16xf32>
        %select_n3A_618 = arith.select %lt3A_610, %get3A_603, %select_n3A_588 : vector<16xi1>, vector<16xf32>
        %select_n3A_619 = arith.select %lt3A_609, %select_n3A_590, %select_n3A_618 : vector<16xi1>, vector<16xf32>
        %select_n3A_620 = arith.select %lt3A_609, %add3A_608, %select_n3A_589 : vector<16xi1>, vector<16xf32>
        %select_n3A_621 = arith.select %lt3A_609, %get3A_603, %select_n3A_590 : vector<16xi1>, vector<16xf32>
        %mul3A_622 = arith.constant 256 : i32
        %mul3A_623 = arith.muli %add3A_190, %mul3A_622 : i32
        %add3A_624 = arith.constant 224 : i32
        %add3A_625 = arith.addi %mul3A_623, %add3A_624 : i32
        %get3A_626 = arith.index_cast %add3A_625 : i32 to index
        %get3A_627 = tpu.vector_load %arg11[%get3A_626] {strides = array<i32>} : memref<16384xf32, #tpu.memory_space<vmem>>, vector<16xf32>,
        %get3A_628 = vector.shape_cast %get3A_627 : vector<16xf32> to vector<16xf32>
        %get3A_629 = arith.index_cast %add3A_625 : i32 to index
        %get3A_630 = tpu.vector_load %arg12[%get3A_629] {strides = array<i32>} : memref<16384xf32, #tpu.memory_space<vmem>>, vector<16xf32>,
        %get3A_631 = vector.shape_cast %get3A_630 : vector<16xf32> to vector<16xf32>
        %get3A_632 = arith.index_cast %add3A_625 : i32 to index
        %get3A_633 = tpu.vector_load %arg13[%get3A_632] {strides = array<i32>} : memref<16384xf32, #tpu.memory_space<vmem>>, vector<16xf32>,
        %get3A_634 = vector.shape_cast %get3A_633 : vector<16xf32> to vector<16xf32>
        %sub3A_635 = arith.subf %broadcast_in_dim3A_19, %get3A_628 : vector<16xf32>
        %sub3A_636 = arith.subf %mul3A_28, %get3A_631 : vector<16xf32>
        %mul3A_637 = arith.mulf %sub3A_635, %sub3A_635 : vector<16xf32>
        %mul3A_638 = arith.mulf %sub3A_636, %sub3A_636 : vector<16xf32>
        %add3A_639 = arith.addf %mul3A_637, %mul3A_638 : vector<16xf32>
        %lt3A_640 = arith.cmpf olt, %add3A_639, %select_n3A_620 : vector<16xf32>
        %lt3A_641 = arith.cmpf olt, %add3A_639, %select_n3A_617 : vector<16xf32>
        %lt3A_642 = arith.cmpf olt, %add3A_639, %select_n3A_613 : vector<16xf32>
        %select_n3A_643 = arith.select %lt3A_642, %add3A_639, %select_n3A_613 : vector<16xi1>, vector<16xf32>
        %select_n3A_644 = arith.select %lt3A_641, %select_n3A_617, %select_n3A_643 : vector<16xi1>, vector<16xf32>
        %select_n3A_645 = arith.select %lt3A_642, %get3A_634, %select_n3A_615 : vector<16xi1>, vector<16xf32>
        %select_n3A_646 = arith.select %lt3A_641, %select_n3A_619, %select_n3A_645 : vector<16xi1>, vector<16xf32>
        %select_n3A_647 = arith.select %lt3A_641, %add3A_639, %select_n3A_617 : vector<16xi1>, vector<16xf32>
        %select_n3A_648 = arith.select %lt3A_640, %select_n3A_620, %select_n3A_647 : vector<16xi1>, vector<16xf32>
        %select_n3A_649 = arith.select %lt3A_641, %get3A_634, %select_n3A_619 : vector<16xi1>, vector<16xf32>
        %select_n3A_650 = arith.select %lt3A_640, %select_n3A_621, %select_n3A_649 : vector<16xi1>, vector<16xf32>
        %select_n3A_651 = arith.select %lt3A_640, %add3A_639, %select_n3A_620 : vector<16xi1>, vector<16xf32>
        %select_n3A_652 = arith.select %lt3A_640, %get3A_634, %select_n3A_621 : vector<16xi1>, vector<16xf32>
        %mul3A_653 = arith.constant 256 : i32
        %mul3A_654 = arith.muli %add3A_190, %mul3A_653 : i32
        %add3A_655 = arith.constant 240 : i32
        %add3A_656 = arith.addi %mul3A_654, %add3A_655 : i32
        %get3A_657 = arith.index_cast %add3A_656 : i32 to index
        %get3A_658 = tpu.vector_load %arg11[%get3A_657] {strides = array<i32>} : memref<16384xf32, #tpu.memory_space<vmem>>, vector<16xf32>,
        %get3A_659 = vector.shape_cast %get3A_658 : vector<16xf32> to vector<16xf32>
        %get3A_660 = arith.index_cast %add3A_656 : i32 to index
        %get3A_661 = tpu.vector_load %arg12[%get3A_660] {strides = array<i32>} : memref<16384xf32, #tpu.memory_space<vmem>>, vector<16xf32>,
        %get3A_662 = vector.shape_cast %get3A_661 : vector<16xf32> to vector<16xf32>
        %get3A_663 = arith.index_cast %add3A_656 : i32 to index
        %get3A_664 = tpu.vector_load %arg13[%get3A_663] {strides = array<i32>} : memref<16384xf32, #tpu.memory_space<vmem>>, vector<16xf32>,
        %get3A_665 = vector.shape_cast %get3A_664 : vector<16xf32> to vector<16xf32>
        %sub3A_666 = arith.subf %broadcast_in_dim3A_19, %get3A_659 : vector<16xf32>
        %sub3A_667 = arith.subf %mul3A_28, %get3A_662 : vector<16xf32>
        %mul3A_668 = arith.mulf %sub3A_666, %sub3A_666 : vector<16xf32>
        %mul3A_669 = arith.mulf %sub3A_667, %sub3A_667 : vector<16xf32>
        %add3A_670 = arith.addf %mul3A_668, %mul3A_669 : vector<16xf32>
        %lt3A_671 = arith.cmpf olt, %add3A_670, %select_n3A_651 : vector<16xf32>
        %lt3A_672 = arith.cmpf olt, %add3A_670, %select_n3A_648 : vector<16xf32>
        %lt3A_673 = arith.cmpf olt, %add3A_670, %select_n3A_644 : vector<16xf32>
        %select_n3A_674 = arith.select %lt3A_673, %add3A_670, %select_n3A_644 : vector<16xi1>, vector<16xf32>
        %select_n3A_675 = arith.select %lt3A_672, %select_n3A_648, %select_n3A_674 : vector<16xi1>, vector<16xf32>
        %select_n3A_676 = arith.select %lt3A_673, %get3A_665, %select_n3A_646 : vector<16xi1>, vector<16xf32>
        %select_n3A_677 = arith.select %lt3A_672, %select_n3A_650, %select_n3A_676 : vector<16xi1>, vector<16xf32>
        %select_n3A_678 = arith.select %lt3A_672, %add3A_670, %select_n3A_648 : vector<16xi1>, vector<16xf32>
        %select_n3A_679 = arith.select %lt3A_671, %select_n3A_651, %select_n3A_678 : vector<16xi1>, vector<16xf32>
        %select_n3A_680 = arith.select %lt3A_672, %get3A_665, %select_n3A_650 : vector<16xi1>, vector<16xf32>
        %select_n3A_681 = arith.select %lt3A_671, %select_n3A_652, %select_n3A_680 : vector<16xi1>, vector<16xf32>
        %select_n3A_682 = arith.select %lt3A_671, %add3A_670, %select_n3A_651 : vector<16xi1>, vector<16xf32>
        %select_n3A_683 = arith.select %lt3A_671, %get3A_665, %select_n3A_652 : vector<16xi1>, vector<16xf32>
        scf.yield %select_n3A_682, %select_n3A_679, %select_n3A_675, %select_n3A_683, %select_n3A_681, %select_n3A_677 : vector<16xf32>, vector<16xf32>, vector<16xf32>, vector<16xf32>, vector<16xf32>, vector<16xf32>
      }
      %while3A_58 = arith.constant 1 : i32
      %while3A_59:6 = scf.for %while3A_182 = %while3A_55 to %while3A_51 step %while3A_58 iter_args(%while3A_183 = %while3A_57#0, %while3A_184 = %while3A_57#1, %while3A_185 = %while3A_57#2, %while3A_186 = %while3A_57#3, %while3A_187 = %while3A_57#4, %while3A_188 = %while3A_57#5) -> (vector<16xf32>, vector<16xf32>, vector<16xf32>, vector<16xf32>, vector<16xf32>, vector<16xf32>)  : i32 {
        %mul3A_189 = arith.muli %while3A_182, %while3A : i32
        %add3A_190 = arith.addi %max3A_39, %mul3A_189 : i32
        %mul3A_191 = arith.constant 256 : i32
        %mul3A_192 = arith.muli %add3A_190, %mul3A_191 : i32
        %add3A_193 = arith.constant 0 : i32
        %add3A_194 = arith.addi %mul3A_192, %add3A_193 : i32
        %get3A = arith.index_cast %add3A_194 : i32 to index
        %get3A_195 = tpu.vector_load %arg11[%get3A] {strides = array<i32>} : memref<16384xf32, #tpu.memory_space<vmem>>, vector<16xf32>,
        %get3A_196 = vector.shape_cast %get3A_195 : vector<16xf32> to vector<16xf32>
        %get3A_197 = arith.index_cast %add3A_194 : i32 to index
        %get3A_198 = tpu.vector_load %arg12[%get3A_197] {strides = array<i32>} : memref<16384xf32, #tpu.memory_space<vmem>>, vector<16xf32>,
        %get3A_199 = vector.shape_cast %get3A_198 : vector<16xf32> to vector<16xf32>
        %get3A_200 = arith.index_cast %add3A_194 : i32 to index
        %get3A_201 = tpu.vector_load %arg13[%get3A_200] {strides = array<i32>} : memref<16384xf32, #tpu.memory_space<vmem>>, vector<16xf32>,
        %get3A_202 = vector.shape_cast %get3A_201 : vector<16xf32> to vector<16xf32>
        %sub3A_203 = arith.subf %broadcast_in_dim3A_19, %get3A_196 : vector<16xf32>
        %sub3A_204 = arith.subf %mul3A_28, %get3A_199 : vector<16xf32>
        %mul3A_205 = arith.mulf %sub3A_203, %sub3A_203 : vector<16xf32>
        %mul3A_206 = arith.mulf %sub3A_204, %sub3A_204 : vector<16xf32>
        %add3A_207 = arith.addf %mul3A_205, %mul3A_206 : vector<16xf32>
        %lt3A = arith.cmpf olt, %add3A_207, %while3A_183 : vector<16xf32>
        %lt3A_208 = arith.cmpf olt, %add3A_207, %while3A_184 : vector<16xf32>
        %lt3A_209 = arith.cmpf olt, %add3A_207, %while3A_185 : vector<16xf32>
        %select_n3A = arith.select %lt3A_209, %add3A_207, %while3A_185 : vector<16xi1>, vector<16xf32>
        %select_n3A_210 = arith.select %lt3A_208, %while3A_184, %select_n3A : vector<16xi1>, vector<16xf32>
        %select_n3A_211 = arith.select %lt3A_209, %get3A_202, %while3A_188 : vector<16xi1>, vector<16xf32>
        %select_n3A_212 = arith.select %lt3A_208, %while3A_187, %select_n3A_211 : vector<16xi1>, vector<16xf32>
        %select_n3A_213 = arith.select %lt3A_208, %add3A_207, %while3A_184 : vector<16xi1>, vector<16xf32>
        %select_n3A_214 = arith.select %lt3A, %while3A_183, %select_n3A_213 : vector<16xi1>, vector<16xf32>
        %select_n3A_215 = arith.select %lt3A_208, %get3A_202, %while3A_187 : vector<16xi1>, vector<16xf32>
        %select_n3A_216 = arith.select %lt3A, %while3A_186, %select_n3A_215 : vector<16xi1>, vector<16xf32>
        %select_n3A_217 = arith.select %lt3A, %add3A_207, %while3A_183 : vector<16xi1>, vector<16xf32>
        %select_n3A_218 = arith.select %lt3A, %get3A_202, %while3A_186 : vector<16xi1>, vector<16xf32>
        %mul3A_219 = arith.constant 256 : i32
        %mul3A_220 = arith.muli %add3A_190, %mul3A_219 : i32
        %add3A_221 = arith.constant 16 : i32
        %add3A_222 = arith.addi %mul3A_220, %add3A_221 : i32
        %get3A_223 = arith.index_cast %add3A_222 : i32 to index
        %get3A_224 = tpu.vector_load %arg11[%get3A_223] {strides = array<i32>} : memref<16384xf32, #tpu.memory_space<vmem>>, vector<16xf32>,
        %get3A_225 = vector.shape_cast %get3A_224 : vector<16xf32> to vector<16xf32>
        %get3A_226 = arith.index_cast %add3A_222 : i32 to index
        %get3A_227 = tpu.vector_load %arg12[%get3A_226] {strides = array<i32>} : memref<16384xf32, #tpu.memory_space<vmem>>, vector<16xf32>,
        %get3A_228 = vector.shape_cast %get3A_227 : vector<16xf32> to vector<16xf32>
        %get3A_229 = arith.index_cast %add3A_222 : i32 to index
        %get3A_230 = tpu.vector_load %arg13[%get3A_229] {strides = array<i32>} : memref<16384xf32, #tpu.memory_space<vmem>>, vector<16xf32>,
        %get3A_231 = vector.shape_cast %get3A_230 : vector<16xf32> to vector<16xf32>
        %sub3A_232 = arith.subf %broadcast_in_dim3A_19, %get3A_225 : vector<16xf32>
        %sub3A_233 = arith.subf %mul3A_28, %get3A_228 : vector<16xf32>
        %mul3A_234 = arith.mulf %sub3A_232, %sub3A_232 : vector<16xf32>
        %mul3A_235 = arith.mulf %sub3A_233, %sub3A_233 : vector<16xf32>
        %add3A_236 = arith.addf %mul3A_234, %mul3A_235 : vector<16xf32>
        %lt3A_237 = arith.cmpf olt, %add3A_236, %select_n3A_217 : vector<16xf32>
        %lt3A_238 = arith.cmpf olt, %add3A_236, %select_n3A_214 : vector<16xf32>
        %lt3A_239 = arith.cmpf olt, %add3A_236, %select_n3A_210 : vector<16xf32>
        %select_n3A_240 = arith.select %lt3A_239, %add3A_236, %select_n3A_210 : vector<16xi1>, vector<16xf32>
        %select_n3A_241 = arith.select %lt3A_238, %select_n3A_214, %select_n3A_240 : vector<16xi1>, vector<16xf32>
        %select_n3A_242 = arith.select %lt3A_239, %get3A_231, %select_n3A_212 : vector<16xi1>, vector<16xf32>
        %select_n3A_243 = arith.select %lt3A_238, %select_n3A_216, %select_n3A_242 : vector<16xi1>, vector<16xf32>
        %select_n3A_244 = arith.select %lt3A_238, %add3A_236, %select_n3A_214 : vector<16xi1>, vector<16xf32>
        %select_n3A_245 = arith.select %lt3A_237, %select_n3A_217, %select_n3A_244 : vector<16xi1>, vector<16xf32>
        %select_n3A_246 = arith.select %lt3A_238, %get3A_231, %select_n3A_216 : vector<16xi1>, vector<16xf32>
        %select_n3A_247 = arith.select %lt3A_237, %select_n3A_218, %select_n3A_246 : vector<16xi1>, vector<16xf32>
        %select_n3A_248 = arith.select %lt3A_237, %add3A_236, %select_n3A_217 : vector<16xi1>, vector<16xf32>
        %select_n3A_249 = arith.select %lt3A_237, %get3A_231, %select_n3A_218 : vector<16xi1>, vector<16xf32>
        %mul3A_250 = arith.constant 256 : i32
        %mul3A_251 = arith.muli %add3A_190, %mul3A_250 : i32
        %add3A_252 = arith.constant 32 : i32
        %add3A_253 = arith.addi %mul3A_251, %add3A_252 : i32
        %get3A_254 = arith.index_cast %add3A_253 : i32 to index
        %get3A_255 = tpu.vector_load %arg11[%get3A_254] {strides = array<i32>} : memref<16384xf32, #tpu.memory_space<vmem>>, vector<16xf32>,
        %get3A_256 = vector.shape_cast %get3A_255 : vector<16xf32> to vector<16xf32>
        %get3A_257 = arith.index_cast %add3A_253 : i32 to index
        %get3A_258 = tpu.vector_load %arg12[%get3A_257] {strides = array<i32>} : memref<16384xf32, #tpu.memory_space<vmem>>, vector<16xf32>,
        %get3A_259 = vector.shape_cast %get3A_258 : vector<16xf32> to vector<16xf32>
        %get3A_260 = arith.index_cast %add3A_253 : i32 to index
        %get3A_261 = tpu.vector_load %arg13[%get3A_260] {strides = array<i32>} : memref<16384xf32, #tpu.memory_space<vmem>>, vector<16xf32>,
        %get3A_262 = vector.shape_cast %get3A_261 : vector<16xf32> to vector<16xf32>
        %sub3A_263 = arith.subf %broadcast_in_dim3A_19, %get3A_256 : vector<16xf32>
        %sub3A_264 = arith.subf %mul3A_28, %get3A_259 : vector<16xf32>
        %mul3A_265 = arith.mulf %sub3A_263, %sub3A_263 : vector<16xf32>
        %mul3A_266 = arith.mulf %sub3A_264, %sub3A_264 : vector<16xf32>
        %add3A_267 = arith.addf %mul3A_265, %mul3A_266 : vector<16xf32>
        %lt3A_268 = arith.cmpf olt, %add3A_267, %select_n3A_248 : vector<16xf32>
        %lt3A_269 = arith.cmpf olt, %add3A_267, %select_n3A_245 : vector<16xf32>
        %lt3A_270 = arith.cmpf olt, %add3A_267, %select_n3A_241 : vector<16xf32>
        %select_n3A_271 = arith.select %lt3A_270, %add3A_267, %select_n3A_241 : vector<16xi1>, vector<16xf32>
        %select_n3A_272 = arith.select %lt3A_269, %select_n3A_245, %select_n3A_271 : vector<16xi1>, vector<16xf32>
        %select_n3A_273 = arith.select %lt3A_270, %get3A_262, %select_n3A_243 : vector<16xi1>, vector<16xf32>
        %select_n3A_274 = arith.select %lt3A_269, %select_n3A_247, %select_n3A_273 : vector<16xi1>, vector<16xf32>
        %select_n3A_275 = arith.select %lt3A_269, %add3A_267, %select_n3A_245 : vector<16xi1>, vector<16xf32>
        %select_n3A_276 = arith.select %lt3A_268, %select_n3A_248, %select_n3A_275 : vector<16xi1>, vector<16xf32>
        %select_n3A_277 = arith.select %lt3A_269, %get3A_262, %select_n3A_247 : vector<16xi1>, vector<16xf32>
        %select_n3A_278 = arith.select %lt3A_268, %select_n3A_249, %select_n3A_277 : vector<16xi1>, vector<16xf32>
        %select_n3A_279 = arith.select %lt3A_268, %add3A_267, %select_n3A_248 : vector<16xi1>, vector<16xf32>
        %select_n3A_280 = arith.select %lt3A_268, %get3A_262, %select_n3A_249 : vector<16xi1>, vector<16xf32>
        %mul3A_281 = arith.constant 256 : i32
        %mul3A_282 = arith.muli %add3A_190, %mul3A_281 : i32
        %add3A_283 = arith.constant 48 : i32
        %add3A_284 = arith.addi %mul3A_282, %add3A_283 : i32
        %get3A_285 = arith.index_cast %add3A_284 : i32 to index
        %get3A_286 = tpu.vector_load %arg11[%get3A_285] {strides = array<i32>} : memref<16384xf32, #tpu.memory_space<vmem>>, vector<16xf32>,
        %get3A_287 = vector.shape_cast %get3A_286 : vector<16xf32> to vector<16xf32>
        %get3A_288 = arith.index_cast %add3A_284 : i32 to index
        %get3A_289 = tpu.vector_load %arg12[%get3A_288] {strides = array<i32>} : memref<16384xf32, #tpu.memory_space<vmem>>, vector<16xf32>,
        %get3A_290 = vector.shape_cast %get3A_289 : vector<16xf32> to vector<16xf32>
        %get3A_291 = arith.index_cast %add3A_284 : i32 to index
        %get3A_292 = tpu.vector_load %arg13[%get3A_291] {strides = array<i32>} : memref<16384xf32, #tpu.memory_space<vmem>>, vector<16xf32>,
        %get3A_293 = vector.shape_cast %get3A_292 : vector<16xf32> to vector<16xf32>
        %sub3A_294 = arith.subf %broadcast_in_dim3A_19, %get3A_287 : vector<16xf32>
        %sub3A_295 = arith.subf %mul3A_28, %get3A_290 : vector<16xf32>
        %mul3A_296 = arith.mulf %sub3A_294, %sub3A_294 : vector<16xf32>
        %mul3A_297 = arith.mulf %sub3A_295, %sub3A_295 : vector<16xf32>
        %add3A_298 = arith.addf %mul3A_296, %mul3A_297 : vector<16xf32>
        %lt3A_299 = arith.cmpf olt, %add3A_298, %select_n3A_279 : vector<16xf32>
        %lt3A_300 = arith.cmpf olt, %add3A_298, %select_n3A_276 : vector<16xf32>
        %lt3A_301 = arith.cmpf olt, %add3A_298, %select_n3A_272 : vector<16xf32>
        %select_n3A_302 = arith.select %lt3A_301, %add3A_298, %select_n3A_272 : vector<16xi1>, vector<16xf32>
        %select_n3A_303 = arith.select %lt3A_300, %select_n3A_276, %select_n3A_302 : vector<16xi1>, vector<16xf32>
        %select_n3A_304 = arith.select %lt3A_301, %get3A_293, %select_n3A_274 : vector<16xi1>, vector<16xf32>
        %select_n3A_305 = arith.select %lt3A_300, %select_n3A_278, %select_n3A_304 : vector<16xi1>, vector<16xf32>
        %select_n3A_306 = arith.select %lt3A_300, %add3A_298, %select_n3A_276 : vector<16xi1>, vector<16xf32>
        %select_n3A_307 = arith.select %lt3A_299, %select_n3A_279, %select_n3A_306 : vector<16xi1>, vector<16xf32>
        %select_n3A_308 = arith.select %lt3A_300, %get3A_293, %select_n3A_278 : vector<16xi1>, vector<16xf32>
        %select_n3A_309 = arith.select %lt3A_299, %select_n3A_280, %select_n3A_308 : vector<16xi1>, vector<16xf32>
        %select_n3A_310 = arith.select %lt3A_299, %add3A_298, %select_n3A_279 : vector<16xi1>, vector<16xf32>
        %select_n3A_311 = arith.select %lt3A_299, %get3A_293, %select_n3A_280 : vector<16xi1>, vector<16xf32>
        %mul3A_312 = arith.constant 256 : i32
        %mul3A_313 = arith.muli %add3A_190, %mul3A_312 : i32
        %add3A_314 = arith.constant 64 : i32
        %add3A_315 = arith.addi %mul3A_313, %add3A_314 : i32
        %get3A_316 = arith.index_cast %add3A_315 : i32 to index
        %get3A_317 = tpu.vector_load %arg11[%get3A_316] {strides = array<i32>} : memref<16384xf32, #tpu.memory_space<vmem>>, vector<16xf32>,
        %get3A_318 = vector.shape_cast %get3A_317 : vector<16xf32> to vector<16xf32>
        %get3A_319 = arith.index_cast %add3A_315 : i32 to index
        %get3A_320 = tpu.vector_load %arg12[%get3A_319] {strides = array<i32>} : memref<16384xf32, #tpu.memory_space<vmem>>, vector<16xf32>,
        %get3A_321 = vector.shape_cast %get3A_320 : vector<16xf32> to vector<16xf32>
        %get3A_322 = arith.index_cast %add3A_315 : i32 to index
        %get3A_323 = tpu.vector_load %arg13[%get3A_322] {strides = array<i32>} : memref<16384xf32, #tpu.memory_space<vmem>>, vector<16xf32>,
        %get3A_324 = vector.shape_cast %get3A_323 : vector<16xf32> to vector<16xf32>
        %sub3A_325 = arith.subf %broadcast_in_dim3A_19, %get3A_318 : vector<16xf32>
        %sub3A_326 = arith.subf %mul3A_28, %get3A_321 : vector<16xf32>
        %mul3A_327 = arith.mulf %sub3A_325, %sub3A_325 : vector<16xf32>
        %mul3A_328 = arith.mulf %sub3A_326, %sub3A_326 : vector<16xf32>
        %add3A_329 = arith.addf %mul3A_327, %mul3A_328 : vector<16xf32>
        %lt3A_330 = arith.cmpf olt, %add3A_329, %select_n3A_310 : vector<16xf32>
        %lt3A_331 = arith.cmpf olt, %add3A_329, %select_n3A_307 : vector<16xf32>
        %lt3A_332 = arith.cmpf olt, %add3A_329, %select_n3A_303 : vector<16xf32>
        %select_n3A_333 = arith.select %lt3A_332, %add3A_329, %select_n3A_303 : vector<16xi1>, vector<16xf32>
        %select_n3A_334 = arith.select %lt3A_331, %select_n3A_307, %select_n3A_333 : vector<16xi1>, vector<16xf32>
        %select_n3A_335 = arith.select %lt3A_332, %get3A_324, %select_n3A_305 : vector<16xi1>, vector<16xf32>
        %select_n3A_336 = arith.select %lt3A_331, %select_n3A_309, %select_n3A_335 : vector<16xi1>, vector<16xf32>
        %select_n3A_337 = arith.select %lt3A_331, %add3A_329, %select_n3A_307 : vector<16xi1>, vector<16xf32>
        %select_n3A_338 = arith.select %lt3A_330, %select_n3A_310, %select_n3A_337 : vector<16xi1>, vector<16xf32>
        %select_n3A_339 = arith.select %lt3A_331, %get3A_324, %select_n3A_309 : vector<16xi1>, vector<16xf32>
        %select_n3A_340 = arith.select %lt3A_330, %select_n3A_311, %select_n3A_339 : vector<16xi1>, vector<16xf32>
        %select_n3A_341 = arith.select %lt3A_330, %add3A_329, %select_n3A_310 : vector<16xi1>, vector<16xf32>
        %select_n3A_342 = arith.select %lt3A_330, %get3A_324, %select_n3A_311 : vector<16xi1>, vector<16xf32>
        %mul3A_343 = arith.constant 256 : i32
        %mul3A_344 = arith.muli %add3A_190, %mul3A_343 : i32
        %add3A_345 = arith.constant 80 : i32
        %add3A_346 = arith.addi %mul3A_344, %add3A_345 : i32
        %get3A_347 = arith.index_cast %add3A_346 : i32 to index
        %get3A_348 = tpu.vector_load %arg11[%get3A_347] {strides = array<i32>} : memref<16384xf32, #tpu.memory_space<vmem>>, vector<16xf32>,
        %get3A_349 = vector.shape_cast %get3A_348 : vector<16xf32> to vector<16xf32>
        %get3A_350 = arith.index_cast %add3A_346 : i32 to index
        %get3A_351 = tpu.vector_load %arg12[%get3A_350] {strides = array<i32>} : memref<16384xf32, #tpu.memory_space<vmem>>, vector<16xf32>,
        %get3A_352 = vector.shape_cast %get3A_351 : vector<16xf32> to vector<16xf32>
        %get3A_353 = arith.index_cast %add3A_346 : i32 to index
        %get3A_354 = tpu.vector_load %arg13[%get3A_353] {strides = array<i32>} : memref<16384xf32, #tpu.memory_space<vmem>>, vector<16xf32>,
        %get3A_355 = vector.shape_cast %get3A_354 : vector<16xf32> to vector<16xf32>
        %sub3A_356 = arith.subf %broadcast_in_dim3A_19, %get3A_349 : vector<16xf32>
        %sub3A_357 = arith.subf %mul3A_28, %get3A_352 : vector<16xf32>
        %mul3A_358 = arith.mulf %sub3A_356, %sub3A_356 : vector<16xf32>
        %mul3A_359 = arith.mulf %sub3A_357, %sub3A_357 : vector<16xf32>
        %add3A_360 = arith.addf %mul3A_358, %mul3A_359 : vector<16xf32>
        %lt3A_361 = arith.cmpf olt, %add3A_360, %select_n3A_341 : vector<16xf32>
        %lt3A_362 = arith.cmpf olt, %add3A_360, %select_n3A_338 : vector<16xf32>
        %lt3A_363 = arith.cmpf olt, %add3A_360, %select_n3A_334 : vector<16xf32>
        %select_n3A_364 = arith.select %lt3A_363, %add3A_360, %select_n3A_334 : vector<16xi1>, vector<16xf32>
        %select_n3A_365 = arith.select %lt3A_362, %select_n3A_338, %select_n3A_364 : vector<16xi1>, vector<16xf32>
        %select_n3A_366 = arith.select %lt3A_363, %get3A_355, %select_n3A_336 : vector<16xi1>, vector<16xf32>
        %select_n3A_367 = arith.select %lt3A_362, %select_n3A_340, %select_n3A_366 : vector<16xi1>, vector<16xf32>
        %select_n3A_368 = arith.select %lt3A_362, %add3A_360, %select_n3A_338 : vector<16xi1>, vector<16xf32>
        %select_n3A_369 = arith.select %lt3A_361, %select_n3A_341, %select_n3A_368 : vector<16xi1>, vector<16xf32>
        %select_n3A_370 = arith.select %lt3A_362, %get3A_355, %select_n3A_340 : vector<16xi1>, vector<16xf32>
        %select_n3A_371 = arith.select %lt3A_361, %select_n3A_342, %select_n3A_370 : vector<16xi1>, vector<16xf32>
        %select_n3A_372 = arith.select %lt3A_361, %add3A_360, %select_n3A_341 : vector<16xi1>, vector<16xf32>
        %select_n3A_373 = arith.select %lt3A_361, %get3A_355, %select_n3A_342 : vector<16xi1>, vector<16xf32>
        %mul3A_374 = arith.constant 256 : i32
        %mul3A_375 = arith.muli %add3A_190, %mul3A_374 : i32
        %add3A_376 = arith.constant 96 : i32
        %add3A_377 = arith.addi %mul3A_375, %add3A_376 : i32
        %get3A_378 = arith.index_cast %add3A_377 : i32 to index
        %get3A_379 = tpu.vector_load %arg11[%get3A_378] {strides = array<i32>} : memref<16384xf32, #tpu.memory_space<vmem>>, vector<16xf32>,
        %get3A_380 = vector.shape_cast %get3A_379 : vector<16xf32> to vector<16xf32>
        %get3A_381 = arith.index_cast %add3A_377 : i32 to index
        %get3A_382 = tpu.vector_load %arg12[%get3A_381] {strides = array<i32>} : memref<16384xf32, #tpu.memory_space<vmem>>, vector<16xf32>,
        %get3A_383 = vector.shape_cast %get3A_382 : vector<16xf32> to vector<16xf32>
        %get3A_384 = arith.index_cast %add3A_377 : i32 to index
        %get3A_385 = tpu.vector_load %arg13[%get3A_384] {strides = array<i32>} : memref<16384xf32, #tpu.memory_space<vmem>>, vector<16xf32>,
        %get3A_386 = vector.shape_cast %get3A_385 : vector<16xf32> to vector<16xf32>
        %sub3A_387 = arith.subf %broadcast_in_dim3A_19, %get3A_380 : vector<16xf32>
        %sub3A_388 = arith.subf %mul3A_28, %get3A_383 : vector<16xf32>
        %mul3A_389 = arith.mulf %sub3A_387, %sub3A_387 : vector<16xf32>
        %mul3A_390 = arith.mulf %sub3A_388, %sub3A_388 : vector<16xf32>
        %add3A_391 = arith.addf %mul3A_389, %mul3A_390 : vector<16xf32>
        %lt3A_392 = arith.cmpf olt, %add3A_391, %select_n3A_372 : vector<16xf32>
        %lt3A_393 = arith.cmpf olt, %add3A_391, %select_n3A_369 : vector<16xf32>
        %lt3A_394 = arith.cmpf olt, %add3A_391, %select_n3A_365 : vector<16xf32>
        %select_n3A_395 = arith.select %lt3A_394, %add3A_391, %select_n3A_365 : vector<16xi1>, vector<16xf32>
        %select_n3A_396 = arith.select %lt3A_393, %select_n3A_369, %select_n3A_395 : vector<16xi1>, vector<16xf32>
        %select_n3A_397 = arith.select %lt3A_394, %get3A_386, %select_n3A_367 : vector<16xi1>, vector<16xf32>
        %select_n3A_398 = arith.select %lt3A_393, %select_n3A_371, %select_n3A_397 : vector<16xi1>, vector<16xf32>
        %select_n3A_399 = arith.select %lt3A_393, %add3A_391, %select_n3A_369 : vector<16xi1>, vector<16xf32>
        %select_n3A_400 = arith.select %lt3A_392, %select_n3A_372, %select_n3A_399 : vector<16xi1>, vector<16xf32>
        %select_n3A_401 = arith.select %lt3A_393, %get3A_386, %select_n3A_371 : vector<16xi1>, vector<16xf32>
        %select_n3A_402 = arith.select %lt3A_392, %select_n3A_373, %select_n3A_401 : vector<16xi1>, vector<16xf32>
        %select_n3A_403 = arith.select %lt3A_392, %add3A_391, %select_n3A_372 : vector<16xi1>, vector<16xf32>
        %select_n3A_404 = arith.select %lt3A_392, %get3A_386, %select_n3A_373 : vector<16xi1>, vector<16xf32>
        %mul3A_405 = arith.constant 256 : i32
        %mul3A_406 = arith.muli %add3A_190, %mul3A_405 : i32
        %add3A_407 = arith.constant 112 : i32
        %add3A_408 = arith.addi %mul3A_406, %add3A_407 : i32
        %get3A_409 = arith.index_cast %add3A_408 : i32 to index
        %get3A_410 = tpu.vector_load %arg11[%get3A_409] {strides = array<i32>} : memref<16384xf32, #tpu.memory_space<vmem>>, vector<16xf32>,
        %get3A_411 = vector.shape_cast %get3A_410 : vector<16xf32> to vector<16xf32>
        %get3A_412 = arith.index_cast %add3A_408 : i32 to index
        %get3A_413 = tpu.vector_load %arg12[%get3A_412] {strides = array<i32>} : memref<16384xf32, #tpu.memory_space<vmem>>, vector<16xf32>,
        %get3A_414 = vector.shape_cast %get3A_413 : vector<16xf32> to vector<16xf32>
        %get3A_415 = arith.index_cast %add3A_408 : i32 to index
        %get3A_416 = tpu.vector_load %arg13[%get3A_415] {strides = array<i32>} : memref<16384xf32, #tpu.memory_space<vmem>>, vector<16xf32>,
        %get3A_417 = vector.shape_cast %get3A_416 : vector<16xf32> to vector<16xf32>
        %sub3A_418 = arith.subf %broadcast_in_dim3A_19, %get3A_411 : vector<16xf32>
        %sub3A_419 = arith.subf %mul3A_28, %get3A_414 : vector<16xf32>
        %mul3A_420 = arith.mulf %sub3A_418, %sub3A_418 : vector<16xf32>
        %mul3A_421 = arith.mulf %sub3A_419, %sub3A_419 : vector<16xf32>
        %add3A_422 = arith.addf %mul3A_420, %mul3A_421 : vector<16xf32>
        %lt3A_423 = arith.cmpf olt, %add3A_422, %select_n3A_403 : vector<16xf32>
        %lt3A_424 = arith.cmpf olt, %add3A_422, %select_n3A_400 : vector<16xf32>
        %lt3A_425 = arith.cmpf olt, %add3A_422, %select_n3A_396 : vector<16xf32>
        %select_n3A_426 = arith.select %lt3A_425, %add3A_422, %select_n3A_396 : vector<16xi1>, vector<16xf32>
        %select_n3A_427 = arith.select %lt3A_424, %select_n3A_400, %select_n3A_426 : vector<16xi1>, vector<16xf32>
        %select_n3A_428 = arith.select %lt3A_425, %get3A_417, %select_n3A_398 : vector<16xi1>, vector<16xf32>
        %select_n3A_429 = arith.select %lt3A_424, %select_n3A_402, %select_n3A_428 : vector<16xi1>, vector<16xf32>
        %select_n3A_430 = arith.select %lt3A_424, %add3A_422, %select_n3A_400 : vector<16xi1>, vector<16xf32>
        %select_n3A_431 = arith.select %lt3A_423, %select_n3A_403, %select_n3A_430 : vector<16xi1>, vector<16xf32>
        %select_n3A_432 = arith.select %lt3A_424, %get3A_417, %select_n3A_402 : vector<16xi1>, vector<16xf32>
        %select_n3A_433 = arith.select %lt3A_423, %select_n3A_404, %select_n3A_432 : vector<16xi1>, vector<16xf32>
        %select_n3A_434 = arith.select %lt3A_423, %add3A_422, %select_n3A_403 : vector<16xi1>, vector<16xf32>
        %select_n3A_435 = arith.select %lt3A_423, %get3A_417, %select_n3A_404 : vector<16xi1>, vector<16xf32>
        %mul3A_436 = arith.constant 256 : i32
        %mul3A_437 = arith.muli %add3A_190, %mul3A_436 : i32
        %add3A_438 = arith.constant 128 : i32
        %add3A_439 = arith.addi %mul3A_437, %add3A_438 : i32
        %get3A_440 = arith.index_cast %add3A_439 : i32 to index
        %get3A_441 = tpu.vector_load %arg11[%get3A_440] {strides = array<i32>} : memref<16384xf32, #tpu.memory_space<vmem>>, vector<16xf32>,
        %get3A_442 = vector.shape_cast %get3A_441 : vector<16xf32> to vector<16xf32>
        %get3A_443 = arith.index_cast %add3A_439 : i32 to index
        %get3A_444 = tpu.vector_load %arg12[%get3A_443] {strides = array<i32>} : memref<16384xf32, #tpu.memory_space<vmem>>, vector<16xf32>,
        %get3A_445 = vector.shape_cast %get3A_444 : vector<16xf32> to vector<16xf32>
        %get3A_446 = arith.index_cast %add3A_439 : i32 to index
        %get3A_447 = tpu.vector_load %arg13[%get3A_446] {strides = array<i32>} : memref<16384xf32, #tpu.memory_space<vmem>>, vector<16xf32>,
        %get3A_448 = vector.shape_cast %get3A_447 : vector<16xf32> to vector<16xf32>
        %sub3A_449 = arith.subf %broadcast_in_dim3A_19, %get3A_442 : vector<16xf32>
        %sub3A_450 = arith.subf %mul3A_28, %get3A_445 : vector<16xf32>
        %mul3A_451 = arith.mulf %sub3A_449, %sub3A_449 : vector<16xf32>
        %mul3A_452 = arith.mulf %sub3A_450, %sub3A_450 : vector<16xf32>
        %add3A_453 = arith.addf %mul3A_451, %mul3A_452 : vector<16xf32>
        %lt3A_454 = arith.cmpf olt, %add3A_453, %select_n3A_434 : vector<16xf32>
        %lt3A_455 = arith.cmpf olt, %add3A_453, %select_n3A_431 : vector<16xf32>
        %lt3A_456 = arith.cmpf olt, %add3A_453, %select_n3A_427 : vector<16xf32>
        %select_n3A_457 = arith.select %lt3A_456, %add3A_453, %select_n3A_427 : vector<16xi1>, vector<16xf32>
        %select_n3A_458 = arith.select %lt3A_455, %select_n3A_431, %select_n3A_457 : vector<16xi1>, vector<16xf32>
        %select_n3A_459 = arith.select %lt3A_456, %get3A_448, %select_n3A_429 : vector<16xi1>, vector<16xf32>
        %select_n3A_460 = arith.select %lt3A_455, %select_n3A_433, %select_n3A_459 : vector<16xi1>, vector<16xf32>
        %select_n3A_461 = arith.select %lt3A_455, %add3A_453, %select_n3A_431 : vector<16xi1>, vector<16xf32>
        %select_n3A_462 = arith.select %lt3A_454, %select_n3A_434, %select_n3A_461 : vector<16xi1>, vector<16xf32>
        %select_n3A_463 = arith.select %lt3A_455, %get3A_448, %select_n3A_433 : vector<16xi1>, vector<16xf32>
        %select_n3A_464 = arith.select %lt3A_454, %select_n3A_435, %select_n3A_463 : vector<16xi1>, vector<16xf32>
        %select_n3A_465 = arith.select %lt3A_454, %add3A_453, %select_n3A_434 : vector<16xi1>, vector<16xf32>
        %select_n3A_466 = arith.select %lt3A_454, %get3A_448, %select_n3A_435 : vector<16xi1>, vector<16xf32>
        %mul3A_467 = arith.constant 256 : i32
        %mul3A_468 = arith.muli %add3A_190, %mul3A_467 : i32
        %add3A_469 = arith.constant 144 : i32
        %add3A_470 = arith.addi %mul3A_468, %add3A_469 : i32
        %get3A_471 = arith.index_cast %add3A_470 : i32 to index
        %get3A_472 = tpu.vector_load %arg11[%get3A_471] {strides = array<i32>} : memref<16384xf32, #tpu.memory_space<vmem>>, vector<16xf32>,
        %get3A_473 = vector.shape_cast %get3A_472 : vector<16xf32> to vector<16xf32>
        %get3A_474 = arith.index_cast %add3A_470 : i32 to index
        %get3A_475 = tpu.vector_load %arg12[%get3A_474] {strides = array<i32>} : memref<16384xf32, #tpu.memory_space<vmem>>, vector<16xf32>,
        %get3A_476 = vector.shape_cast %get3A_475 : vector<16xf32> to vector<16xf32>
        %get3A_477 = arith.index_cast %add3A_470 : i32 to index
        %get3A_478 = tpu.vector_load %arg13[%get3A_477] {strides = array<i32>} : memref<16384xf32, #tpu.memory_space<vmem>>, vector<16xf32>,
        %get3A_479 = vector.shape_cast %get3A_478 : vector<16xf32> to vector<16xf32>
        %sub3A_480 = arith.subf %broadcast_in_dim3A_19, %get3A_473 : vector<16xf32>
        %sub3A_481 = arith.subf %mul3A_28, %get3A_476 : vector<16xf32>
        %mul3A_482 = arith.mulf %sub3A_480, %sub3A_480 : vector<16xf32>
        %mul3A_483 = arith.mulf %sub3A_481, %sub3A_481 : vector<16xf32>
        %add3A_484 = arith.addf %mul3A_482, %mul3A_483 : vector<16xf32>
        %lt3A_485 = arith.cmpf olt, %add3A_484, %select_n3A_465 : vector<16xf32>
        %lt3A_486 = arith.cmpf olt, %add3A_484, %select_n3A_462 : vector<16xf32>
        %lt3A_487 = arith.cmpf olt, %add3A_484, %select_n3A_458 : vector<16xf32>
        %select_n3A_488 = arith.select %lt3A_487, %add3A_484, %select_n3A_458 : vector<16xi1>, vector<16xf32>
        %select_n3A_489 = arith.select %lt3A_486, %select_n3A_462, %select_n3A_488 : vector<16xi1>, vector<16xf32>
        %select_n3A_490 = arith.select %lt3A_487, %get3A_479, %select_n3A_460 : vector<16xi1>, vector<16xf32>
        %select_n3A_491 = arith.select %lt3A_486, %select_n3A_464, %select_n3A_490 : vector<16xi1>, vector<16xf32>
        %select_n3A_492 = arith.select %lt3A_486, %add3A_484, %select_n3A_462 : vector<16xi1>, vector<16xf32>
        %select_n3A_493 = arith.select %lt3A_485, %select_n3A_465, %select_n3A_492 : vector<16xi1>, vector<16xf32>
        %select_n3A_494 = arith.select %lt3A_486, %get3A_479, %select_n3A_464 : vector<16xi1>, vector<16xf32>
        %select_n3A_495 = arith.select %lt3A_485, %select_n3A_466, %select_n3A_494 : vector<16xi1>, vector<16xf32>
        %select_n3A_496 = arith.select %lt3A_485, %add3A_484, %select_n3A_465 : vector<16xi1>, vector<16xf32>
        %select_n3A_497 = arith.select %lt3A_485, %get3A_479, %select_n3A_466 : vector<16xi1>, vector<16xf32>
        %mul3A_498 = arith.constant 256 : i32
        %mul3A_499 = arith.muli %add3A_190, %mul3A_498 : i32
        %add3A_500 = arith.constant 160 : i32
        %add3A_501 = arith.addi %mul3A_499, %add3A_500 : i32
        %get3A_502 = arith.index_cast %add3A_501 : i32 to index
        %get3A_503 = tpu.vector_load %arg11[%get3A_502] {strides = array<i32>} : memref<16384xf32, #tpu.memory_space<vmem>>, vector<16xf32>,
        %get3A_504 = vector.shape_cast %get3A_503 : vector<16xf32> to vector<16xf32>
        %get3A_505 = arith.index_cast %add3A_501 : i32 to index
        %get3A_506 = tpu.vector_load %arg12[%get3A_505] {strides = array<i32>} : memref<16384xf32, #tpu.memory_space<vmem>>, vector<16xf32>,
        %get3A_507 = vector.shape_cast %get3A_506 : vector<16xf32> to vector<16xf32>
        %get3A_508 = arith.index_cast %add3A_501 : i32 to index
        %get3A_509 = tpu.vector_load %arg13[%get3A_508] {strides = array<i32>} : memref<16384xf32, #tpu.memory_space<vmem>>, vector<16xf32>,
        %get3A_510 = vector.shape_cast %get3A_509 : vector<16xf32> to vector<16xf32>
        %sub3A_511 = arith.subf %broadcast_in_dim3A_19, %get3A_504 : vector<16xf32>
        %sub3A_512 = arith.subf %mul3A_28, %get3A_507 : vector<16xf32>
        %mul3A_513 = arith.mulf %sub3A_511, %sub3A_511 : vector<16xf32>
        %mul3A_514 = arith.mulf %sub3A_512, %sub3A_512 : vector<16xf32>
        %add3A_515 = arith.addf %mul3A_513, %mul3A_514 : vector<16xf32>
        %lt3A_516 = arith.cmpf olt, %add3A_515, %select_n3A_496 : vector<16xf32>
        %lt3A_517 = arith.cmpf olt, %add3A_515, %select_n3A_493 : vector<16xf32>
        %lt3A_518 = arith.cmpf olt, %add3A_515, %select_n3A_489 : vector<16xf32>
        %select_n3A_519 = arith.select %lt3A_518, %add3A_515, %select_n3A_489 : vector<16xi1>, vector<16xf32>
        %select_n3A_520 = arith.select %lt3A_517, %select_n3A_493, %select_n3A_519 : vector<16xi1>, vector<16xf32>
        %select_n3A_521 = arith.select %lt3A_518, %get3A_510, %select_n3A_491 : vector<16xi1>, vector<16xf32>
        %select_n3A_522 = arith.select %lt3A_517, %select_n3A_495, %select_n3A_521 : vector<16xi1>, vector<16xf32>
        %select_n3A_523 = arith.select %lt3A_517, %add3A_515, %select_n3A_493 : vector<16xi1>, vector<16xf32>
        %select_n3A_524 = arith.select %lt3A_516, %select_n3A_496, %select_n3A_523 : vector<16xi1>, vector<16xf32>
        %select_n3A_525 = arith.select %lt3A_517, %get3A_510, %select_n3A_495 : vector<16xi1>, vector<16xf32>
        %select_n3A_526 = arith.select %lt3A_516, %select_n3A_497, %select_n3A_525 : vector<16xi1>, vector<16xf32>
        %select_n3A_527 = arith.select %lt3A_516, %add3A_515, %select_n3A_496 : vector<16xi1>, vector<16xf32>
        %select_n3A_528 = arith.select %lt3A_516, %get3A_510, %select_n3A_497 : vector<16xi1>, vector<16xf32>
        %mul3A_529 = arith.constant 256 : i32
        %mul3A_530 = arith.muli %add3A_190, %mul3A_529 : i32
        %add3A_531 = arith.constant 176 : i32
        %add3A_532 = arith.addi %mul3A_530, %add3A_531 : i32
        %get3A_533 = arith.index_cast %add3A_532 : i32 to index
        %get3A_534 = tpu.vector_load %arg11[%get3A_533] {strides = array<i32>} : memref<16384xf32, #tpu.memory_space<vmem>>, vector<16xf32>,
        %get3A_535 = vector.shape_cast %get3A_534 : vector<16xf32> to vector<16xf32>
        %get3A_536 = arith.index_cast %add3A_532 : i32 to index
        %get3A_537 = tpu.vector_load %arg12[%get3A_536] {strides = array<i32>} : memref<16384xf32, #tpu.memory_space<vmem>>, vector<16xf32>,
        %get3A_538 = vector.shape_cast %get3A_537 : vector<16xf32> to vector<16xf32>
        %get3A_539 = arith.index_cast %add3A_532 : i32 to index
        %get3A_540 = tpu.vector_load %arg13[%get3A_539] {strides = array<i32>} : memref<16384xf32, #tpu.memory_space<vmem>>, vector<16xf32>,
        %get3A_541 = vector.shape_cast %get3A_540 : vector<16xf32> to vector<16xf32>
        %sub3A_542 = arith.subf %broadcast_in_dim3A_19, %get3A_535 : vector<16xf32>
        %sub3A_543 = arith.subf %mul3A_28, %get3A_538 : vector<16xf32>
        %mul3A_544 = arith.mulf %sub3A_542, %sub3A_542 : vector<16xf32>
        %mul3A_545 = arith.mulf %sub3A_543, %sub3A_543 : vector<16xf32>
        %add3A_546 = arith.addf %mul3A_544, %mul3A_545 : vector<16xf32>
        %lt3A_547 = arith.cmpf olt, %add3A_546, %select_n3A_527 : vector<16xf32>
        %lt3A_548 = arith.cmpf olt, %add3A_546, %select_n3A_524 : vector<16xf32>
        %lt3A_549 = arith.cmpf olt, %add3A_546, %select_n3A_520 : vector<16xf32>
        %select_n3A_550 = arith.select %lt3A_549, %add3A_546, %select_n3A_520 : vector<16xi1>, vector<16xf32>
        %select_n3A_551 = arith.select %lt3A_548, %select_n3A_524, %select_n3A_550 : vector<16xi1>, vector<16xf32>
        %select_n3A_552 = arith.select %lt3A_549, %get3A_541, %select_n3A_522 : vector<16xi1>, vector<16xf32>
        %select_n3A_553 = arith.select %lt3A_548, %select_n3A_526, %select_n3A_552 : vector<16xi1>, vector<16xf32>
        %select_n3A_554 = arith.select %lt3A_548, %add3A_546, %select_n3A_524 : vector<16xi1>, vector<16xf32>
        %select_n3A_555 = arith.select %lt3A_547, %select_n3A_527, %select_n3A_554 : vector<16xi1>, vector<16xf32>
        %select_n3A_556 = arith.select %lt3A_548, %get3A_541, %select_n3A_526 : vector<16xi1>, vector<16xf32>
        %select_n3A_557 = arith.select %lt3A_547, %select_n3A_528, %select_n3A_556 : vector<16xi1>, vector<16xf32>
        %select_n3A_558 = arith.select %lt3A_547, %add3A_546, %select_n3A_527 : vector<16xi1>, vector<16xf32>
        %select_n3A_559 = arith.select %lt3A_547, %get3A_541, %select_n3A_528 : vector<16xi1>, vector<16xf32>
        %mul3A_560 = arith.constant 256 : i32
        %mul3A_561 = arith.muli %add3A_190, %mul3A_560 : i32
        %add3A_562 = arith.constant 192 : i32
        %add3A_563 = arith.addi %mul3A_561, %add3A_562 : i32
        %get3A_564 = arith.index_cast %add3A_563 : i32 to index
        %get3A_565 = tpu.vector_load %arg11[%get3A_564] {strides = array<i32>} : memref<16384xf32, #tpu.memory_space<vmem>>, vector<16xf32>,
        %get3A_566 = vector.shape_cast %get3A_565 : vector<16xf32> to vector<16xf32>
        %get3A_567 = arith.index_cast %add3A_563 : i32 to index
        %get3A_568 = tpu.vector_load %arg12[%get3A_567] {strides = array<i32>} : memref<16384xf32, #tpu.memory_space<vmem>>, vector<16xf32>,
        %get3A_569 = vector.shape_cast %get3A_568 : vector<16xf32> to vector<16xf32>
        %get3A_570 = arith.index_cast %add3A_563 : i32 to index
        %get3A_571 = tpu.vector_load %arg13[%get3A_570] {strides = array<i32>} : memref<16384xf32, #tpu.memory_space<vmem>>, vector<16xf32>,
        %get3A_572 = vector.shape_cast %get3A_571 : vector<16xf32> to vector<16xf32>
        %sub3A_573 = arith.subf %broadcast_in_dim3A_19, %get3A_566 : vector<16xf32>
        %sub3A_574 = arith.subf %mul3A_28, %get3A_569 : vector<16xf32>
        %mul3A_575 = arith.mulf %sub3A_573, %sub3A_573 : vector<16xf32>
        %mul3A_576 = arith.mulf %sub3A_574, %sub3A_574 : vector<16xf32>
        %add3A_577 = arith.addf %mul3A_575, %mul3A_576 : vector<16xf32>
        %lt3A_578 = arith.cmpf olt, %add3A_577, %select_n3A_558 : vector<16xf32>
        %lt3A_579 = arith.cmpf olt, %add3A_577, %select_n3A_555 : vector<16xf32>
        %lt3A_580 = arith.cmpf olt, %add3A_577, %select_n3A_551 : vector<16xf32>
        %select_n3A_581 = arith.select %lt3A_580, %add3A_577, %select_n3A_551 : vector<16xi1>, vector<16xf32>
        %select_n3A_582 = arith.select %lt3A_579, %select_n3A_555, %select_n3A_581 : vector<16xi1>, vector<16xf32>
        %select_n3A_583 = arith.select %lt3A_580, %get3A_572, %select_n3A_553 : vector<16xi1>, vector<16xf32>
        %select_n3A_584 = arith.select %lt3A_579, %select_n3A_557, %select_n3A_583 : vector<16xi1>, vector<16xf32>
        %select_n3A_585 = arith.select %lt3A_579, %add3A_577, %select_n3A_555 : vector<16xi1>, vector<16xf32>
        %select_n3A_586 = arith.select %lt3A_578, %select_n3A_558, %select_n3A_585 : vector<16xi1>, vector<16xf32>
        %select_n3A_587 = arith.select %lt3A_579, %get3A_572, %select_n3A_557 : vector<16xi1>, vector<16xf32>
        %select_n3A_588 = arith.select %lt3A_578, %select_n3A_559, %select_n3A_587 : vector<16xi1>, vector<16xf32>
        %select_n3A_589 = arith.select %lt3A_578, %add3A_577, %select_n3A_558 : vector<16xi1>, vector<16xf32>
        %select_n3A_590 = arith.select %lt3A_578, %get3A_572, %select_n3A_559 : vector<16xi1>, vector<16xf32>
        %mul3A_591 = arith.constant 256 : i32
        %mul3A_592 = arith.muli %add3A_190, %mul3A_591 : i32
        %add3A_593 = arith.constant 208 : i32
        %add3A_594 = arith.addi %mul3A_592, %add3A_593 : i32
        %get3A_595 = arith.index_cast %add3A_594 : i32 to index
        %get3A_596 = tpu.vector_load %arg11[%get3A_595] {strides = array<i32>} : memref<16384xf32, #tpu.memory_space<vmem>>, vector<16xf32>,
        %get3A_597 = vector.shape_cast %get3A_596 : vector<16xf32> to vector<16xf32>
        %get3A_598 = arith.index_cast %add3A_594 : i32 to index
        %get3A_599 = tpu.vector_load %arg12[%get3A_598] {strides = array<i32>} : memref<16384xf32, #tpu.memory_space<vmem>>, vector<16xf32>,
        %get3A_600 = vector.shape_cast %get3A_599 : vector<16xf32> to vector<16xf32>
        %get3A_601 = arith.index_cast %add3A_594 : i32 to index
        %get3A_602 = tpu.vector_load %arg13[%get3A_601] {strides = array<i32>} : memref<16384xf32, #tpu.memory_space<vmem>>, vector<16xf32>,
        %get3A_603 = vector.shape_cast %get3A_602 : vector<16xf32> to vector<16xf32>
        %sub3A_604 = arith.subf %broadcast_in_dim3A_19, %get3A_597 : vector<16xf32>
        %sub3A_605 = arith.subf %mul3A_28, %get3A_600 : vector<16xf32>
        %mul3A_606 = arith.mulf %sub3A_604, %sub3A_604 : vector<16xf32>
        %mul3A_607 = arith.mulf %sub3A_605, %sub3A_605 : vector<16xf32>
        %add3A_608 = arith.addf %mul3A_606, %mul3A_607 : vector<16xf32>
        %lt3A_609 = arith.cmpf olt, %add3A_608, %select_n3A_589 : vector<16xf32>
        %lt3A_610 = arith.cmpf olt, %add3A_608, %select_n3A_586 : vector<16xf32>
        %lt3A_611 = arith.cmpf olt, %add3A_608, %select_n3A_582 : vector<16xf32>
        %select_n3A_612 = arith.select %lt3A_611, %add3A_608, %select_n3A_582 : vector<16xi1>, vector<16xf32>
        %select_n3A_613 = arith.select %lt3A_610, %select_n3A_586, %select_n3A_612 : vector<16xi1>, vector<16xf32>
        %select_n3A_614 = arith.select %lt3A_611, %get3A_603, %select_n3A_584 : vector<16xi1>, vector<16xf32>
        %select_n3A_615 = arith.select %lt3A_610, %select_n3A_588, %select_n3A_614 : vector<16xi1>, vector<16xf32>
        %select_n3A_616 = arith.select %lt3A_610, %add3A_608, %select_n3A_586 : vector<16xi1>, vector<16xf32>
        %select_n3A_617 = arith.select %lt3A_609, %select_n3A_589, %select_n3A_616 : vector<16xi1>, vector<16xf32>
        %select_n3A_618 = arith.select %lt3A_610, %get3A_603, %select_n3A_588 : vector<16xi1>, vector<16xf32>
        %select_n3A_619 = arith.select %lt3A_609, %select_n3A_590, %select_n3A_618 : vector<16xi1>, vector<16xf32>
        %select_n3A_620 = arith.select %lt3A_609, %add3A_608, %select_n3A_589 : vector<16xi1>, vector<16xf32>
        %select_n3A_621 = arith.select %lt3A_609, %get3A_603, %select_n3A_590 : vector<16xi1>, vector<16xf32>
        %mul3A_622 = arith.constant 256 : i32
        %mul3A_623 = arith.muli %add3A_190, %mul3A_622 : i32
        %add3A_624 = arith.constant 224 : i32
        %add3A_625 = arith.addi %mul3A_623, %add3A_624 : i32
        %get3A_626 = arith.index_cast %add3A_625 : i32 to index
        %get3A_627 = tpu.vector_load %arg11[%get3A_626] {strides = array<i32>} : memref<16384xf32, #tpu.memory_space<vmem>>, vector<16xf32>,
        %get3A_628 = vector.shape_cast %get3A_627 : vector<16xf32> to vector<16xf32>
        %get3A_629 = arith.index_cast %add3A_625 : i32 to index
        %get3A_630 = tpu.vector_load %arg12[%get3A_629] {strides = array<i32>} : memref<16384xf32, #tpu.memory_space<vmem>>, vector<16xf32>,
        %get3A_631 = vector.shape_cast %get3A_630 : vector<16xf32> to vector<16xf32>
        %get3A_632 = arith.index_cast %add3A_625 : i32 to index
        %get3A_633 = tpu.vector_load %arg13[%get3A_632] {strides = array<i32>} : memref<16384xf32, #tpu.memory_space<vmem>>, vector<16xf32>,
        %get3A_634 = vector.shape_cast %get3A_633 : vector<16xf32> to vector<16xf32>
        %sub3A_635 = arith.subf %broadcast_in_dim3A_19, %get3A_628 : vector<16xf32>
        %sub3A_636 = arith.subf %mul3A_28, %get3A_631 : vector<16xf32>
        %mul3A_637 = arith.mulf %sub3A_635, %sub3A_635 : vector<16xf32>
        %mul3A_638 = arith.mulf %sub3A_636, %sub3A_636 : vector<16xf32>
        %add3A_639 = arith.addf %mul3A_637, %mul3A_638 : vector<16xf32>
        %lt3A_640 = arith.cmpf olt, %add3A_639, %select_n3A_620 : vector<16xf32>
        %lt3A_641 = arith.cmpf olt, %add3A_639, %select_n3A_617 : vector<16xf32>
        %lt3A_642 = arith.cmpf olt, %add3A_639, %select_n3A_613 : vector<16xf32>
        %select_n3A_643 = arith.select %lt3A_642, %add3A_639, %select_n3A_613 : vector<16xi1>, vector<16xf32>
        %select_n3A_644 = arith.select %lt3A_641, %select_n3A_617, %select_n3A_643 : vector<16xi1>, vector<16xf32>
        %select_n3A_645 = arith.select %lt3A_642, %get3A_634, %select_n3A_615 : vector<16xi1>, vector<16xf32>
        %select_n3A_646 = arith.select %lt3A_641, %select_n3A_619, %select_n3A_645 : vector<16xi1>, vector<16xf32>
        %select_n3A_647 = arith.select %lt3A_641, %add3A_639, %select_n3A_617 : vector<16xi1>, vector<16xf32>
        %select_n3A_648 = arith.select %lt3A_640, %select_n3A_620, %select_n3A_647 : vector<16xi1>, vector<16xf32>
        %select_n3A_649 = arith.select %lt3A_641, %get3A_634, %select_n3A_619 : vector<16xi1>, vector<16xf32>
        %select_n3A_650 = arith.select %lt3A_640, %select_n3A_621, %select_n3A_649 : vector<16xi1>, vector<16xf32>
        %select_n3A_651 = arith.select %lt3A_640, %add3A_639, %select_n3A_620 : vector<16xi1>, vector<16xf32>
        %select_n3A_652 = arith.select %lt3A_640, %get3A_634, %select_n3A_621 : vector<16xi1>, vector<16xf32>
        %mul3A_653 = arith.constant 256 : i32
        %mul3A_654 = arith.muli %add3A_190, %mul3A_653 : i32
        %add3A_655 = arith.constant 240 : i32
        %add3A_656 = arith.addi %mul3A_654, %add3A_655 : i32
        %get3A_657 = arith.index_cast %add3A_656 : i32 to index
        %get3A_658 = tpu.vector_load %arg11[%get3A_657] {strides = array<i32>} : memref<16384xf32, #tpu.memory_space<vmem>>, vector<16xf32>,
        %get3A_659 = vector.shape_cast %get3A_658 : vector<16xf32> to vector<16xf32>
        %get3A_660 = arith.index_cast %add3A_656 : i32 to index
        %get3A_661 = tpu.vector_load %arg12[%get3A_660] {strides = array<i32>} : memref<16384xf32, #tpu.memory_space<vmem>>, vector<16xf32>,
        %get3A_662 = vector.shape_cast %get3A_661 : vector<16xf32> to vector<16xf32>
        %get3A_663 = arith.index_cast %add3A_656 : i32 to index
        %get3A_664 = tpu.vector_load %arg13[%get3A_663] {strides = array<i32>} : memref<16384xf32, #tpu.memory_space<vmem>>, vector<16xf32>,
        %get3A_665 = vector.shape_cast %get3A_664 : vector<16xf32> to vector<16xf32>
        %sub3A_666 = arith.subf %broadcast_in_dim3A_19, %get3A_659 : vector<16xf32>
        %sub3A_667 = arith.subf %mul3A_28, %get3A_662 : vector<16xf32>
        %mul3A_668 = arith.mulf %sub3A_666, %sub3A_666 : vector<16xf32>
        %mul3A_669 = arith.mulf %sub3A_667, %sub3A_667 : vector<16xf32>
        %add3A_670 = arith.addf %mul3A_668, %mul3A_669 : vector<16xf32>
        %lt3A_671 = arith.cmpf olt, %add3A_670, %select_n3A_651 : vector<16xf32>
        %lt3A_672 = arith.cmpf olt, %add3A_670, %select_n3A_648 : vector<16xf32>
        %lt3A_673 = arith.cmpf olt, %add3A_670, %select_n3A_644 : vector<16xf32>
        %select_n3A_674 = arith.select %lt3A_673, %add3A_670, %select_n3A_644 : vector<16xi1>, vector<16xf32>
        %select_n3A_675 = arith.select %lt3A_672, %select_n3A_648, %select_n3A_674 : vector<16xi1>, vector<16xf32>
        %select_n3A_676 = arith.select %lt3A_673, %get3A_665, %select_n3A_646 : vector<16xi1>, vector<16xf32>
        %select_n3A_677 = arith.select %lt3A_672, %select_n3A_650, %select_n3A_676 : vector<16xi1>, vector<16xf32>
        %select_n3A_678 = arith.select %lt3A_672, %add3A_670, %select_n3A_648 : vector<16xi1>, vector<16xf32>
        %select_n3A_679 = arith.select %lt3A_671, %select_n3A_651, %select_n3A_678 : vector<16xi1>, vector<16xf32>
        %select_n3A_680 = arith.select %lt3A_672, %get3A_665, %select_n3A_650 : vector<16xi1>, vector<16xf32>
        %select_n3A_681 = arith.select %lt3A_671, %select_n3A_652, %select_n3A_680 : vector<16xi1>, vector<16xf32>
        %select_n3A_682 = arith.select %lt3A_671, %add3A_670, %select_n3A_651 : vector<16xi1>, vector<16xf32>
        %select_n3A_683 = arith.select %lt3A_671, %get3A_665, %select_n3A_652 : vector<16xi1>, vector<16xf32>
        scf.yield %select_n3A_682, %select_n3A_679, %select_n3A_675, %select_n3A_683, %select_n3A_681, %select_n3A_677 : vector<16xf32>, vector<16xf32>, vector<16xf32>, vector<16xf32>, vector<16xf32>, vector<16xf32>
      }
      %slice3A = vector.extract_strided_slice %while3A_59#2 {offsets = [0], sizes = [1], strides = [1]} : vector<16xf32> to vector<1xf32>
      %squeeze3A = vector.extract %slice3A[0] : f32 from vector<1xf32>
      %slice3A_60 = vector.extract_strided_slice %while3A_59#2 {offsets = [1], sizes = [1], strides = [1]} : vector<16xf32> to vector<1xf32>
      %squeeze3A_61 = vector.extract %slice3A_60[0] : f32 from vector<1xf32>
      %max3A_62 = arith.maximumf %squeeze3A, %squeeze3A_61 : f32
      %slice3A_63 = vector.extract_strided_slice %while3A_59#2 {offsets = [2], sizes = [1], strides = [1]} : vector<16xf32> to vector<1xf32>
      %squeeze3A_64 = vector.extract %slice3A_63[0] : f32 from vector<1xf32>
      %max3A_65 = arith.maximumf %max3A_62, %squeeze3A_64 : f32
      %slice3A_66 = vector.extract_strided_slice %while3A_59#2 {offsets = [3], sizes = [1], strides = [1]} : vector<16xf32> to vector<1xf32>
      %squeeze3A_67 = vector.extract %slice3A_66[0] : f32 from vector<1xf32>
      %max3A_68 = arith.maximumf %max3A_65, %squeeze3A_67 : f32
      %slice3A_69 = vector.extract_strided_slice %while3A_59#2 {offsets = [4], sizes = [1], strides = [1]} : vector<16xf32> to vector<1xf32>
      %squeeze3A_70 = vector.extract %slice3A_69[0] : f32 from vector<1xf32>
      %max3A_71 = arith.maximumf %max3A_68, %squeeze3A_70 : f32
      %slice3A_72 = vector.extract_strided_slice %while3A_59#2 {offsets = [5], sizes = [1], strides = [1]} : vector<16xf32> to vector<1xf32>
      %squeeze3A_73 = vector.extract %slice3A_72[0] : f32 from vector<1xf32>
      %max3A_74 = arith.maximumf %max3A_71, %squeeze3A_73 : f32
      %slice3A_75 = vector.extract_strided_slice %while3A_59#2 {offsets = [6], sizes = [1], strides = [1]} : vector<16xf32> to vector<1xf32>
      %squeeze3A_76 = vector.extract %slice3A_75[0] : f32 from vector<1xf32>
      %max3A_77 = arith.maximumf %max3A_74, %squeeze3A_76 : f32
      %slice3A_78 = vector.extract_strided_slice %while3A_59#2 {offsets = [7], sizes = [1], strides = [1]} : vector<16xf32> to vector<1xf32>
      %squeeze3A_79 = vector.extract %slice3A_78[0] : f32 from vector<1xf32>
      %max3A_80 = arith.maximumf %max3A_77, %squeeze3A_79 : f32
      %slice3A_81 = vector.extract_strided_slice %while3A_59#2 {offsets = [8], sizes = [1], strides = [1]} : vector<16xf32> to vector<1xf32>
      %squeeze3A_82 = vector.extract %slice3A_81[0] : f32 from vector<1xf32>
      %max3A_83 = arith.maximumf %max3A_80, %squeeze3A_82 : f32
      %slice3A_84 = vector.extract_strided_slice %while3A_59#2 {offsets = [9], sizes = [1], strides = [1]} : vector<16xf32> to vector<1xf32>
      %squeeze3A_85 = vector.extract %slice3A_84[0] : f32 from vector<1xf32>
      %max3A_86 = arith.maximumf %max3A_83, %squeeze3A_85 : f32
      %slice3A_87 = vector.extract_strided_slice %while3A_59#2 {offsets = [10], sizes = [1], strides = [1]} : vector<16xf32> to vector<1xf32>
      %squeeze3A_88 = vector.extract %slice3A_87[0] : f32 from vector<1xf32>
      %max3A_89 = arith.maximumf %max3A_86, %squeeze3A_88 : f32
      %slice3A_90 = vector.extract_strided_slice %while3A_59#2 {offsets = [11], sizes = [1], strides = [1]} : vector<16xf32> to vector<1xf32>
      %squeeze3A_91 = vector.extract %slice3A_90[0] : f32 from vector<1xf32>
      %max3A_92 = arith.maximumf %max3A_89, %squeeze3A_91 : f32
      %slice3A_93 = vector.extract_strided_slice %while3A_59#2 {offsets = [12], sizes = [1], strides = [1]} : vector<16xf32> to vector<1xf32>
      %squeeze3A_94 = vector.extract %slice3A_93[0] : f32 from vector<1xf32>
      %max3A_95 = arith.maximumf %max3A_92, %squeeze3A_94 : f32
      %slice3A_96 = vector.extract_strided_slice %while3A_59#2 {offsets = [13], sizes = [1], strides = [1]} : vector<16xf32> to vector<1xf32>
      %squeeze3A_97 = vector.extract %slice3A_96[0] : f32 from vector<1xf32>
      %max3A_98 = arith.maximumf %max3A_95, %squeeze3A_97 : f32
      %slice3A_99 = vector.extract_strided_slice %while3A_59#2 {offsets = [14], sizes = [1], strides = [1]} : vector<16xf32> to vector<1xf32>
      %squeeze3A_100 = vector.extract %slice3A_99[0] : f32 from vector<1xf32>
      %max3A_101 = arith.maximumf %max3A_98, %squeeze3A_100 : f32
      %slice3A_102 = vector.extract_strided_slice %while3A_59#2 {offsets = [15], sizes = [1], strides = [1]} : vector<16xf32> to vector<1xf32>
      %squeeze3A_103 = vector.extract %slice3A_102[0] : f32 from vector<1xf32>
      %max3A_104 = arith.maximumf %max3A_101, %squeeze3A_103 : f32
      %scan3A_105 = arith.constant 0 : i32
      %scan3A_106 = arith.constant 0 : i32
      %scan3A_107 = arith.constant 6 : i32
      %scan3A_108 = arith.addi %scan3A_106, %scan3A_107 : i32
      %scan3A_109 = arith.constant 1 : i32
      %scan3A_110:2 = scf.for %scan3A_182 = %scan3A_106 to %scan3A_108 step %scan3A_109 iter_args(%scan3A_183 = %scan3A_105, %scan3A_184 = %max3A_39) -> (i32, i32)  : i32 {
        %add3A_185 = arith.addi %scan3A_183, %scan3A_184 : i32
        %add3A_186 = arith.constant 1 : i32
        %add3A_187 = arith.addi %add3A_185, %add3A_186 : i32
        %shift_right_arithmetic3A_188 = arith.constant 1 : i32
        %shift_right_arithmetic3A_189 = arith.shrsi %add3A_187, %shift_right_arithmetic3A_188 : i32
        %mul3A_190 = arith.constant 16 : i32
        %mul3A_191 = arith.muli %shift_right_arithmetic3A_189, %mul3A_190 : i32
        %sub3A_192 = arith.constant 1 : i32
        %sub3A_193 = arith.subi %mul3A_191, %sub3A_192 : i32
        %max3A_194 = arith.constant 0 : i32
        %max3A_195 = arith.maxsi %sub3A_193, %max3A_194 : i32
        %mul3A_196 = arith.constant 16 : i32
        %mul3A_197 = arith.muli %max3A_195, %mul3A_196 : i32
        %get3A = arith.index_cast %mul3A_197 : i32 to index
        %get3A_198 = tpu.vector_load %arg11[%get3A] {strides = array<i32>} : memref<16384xf32, #tpu.memory_space<vmem>>, vector<16xf32>,
        %get3A_199 = vector.shape_cast %get3A_198 : vector<16xf32> to vector<16xf32>
        %slice3A_200 = vector.extract_strided_slice %get3A_199 {offsets = [0], sizes = [1], strides = [1]} : vector<16xf32> to vector<1xf32>
        %squeeze3A_201 = vector.extract %slice3A_200[0] : f32 from vector<1xf32>
        %sub3A_202 = arith.subf %mul3A_18, %squeeze3A_201 : f32
        %eq3A = arith.constant 0 : i32
        %eq3A_203 = arith.cmpi eq, %shift_right_arithmetic3A_189, %eq3A : i32
        %mul3A_204 = arith.mulf %sub3A_202, %sub3A_202 : f32
        %le3A = arith.cmpf ole, %max3A_104, %mul3A_204 : f32
        %or3A = arith.ori %eq3A_203, %le3A : i1
        %select_n3A = arith.select %or3A, %shift_right_arithmetic3A_189, %scan3A_183 : i32
        %sub3A_205 = arith.constant 1 : i32
        %sub3A_206 = arith.subi %shift_right_arithmetic3A_189, %sub3A_205 : i32
        %select_n3A_207 = arith.select %or3A, %scan3A_184, %sub3A_206 : i32
        scf.yield %select_n3A, %select_n3A_207 : i32, i32
      }
      %scan3A_111 = arith.constant 6 : i32
      %scan3A_112 = arith.constant 64 : i32
      %scan3A_113 = arith.constant 0 : i32
      %scan3A_114 = arith.constant 6 : i32
      %scan3A_115 = arith.addi %scan3A_113, %scan3A_114 : i32
      %scan3A_116 = arith.constant 1 : i32
      %scan3A_117:2 = scf.for %scan3A_182 = %scan3A_113 to %scan3A_115 step %scan3A_116 iter_args(%scan3A_183 = %min3A_42, %scan3A_184 = %scan3A_112) -> (i32, i32)  : i32 {
        %add3A_185 = arith.addi %scan3A_183, %scan3A_184 : i32
        %shift_right_arithmetic3A_186 = arith.constant 1 : i32
        %shift_right_arithmetic3A_187 = arith.shrsi %add3A_185, %shift_right_arithmetic3A_186 : i32
        %mul3A_188 = arith.constant 16 : i32
        %mul3A_189 = arith.muli %shift_right_arithmetic3A_187, %mul3A_188 : i32
        %min3A_190 = arith.constant 1023 : i32
        %min3A_191 = arith.minsi %mul3A_189, %min3A_190 : i32
        %mul3A_192 = arith.constant 16 : i32
        %mul3A_193 = arith.muli %min3A_191, %mul3A_192 : i32
        %get3A = arith.index_cast %mul3A_193 : i32 to index
        %get3A_194 = tpu.vector_load %arg11[%get3A] {strides = array<i32>} : memref<16384xf32, #tpu.memory_space<vmem>>, vector<16xf32>,
        %get3A_195 = vector.shape_cast %get3A_194 : vector<16xf32> to vector<16xf32>
        %slice3A_196 = vector.extract_strided_slice %get3A_195 {offsets = [0], sizes = [1], strides = [1]} : vector<16xf32> to vector<1xf32>
        %squeeze3A_197 = vector.extract %slice3A_196[0] : f32 from vector<1xf32>
        %sub3A_198 = arith.subf %squeeze3A_197, %mul3A_18 : f32
        %eq3A = arith.constant 64 : i32
        %eq3A_199 = arith.cmpi eq, %shift_right_arithmetic3A_187, %eq3A : i32
        %mul3A_200 = arith.mulf %sub3A_198, %sub3A_198 : f32
        %le3A = arith.cmpf ole, %max3A_104, %mul3A_200 : f32
        %or3A = arith.ori %eq3A_199, %le3A : i1
        %add3A_201 = arith.constant 1 : i32
        %add3A_202 = arith.addi %shift_right_arithmetic3A_187, %add3A_201 : i32
        %select_n3A = arith.select %or3A, %scan3A_183, %add3A_202 : i32
        %select_n3A_203 = arith.select %or3A, %shift_right_arithmetic3A_187, %scan3A_184 : i32
        scf.yield %select_n3A, %select_n3A_203 : i32, i32
      }
      %scan3A_118 = arith.constant 6 : i32
      %sub3A_119 = arith.subi %max3A_39, %scan3A_110#0 : i32
      %sub3A_120 = arith.constant 1 : i32
      %sub3A_121 = arith.constant 1 : i32
      %sub3A_122 = arith.subi %sub3A_120, %sub3A_121 : i32
      %add3A_123 = arith.addi %sub3A_119, %sub3A_122 : i32
      %div3A_124 = arith.constant 1 : i32
      %div3A_125 = arith.divsi %add3A_123, %div3A_124 : i32
      %while3A_126 = arith.constant 1 : i32
      %while3A_127 = arith.constant 0 : i32
      %while3A_128 = arith.subi %div3A_125, %while3A_127 : i32
      %while3A_129 = arith.addi %while3A_127, %while3A_128 : i32
      %while3A_130 = arith.constant 1 : i32
      %while3A_131 = arith.divsi %while3A_128, %while3A_130 : i32
      %while3A_132 = arith.muli %while3A_131, %while3A_130 : i32
      %while3A_133 = arith.addi %while3A_127, %while3A_132 : i32
      %while3A_134 = arith.constant 1 : i32
      %while3A_135:6 = scf.for %while3A_182 = %while3A_127 to %while3A_133 step %while3A_134 iter_args(%while3A_183 = %while3A_59#0, %while3A_184 = %while3A_59#1, %while3A_185 = %while3A_59#2, %while3A_186 = %while3A_59#3, %while3A_187 = %while3A_59#4, %while3A_188 = %while3A_59#5) -> (vector<16xf32>, vector<16xf32>, vector<16xf32>, vector<16xf32>, vector<16xf32>, vector<16xf32>)  : i32 {
        %mul3A_189 = arith.muli %while3A_182, %while3A_126 : i32
        %add3A_190 = arith.addi %scan3A_110#0, %mul3A_189 : i32
        %mul3A_191 = arith.constant 256 : i32
        %mul3A_192 = arith.muli %add3A_190, %mul3A_191 : i32
        %add3A_193 = arith.constant 0 : i32
        %add3A_194 = arith.addi %mul3A_192, %add3A_193 : i32
        %get3A = arith.index_cast %add3A_194 : i32 to index
        %get3A_195 = tpu.vector_load %arg11[%get3A] {strides = array<i32>} : memref<16384xf32, #tpu.memory_space<vmem>>, vector<16xf32>,
        %get3A_196 = vector.shape_cast %get3A_195 : vector<16xf32> to vector<16xf32>
        %get3A_197 = arith.index_cast %add3A_194 : i32 to index
        %get3A_198 = tpu.vector_load %arg12[%get3A_197] {strides = array<i32>} : memref<16384xf32, #tpu.memory_space<vmem>>, vector<16xf32>,
        %get3A_199 = vector.shape_cast %get3A_198 : vector<16xf32> to vector<16xf32>
        %get3A_200 = arith.index_cast %add3A_194 : i32 to index
        %get3A_201 = tpu.vector_load %arg13[%get3A_200] {strides = array<i32>} : memref<16384xf32, #tpu.memory_space<vmem>>, vector<16xf32>,
        %get3A_202 = vector.shape_cast %get3A_201 : vector<16xf32> to vector<16xf32>
        %sub3A_203 = arith.subf %broadcast_in_dim3A_19, %get3A_196 : vector<16xf32>
        %sub3A_204 = arith.subf %mul3A_28, %get3A_199 : vector<16xf32>
        %mul3A_205 = arith.mulf %sub3A_203, %sub3A_203 : vector<16xf32>
        %mul3A_206 = arith.mulf %sub3A_204, %sub3A_204 : vector<16xf32>
        %add3A_207 = arith.addf %mul3A_205, %mul3A_206 : vector<16xf32>
        %lt3A = arith.cmpf olt, %add3A_207, %while3A_183 : vector<16xf32>
        %lt3A_208 = arith.cmpf olt, %add3A_207, %while3A_184 : vector<16xf32>
        %lt3A_209 = arith.cmpf olt, %add3A_207, %while3A_185 : vector<16xf32>
        %select_n3A = arith.select %lt3A_209, %add3A_207, %while3A_185 : vector<16xi1>, vector<16xf32>
        %select_n3A_210 = arith.select %lt3A_208, %while3A_184, %select_n3A : vector<16xi1>, vector<16xf32>
        %select_n3A_211 = arith.select %lt3A_209, %get3A_202, %while3A_188 : vector<16xi1>, vector<16xf32>
        %select_n3A_212 = arith.select %lt3A_208, %while3A_187, %select_n3A_211 : vector<16xi1>, vector<16xf32>
        %select_n3A_213 = arith.select %lt3A_208, %add3A_207, %while3A_184 : vector<16xi1>, vector<16xf32>
        %select_n3A_214 = arith.select %lt3A, %while3A_183, %select_n3A_213 : vector<16xi1>, vector<16xf32>
        %select_n3A_215 = arith.select %lt3A_208, %get3A_202, %while3A_187 : vector<16xi1>, vector<16xf32>
        %select_n3A_216 = arith.select %lt3A, %while3A_186, %select_n3A_215 : vector<16xi1>, vector<16xf32>
        %select_n3A_217 = arith.select %lt3A, %add3A_207, %while3A_183 : vector<16xi1>, vector<16xf32>
        %select_n3A_218 = arith.select %lt3A, %get3A_202, %while3A_186 : vector<16xi1>, vector<16xf32>
        %mul3A_219 = arith.constant 256 : i32
        %mul3A_220 = arith.muli %add3A_190, %mul3A_219 : i32
        %add3A_221 = arith.constant 16 : i32
        %add3A_222 = arith.addi %mul3A_220, %add3A_221 : i32
        %get3A_223 = arith.index_cast %add3A_222 : i32 to index
        %get3A_224 = tpu.vector_load %arg11[%get3A_223] {strides = array<i32>} : memref<16384xf32, #tpu.memory_space<vmem>>, vector<16xf32>,
        %get3A_225 = vector.shape_cast %get3A_224 : vector<16xf32> to vector<16xf32>
        %get3A_226 = arith.index_cast %add3A_222 : i32 to index
        %get3A_227 = tpu.vector_load %arg12[%get3A_226] {strides = array<i32>} : memref<16384xf32, #tpu.memory_space<vmem>>, vector<16xf32>,
        %get3A_228 = vector.shape_cast %get3A_227 : vector<16xf32> to vector<16xf32>
        %get3A_229 = arith.index_cast %add3A_222 : i32 to index
        %get3A_230 = tpu.vector_load %arg13[%get3A_229] {strides = array<i32>} : memref<16384xf32, #tpu.memory_space<vmem>>, vector<16xf32>,
        %get3A_231 = vector.shape_cast %get3A_230 : vector<16xf32> to vector<16xf32>
        %sub3A_232 = arith.subf %broadcast_in_dim3A_19, %get3A_225 : vector<16xf32>
        %sub3A_233 = arith.subf %mul3A_28, %get3A_228 : vector<16xf32>
        %mul3A_234 = arith.mulf %sub3A_232, %sub3A_232 : vector<16xf32>
        %mul3A_235 = arith.mulf %sub3A_233, %sub3A_233 : vector<16xf32>
        %add3A_236 = arith.addf %mul3A_234, %mul3A_235 : vector<16xf32>
        %lt3A_237 = arith.cmpf olt, %add3A_236, %select_n3A_217 : vector<16xf32>
        %lt3A_238 = arith.cmpf olt, %add3A_236, %select_n3A_214 : vector<16xf32>
        %lt3A_239 = arith.cmpf olt, %add3A_236, %select_n3A_210 : vector<16xf32>
        %select_n3A_240 = arith.select %lt3A_239, %add3A_236, %select_n3A_210 : vector<16xi1>, vector<16xf32>
        %select_n3A_241 = arith.select %lt3A_238, %select_n3A_214, %select_n3A_240 : vector<16xi1>, vector<16xf32>
        %select_n3A_242 = arith.select %lt3A_239, %get3A_231, %select_n3A_212 : vector<16xi1>, vector<16xf32>
        %select_n3A_243 = arith.select %lt3A_238, %select_n3A_216, %select_n3A_242 : vector<16xi1>, vector<16xf32>
        %select_n3A_244 = arith.select %lt3A_238, %add3A_236, %select_n3A_214 : vector<16xi1>, vector<16xf32>
        %select_n3A_245 = arith.select %lt3A_237, %select_n3A_217, %select_n3A_244 : vector<16xi1>, vector<16xf32>
        %select_n3A_246 = arith.select %lt3A_238, %get3A_231, %select_n3A_216 : vector<16xi1>, vector<16xf32>
        %select_n3A_247 = arith.select %lt3A_237, %select_n3A_218, %select_n3A_246 : vector<16xi1>, vector<16xf32>
        %select_n3A_248 = arith.select %lt3A_237, %add3A_236, %select_n3A_217 : vector<16xi1>, vector<16xf32>
        %select_n3A_249 = arith.select %lt3A_237, %get3A_231, %select_n3A_218 : vector<16xi1>, vector<16xf32>
        %mul3A_250 = arith.constant 256 : i32
        %mul3A_251 = arith.muli %add3A_190, %mul3A_250 : i32
        %add3A_252 = arith.constant 32 : i32
        %add3A_253 = arith.addi %mul3A_251, %add3A_252 : i32
        %get3A_254 = arith.index_cast %add3A_253 : i32 to index
        %get3A_255 = tpu.vector_load %arg11[%get3A_254] {strides = array<i32>} : memref<16384xf32, #tpu.memory_space<vmem>>, vector<16xf32>,
        %get3A_256 = vector.shape_cast %get3A_255 : vector<16xf32> to vector<16xf32>
        %get3A_257 = arith.index_cast %add3A_253 : i32 to index
        %get3A_258 = tpu.vector_load %arg12[%get3A_257] {strides = array<i32>} : memref<16384xf32, #tpu.memory_space<vmem>>, vector<16xf32>,
        %get3A_259 = vector.shape_cast %get3A_258 : vector<16xf32> to vector<16xf32>
        %get3A_260 = arith.index_cast %add3A_253 : i32 to index
        %get3A_261 = tpu.vector_load %arg13[%get3A_260] {strides = array<i32>} : memref<16384xf32, #tpu.memory_space<vmem>>, vector<16xf32>,
        %get3A_262 = vector.shape_cast %get3A_261 : vector<16xf32> to vector<16xf32>
        %sub3A_263 = arith.subf %broadcast_in_dim3A_19, %get3A_256 : vector<16xf32>
        %sub3A_264 = arith.subf %mul3A_28, %get3A_259 : vector<16xf32>
        %mul3A_265 = arith.mulf %sub3A_263, %sub3A_263 : vector<16xf32>
        %mul3A_266 = arith.mulf %sub3A_264, %sub3A_264 : vector<16xf32>
        %add3A_267 = arith.addf %mul3A_265, %mul3A_266 : vector<16xf32>
        %lt3A_268 = arith.cmpf olt, %add3A_267, %select_n3A_248 : vector<16xf32>
        %lt3A_269 = arith.cmpf olt, %add3A_267, %select_n3A_245 : vector<16xf32>
        %lt3A_270 = arith.cmpf olt, %add3A_267, %select_n3A_241 : vector<16xf32>
        %select_n3A_271 = arith.select %lt3A_270, %add3A_267, %select_n3A_241 : vector<16xi1>, vector<16xf32>
        %select_n3A_272 = arith.select %lt3A_269, %select_n3A_245, %select_n3A_271 : vector<16xi1>, vector<16xf32>
        %select_n3A_273 = arith.select %lt3A_270, %get3A_262, %select_n3A_243 : vector<16xi1>, vector<16xf32>
        %select_n3A_274 = arith.select %lt3A_269, %select_n3A_247, %select_n3A_273 : vector<16xi1>, vector<16xf32>
        %select_n3A_275 = arith.select %lt3A_269, %add3A_267, %select_n3A_245 : vector<16xi1>, vector<16xf32>
        %select_n3A_276 = arith.select %lt3A_268, %select_n3A_248, %select_n3A_275 : vector<16xi1>, vector<16xf32>
        %select_n3A_277 = arith.select %lt3A_269, %get3A_262, %select_n3A_247 : vector<16xi1>, vector<16xf32>
        %select_n3A_278 = arith.select %lt3A_268, %select_n3A_249, %select_n3A_277 : vector<16xi1>, vector<16xf32>
        %select_n3A_279 = arith.select %lt3A_268, %add3A_267, %select_n3A_248 : vector<16xi1>, vector<16xf32>
        %select_n3A_280 = arith.select %lt3A_268, %get3A_262, %select_n3A_249 : vector<16xi1>, vector<16xf32>
        %mul3A_281 = arith.constant 256 : i32
        %mul3A_282 = arith.muli %add3A_190, %mul3A_281 : i32
        %add3A_283 = arith.constant 48 : i32
        %add3A_284 = arith.addi %mul3A_282, %add3A_283 : i32
        %get3A_285 = arith.index_cast %add3A_284 : i32 to index
        %get3A_286 = tpu.vector_load %arg11[%get3A_285] {strides = array<i32>} : memref<16384xf32, #tpu.memory_space<vmem>>, vector<16xf32>,
        %get3A_287 = vector.shape_cast %get3A_286 : vector<16xf32> to vector<16xf32>
        %get3A_288 = arith.index_cast %add3A_284 : i32 to index
        %get3A_289 = tpu.vector_load %arg12[%get3A_288] {strides = array<i32>} : memref<16384xf32, #tpu.memory_space<vmem>>, vector<16xf32>,
        %get3A_290 = vector.shape_cast %get3A_289 : vector<16xf32> to vector<16xf32>
        %get3A_291 = arith.index_cast %add3A_284 : i32 to index
        %get3A_292 = tpu.vector_load %arg13[%get3A_291] {strides = array<i32>} : memref<16384xf32, #tpu.memory_space<vmem>>, vector<16xf32>,
        %get3A_293 = vector.shape_cast %get3A_292 : vector<16xf32> to vector<16xf32>
        %sub3A_294 = arith.subf %broadcast_in_dim3A_19, %get3A_287 : vector<16xf32>
        %sub3A_295 = arith.subf %mul3A_28, %get3A_290 : vector<16xf32>
        %mul3A_296 = arith.mulf %sub3A_294, %sub3A_294 : vector<16xf32>
        %mul3A_297 = arith.mulf %sub3A_295, %sub3A_295 : vector<16xf32>
        %add3A_298 = arith.addf %mul3A_296, %mul3A_297 : vector<16xf32>
        %lt3A_299 = arith.cmpf olt, %add3A_298, %select_n3A_279 : vector<16xf32>
        %lt3A_300 = arith.cmpf olt, %add3A_298, %select_n3A_276 : vector<16xf32>
        %lt3A_301 = arith.cmpf olt, %add3A_298, %select_n3A_272 : vector<16xf32>
        %select_n3A_302 = arith.select %lt3A_301, %add3A_298, %select_n3A_272 : vector<16xi1>, vector<16xf32>
        %select_n3A_303 = arith.select %lt3A_300, %select_n3A_276, %select_n3A_302 : vector<16xi1>, vector<16xf32>
        %select_n3A_304 = arith.select %lt3A_301, %get3A_293, %select_n3A_274 : vector<16xi1>, vector<16xf32>
        %select_n3A_305 = arith.select %lt3A_300, %select_n3A_278, %select_n3A_304 : vector<16xi1>, vector<16xf32>
        %select_n3A_306 = arith.select %lt3A_300, %add3A_298, %select_n3A_276 : vector<16xi1>, vector<16xf32>
        %select_n3A_307 = arith.select %lt3A_299, %select_n3A_279, %select_n3A_306 : vector<16xi1>, vector<16xf32>
        %select_n3A_308 = arith.select %lt3A_300, %get3A_293, %select_n3A_278 : vector<16xi1>, vector<16xf32>
        %select_n3A_309 = arith.select %lt3A_299, %select_n3A_280, %select_n3A_308 : vector<16xi1>, vector<16xf32>
        %select_n3A_310 = arith.select %lt3A_299, %add3A_298, %select_n3A_279 : vector<16xi1>, vector<16xf32>
        %select_n3A_311 = arith.select %lt3A_299, %get3A_293, %select_n3A_280 : vector<16xi1>, vector<16xf32>
        %mul3A_312 = arith.constant 256 : i32
        %mul3A_313 = arith.muli %add3A_190, %mul3A_312 : i32
        %add3A_314 = arith.constant 64 : i32
        %add3A_315 = arith.addi %mul3A_313, %add3A_314 : i32
        %get3A_316 = arith.index_cast %add3A_315 : i32 to index
        %get3A_317 = tpu.vector_load %arg11[%get3A_316] {strides = array<i32>} : memref<16384xf32, #tpu.memory_space<vmem>>, vector<16xf32>,
        %get3A_318 = vector.shape_cast %get3A_317 : vector<16xf32> to vector<16xf32>
        %get3A_319 = arith.index_cast %add3A_315 : i32 to index
        %get3A_320 = tpu.vector_load %arg12[%get3A_319] {strides = array<i32>} : memref<16384xf32, #tpu.memory_space<vmem>>, vector<16xf32>,
        %get3A_321 = vector.shape_cast %get3A_320 : vector<16xf32> to vector<16xf32>
        %get3A_322 = arith.index_cast %add3A_315 : i32 to index
        %get3A_323 = tpu.vector_load %arg13[%get3A_322] {strides = array<i32>} : memref<16384xf32, #tpu.memory_space<vmem>>, vector<16xf32>,
        %get3A_324 = vector.shape_cast %get3A_323 : vector<16xf32> to vector<16xf32>
        %sub3A_325 = arith.subf %broadcast_in_dim3A_19, %get3A_318 : vector<16xf32>
        %sub3A_326 = arith.subf %mul3A_28, %get3A_321 : vector<16xf32>
        %mul3A_327 = arith.mulf %sub3A_325, %sub3A_325 : vector<16xf32>
        %mul3A_328 = arith.mulf %sub3A_326, %sub3A_326 : vector<16xf32>
        %add3A_329 = arith.addf %mul3A_327, %mul3A_328 : vector<16xf32>
        %lt3A_330 = arith.cmpf olt, %add3A_329, %select_n3A_310 : vector<16xf32>
        %lt3A_331 = arith.cmpf olt, %add3A_329, %select_n3A_307 : vector<16xf32>
        %lt3A_332 = arith.cmpf olt, %add3A_329, %select_n3A_303 : vector<16xf32>
        %select_n3A_333 = arith.select %lt3A_332, %add3A_329, %select_n3A_303 : vector<16xi1>, vector<16xf32>
        %select_n3A_334 = arith.select %lt3A_331, %select_n3A_307, %select_n3A_333 : vector<16xi1>, vector<16xf32>
        %select_n3A_335 = arith.select %lt3A_332, %get3A_324, %select_n3A_305 : vector<16xi1>, vector<16xf32>
        %select_n3A_336 = arith.select %lt3A_331, %select_n3A_309, %select_n3A_335 : vector<16xi1>, vector<16xf32>
        %select_n3A_337 = arith.select %lt3A_331, %add3A_329, %select_n3A_307 : vector<16xi1>, vector<16xf32>
        %select_n3A_338 = arith.select %lt3A_330, %select_n3A_310, %select_n3A_337 : vector<16xi1>, vector<16xf32>
        %select_n3A_339 = arith.select %lt3A_331, %get3A_324, %select_n3A_309 : vector<16xi1>, vector<16xf32>
        %select_n3A_340 = arith.select %lt3A_330, %select_n3A_311, %select_n3A_339 : vector<16xi1>, vector<16xf32>
        %select_n3A_341 = arith.select %lt3A_330, %add3A_329, %select_n3A_310 : vector<16xi1>, vector<16xf32>
        %select_n3A_342 = arith.select %lt3A_330, %get3A_324, %select_n3A_311 : vector<16xi1>, vector<16xf32>
        %mul3A_343 = arith.constant 256 : i32
        %mul3A_344 = arith.muli %add3A_190, %mul3A_343 : i32
        %add3A_345 = arith.constant 80 : i32
        %add3A_346 = arith.addi %mul3A_344, %add3A_345 : i32
        %get3A_347 = arith.index_cast %add3A_346 : i32 to index
        %get3A_348 = tpu.vector_load %arg11[%get3A_347] {strides = array<i32>} : memref<16384xf32, #tpu.memory_space<vmem>>, vector<16xf32>,
        %get3A_349 = vector.shape_cast %get3A_348 : vector<16xf32> to vector<16xf32>
        %get3A_350 = arith.index_cast %add3A_346 : i32 to index
        %get3A_351 = tpu.vector_load %arg12[%get3A_350] {strides = array<i32>} : memref<16384xf32, #tpu.memory_space<vmem>>, vector<16xf32>,
        %get3A_352 = vector.shape_cast %get3A_351 : vector<16xf32> to vector<16xf32>
        %get3A_353 = arith.index_cast %add3A_346 : i32 to index
        %get3A_354 = tpu.vector_load %arg13[%get3A_353] {strides = array<i32>} : memref<16384xf32, #tpu.memory_space<vmem>>, vector<16xf32>,
        %get3A_355 = vector.shape_cast %get3A_354 : vector<16xf32> to vector<16xf32>
        %sub3A_356 = arith.subf %broadcast_in_dim3A_19, %get3A_349 : vector<16xf32>
        %sub3A_357 = arith.subf %mul3A_28, %get3A_352 : vector<16xf32>
        %mul3A_358 = arith.mulf %sub3A_356, %sub3A_356 : vector<16xf32>
        %mul3A_359 = arith.mulf %sub3A_357, %sub3A_357 : vector<16xf32>
        %add3A_360 = arith.addf %mul3A_358, %mul3A_359 : vector<16xf32>
        %lt3A_361 = arith.cmpf olt, %add3A_360, %select_n3A_341 : vector<16xf32>
        %lt3A_362 = arith.cmpf olt, %add3A_360, %select_n3A_338 : vector<16xf32>
        %lt3A_363 = arith.cmpf olt, %add3A_360, %select_n3A_334 : vector<16xf32>
        %select_n3A_364 = arith.select %lt3A_363, %add3A_360, %select_n3A_334 : vector<16xi1>, vector<16xf32>
        %select_n3A_365 = arith.select %lt3A_362, %select_n3A_338, %select_n3A_364 : vector<16xi1>, vector<16xf32>
        %select_n3A_366 = arith.select %lt3A_363, %get3A_355, %select_n3A_336 : vector<16xi1>, vector<16xf32>
        %select_n3A_367 = arith.select %lt3A_362, %select_n3A_340, %select_n3A_366 : vector<16xi1>, vector<16xf32>
        %select_n3A_368 = arith.select %lt3A_362, %add3A_360, %select_n3A_338 : vector<16xi1>, vector<16xf32>
        %select_n3A_369 = arith.select %lt3A_361, %select_n3A_341, %select_n3A_368 : vector<16xi1>, vector<16xf32>
        %select_n3A_370 = arith.select %lt3A_362, %get3A_355, %select_n3A_340 : vector<16xi1>, vector<16xf32>
        %select_n3A_371 = arith.select %lt3A_361, %select_n3A_342, %select_n3A_370 : vector<16xi1>, vector<16xf32>
        %select_n3A_372 = arith.select %lt3A_361, %add3A_360, %select_n3A_341 : vector<16xi1>, vector<16xf32>
        %select_n3A_373 = arith.select %lt3A_361, %get3A_355, %select_n3A_342 : vector<16xi1>, vector<16xf32>
        %mul3A_374 = arith.constant 256 : i32
        %mul3A_375 = arith.muli %add3A_190, %mul3A_374 : i32
        %add3A_376 = arith.constant 96 : i32
        %add3A_377 = arith.addi %mul3A_375, %add3A_376 : i32
        %get3A_378 = arith.index_cast %add3A_377 : i32 to index
        %get3A_379 = tpu.vector_load %arg11[%get3A_378] {strides = array<i32>} : memref<16384xf32, #tpu.memory_space<vmem>>, vector<16xf32>,
        %get3A_380 = vector.shape_cast %get3A_379 : vector<16xf32> to vector<16xf32>
        %get3A_381 = arith.index_cast %add3A_377 : i32 to index
        %get3A_382 = tpu.vector_load %arg12[%get3A_381] {strides = array<i32>} : memref<16384xf32, #tpu.memory_space<vmem>>, vector<16xf32>,
        %get3A_383 = vector.shape_cast %get3A_382 : vector<16xf32> to vector<16xf32>
        %get3A_384 = arith.index_cast %add3A_377 : i32 to index
        %get3A_385 = tpu.vector_load %arg13[%get3A_384] {strides = array<i32>} : memref<16384xf32, #tpu.memory_space<vmem>>, vector<16xf32>,
        %get3A_386 = vector.shape_cast %get3A_385 : vector<16xf32> to vector<16xf32>
        %sub3A_387 = arith.subf %broadcast_in_dim3A_19, %get3A_380 : vector<16xf32>
        %sub3A_388 = arith.subf %mul3A_28, %get3A_383 : vector<16xf32>
        %mul3A_389 = arith.mulf %sub3A_387, %sub3A_387 : vector<16xf32>
        %mul3A_390 = arith.mulf %sub3A_388, %sub3A_388 : vector<16xf32>
        %add3A_391 = arith.addf %mul3A_389, %mul3A_390 : vector<16xf32>
        %lt3A_392 = arith.cmpf olt, %add3A_391, %select_n3A_372 : vector<16xf32>
        %lt3A_393 = arith.cmpf olt, %add3A_391, %select_n3A_369 : vector<16xf32>
        %lt3A_394 = arith.cmpf olt, %add3A_391, %select_n3A_365 : vector<16xf32>
        %select_n3A_395 = arith.select %lt3A_394, %add3A_391, %select_n3A_365 : vector<16xi1>, vector<16xf32>
        %select_n3A_396 = arith.select %lt3A_393, %select_n3A_369, %select_n3A_395 : vector<16xi1>, vector<16xf32>
        %select_n3A_397 = arith.select %lt3A_394, %get3A_386, %select_n3A_367 : vector<16xi1>, vector<16xf32>
        %select_n3A_398 = arith.select %lt3A_393, %select_n3A_371, %select_n3A_397 : vector<16xi1>, vector<16xf32>
        %select_n3A_399 = arith.select %lt3A_393, %add3A_391, %select_n3A_369 : vector<16xi1>, vector<16xf32>
        %select_n3A_400 = arith.select %lt3A_392, %select_n3A_372, %select_n3A_399 : vector<16xi1>, vector<16xf32>
        %select_n3A_401 = arith.select %lt3A_393, %get3A_386, %select_n3A_371 : vector<16xi1>, vector<16xf32>
        %select_n3A_402 = arith.select %lt3A_392, %select_n3A_373, %select_n3A_401 : vector<16xi1>, vector<16xf32>
        %select_n3A_403 = arith.select %lt3A_392, %add3A_391, %select_n3A_372 : vector<16xi1>, vector<16xf32>
        %select_n3A_404 = arith.select %lt3A_392, %get3A_386, %select_n3A_373 : vector<16xi1>, vector<16xf32>
        %mul3A_405 = arith.constant 256 : i32
        %mul3A_406 = arith.muli %add3A_190, %mul3A_405 : i32
        %add3A_407 = arith.constant 112 : i32
        %add3A_408 = arith.addi %mul3A_406, %add3A_407 : i32
        %get3A_409 = arith.index_cast %add3A_408 : i32 to index
        %get3A_410 = tpu.vector_load %arg11[%get3A_409] {strides = array<i32>} : memref<16384xf32, #tpu.memory_space<vmem>>, vector<16xf32>,
        %get3A_411 = vector.shape_cast %get3A_410 : vector<16xf32> to vector<16xf32>
        %get3A_412 = arith.index_cast %add3A_408 : i32 to index
        %get3A_413 = tpu.vector_load %arg12[%get3A_412] {strides = array<i32>} : memref<16384xf32, #tpu.memory_space<vmem>>, vector<16xf32>,
        %get3A_414 = vector.shape_cast %get3A_413 : vector<16xf32> to vector<16xf32>
        %get3A_415 = arith.index_cast %add3A_408 : i32 to index
        %get3A_416 = tpu.vector_load %arg13[%get3A_415] {strides = array<i32>} : memref<16384xf32, #tpu.memory_space<vmem>>, vector<16xf32>,
        %get3A_417 = vector.shape_cast %get3A_416 : vector<16xf32> to vector<16xf32>
        %sub3A_418 = arith.subf %broadcast_in_dim3A_19, %get3A_411 : vector<16xf32>
        %sub3A_419 = arith.subf %mul3A_28, %get3A_414 : vector<16xf32>
        %mul3A_420 = arith.mulf %sub3A_418, %sub3A_418 : vector<16xf32>
        %mul3A_421 = arith.mulf %sub3A_419, %sub3A_419 : vector<16xf32>
        %add3A_422 = arith.addf %mul3A_420, %mul3A_421 : vector<16xf32>
        %lt3A_423 = arith.cmpf olt, %add3A_422, %select_n3A_403 : vector<16xf32>
        %lt3A_424 = arith.cmpf olt, %add3A_422, %select_n3A_400 : vector<16xf32>
        %lt3A_425 = arith.cmpf olt, %add3A_422, %select_n3A_396 : vector<16xf32>
        %select_n3A_426 = arith.select %lt3A_425, %add3A_422, %select_n3A_396 : vector<16xi1>, vector<16xf32>
        %select_n3A_427 = arith.select %lt3A_424, %select_n3A_400, %select_n3A_426 : vector<16xi1>, vector<16xf32>
        %select_n3A_428 = arith.select %lt3A_425, %get3A_417, %select_n3A_398 : vector<16xi1>, vector<16xf32>
        %select_n3A_429 = arith.select %lt3A_424, %select_n3A_402, %select_n3A_428 : vector<16xi1>, vector<16xf32>
        %select_n3A_430 = arith.select %lt3A_424, %add3A_422, %select_n3A_400 : vector<16xi1>, vector<16xf32>
        %select_n3A_431 = arith.select %lt3A_423, %select_n3A_403, %select_n3A_430 : vector<16xi1>, vector<16xf32>
        %select_n3A_432 = arith.select %lt3A_424, %get3A_417, %select_n3A_402 : vector<16xi1>, vector<16xf32>
        %select_n3A_433 = arith.select %lt3A_423, %select_n3A_404, %select_n3A_432 : vector<16xi1>, vector<16xf32>
        %select_n3A_434 = arith.select %lt3A_423, %add3A_422, %select_n3A_403 : vector<16xi1>, vector<16xf32>
        %select_n3A_435 = arith.select %lt3A_423, %get3A_417, %select_n3A_404 : vector<16xi1>, vector<16xf32>
        %mul3A_436 = arith.constant 256 : i32
        %mul3A_437 = arith.muli %add3A_190, %mul3A_436 : i32
        %add3A_438 = arith.constant 128 : i32
        %add3A_439 = arith.addi %mul3A_437, %add3A_438 : i32
        %get3A_440 = arith.index_cast %add3A_439 : i32 to index
        %get3A_441 = tpu.vector_load %arg11[%get3A_440] {strides = array<i32>} : memref<16384xf32, #tpu.memory_space<vmem>>, vector<16xf32>,
        %get3A_442 = vector.shape_cast %get3A_441 : vector<16xf32> to vector<16xf32>
        %get3A_443 = arith.index_cast %add3A_439 : i32 to index
        %get3A_444 = tpu.vector_load %arg12[%get3A_443] {strides = array<i32>} : memref<16384xf32, #tpu.memory_space<vmem>>, vector<16xf32>,
        %get3A_445 = vector.shape_cast %get3A_444 : vector<16xf32> to vector<16xf32>
        %get3A_446 = arith.index_cast %add3A_439 : i32 to index
        %get3A_447 = tpu.vector_load %arg13[%get3A_446] {strides = array<i32>} : memref<16384xf32, #tpu.memory_space<vmem>>, vector<16xf32>,
        %get3A_448 = vector.shape_cast %get3A_447 : vector<16xf32> to vector<16xf32>
        %sub3A_449 = arith.subf %broadcast_in_dim3A_19, %get3A_442 : vector<16xf32>
        %sub3A_450 = arith.subf %mul3A_28, %get3A_445 : vector<16xf32>
        %mul3A_451 = arith.mulf %sub3A_449, %sub3A_449 : vector<16xf32>
        %mul3A_452 = arith.mulf %sub3A_450, %sub3A_450 : vector<16xf32>
        %add3A_453 = arith.addf %mul3A_451, %mul3A_452 : vector<16xf32>
        %lt3A_454 = arith.cmpf olt, %add3A_453, %select_n3A_434 : vector<16xf32>
        %lt3A_455 = arith.cmpf olt, %add3A_453, %select_n3A_431 : vector<16xf32>
        %lt3A_456 = arith.cmpf olt, %add3A_453, %select_n3A_427 : vector<16xf32>
        %select_n3A_457 = arith.select %lt3A_456, %add3A_453, %select_n3A_427 : vector<16xi1>, vector<16xf32>
        %select_n3A_458 = arith.select %lt3A_455, %select_n3A_431, %select_n3A_457 : vector<16xi1>, vector<16xf32>
        %select_n3A_459 = arith.select %lt3A_456, %get3A_448, %select_n3A_429 : vector<16xi1>, vector<16xf32>
        %select_n3A_460 = arith.select %lt3A_455, %select_n3A_433, %select_n3A_459 : vector<16xi1>, vector<16xf32>
        %select_n3A_461 = arith.select %lt3A_455, %add3A_453, %select_n3A_431 : vector<16xi1>, vector<16xf32>
        %select_n3A_462 = arith.select %lt3A_454, %select_n3A_434, %select_n3A_461 : vector<16xi1>, vector<16xf32>
        %select_n3A_463 = arith.select %lt3A_455, %get3A_448, %select_n3A_433 : vector<16xi1>, vector<16xf32>
        %select_n3A_464 = arith.select %lt3A_454, %select_n3A_435, %select_n3A_463 : vector<16xi1>, vector<16xf32>
        %select_n3A_465 = arith.select %lt3A_454, %add3A_453, %select_n3A_434 : vector<16xi1>, vector<16xf32>
        %select_n3A_466 = arith.select %lt3A_454, %get3A_448, %select_n3A_435 : vector<16xi1>, vector<16xf32>
        %mul3A_467 = arith.constant 256 : i32
        %mul3A_468 = arith.muli %add3A_190, %mul3A_467 : i32
        %add3A_469 = arith.constant 144 : i32
        %add3A_470 = arith.addi %mul3A_468, %add3A_469 : i32
        %get3A_471 = arith.index_cast %add3A_470 : i32 to index
        %get3A_472 = tpu.vector_load %arg11[%get3A_471] {strides = array<i32>} : memref<16384xf32, #tpu.memory_space<vmem>>, vector<16xf32>,
        %get3A_473 = vector.shape_cast %get3A_472 : vector<16xf32> to vector<16xf32>
        %get3A_474 = arith.index_cast %add3A_470 : i32 to index
        %get3A_475 = tpu.vector_load %arg12[%get3A_474] {strides = array<i32>} : memref<16384xf32, #tpu.memory_space<vmem>>, vector<16xf32>,
        %get3A_476 = vector.shape_cast %get3A_475 : vector<16xf32> to vector<16xf32>
        %get3A_477 = arith.index_cast %add3A_470 : i32 to index
        %get3A_478 = tpu.vector_load %arg13[%get3A_477] {strides = array<i32>} : memref<16384xf32, #tpu.memory_space<vmem>>, vector<16xf32>,
        %get3A_479 = vector.shape_cast %get3A_478 : vector<16xf32> to vector<16xf32>
        %sub3A_480 = arith.subf %broadcast_in_dim3A_19, %get3A_473 : vector<16xf32>
        %sub3A_481 = arith.subf %mul3A_28, %get3A_476 : vector<16xf32>
        %mul3A_482 = arith.mulf %sub3A_480, %sub3A_480 : vector<16xf32>
        %mul3A_483 = arith.mulf %sub3A_481, %sub3A_481 : vector<16xf32>
        %add3A_484 = arith.addf %mul3A_482, %mul3A_483 : vector<16xf32>
        %lt3A_485 = arith.cmpf olt, %add3A_484, %select_n3A_465 : vector<16xf32>
        %lt3A_486 = arith.cmpf olt, %add3A_484, %select_n3A_462 : vector<16xf32>
        %lt3A_487 = arith.cmpf olt, %add3A_484, %select_n3A_458 : vector<16xf32>
        %select_n3A_488 = arith.select %lt3A_487, %add3A_484, %select_n3A_458 : vector<16xi1>, vector<16xf32>
        %select_n3A_489 = arith.select %lt3A_486, %select_n3A_462, %select_n3A_488 : vector<16xi1>, vector<16xf32>
        %select_n3A_490 = arith.select %lt3A_487, %get3A_479, %select_n3A_460 : vector<16xi1>, vector<16xf32>
        %select_n3A_491 = arith.select %lt3A_486, %select_n3A_464, %select_n3A_490 : vector<16xi1>, vector<16xf32>
        %select_n3A_492 = arith.select %lt3A_486, %add3A_484, %select_n3A_462 : vector<16xi1>, vector<16xf32>
        %select_n3A_493 = arith.select %lt3A_485, %select_n3A_465, %select_n3A_492 : vector<16xi1>, vector<16xf32>
        %select_n3A_494 = arith.select %lt3A_486, %get3A_479, %select_n3A_464 : vector<16xi1>, vector<16xf32>
        %select_n3A_495 = arith.select %lt3A_485, %select_n3A_466, %select_n3A_494 : vector<16xi1>, vector<16xf32>
        %select_n3A_496 = arith.select %lt3A_485, %add3A_484, %select_n3A_465 : vector<16xi1>, vector<16xf32>
        %select_n3A_497 = arith.select %lt3A_485, %get3A_479, %select_n3A_466 : vector<16xi1>, vector<16xf32>
        %mul3A_498 = arith.constant 256 : i32
        %mul3A_499 = arith.muli %add3A_190, %mul3A_498 : i32
        %add3A_500 = arith.constant 160 : i32
        %add3A_501 = arith.addi %mul3A_499, %add3A_500 : i32
        %get3A_502 = arith.index_cast %add3A_501 : i32 to index
        %get3A_503 = tpu.vector_load %arg11[%get3A_502] {strides = array<i32>} : memref<16384xf32, #tpu.memory_space<vmem>>, vector<16xf32>,
        %get3A_504 = vector.shape_cast %get3A_503 : vector<16xf32> to vector<16xf32>
        %get3A_505 = arith.index_cast %add3A_501 : i32 to index
        %get3A_506 = tpu.vector_load %arg12[%get3A_505] {strides = array<i32>} : memref<16384xf32, #tpu.memory_space<vmem>>, vector<16xf32>,
        %get3A_507 = vector.shape_cast %get3A_506 : vector<16xf32> to vector<16xf32>
        %get3A_508 = arith.index_cast %add3A_501 : i32 to index
        %get3A_509 = tpu.vector_load %arg13[%get3A_508] {strides = array<i32>} : memref<16384xf32, #tpu.memory_space<vmem>>, vector<16xf32>,
        %get3A_510 = vector.shape_cast %get3A_509 : vector<16xf32> to vector<16xf32>
        %sub3A_511 = arith.subf %broadcast_in_dim3A_19, %get3A_504 : vector<16xf32>
        %sub3A_512 = arith.subf %mul3A_28, %get3A_507 : vector<16xf32>
        %mul3A_513 = arith.mulf %sub3A_511, %sub3A_511 : vector<16xf32>
        %mul3A_514 = arith.mulf %sub3A_512, %sub3A_512 : vector<16xf32>
        %add3A_515 = arith.addf %mul3A_513, %mul3A_514 : vector<16xf32>
        %lt3A_516 = arith.cmpf olt, %add3A_515, %select_n3A_496 : vector<16xf32>
        %lt3A_517 = arith.cmpf olt, %add3A_515, %select_n3A_493 : vector<16xf32>
        %lt3A_518 = arith.cmpf olt, %add3A_515, %select_n3A_489 : vector<16xf32>
        %select_n3A_519 = arith.select %lt3A_518, %add3A_515, %select_n3A_489 : vector<16xi1>, vector<16xf32>
        %select_n3A_520 = arith.select %lt3A_517, %select_n3A_493, %select_n3A_519 : vector<16xi1>, vector<16xf32>
        %select_n3A_521 = arith.select %lt3A_518, %get3A_510, %select_n3A_491 : vector<16xi1>, vector<16xf32>
        %select_n3A_522 = arith.select %lt3A_517, %select_n3A_495, %select_n3A_521 : vector<16xi1>, vector<16xf32>
        %select_n3A_523 = arith.select %lt3A_517, %add3A_515, %select_n3A_493 : vector<16xi1>, vector<16xf32>
        %select_n3A_524 = arith.select %lt3A_516, %select_n3A_496, %select_n3A_523 : vector<16xi1>, vector<16xf32>
        %select_n3A_525 = arith.select %lt3A_517, %get3A_510, %select_n3A_495 : vector<16xi1>, vector<16xf32>
        %select_n3A_526 = arith.select %lt3A_516, %select_n3A_497, %select_n3A_525 : vector<16xi1>, vector<16xf32>
        %select_n3A_527 = arith.select %lt3A_516, %add3A_515, %select_n3A_496 : vector<16xi1>, vector<16xf32>
        %select_n3A_528 = arith.select %lt3A_516, %get3A_510, %select_n3A_497 : vector<16xi1>, vector<16xf32>
        %mul3A_529 = arith.constant 256 : i32
        %mul3A_530 = arith.muli %add3A_190, %mul3A_529 : i32
        %add3A_531 = arith.constant 176 : i32
        %add3A_532 = arith.addi %mul3A_530, %add3A_531 : i32
        %get3A_533 = arith.index_cast %add3A_532 : i32 to index
        %get3A_534 = tpu.vector_load %arg11[%get3A_533] {strides = array<i32>} : memref<16384xf32, #tpu.memory_space<vmem>>, vector<16xf32>,
        %get3A_535 = vector.shape_cast %get3A_534 : vector<16xf32> to vector<16xf32>
        %get3A_536 = arith.index_cast %add3A_532 : i32 to index
        %get3A_537 = tpu.vector_load %arg12[%get3A_536] {strides = array<i32>} : memref<16384xf32, #tpu.memory_space<vmem>>, vector<16xf32>,
        %get3A_538 = vector.shape_cast %get3A_537 : vector<16xf32> to vector<16xf32>
        %get3A_539 = arith.index_cast %add3A_532 : i32 to index
        %get3A_540 = tpu.vector_load %arg13[%get3A_539] {strides = array<i32>} : memref<16384xf32, #tpu.memory_space<vmem>>, vector<16xf32>,
        %get3A_541 = vector.shape_cast %get3A_540 : vector<16xf32> to vector<16xf32>
        %sub3A_542 = arith.subf %broadcast_in_dim3A_19, %get3A_535 : vector<16xf32>
        %sub3A_543 = arith.subf %mul3A_28, %get3A_538 : vector<16xf32>
        %mul3A_544 = arith.mulf %sub3A_542, %sub3A_542 : vector<16xf32>
        %mul3A_545 = arith.mulf %sub3A_543, %sub3A_543 : vector<16xf32>
        %add3A_546 = arith.addf %mul3A_544, %mul3A_545 : vector<16xf32>
        %lt3A_547 = arith.cmpf olt, %add3A_546, %select_n3A_527 : vector<16xf32>
        %lt3A_548 = arith.cmpf olt, %add3A_546, %select_n3A_524 : vector<16xf32>
        %lt3A_549 = arith.cmpf olt, %add3A_546, %select_n3A_520 : vector<16xf32>
        %select_n3A_550 = arith.select %lt3A_549, %add3A_546, %select_n3A_520 : vector<16xi1>, vector<16xf32>
        %select_n3A_551 = arith.select %lt3A_548, %select_n3A_524, %select_n3A_550 : vector<16xi1>, vector<16xf32>
        %select_n3A_552 = arith.select %lt3A_549, %get3A_541, %select_n3A_522 : vector<16xi1>, vector<16xf32>
        %select_n3A_553 = arith.select %lt3A_548, %select_n3A_526, %select_n3A_552 : vector<16xi1>, vector<16xf32>
        %select_n3A_554 = arith.select %lt3A_548, %add3A_546, %select_n3A_524 : vector<16xi1>, vector<16xf32>
        %select_n3A_555 = arith.select %lt3A_547, %select_n3A_527, %select_n3A_554 : vector<16xi1>, vector<16xf32>
        %select_n3A_556 = arith.select %lt3A_548, %get3A_541, %select_n3A_526 : vector<16xi1>, vector<16xf32>
        %select_n3A_557 = arith.select %lt3A_547, %select_n3A_528, %select_n3A_556 : vector<16xi1>, vector<16xf32>
        %select_n3A_558 = arith.select %lt3A_547, %add3A_546, %select_n3A_527 : vector<16xi1>, vector<16xf32>
        %select_n3A_559 = arith.select %lt3A_547, %get3A_541, %select_n3A_528 : vector<16xi1>, vector<16xf32>
        %mul3A_560 = arith.constant 256 : i32
        %mul3A_561 = arith.muli %add3A_190, %mul3A_560 : i32
        %add3A_562 = arith.constant 192 : i32
        %add3A_563 = arith.addi %mul3A_561, %add3A_562 : i32
        %get3A_564 = arith.index_cast %add3A_563 : i32 to index
        %get3A_565 = tpu.vector_load %arg11[%get3A_564] {strides = array<i32>} : memref<16384xf32, #tpu.memory_space<vmem>>, vector<16xf32>,
        %get3A_566 = vector.shape_cast %get3A_565 : vector<16xf32> to vector<16xf32>
        %get3A_567 = arith.index_cast %add3A_563 : i32 to index
        %get3A_568 = tpu.vector_load %arg12[%get3A_567] {strides = array<i32>} : memref<16384xf32, #tpu.memory_space<vmem>>, vector<16xf32>,
        %get3A_569 = vector.shape_cast %get3A_568 : vector<16xf32> to vector<16xf32>
        %get3A_570 = arith.index_cast %add3A_563 : i32 to index
        %get3A_571 = tpu.vector_load %arg13[%get3A_570] {strides = array<i32>} : memref<16384xf32, #tpu.memory_space<vmem>>, vector<16xf32>,
        %get3A_572 = vector.shape_cast %get3A_571 : vector<16xf32> to vector<16xf32>
        %sub3A_573 = arith.subf %broadcast_in_dim3A_19, %get3A_566 : vector<16xf32>
        %sub3A_574 = arith.subf %mul3A_28, %get3A_569 : vector<16xf32>
        %mul3A_575 = arith.mulf %sub3A_573, %sub3A_573 : vector<16xf32>
        %mul3A_576 = arith.mulf %sub3A_574, %sub3A_574 : vector<16xf32>
        %add3A_577 = arith.addf %mul3A_575, %mul3A_576 : vector<16xf32>
        %lt3A_578 = arith.cmpf olt, %add3A_577, %select_n3A_558 : vector<16xf32>
        %lt3A_579 = arith.cmpf olt, %add3A_577, %select_n3A_555 : vector<16xf32>
        %lt3A_580 = arith.cmpf olt, %add3A_577, %select_n3A_551 : vector<16xf32>
        %select_n3A_581 = arith.select %lt3A_580, %add3A_577, %select_n3A_551 : vector<16xi1>, vector<16xf32>
        %select_n3A_582 = arith.select %lt3A_579, %select_n3A_555, %select_n3A_581 : vector<16xi1>, vector<16xf32>
        %select_n3A_583 = arith.select %lt3A_580, %get3A_572, %select_n3A_553 : vector<16xi1>, vector<16xf32>
        %select_n3A_584 = arith.select %lt3A_579, %select_n3A_557, %select_n3A_583 : vector<16xi1>, vector<16xf32>
        %select_n3A_585 = arith.select %lt3A_579, %add3A_577, %select_n3A_555 : vector<16xi1>, vector<16xf32>
        %select_n3A_586 = arith.select %lt3A_578, %select_n3A_558, %select_n3A_585 : vector<16xi1>, vector<16xf32>
        %select_n3A_587 = arith.select %lt3A_579, %get3A_572, %select_n3A_557 : vector<16xi1>, vector<16xf32>
        %select_n3A_588 = arith.select %lt3A_578, %select_n3A_559, %select_n3A_587 : vector<16xi1>, vector<16xf32>
        %select_n3A_589 = arith.select %lt3A_578, %add3A_577, %select_n3A_558 : vector<16xi1>, vector<16xf32>
        %select_n3A_590 = arith.select %lt3A_578, %get3A_572, %select_n3A_559 : vector<16xi1>, vector<16xf32>
        %mul3A_591 = arith.constant 256 : i32
        %mul3A_592 = arith.muli %add3A_190, %mul3A_591 : i32
        %add3A_593 = arith.constant 208 : i32
        %add3A_594 = arith.addi %mul3A_592, %add3A_593 : i32
        %get3A_595 = arith.index_cast %add3A_594 : i32 to index
        %get3A_596 = tpu.vector_load %arg11[%get3A_595] {strides = array<i32>} : memref<16384xf32, #tpu.memory_space<vmem>>, vector<16xf32>,
        %get3A_597 = vector.shape_cast %get3A_596 : vector<16xf32> to vector<16xf32>
        %get3A_598 = arith.index_cast %add3A_594 : i32 to index
        %get3A_599 = tpu.vector_load %arg12[%get3A_598] {strides = array<i32>} : memref<16384xf32, #tpu.memory_space<vmem>>, vector<16xf32>,
        %get3A_600 = vector.shape_cast %get3A_599 : vector<16xf32> to vector<16xf32>
        %get3A_601 = arith.index_cast %add3A_594 : i32 to index
        %get3A_602 = tpu.vector_load %arg13[%get3A_601] {strides = array<i32>} : memref<16384xf32, #tpu.memory_space<vmem>>, vector<16xf32>,
        %get3A_603 = vector.shape_cast %get3A_602 : vector<16xf32> to vector<16xf32>
        %sub3A_604 = arith.subf %broadcast_in_dim3A_19, %get3A_597 : vector<16xf32>
        %sub3A_605 = arith.subf %mul3A_28, %get3A_600 : vector<16xf32>
        %mul3A_606 = arith.mulf %sub3A_604, %sub3A_604 : vector<16xf32>
        %mul3A_607 = arith.mulf %sub3A_605, %sub3A_605 : vector<16xf32>
        %add3A_608 = arith.addf %mul3A_606, %mul3A_607 : vector<16xf32>
        %lt3A_609 = arith.cmpf olt, %add3A_608, %select_n3A_589 : vector<16xf32>
        %lt3A_610 = arith.cmpf olt, %add3A_608, %select_n3A_586 : vector<16xf32>
        %lt3A_611 = arith.cmpf olt, %add3A_608, %select_n3A_582 : vector<16xf32>
        %select_n3A_612 = arith.select %lt3A_611, %add3A_608, %select_n3A_582 : vector<16xi1>, vector<16xf32>
        %select_n3A_613 = arith.select %lt3A_610, %select_n3A_586, %select_n3A_612 : vector<16xi1>, vector<16xf32>
        %select_n3A_614 = arith.select %lt3A_611, %get3A_603, %select_n3A_584 : vector<16xi1>, vector<16xf32>
        %select_n3A_615 = arith.select %lt3A_610, %select_n3A_588, %select_n3A_614 : vector<16xi1>, vector<16xf32>
        %select_n3A_616 = arith.select %lt3A_610, %add3A_608, %select_n3A_586 : vector<16xi1>, vector<16xf32>
        %select_n3A_617 = arith.select %lt3A_609, %select_n3A_589, %select_n3A_616 : vector<16xi1>, vector<16xf32>
        %select_n3A_618 = arith.select %lt3A_610, %get3A_603, %select_n3A_588 : vector<16xi1>, vector<16xf32>
        %select_n3A_619 = arith.select %lt3A_609, %select_n3A_590, %select_n3A_618 : vector<16xi1>, vector<16xf32>
        %select_n3A_620 = arith.select %lt3A_609, %add3A_608, %select_n3A_589 : vector<16xi1>, vector<16xf32>
        %select_n3A_621 = arith.select %lt3A_609, %get3A_603, %select_n3A_590 : vector<16xi1>, vector<16xf32>
        %mul3A_622 = arith.constant 256 : i32
        %mul3A_623 = arith.muli %add3A_190, %mul3A_622 : i32
        %add3A_624 = arith.constant 224 : i32
        %add3A_625 = arith.addi %mul3A_623, %add3A_624 : i32
        %get3A_626 = arith.index_cast %add3A_625 : i32 to index
        %get3A_627 = tpu.vector_load %arg11[%get3A_626] {strides = array<i32>} : memref<16384xf32, #tpu.memory_space<vmem>>, vector<16xf32>,
        %get3A_628 = vector.shape_cast %get3A_627 : vector<16xf32> to vector<16xf32>
        %get3A_629 = arith.index_cast %add3A_625 : i32 to index
        %get3A_630 = tpu.vector_load %arg12[%get3A_629] {strides = array<i32>} : memref<16384xf32, #tpu.memory_space<vmem>>, vector<16xf32>,
        %get3A_631 = vector.shape_cast %get3A_630 : vector<16xf32> to vector<16xf32>
        %get3A_632 = arith.index_cast %add3A_625 : i32 to index
        %get3A_633 = tpu.vector_load %arg13[%get3A_632] {strides = array<i32>} : memref<16384xf32, #tpu.memory_space<vmem>>, vector<16xf32>,
        %get3A_634 = vector.shape_cast %get3A_633 : vector<16xf32> to vector<16xf32>
        %sub3A_635 = arith.subf %broadcast_in_dim3A_19, %get3A_628 : vector<16xf32>
        %sub3A_636 = arith.subf %mul3A_28, %get3A_631 : vector<16xf32>
        %mul3A_637 = arith.mulf %sub3A_635, %sub3A_635 : vector<16xf32>
        %mul3A_638 = arith.mulf %sub3A_636, %sub3A_636 : vector<16xf32>
        %add3A_639 = arith.addf %mul3A_637, %mul3A_638 : vector<16xf32>
        %lt3A_640 = arith.cmpf olt, %add3A_639, %select_n3A_620 : vector<16xf32>
        %lt3A_641 = arith.cmpf olt, %add3A_639, %select_n3A_617 : vector<16xf32>
        %lt3A_642 = arith.cmpf olt, %add3A_639, %select_n3A_613 : vector<16xf32>
        %select_n3A_643 = arith.select %lt3A_642, %add3A_639, %select_n3A_613 : vector<16xi1>, vector<16xf32>
        %select_n3A_644 = arith.select %lt3A_641, %select_n3A_617, %select_n3A_643 : vector<16xi1>, vector<16xf32>
        %select_n3A_645 = arith.select %lt3A_642, %get3A_634, %select_n3A_615 : vector<16xi1>, vector<16xf32>
        %select_n3A_646 = arith.select %lt3A_641, %select_n3A_619, %select_n3A_645 : vector<16xi1>, vector<16xf32>
        %select_n3A_647 = arith.select %lt3A_641, %add3A_639, %select_n3A_617 : vector<16xi1>, vector<16xf32>
        %select_n3A_648 = arith.select %lt3A_640, %select_n3A_620, %select_n3A_647 : vector<16xi1>, vector<16xf32>
        %select_n3A_649 = arith.select %lt3A_641, %get3A_634, %select_n3A_619 : vector<16xi1>, vector<16xf32>
        %select_n3A_650 = arith.select %lt3A_640, %select_n3A_621, %select_n3A_649 : vector<16xi1>, vector<16xf32>
        %select_n3A_651 = arith.select %lt3A_640, %add3A_639, %select_n3A_620 : vector<16xi1>, vector<16xf32>
        %select_n3A_652 = arith.select %lt3A_640, %get3A_634, %select_n3A_621 : vector<16xi1>, vector<16xf32>
        %mul3A_653 = arith.constant 256 : i32
        %mul3A_654 = arith.muli %add3A_190, %mul3A_653 : i32
        %add3A_655 = arith.constant 240 : i32
        %add3A_656 = arith.addi %mul3A_654, %add3A_655 : i32
        %get3A_657 = arith.index_cast %add3A_656 : i32 to index
        %get3A_658 = tpu.vector_load %arg11[%get3A_657] {strides = array<i32>} : memref<16384xf32, #tpu.memory_space<vmem>>, vector<16xf32>,
        %get3A_659 = vector.shape_cast %get3A_658 : vector<16xf32> to vector<16xf32>
        %get3A_660 = arith.index_cast %add3A_656 : i32 to index
        %get3A_661 = tpu.vector_load %arg12[%get3A_660] {strides = array<i32>} : memref<16384xf32, #tpu.memory_space<vmem>>, vector<16xf32>,
        %get3A_662 = vector.shape_cast %get3A_661 : vector<16xf32> to vector<16xf32>
        %get3A_663 = arith.index_cast %add3A_656 : i32 to index
        %get3A_664 = tpu.vector_load %arg13[%get3A_663] {strides = array<i32>} : memref<16384xf32, #tpu.memory_space<vmem>>, vector<16xf32>,
        %get3A_665 = vector.shape_cast %get3A_664 : vector<16xf32> to vector<16xf32>
        %sub3A_666 = arith.subf %broadcast_in_dim3A_19, %get3A_659 : vector<16xf32>
        %sub3A_667 = arith.subf %mul3A_28, %get3A_662 : vector<16xf32>
        %mul3A_668 = arith.mulf %sub3A_666, %sub3A_666 : vector<16xf32>
        %mul3A_669 = arith.mulf %sub3A_667, %sub3A_667 : vector<16xf32>
        %add3A_670 = arith.addf %mul3A_668, %mul3A_669 : vector<16xf32>
        %lt3A_671 = arith.cmpf olt, %add3A_670, %select_n3A_651 : vector<16xf32>
        %lt3A_672 = arith.cmpf olt, %add3A_670, %select_n3A_648 : vector<16xf32>
        %lt3A_673 = arith.cmpf olt, %add3A_670, %select_n3A_644 : vector<16xf32>
        %select_n3A_674 = arith.select %lt3A_673, %add3A_670, %select_n3A_644 : vector<16xi1>, vector<16xf32>
        %select_n3A_675 = arith.select %lt3A_672, %select_n3A_648, %select_n3A_674 : vector<16xi1>, vector<16xf32>
        %select_n3A_676 = arith.select %lt3A_673, %get3A_665, %select_n3A_646 : vector<16xi1>, vector<16xf32>
        %select_n3A_677 = arith.select %lt3A_672, %select_n3A_650, %select_n3A_676 : vector<16xi1>, vector<16xf32>
        %select_n3A_678 = arith.select %lt3A_672, %add3A_670, %select_n3A_648 : vector<16xi1>, vector<16xf32>
        %select_n3A_679 = arith.select %lt3A_671, %select_n3A_651, %select_n3A_678 : vector<16xi1>, vector<16xf32>
        %select_n3A_680 = arith.select %lt3A_672, %get3A_665, %select_n3A_650 : vector<16xi1>, vector<16xf32>
        %select_n3A_681 = arith.select %lt3A_671, %select_n3A_652, %select_n3A_680 : vector<16xi1>, vector<16xf32>
        %select_n3A_682 = arith.select %lt3A_671, %add3A_670, %select_n3A_651 : vector<16xi1>, vector<16xf32>
        %select_n3A_683 = arith.select %lt3A_671, %get3A_665, %select_n3A_652 : vector<16xi1>, vector<16xf32>
        scf.yield %select_n3A_682, %select_n3A_679, %select_n3A_675, %select_n3A_683, %select_n3A_681, %select_n3A_677 : vector<16xf32>, vector<16xf32>, vector<16xf32>, vector<16xf32>, vector<16xf32>, vector<16xf32>
      }
      %while3A_136 = arith.constant 1 : i32
      %while3A_137:6 = scf.for %while3A_182 = %while3A_133 to %while3A_129 step %while3A_136 iter_args(%while3A_183 = %while3A_135#0, %while3A_184 = %while3A_135#1, %while3A_185 = %while3A_135#2, %while3A_186 = %while3A_135#3, %while3A_187 = %while3A_135#4, %while3A_188 = %while3A_135#5) -> (vector<16xf32>, vector<16xf32>, vector<16xf32>, vector<16xf32>, vector<16xf32>, vector<16xf32>)  : i32 {
        %mul3A_189 = arith.muli %while3A_182, %while3A_126 : i32
        %add3A_190 = arith.addi %scan3A_110#0, %mul3A_189 : i32
        %mul3A_191 = arith.constant 256 : i32
        %mul3A_192 = arith.muli %add3A_190, %mul3A_191 : i32
        %add3A_193 = arith.constant 0 : i32
        %add3A_194 = arith.addi %mul3A_192, %add3A_193 : i32
        %get3A = arith.index_cast %add3A_194 : i32 to index
        %get3A_195 = tpu.vector_load %arg11[%get3A] {strides = array<i32>} : memref<16384xf32, #tpu.memory_space<vmem>>, vector<16xf32>,
        %get3A_196 = vector.shape_cast %get3A_195 : vector<16xf32> to vector<16xf32>
        %get3A_197 = arith.index_cast %add3A_194 : i32 to index
        %get3A_198 = tpu.vector_load %arg12[%get3A_197] {strides = array<i32>} : memref<16384xf32, #tpu.memory_space<vmem>>, vector<16xf32>,
        %get3A_199 = vector.shape_cast %get3A_198 : vector<16xf32> to vector<16xf32>
        %get3A_200 = arith.index_cast %add3A_194 : i32 to index
        %get3A_201 = tpu.vector_load %arg13[%get3A_200] {strides = array<i32>} : memref<16384xf32, #tpu.memory_space<vmem>>, vector<16xf32>,
        %get3A_202 = vector.shape_cast %get3A_201 : vector<16xf32> to vector<16xf32>
        %sub3A_203 = arith.subf %broadcast_in_dim3A_19, %get3A_196 : vector<16xf32>
        %sub3A_204 = arith.subf %mul3A_28, %get3A_199 : vector<16xf32>
        %mul3A_205 = arith.mulf %sub3A_203, %sub3A_203 : vector<16xf32>
        %mul3A_206 = arith.mulf %sub3A_204, %sub3A_204 : vector<16xf32>
        %add3A_207 = arith.addf %mul3A_205, %mul3A_206 : vector<16xf32>
        %lt3A = arith.cmpf olt, %add3A_207, %while3A_183 : vector<16xf32>
        %lt3A_208 = arith.cmpf olt, %add3A_207, %while3A_184 : vector<16xf32>
        %lt3A_209 = arith.cmpf olt, %add3A_207, %while3A_185 : vector<16xf32>
        %select_n3A = arith.select %lt3A_209, %add3A_207, %while3A_185 : vector<16xi1>, vector<16xf32>
        %select_n3A_210 = arith.select %lt3A_208, %while3A_184, %select_n3A : vector<16xi1>, vector<16xf32>
        %select_n3A_211 = arith.select %lt3A_209, %get3A_202, %while3A_188 : vector<16xi1>, vector<16xf32>
        %select_n3A_212 = arith.select %lt3A_208, %while3A_187, %select_n3A_211 : vector<16xi1>, vector<16xf32>
        %select_n3A_213 = arith.select %lt3A_208, %add3A_207, %while3A_184 : vector<16xi1>, vector<16xf32>
        %select_n3A_214 = arith.select %lt3A, %while3A_183, %select_n3A_213 : vector<16xi1>, vector<16xf32>
        %select_n3A_215 = arith.select %lt3A_208, %get3A_202, %while3A_187 : vector<16xi1>, vector<16xf32>
        %select_n3A_216 = arith.select %lt3A, %while3A_186, %select_n3A_215 : vector<16xi1>, vector<16xf32>
        %select_n3A_217 = arith.select %lt3A, %add3A_207, %while3A_183 : vector<16xi1>, vector<16xf32>
        %select_n3A_218 = arith.select %lt3A, %get3A_202, %while3A_186 : vector<16xi1>, vector<16xf32>
        %mul3A_219 = arith.constant 256 : i32
        %mul3A_220 = arith.muli %add3A_190, %mul3A_219 : i32
        %add3A_221 = arith.constant 16 : i32
        %add3A_222 = arith.addi %mul3A_220, %add3A_221 : i32
        %get3A_223 = arith.index_cast %add3A_222 : i32 to index
        %get3A_224 = tpu.vector_load %arg11[%get3A_223] {strides = array<i32>} : memref<16384xf32, #tpu.memory_space<vmem>>, vector<16xf32>,
        %get3A_225 = vector.shape_cast %get3A_224 : vector<16xf32> to vector<16xf32>
        %get3A_226 = arith.index_cast %add3A_222 : i32 to index
        %get3A_227 = tpu.vector_load %arg12[%get3A_226] {strides = array<i32>} : memref<16384xf32, #tpu.memory_space<vmem>>, vector<16xf32>,
        %get3A_228 = vector.shape_cast %get3A_227 : vector<16xf32> to vector<16xf32>
        %get3A_229 = arith.index_cast %add3A_222 : i32 to index
        %get3A_230 = tpu.vector_load %arg13[%get3A_229] {strides = array<i32>} : memref<16384xf32, #tpu.memory_space<vmem>>, vector<16xf32>,
        %get3A_231 = vector.shape_cast %get3A_230 : vector<16xf32> to vector<16xf32>
        %sub3A_232 = arith.subf %broadcast_in_dim3A_19, %get3A_225 : vector<16xf32>
        %sub3A_233 = arith.subf %mul3A_28, %get3A_228 : vector<16xf32>
        %mul3A_234 = arith.mulf %sub3A_232, %sub3A_232 : vector<16xf32>
        %mul3A_235 = arith.mulf %sub3A_233, %sub3A_233 : vector<16xf32>
        %add3A_236 = arith.addf %mul3A_234, %mul3A_235 : vector<16xf32>
        %lt3A_237 = arith.cmpf olt, %add3A_236, %select_n3A_217 : vector<16xf32>
        %lt3A_238 = arith.cmpf olt, %add3A_236, %select_n3A_214 : vector<16xf32>
        %lt3A_239 = arith.cmpf olt, %add3A_236, %select_n3A_210 : vector<16xf32>
        %select_n3A_240 = arith.select %lt3A_239, %add3A_236, %select_n3A_210 : vector<16xi1>, vector<16xf32>
        %select_n3A_241 = arith.select %lt3A_238, %select_n3A_214, %select_n3A_240 : vector<16xi1>, vector<16xf32>
        %select_n3A_242 = arith.select %lt3A_239, %get3A_231, %select_n3A_212 : vector<16xi1>, vector<16xf32>
        %select_n3A_243 = arith.select %lt3A_238, %select_n3A_216, %select_n3A_242 : vector<16xi1>, vector<16xf32>
        %select_n3A_244 = arith.select %lt3A_238, %add3A_236, %select_n3A_214 : vector<16xi1>, vector<16xf32>
        %select_n3A_245 = arith.select %lt3A_237, %select_n3A_217, %select_n3A_244 : vector<16xi1>, vector<16xf32>
        %select_n3A_246 = arith.select %lt3A_238, %get3A_231, %select_n3A_216 : vector<16xi1>, vector<16xf32>
        %select_n3A_247 = arith.select %lt3A_237, %select_n3A_218, %select_n3A_246 : vector<16xi1>, vector<16xf32>
        %select_n3A_248 = arith.select %lt3A_237, %add3A_236, %select_n3A_217 : vector<16xi1>, vector<16xf32>
        %select_n3A_249 = arith.select %lt3A_237, %get3A_231, %select_n3A_218 : vector<16xi1>, vector<16xf32>
        %mul3A_250 = arith.constant 256 : i32
        %mul3A_251 = arith.muli %add3A_190, %mul3A_250 : i32
        %add3A_252 = arith.constant 32 : i32
        %add3A_253 = arith.addi %mul3A_251, %add3A_252 : i32
        %get3A_254 = arith.index_cast %add3A_253 : i32 to index
        %get3A_255 = tpu.vector_load %arg11[%get3A_254] {strides = array<i32>} : memref<16384xf32, #tpu.memory_space<vmem>>, vector<16xf32>,
        %get3A_256 = vector.shape_cast %get3A_255 : vector<16xf32> to vector<16xf32>
        %get3A_257 = arith.index_cast %add3A_253 : i32 to index
        %get3A_258 = tpu.vector_load %arg12[%get3A_257] {strides = array<i32>} : memref<16384xf32, #tpu.memory_space<vmem>>, vector<16xf32>,
        %get3A_259 = vector.shape_cast %get3A_258 : vector<16xf32> to vector<16xf32>
        %get3A_260 = arith.index_cast %add3A_253 : i32 to index
        %get3A_261 = tpu.vector_load %arg13[%get3A_260] {strides = array<i32>} : memref<16384xf32, #tpu.memory_space<vmem>>, vector<16xf32>,
        %get3A_262 = vector.shape_cast %get3A_261 : vector<16xf32> to vector<16xf32>
        %sub3A_263 = arith.subf %broadcast_in_dim3A_19, %get3A_256 : vector<16xf32>
        %sub3A_264 = arith.subf %mul3A_28, %get3A_259 : vector<16xf32>
        %mul3A_265 = arith.mulf %sub3A_263, %sub3A_263 : vector<16xf32>
        %mul3A_266 = arith.mulf %sub3A_264, %sub3A_264 : vector<16xf32>
        %add3A_267 = arith.addf %mul3A_265, %mul3A_266 : vector<16xf32>
        %lt3A_268 = arith.cmpf olt, %add3A_267, %select_n3A_248 : vector<16xf32>
        %lt3A_269 = arith.cmpf olt, %add3A_267, %select_n3A_245 : vector<16xf32>
        %lt3A_270 = arith.cmpf olt, %add3A_267, %select_n3A_241 : vector<16xf32>
        %select_n3A_271 = arith.select %lt3A_270, %add3A_267, %select_n3A_241 : vector<16xi1>, vector<16xf32>
        %select_n3A_272 = arith.select %lt3A_269, %select_n3A_245, %select_n3A_271 : vector<16xi1>, vector<16xf32>
        %select_n3A_273 = arith.select %lt3A_270, %get3A_262, %select_n3A_243 : vector<16xi1>, vector<16xf32>
        %select_n3A_274 = arith.select %lt3A_269, %select_n3A_247, %select_n3A_273 : vector<16xi1>, vector<16xf32>
        %select_n3A_275 = arith.select %lt3A_269, %add3A_267, %select_n3A_245 : vector<16xi1>, vector<16xf32>
        %select_n3A_276 = arith.select %lt3A_268, %select_n3A_248, %select_n3A_275 : vector<16xi1>, vector<16xf32>
        %select_n3A_277 = arith.select %lt3A_269, %get3A_262, %select_n3A_247 : vector<16xi1>, vector<16xf32>
        %select_n3A_278 = arith.select %lt3A_268, %select_n3A_249, %select_n3A_277 : vector<16xi1>, vector<16xf32>
        %select_n3A_279 = arith.select %lt3A_268, %add3A_267, %select_n3A_248 : vector<16xi1>, vector<16xf32>
        %select_n3A_280 = arith.select %lt3A_268, %get3A_262, %select_n3A_249 : vector<16xi1>, vector<16xf32>
        %mul3A_281 = arith.constant 256 : i32
        %mul3A_282 = arith.muli %add3A_190, %mul3A_281 : i32
        %add3A_283 = arith.constant 48 : i32
        %add3A_284 = arith.addi %mul3A_282, %add3A_283 : i32
        %get3A_285 = arith.index_cast %add3A_284 : i32 to index
        %get3A_286 = tpu.vector_load %arg11[%get3A_285] {strides = array<i32>} : memref<16384xf32, #tpu.memory_space<vmem>>, vector<16xf32>,
        %get3A_287 = vector.shape_cast %get3A_286 : vector<16xf32> to vector<16xf32>
        %get3A_288 = arith.index_cast %add3A_284 : i32 to index
        %get3A_289 = tpu.vector_load %arg12[%get3A_288] {strides = array<i32>} : memref<16384xf32, #tpu.memory_space<vmem>>, vector<16xf32>,
        %get3A_290 = vector.shape_cast %get3A_289 : vector<16xf32> to vector<16xf32>
        %get3A_291 = arith.index_cast %add3A_284 : i32 to index
        %get3A_292 = tpu.vector_load %arg13[%get3A_291] {strides = array<i32>} : memref<16384xf32, #tpu.memory_space<vmem>>, vector<16xf32>,
        %get3A_293 = vector.shape_cast %get3A_292 : vector<16xf32> to vector<16xf32>
        %sub3A_294 = arith.subf %broadcast_in_dim3A_19, %get3A_287 : vector<16xf32>
        %sub3A_295 = arith.subf %mul3A_28, %get3A_290 : vector<16xf32>
        %mul3A_296 = arith.mulf %sub3A_294, %sub3A_294 : vector<16xf32>
        %mul3A_297 = arith.mulf %sub3A_295, %sub3A_295 : vector<16xf32>
        %add3A_298 = arith.addf %mul3A_296, %mul3A_297 : vector<16xf32>
        %lt3A_299 = arith.cmpf olt, %add3A_298, %select_n3A_279 : vector<16xf32>
        %lt3A_300 = arith.cmpf olt, %add3A_298, %select_n3A_276 : vector<16xf32>
        %lt3A_301 = arith.cmpf olt, %add3A_298, %select_n3A_272 : vector<16xf32>
        %select_n3A_302 = arith.select %lt3A_301, %add3A_298, %select_n3A_272 : vector<16xi1>, vector<16xf32>
        %select_n3A_303 = arith.select %lt3A_300, %select_n3A_276, %select_n3A_302 : vector<16xi1>, vector<16xf32>
        %select_n3A_304 = arith.select %lt3A_301, %get3A_293, %select_n3A_274 : vector<16xi1>, vector<16xf32>
        %select_n3A_305 = arith.select %lt3A_300, %select_n3A_278, %select_n3A_304 : vector<16xi1>, vector<16xf32>
        %select_n3A_306 = arith.select %lt3A_300, %add3A_298, %select_n3A_276 : vector<16xi1>, vector<16xf32>
        %select_n3A_307 = arith.select %lt3A_299, %select_n3A_279, %select_n3A_306 : vector<16xi1>, vector<16xf32>
        %select_n3A_308 = arith.select %lt3A_300, %get3A_293, %select_n3A_278 : vector<16xi1>, vector<16xf32>
        %select_n3A_309 = arith.select %lt3A_299, %select_n3A_280, %select_n3A_308 : vector<16xi1>, vector<16xf32>
        %select_n3A_310 = arith.select %lt3A_299, %add3A_298, %select_n3A_279 : vector<16xi1>, vector<16xf32>
        %select_n3A_311 = arith.select %lt3A_299, %get3A_293, %select_n3A_280 : vector<16xi1>, vector<16xf32>
        %mul3A_312 = arith.constant 256 : i32
        %mul3A_313 = arith.muli %add3A_190, %mul3A_312 : i32
        %add3A_314 = arith.constant 64 : i32
        %add3A_315 = arith.addi %mul3A_313, %add3A_314 : i32
        %get3A_316 = arith.index_cast %add3A_315 : i32 to index
        %get3A_317 = tpu.vector_load %arg11[%get3A_316] {strides = array<i32>} : memref<16384xf32, #tpu.memory_space<vmem>>, vector<16xf32>,
        %get3A_318 = vector.shape_cast %get3A_317 : vector<16xf32> to vector<16xf32>
        %get3A_319 = arith.index_cast %add3A_315 : i32 to index
        %get3A_320 = tpu.vector_load %arg12[%get3A_319] {strides = array<i32>} : memref<16384xf32, #tpu.memory_space<vmem>>, vector<16xf32>,
        %get3A_321 = vector.shape_cast %get3A_320 : vector<16xf32> to vector<16xf32>
        %get3A_322 = arith.index_cast %add3A_315 : i32 to index
        %get3A_323 = tpu.vector_load %arg13[%get3A_322] {strides = array<i32>} : memref<16384xf32, #tpu.memory_space<vmem>>, vector<16xf32>,
        %get3A_324 = vector.shape_cast %get3A_323 : vector<16xf32> to vector<16xf32>
        %sub3A_325 = arith.subf %broadcast_in_dim3A_19, %get3A_318 : vector<16xf32>
        %sub3A_326 = arith.subf %mul3A_28, %get3A_321 : vector<16xf32>
        %mul3A_327 = arith.mulf %sub3A_325, %sub3A_325 : vector<16xf32>
        %mul3A_328 = arith.mulf %sub3A_326, %sub3A_326 : vector<16xf32>
        %add3A_329 = arith.addf %mul3A_327, %mul3A_328 : vector<16xf32>
        %lt3A_330 = arith.cmpf olt, %add3A_329, %select_n3A_310 : vector<16xf32>
        %lt3A_331 = arith.cmpf olt, %add3A_329, %select_n3A_307 : vector<16xf32>
        %lt3A_332 = arith.cmpf olt, %add3A_329, %select_n3A_303 : vector<16xf32>
        %select_n3A_333 = arith.select %lt3A_332, %add3A_329, %select_n3A_303 : vector<16xi1>, vector<16xf32>
        %select_n3A_334 = arith.select %lt3A_331, %select_n3A_307, %select_n3A_333 : vector<16xi1>, vector<16xf32>
        %select_n3A_335 = arith.select %lt3A_332, %get3A_324, %select_n3A_305 : vector<16xi1>, vector<16xf32>
        %select_n3A_336 = arith.select %lt3A_331, %select_n3A_309, %select_n3A_335 : vector<16xi1>, vector<16xf32>
        %select_n3A_337 = arith.select %lt3A_331, %add3A_329, %select_n3A_307 : vector<16xi1>, vector<16xf32>
        %select_n3A_338 = arith.select %lt3A_330, %select_n3A_310, %select_n3A_337 : vector<16xi1>, vector<16xf32>
        %select_n3A_339 = arith.select %lt3A_331, %get3A_324, %select_n3A_309 : vector<16xi1>, vector<16xf32>
        %select_n3A_340 = arith.select %lt3A_330, %select_n3A_311, %select_n3A_339 : vector<16xi1>, vector<16xf32>
        %select_n3A_341 = arith.select %lt3A_330, %add3A_329, %select_n3A_310 : vector<16xi1>, vector<16xf32>
        %select_n3A_342 = arith.select %lt3A_330, %get3A_324, %select_n3A_311 : vector<16xi1>, vector<16xf32>
        %mul3A_343 = arith.constant 256 : i32
        %mul3A_344 = arith.muli %add3A_190, %mul3A_343 : i32
        %add3A_345 = arith.constant 80 : i32
        %add3A_346 = arith.addi %mul3A_344, %add3A_345 : i32
        %get3A_347 = arith.index_cast %add3A_346 : i32 to index
        %get3A_348 = tpu.vector_load %arg11[%get3A_347] {strides = array<i32>} : memref<16384xf32, #tpu.memory_space<vmem>>, vector<16xf32>,
        %get3A_349 = vector.shape_cast %get3A_348 : vector<16xf32> to vector<16xf32>
        %get3A_350 = arith.index_cast %add3A_346 : i32 to index
        %get3A_351 = tpu.vector_load %arg12[%get3A_350] {strides = array<i32>} : memref<16384xf32, #tpu.memory_space<vmem>>, vector<16xf32>,
        %get3A_352 = vector.shape_cast %get3A_351 : vector<16xf32> to vector<16xf32>
        %get3A_353 = arith.index_cast %add3A_346 : i32 to index
        %get3A_354 = tpu.vector_load %arg13[%get3A_353] {strides = array<i32>} : memref<16384xf32, #tpu.memory_space<vmem>>, vector<16xf32>,
        %get3A_355 = vector.shape_cast %get3A_354 : vector<16xf32> to vector<16xf32>
        %sub3A_356 = arith.subf %broadcast_in_dim3A_19, %get3A_349 : vector<16xf32>
        %sub3A_357 = arith.subf %mul3A_28, %get3A_352 : vector<16xf32>
        %mul3A_358 = arith.mulf %sub3A_356, %sub3A_356 : vector<16xf32>
        %mul3A_359 = arith.mulf %sub3A_357, %sub3A_357 : vector<16xf32>
        %add3A_360 = arith.addf %mul3A_358, %mul3A_359 : vector<16xf32>
        %lt3A_361 = arith.cmpf olt, %add3A_360, %select_n3A_341 : vector<16xf32>
        %lt3A_362 = arith.cmpf olt, %add3A_360, %select_n3A_338 : vector<16xf32>
        %lt3A_363 = arith.cmpf olt, %add3A_360, %select_n3A_334 : vector<16xf32>
        %select_n3A_364 = arith.select %lt3A_363, %add3A_360, %select_n3A_334 : vector<16xi1>, vector<16xf32>
        %select_n3A_365 = arith.select %lt3A_362, %select_n3A_338, %select_n3A_364 : vector<16xi1>, vector<16xf32>
        %select_n3A_366 = arith.select %lt3A_363, %get3A_355, %select_n3A_336 : vector<16xi1>, vector<16xf32>
        %select_n3A_367 = arith.select %lt3A_362, %select_n3A_340, %select_n3A_366 : vector<16xi1>, vector<16xf32>
        %select_n3A_368 = arith.select %lt3A_362, %add3A_360, %select_n3A_338 : vector<16xi1>, vector<16xf32>
        %select_n3A_369 = arith.select %lt3A_361, %select_n3A_341, %select_n3A_368 : vector<16xi1>, vector<16xf32>
        %select_n3A_370 = arith.select %lt3A_362, %get3A_355, %select_n3A_340 : vector<16xi1>, vector<16xf32>
        %select_n3A_371 = arith.select %lt3A_361, %select_n3A_342, %select_n3A_370 : vector<16xi1>, vector<16xf32>
        %select_n3A_372 = arith.select %lt3A_361, %add3A_360, %select_n3A_341 : vector<16xi1>, vector<16xf32>
        %select_n3A_373 = arith.select %lt3A_361, %get3A_355, %select_n3A_342 : vector<16xi1>, vector<16xf32>
        %mul3A_374 = arith.constant 256 : i32
        %mul3A_375 = arith.muli %add3A_190, %mul3A_374 : i32
        %add3A_376 = arith.constant 96 : i32
        %add3A_377 = arith.addi %mul3A_375, %add3A_376 : i32
        %get3A_378 = arith.index_cast %add3A_377 : i32 to index
        %get3A_379 = tpu.vector_load %arg11[%get3A_378] {strides = array<i32>} : memref<16384xf32, #tpu.memory_space<vmem>>, vector<16xf32>,
        %get3A_380 = vector.shape_cast %get3A_379 : vector<16xf32> to vector<16xf32>
        %get3A_381 = arith.index_cast %add3A_377 : i32 to index
        %get3A_382 = tpu.vector_load %arg12[%get3A_381] {strides = array<i32>} : memref<16384xf32, #tpu.memory_space<vmem>>, vector<16xf32>,
        %get3A_383 = vector.shape_cast %get3A_382 : vector<16xf32> to vector<16xf32>
        %get3A_384 = arith.index_cast %add3A_377 : i32 to index
        %get3A_385 = tpu.vector_load %arg13[%get3A_384] {strides = array<i32>} : memref<16384xf32, #tpu.memory_space<vmem>>, vector<16xf32>,
        %get3A_386 = vector.shape_cast %get3A_385 : vector<16xf32> to vector<16xf32>
        %sub3A_387 = arith.subf %broadcast_in_dim3A_19, %get3A_380 : vector<16xf32>
        %sub3A_388 = arith.subf %mul3A_28, %get3A_383 : vector<16xf32>
        %mul3A_389 = arith.mulf %sub3A_387, %sub3A_387 : vector<16xf32>
        %mul3A_390 = arith.mulf %sub3A_388, %sub3A_388 : vector<16xf32>
        %add3A_391 = arith.addf %mul3A_389, %mul3A_390 : vector<16xf32>
        %lt3A_392 = arith.cmpf olt, %add3A_391, %select_n3A_372 : vector<16xf32>
        %lt3A_393 = arith.cmpf olt, %add3A_391, %select_n3A_369 : vector<16xf32>
        %lt3A_394 = arith.cmpf olt, %add3A_391, %select_n3A_365 : vector<16xf32>
        %select_n3A_395 = arith.select %lt3A_394, %add3A_391, %select_n3A_365 : vector<16xi1>, vector<16xf32>
        %select_n3A_396 = arith.select %lt3A_393, %select_n3A_369, %select_n3A_395 : vector<16xi1>, vector<16xf32>
        %select_n3A_397 = arith.select %lt3A_394, %get3A_386, %select_n3A_367 : vector<16xi1>, vector<16xf32>
        %select_n3A_398 = arith.select %lt3A_393, %select_n3A_371, %select_n3A_397 : vector<16xi1>, vector<16xf32>
        %select_n3A_399 = arith.select %lt3A_393, %add3A_391, %select_n3A_369 : vector<16xi1>, vector<16xf32>
        %select_n3A_400 = arith.select %lt3A_392, %select_n3A_372, %select_n3A_399 : vector<16xi1>, vector<16xf32>
        %select_n3A_401 = arith.select %lt3A_393, %get3A_386, %select_n3A_371 : vector<16xi1>, vector<16xf32>
        %select_n3A_402 = arith.select %lt3A_392, %select_n3A_373, %select_n3A_401 : vector<16xi1>, vector<16xf32>
        %select_n3A_403 = arith.select %lt3A_392, %add3A_391, %select_n3A_372 : vector<16xi1>, vector<16xf32>
        %select_n3A_404 = arith.select %lt3A_392, %get3A_386, %select_n3A_373 : vector<16xi1>, vector<16xf32>
        %mul3A_405 = arith.constant 256 : i32
        %mul3A_406 = arith.muli %add3A_190, %mul3A_405 : i32
        %add3A_407 = arith.constant 112 : i32
        %add3A_408 = arith.addi %mul3A_406, %add3A_407 : i32
        %get3A_409 = arith.index_cast %add3A_408 : i32 to index
        %get3A_410 = tpu.vector_load %arg11[%get3A_409] {strides = array<i32>} : memref<16384xf32, #tpu.memory_space<vmem>>, vector<16xf32>,
        %get3A_411 = vector.shape_cast %get3A_410 : vector<16xf32> to vector<16xf32>
        %get3A_412 = arith.index_cast %add3A_408 : i32 to index
        %get3A_413 = tpu.vector_load %arg12[%get3A_412] {strides = array<i32>} : memref<16384xf32, #tpu.memory_space<vmem>>, vector<16xf32>,
        %get3A_414 = vector.shape_cast %get3A_413 : vector<16xf32> to vector<16xf32>
        %get3A_415 = arith.index_cast %add3A_408 : i32 to index
        %get3A_416 = tpu.vector_load %arg13[%get3A_415] {strides = array<i32>} : memref<16384xf32, #tpu.memory_space<vmem>>, vector<16xf32>,
        %get3A_417 = vector.shape_cast %get3A_416 : vector<16xf32> to vector<16xf32>
        %sub3A_418 = arith.subf %broadcast_in_dim3A_19, %get3A_411 : vector<16xf32>
        %sub3A_419 = arith.subf %mul3A_28, %get3A_414 : vector<16xf32>
        %mul3A_420 = arith.mulf %sub3A_418, %sub3A_418 : vector<16xf32>
        %mul3A_421 = arith.mulf %sub3A_419, %sub3A_419 : vector<16xf32>
        %add3A_422 = arith.addf %mul3A_420, %mul3A_421 : vector<16xf32>
        %lt3A_423 = arith.cmpf olt, %add3A_422, %select_n3A_403 : vector<16xf32>
        %lt3A_424 = arith.cmpf olt, %add3A_422, %select_n3A_400 : vector<16xf32>
        %lt3A_425 = arith.cmpf olt, %add3A_422, %select_n3A_396 : vector<16xf32>
        %select_n3A_426 = arith.select %lt3A_425, %add3A_422, %select_n3A_396 : vector<16xi1>, vector<16xf32>
        %select_n3A_427 = arith.select %lt3A_424, %select_n3A_400, %select_n3A_426 : vector<16xi1>, vector<16xf32>
        %select_n3A_428 = arith.select %lt3A_425, %get3A_417, %select_n3A_398 : vector<16xi1>, vector<16xf32>
        %select_n3A_429 = arith.select %lt3A_424, %select_n3A_402, %select_n3A_428 : vector<16xi1>, vector<16xf32>
        %select_n3A_430 = arith.select %lt3A_424, %add3A_422, %select_n3A_400 : vector<16xi1>, vector<16xf32>
        %select_n3A_431 = arith.select %lt3A_423, %select_n3A_403, %select_n3A_430 : vector<16xi1>, vector<16xf32>
        %select_n3A_432 = arith.select %lt3A_424, %get3A_417, %select_n3A_402 : vector<16xi1>, vector<16xf32>
        %select_n3A_433 = arith.select %lt3A_423, %select_n3A_404, %select_n3A_432 : vector<16xi1>, vector<16xf32>
        %select_n3A_434 = arith.select %lt3A_423, %add3A_422, %select_n3A_403 : vector<16xi1>, vector<16xf32>
        %select_n3A_435 = arith.select %lt3A_423, %get3A_417, %select_n3A_404 : vector<16xi1>, vector<16xf32>
        %mul3A_436 = arith.constant 256 : i32
        %mul3A_437 = arith.muli %add3A_190, %mul3A_436 : i32
        %add3A_438 = arith.constant 128 : i32
        %add3A_439 = arith.addi %mul3A_437, %add3A_438 : i32
        %get3A_440 = arith.index_cast %add3A_439 : i32 to index
        %get3A_441 = tpu.vector_load %arg11[%get3A_440] {strides = array<i32>} : memref<16384xf32, #tpu.memory_space<vmem>>, vector<16xf32>,
        %get3A_442 = vector.shape_cast %get3A_441 : vector<16xf32> to vector<16xf32>
        %get3A_443 = arith.index_cast %add3A_439 : i32 to index
        %get3A_444 = tpu.vector_load %arg12[%get3A_443] {strides = array<i32>} : memref<16384xf32, #tpu.memory_space<vmem>>, vector<16xf32>,
        %get3A_445 = vector.shape_cast %get3A_444 : vector<16xf32> to vector<16xf32>
        %get3A_446 = arith.index_cast %add3A_439 : i32 to index
        %get3A_447 = tpu.vector_load %arg13[%get3A_446] {strides = array<i32>} : memref<16384xf32, #tpu.memory_space<vmem>>, vector<16xf32>,
        %get3A_448 = vector.shape_cast %get3A_447 : vector<16xf32> to vector<16xf32>
        %sub3A_449 = arith.subf %broadcast_in_dim3A_19, %get3A_442 : vector<16xf32>
        %sub3A_450 = arith.subf %mul3A_28, %get3A_445 : vector<16xf32>
        %mul3A_451 = arith.mulf %sub3A_449, %sub3A_449 : vector<16xf32>
        %mul3A_452 = arith.mulf %sub3A_450, %sub3A_450 : vector<16xf32>
        %add3A_453 = arith.addf %mul3A_451, %mul3A_452 : vector<16xf32>
        %lt3A_454 = arith.cmpf olt, %add3A_453, %select_n3A_434 : vector<16xf32>
        %lt3A_455 = arith.cmpf olt, %add3A_453, %select_n3A_431 : vector<16xf32>
        %lt3A_456 = arith.cmpf olt, %add3A_453, %select_n3A_427 : vector<16xf32>
        %select_n3A_457 = arith.select %lt3A_456, %add3A_453, %select_n3A_427 : vector<16xi1>, vector<16xf32>
        %select_n3A_458 = arith.select %lt3A_455, %select_n3A_431, %select_n3A_457 : vector<16xi1>, vector<16xf32>
        %select_n3A_459 = arith.select %lt3A_456, %get3A_448, %select_n3A_429 : vector<16xi1>, vector<16xf32>
        %select_n3A_460 = arith.select %lt3A_455, %select_n3A_433, %select_n3A_459 : vector<16xi1>, vector<16xf32>
        %select_n3A_461 = arith.select %lt3A_455, %add3A_453, %select_n3A_431 : vector<16xi1>, vector<16xf32>
        %select_n3A_462 = arith.select %lt3A_454, %select_n3A_434, %select_n3A_461 : vector<16xi1>, vector<16xf32>
        %select_n3A_463 = arith.select %lt3A_455, %get3A_448, %select_n3A_433 : vector<16xi1>, vector<16xf32>
        %select_n3A_464 = arith.select %lt3A_454, %select_n3A_435, %select_n3A_463 : vector<16xi1>, vector<16xf32>
        %select_n3A_465 = arith.select %lt3A_454, %add3A_453, %select_n3A_434 : vector<16xi1>, vector<16xf32>
        %select_n3A_466 = arith.select %lt3A_454, %get3A_448, %select_n3A_435 : vector<16xi1>, vector<16xf32>
        %mul3A_467 = arith.constant 256 : i32
        %mul3A_468 = arith.muli %add3A_190, %mul3A_467 : i32
        %add3A_469 = arith.constant 144 : i32
        %add3A_470 = arith.addi %mul3A_468, %add3A_469 : i32
        %get3A_471 = arith.index_cast %add3A_470 : i32 to index
        %get3A_472 = tpu.vector_load %arg11[%get3A_471] {strides = array<i32>} : memref<16384xf32, #tpu.memory_space<vmem>>, vector<16xf32>,
        %get3A_473 = vector.shape_cast %get3A_472 : vector<16xf32> to vector<16xf32>
        %get3A_474 = arith.index_cast %add3A_470 : i32 to index
        %get3A_475 = tpu.vector_load %arg12[%get3A_474] {strides = array<i32>} : memref<16384xf32, #tpu.memory_space<vmem>>, vector<16xf32>,
        %get3A_476 = vector.shape_cast %get3A_475 : vector<16xf32> to vector<16xf32>
        %get3A_477 = arith.index_cast %add3A_470 : i32 to index
        %get3A_478 = tpu.vector_load %arg13[%get3A_477] {strides = array<i32>} : memref<16384xf32, #tpu.memory_space<vmem>>, vector<16xf32>,
        %get3A_479 = vector.shape_cast %get3A_478 : vector<16xf32> to vector<16xf32>
        %sub3A_480 = arith.subf %broadcast_in_dim3A_19, %get3A_473 : vector<16xf32>
        %sub3A_481 = arith.subf %mul3A_28, %get3A_476 : vector<16xf32>
        %mul3A_482 = arith.mulf %sub3A_480, %sub3A_480 : vector<16xf32>
        %mul3A_483 = arith.mulf %sub3A_481, %sub3A_481 : vector<16xf32>
        %add3A_484 = arith.addf %mul3A_482, %mul3A_483 : vector<16xf32>
        %lt3A_485 = arith.cmpf olt, %add3A_484, %select_n3A_465 : vector<16xf32>
        %lt3A_486 = arith.cmpf olt, %add3A_484, %select_n3A_462 : vector<16xf32>
        %lt3A_487 = arith.cmpf olt, %add3A_484, %select_n3A_458 : vector<16xf32>
        %select_n3A_488 = arith.select %lt3A_487, %add3A_484, %select_n3A_458 : vector<16xi1>, vector<16xf32>
        %select_n3A_489 = arith.select %lt3A_486, %select_n3A_462, %select_n3A_488 : vector<16xi1>, vector<16xf32>
        %select_n3A_490 = arith.select %lt3A_487, %get3A_479, %select_n3A_460 : vector<16xi1>, vector<16xf32>
        %select_n3A_491 = arith.select %lt3A_486, %select_n3A_464, %select_n3A_490 : vector<16xi1>, vector<16xf32>
        %select_n3A_492 = arith.select %lt3A_486, %add3A_484, %select_n3A_462 : vector<16xi1>, vector<16xf32>
        %select_n3A_493 = arith.select %lt3A_485, %select_n3A_465, %select_n3A_492 : vector<16xi1>, vector<16xf32>
        %select_n3A_494 = arith.select %lt3A_486, %get3A_479, %select_n3A_464 : vector<16xi1>, vector<16xf32>
        %select_n3A_495 = arith.select %lt3A_485, %select_n3A_466, %select_n3A_494 : vector<16xi1>, vector<16xf32>
        %select_n3A_496 = arith.select %lt3A_485, %add3A_484, %select_n3A_465 : vector<16xi1>, vector<16xf32>
        %select_n3A_497 = arith.select %lt3A_485, %get3A_479, %select_n3A_466 : vector<16xi1>, vector<16xf32>
        %mul3A_498 = arith.constant 256 : i32
        %mul3A_499 = arith.muli %add3A_190, %mul3A_498 : i32
        %add3A_500 = arith.constant 160 : i32
        %add3A_501 = arith.addi %mul3A_499, %add3A_500 : i32
        %get3A_502 = arith.index_cast %add3A_501 : i32 to index
        %get3A_503 = tpu.vector_load %arg11[%get3A_502] {strides = array<i32>} : memref<16384xf32, #tpu.memory_space<vmem>>, vector<16xf32>,
        %get3A_504 = vector.shape_cast %get3A_503 : vector<16xf32> to vector<16xf32>
        %get3A_505 = arith.index_cast %add3A_501 : i32 to index
        %get3A_506 = tpu.vector_load %arg12[%get3A_505] {strides = array<i32>} : memref<16384xf32, #tpu.memory_space<vmem>>, vector<16xf32>,
        %get3A_507 = vector.shape_cast %get3A_506 : vector<16xf32> to vector<16xf32>
        %get3A_508 = arith.index_cast %add3A_501 : i32 to index
        %get3A_509 = tpu.vector_load %arg13[%get3A_508] {strides = array<i32>} : memref<16384xf32, #tpu.memory_space<vmem>>, vector<16xf32>,
        %get3A_510 = vector.shape_cast %get3A_509 : vector<16xf32> to vector<16xf32>
        %sub3A_511 = arith.subf %broadcast_in_dim3A_19, %get3A_504 : vector<16xf32>
        %sub3A_512 = arith.subf %mul3A_28, %get3A_507 : vector<16xf32>
        %mul3A_513 = arith.mulf %sub3A_511, %sub3A_511 : vector<16xf32>
        %mul3A_514 = arith.mulf %sub3A_512, %sub3A_512 : vector<16xf32>
        %add3A_515 = arith.addf %mul3A_513, %mul3A_514 : vector<16xf32>
        %lt3A_516 = arith.cmpf olt, %add3A_515, %select_n3A_496 : vector<16xf32>
        %lt3A_517 = arith.cmpf olt, %add3A_515, %select_n3A_493 : vector<16xf32>
        %lt3A_518 = arith.cmpf olt, %add3A_515, %select_n3A_489 : vector<16xf32>
        %select_n3A_519 = arith.select %lt3A_518, %add3A_515, %select_n3A_489 : vector<16xi1>, vector<16xf32>
        %select_n3A_520 = arith.select %lt3A_517, %select_n3A_493, %select_n3A_519 : vector<16xi1>, vector<16xf32>
        %select_n3A_521 = arith.select %lt3A_518, %get3A_510, %select_n3A_491 : vector<16xi1>, vector<16xf32>
        %select_n3A_522 = arith.select %lt3A_517, %select_n3A_495, %select_n3A_521 : vector<16xi1>, vector<16xf32>
        %select_n3A_523 = arith.select %lt3A_517, %add3A_515, %select_n3A_493 : vector<16xi1>, vector<16xf32>
        %select_n3A_524 = arith.select %lt3A_516, %select_n3A_496, %select_n3A_523 : vector<16xi1>, vector<16xf32>
        %select_n3A_525 = arith.select %lt3A_517, %get3A_510, %select_n3A_495 : vector<16xi1>, vector<16xf32>
        %select_n3A_526 = arith.select %lt3A_516, %select_n3A_497, %select_n3A_525 : vector<16xi1>, vector<16xf32>
        %select_n3A_527 = arith.select %lt3A_516, %add3A_515, %select_n3A_496 : vector<16xi1>, vector<16xf32>
        %select_n3A_528 = arith.select %lt3A_516, %get3A_510, %select_n3A_497 : vector<16xi1>, vector<16xf32>
        %mul3A_529 = arith.constant 256 : i32
        %mul3A_530 = arith.muli %add3A_190, %mul3A_529 : i32
        %add3A_531 = arith.constant 176 : i32
        %add3A_532 = arith.addi %mul3A_530, %add3A_531 : i32
        %get3A_533 = arith.index_cast %add3A_532 : i32 to index
        %get3A_534 = tpu.vector_load %arg11[%get3A_533] {strides = array<i32>} : memref<16384xf32, #tpu.memory_space<vmem>>, vector<16xf32>,
        %get3A_535 = vector.shape_cast %get3A_534 : vector<16xf32> to vector<16xf32>
        %get3A_536 = arith.index_cast %add3A_532 : i32 to index
        %get3A_537 = tpu.vector_load %arg12[%get3A_536] {strides = array<i32>} : memref<16384xf32, #tpu.memory_space<vmem>>, vector<16xf32>,
        %get3A_538 = vector.shape_cast %get3A_537 : vector<16xf32> to vector<16xf32>
        %get3A_539 = arith.index_cast %add3A_532 : i32 to index
        %get3A_540 = tpu.vector_load %arg13[%get3A_539] {strides = array<i32>} : memref<16384xf32, #tpu.memory_space<vmem>>, vector<16xf32>,
        %get3A_541 = vector.shape_cast %get3A_540 : vector<16xf32> to vector<16xf32>
        %sub3A_542 = arith.subf %broadcast_in_dim3A_19, %get3A_535 : vector<16xf32>
        %sub3A_543 = arith.subf %mul3A_28, %get3A_538 : vector<16xf32>
        %mul3A_544 = arith.mulf %sub3A_542, %sub3A_542 : vector<16xf32>
        %mul3A_545 = arith.mulf %sub3A_543, %sub3A_543 : vector<16xf32>
        %add3A_546 = arith.addf %mul3A_544, %mul3A_545 : vector<16xf32>
        %lt3A_547 = arith.cmpf olt, %add3A_546, %select_n3A_527 : vector<16xf32>
        %lt3A_548 = arith.cmpf olt, %add3A_546, %select_n3A_524 : vector<16xf32>
        %lt3A_549 = arith.cmpf olt, %add3A_546, %select_n3A_520 : vector<16xf32>
        %select_n3A_550 = arith.select %lt3A_549, %add3A_546, %select_n3A_520 : vector<16xi1>, vector<16xf32>
        %select_n3A_551 = arith.select %lt3A_548, %select_n3A_524, %select_n3A_550 : vector<16xi1>, vector<16xf32>
        %select_n3A_552 = arith.select %lt3A_549, %get3A_541, %select_n3A_522 : vector<16xi1>, vector<16xf32>
        %select_n3A_553 = arith.select %lt3A_548, %select_n3A_526, %select_n3A_552 : vector<16xi1>, vector<16xf32>
        %select_n3A_554 = arith.select %lt3A_548, %add3A_546, %select_n3A_524 : vector<16xi1>, vector<16xf32>
        %select_n3A_555 = arith.select %lt3A_547, %select_n3A_527, %select_n3A_554 : vector<16xi1>, vector<16xf32>
        %select_n3A_556 = arith.select %lt3A_548, %get3A_541, %select_n3A_526 : vector<16xi1>, vector<16xf32>
        %select_n3A_557 = arith.select %lt3A_547, %select_n3A_528, %select_n3A_556 : vector<16xi1>, vector<16xf32>
        %select_n3A_558 = arith.select %lt3A_547, %add3A_546, %select_n3A_527 : vector<16xi1>, vector<16xf32>
        %select_n3A_559 = arith.select %lt3A_547, %get3A_541, %select_n3A_528 : vector<16xi1>, vector<16xf32>
        %mul3A_560 = arith.constant 256 : i32
        %mul3A_561 = arith.muli %add3A_190, %mul3A_560 : i32
        %add3A_562 = arith.constant 192 : i32
        %add3A_563 = arith.addi %mul3A_561, %add3A_562 : i32
        %get3A_564 = arith.index_cast %add3A_563 : i32 to index
        %get3A_565 = tpu.vector_load %arg11[%get3A_564] {strides = array<i32>} : memref<16384xf32, #tpu.memory_space<vmem>>, vector<16xf32>,
        %get3A_566 = vector.shape_cast %get3A_565 : vector<16xf32> to vector<16xf32>
        %get3A_567 = arith.index_cast %add3A_563 : i32 to index
        %get3A_568 = tpu.vector_load %arg12[%get3A_567] {strides = array<i32>} : memref<16384xf32, #tpu.memory_space<vmem>>, vector<16xf32>,
        %get3A_569 = vector.shape_cast %get3A_568 : vector<16xf32> to vector<16xf32>
        %get3A_570 = arith.index_cast %add3A_563 : i32 to index
        %get3A_571 = tpu.vector_load %arg13[%get3A_570] {strides = array<i32>} : memref<16384xf32, #tpu.memory_space<vmem>>, vector<16xf32>,
        %get3A_572 = vector.shape_cast %get3A_571 : vector<16xf32> to vector<16xf32>
        %sub3A_573 = arith.subf %broadcast_in_dim3A_19, %get3A_566 : vector<16xf32>
        %sub3A_574 = arith.subf %mul3A_28, %get3A_569 : vector<16xf32>
        %mul3A_575 = arith.mulf %sub3A_573, %sub3A_573 : vector<16xf32>
        %mul3A_576 = arith.mulf %sub3A_574, %sub3A_574 : vector<16xf32>
        %add3A_577 = arith.addf %mul3A_575, %mul3A_576 : vector<16xf32>
        %lt3A_578 = arith.cmpf olt, %add3A_577, %select_n3A_558 : vector<16xf32>
        %lt3A_579 = arith.cmpf olt, %add3A_577, %select_n3A_555 : vector<16xf32>
        %lt3A_580 = arith.cmpf olt, %add3A_577, %select_n3A_551 : vector<16xf32>
        %select_n3A_581 = arith.select %lt3A_580, %add3A_577, %select_n3A_551 : vector<16xi1>, vector<16xf32>
        %select_n3A_582 = arith.select %lt3A_579, %select_n3A_555, %select_n3A_581 : vector<16xi1>, vector<16xf32>
        %select_n3A_583 = arith.select %lt3A_580, %get3A_572, %select_n3A_553 : vector<16xi1>, vector<16xf32>
        %select_n3A_584 = arith.select %lt3A_579, %select_n3A_557, %select_n3A_583 : vector<16xi1>, vector<16xf32>
        %select_n3A_585 = arith.select %lt3A_579, %add3A_577, %select_n3A_555 : vector<16xi1>, vector<16xf32>
        %select_n3A_586 = arith.select %lt3A_578, %select_n3A_558, %select_n3A_585 : vector<16xi1>, vector<16xf32>
        %select_n3A_587 = arith.select %lt3A_579, %get3A_572, %select_n3A_557 : vector<16xi1>, vector<16xf32>
        %select_n3A_588 = arith.select %lt3A_578, %select_n3A_559, %select_n3A_587 : vector<16xi1>, vector<16xf32>
        %select_n3A_589 = arith.select %lt3A_578, %add3A_577, %select_n3A_558 : vector<16xi1>, vector<16xf32>
        %select_n3A_590 = arith.select %lt3A_578, %get3A_572, %select_n3A_559 : vector<16xi1>, vector<16xf32>
        %mul3A_591 = arith.constant 256 : i32
        %mul3A_592 = arith.muli %add3A_190, %mul3A_591 : i32
        %add3A_593 = arith.constant 208 : i32
        %add3A_594 = arith.addi %mul3A_592, %add3A_593 : i32
        %get3A_595 = arith.index_cast %add3A_594 : i32 to index
        %get3A_596 = tpu.vector_load %arg11[%get3A_595] {strides = array<i32>} : memref<16384xf32, #tpu.memory_space<vmem>>, vector<16xf32>,
        %get3A_597 = vector.shape_cast %get3A_596 : vector<16xf32> to vector<16xf32>
        %get3A_598 = arith.index_cast %add3A_594 : i32 to index
        %get3A_599 = tpu.vector_load %arg12[%get3A_598] {strides = array<i32>} : memref<16384xf32, #tpu.memory_space<vmem>>, vector<16xf32>,
        %get3A_600 = vector.shape_cast %get3A_599 : vector<16xf32> to vector<16xf32>
        %get3A_601 = arith.index_cast %add3A_594 : i32 to index
        %get3A_602 = tpu.vector_load %arg13[%get3A_601] {strides = array<i32>} : memref<16384xf32, #tpu.memory_space<vmem>>, vector<16xf32>,
        %get3A_603 = vector.shape_cast %get3A_602 : vector<16xf32> to vector<16xf32>
        %sub3A_604 = arith.subf %broadcast_in_dim3A_19, %get3A_597 : vector<16xf32>
        %sub3A_605 = arith.subf %mul3A_28, %get3A_600 : vector<16xf32>
        %mul3A_606 = arith.mulf %sub3A_604, %sub3A_604 : vector<16xf32>
        %mul3A_607 = arith.mulf %sub3A_605, %sub3A_605 : vector<16xf32>
        %add3A_608 = arith.addf %mul3A_606, %mul3A_607 : vector<16xf32>
        %lt3A_609 = arith.cmpf olt, %add3A_608, %select_n3A_589 : vector<16xf32>
        %lt3A_610 = arith.cmpf olt, %add3A_608, %select_n3A_586 : vector<16xf32>
        %lt3A_611 = arith.cmpf olt, %add3A_608, %select_n3A_582 : vector<16xf32>
        %select_n3A_612 = arith.select %lt3A_611, %add3A_608, %select_n3A_582 : vector<16xi1>, vector<16xf32>
        %select_n3A_613 = arith.select %lt3A_610, %select_n3A_586, %select_n3A_612 : vector<16xi1>, vector<16xf32>
        %select_n3A_614 = arith.select %lt3A_611, %get3A_603, %select_n3A_584 : vector<16xi1>, vector<16xf32>
        %select_n3A_615 = arith.select %lt3A_610, %select_n3A_588, %select_n3A_614 : vector<16xi1>, vector<16xf32>
        %select_n3A_616 = arith.select %lt3A_610, %add3A_608, %select_n3A_586 : vector<16xi1>, vector<16xf32>
        %select_n3A_617 = arith.select %lt3A_609, %select_n3A_589, %select_n3A_616 : vector<16xi1>, vector<16xf32>
        %select_n3A_618 = arith.select %lt3A_610, %get3A_603, %select_n3A_588 : vector<16xi1>, vector<16xf32>
        %select_n3A_619 = arith.select %lt3A_609, %select_n3A_590, %select_n3A_618 : vector<16xi1>, vector<16xf32>
        %select_n3A_620 = arith.select %lt3A_609, %add3A_608, %select_n3A_589 : vector<16xi1>, vector<16xf32>
        %select_n3A_621 = arith.select %lt3A_609, %get3A_603, %select_n3A_590 : vector<16xi1>, vector<16xf32>
        %mul3A_622 = arith.constant 256 : i32
        %mul3A_623 = arith.muli %add3A_190, %mul3A_622 : i32
        %add3A_624 = arith.constant 224 : i32
        %add3A_625 = arith.addi %mul3A_623, %add3A_624 : i32
        %get3A_626 = arith.index_cast %add3A_625 : i32 to index
        %get3A_627 = tpu.vector_load %arg11[%get3A_626] {strides = array<i32>} : memref<16384xf32, #tpu.memory_space<vmem>>, vector<16xf32>,
        %get3A_628 = vector.shape_cast %get3A_627 : vector<16xf32> to vector<16xf32>
        %get3A_629 = arith.index_cast %add3A_625 : i32 to index
        %get3A_630 = tpu.vector_load %arg12[%get3A_629] {strides = array<i32>} : memref<16384xf32, #tpu.memory_space<vmem>>, vector<16xf32>,
        %get3A_631 = vector.shape_cast %get3A_630 : vector<16xf32> to vector<16xf32>
        %get3A_632 = arith.index_cast %add3A_625 : i32 to index
        %get3A_633 = tpu.vector_load %arg13[%get3A_632] {strides = array<i32>} : memref<16384xf32, #tpu.memory_space<vmem>>, vector<16xf32>,
        %get3A_634 = vector.shape_cast %get3A_633 : vector<16xf32> to vector<16xf32>
        %sub3A_635 = arith.subf %broadcast_in_dim3A_19, %get3A_628 : vector<16xf32>
        %sub3A_636 = arith.subf %mul3A_28, %get3A_631 : vector<16xf32>
        %mul3A_637 = arith.mulf %sub3A_635, %sub3A_635 : vector<16xf32>
        %mul3A_638 = arith.mulf %sub3A_636, %sub3A_636 : vector<16xf32>
        %add3A_639 = arith.addf %mul3A_637, %mul3A_638 : vector<16xf32>
        %lt3A_640 = arith.cmpf olt, %add3A_639, %select_n3A_620 : vector<16xf32>
        %lt3A_641 = arith.cmpf olt, %add3A_639, %select_n3A_617 : vector<16xf32>
        %lt3A_642 = arith.cmpf olt, %add3A_639, %select_n3A_613 : vector<16xf32>
        %select_n3A_643 = arith.select %lt3A_642, %add3A_639, %select_n3A_613 : vector<16xi1>, vector<16xf32>
        %select_n3A_644 = arith.select %lt3A_641, %select_n3A_617, %select_n3A_643 : vector<16xi1>, vector<16xf32>
        %select_n3A_645 = arith.select %lt3A_642, %get3A_634, %select_n3A_615 : vector<16xi1>, vector<16xf32>
        %select_n3A_646 = arith.select %lt3A_641, %select_n3A_619, %select_n3A_645 : vector<16xi1>, vector<16xf32>
        %select_n3A_647 = arith.select %lt3A_641, %add3A_639, %select_n3A_617 : vector<16xi1>, vector<16xf32>
        %select_n3A_648 = arith.select %lt3A_640, %select_n3A_620, %select_n3A_647 : vector<16xi1>, vector<16xf32>
        %select_n3A_649 = arith.select %lt3A_641, %get3A_634, %select_n3A_619 : vector<16xi1>, vector<16xf32>
        %select_n3A_650 = arith.select %lt3A_640, %select_n3A_621, %select_n3A_649 : vector<16xi1>, vector<16xf32>
        %select_n3A_651 = arith.select %lt3A_640, %add3A_639, %select_n3A_620 : vector<16xi1>, vector<16xf32>
        %select_n3A_652 = arith.select %lt3A_640, %get3A_634, %select_n3A_621 : vector<16xi1>, vector<16xf32>
        %mul3A_653 = arith.constant 256 : i32
        %mul3A_654 = arith.muli %add3A_190, %mul3A_653 : i32
        %add3A_655 = arith.constant 240 : i32
        %add3A_656 = arith.addi %mul3A_654, %add3A_655 : i32
        %get3A_657 = arith.index_cast %add3A_656 : i32 to index
        %get3A_658 = tpu.vector_load %arg11[%get3A_657] {strides = array<i32>} : memref<16384xf32, #tpu.memory_space<vmem>>, vector<16xf32>,
        %get3A_659 = vector.shape_cast %get3A_658 : vector<16xf32> to vector<16xf32>
        %get3A_660 = arith.index_cast %add3A_656 : i32 to index
        %get3A_661 = tpu.vector_load %arg12[%get3A_660] {strides = array<i32>} : memref<16384xf32, #tpu.memory_space<vmem>>, vector<16xf32>,
        %get3A_662 = vector.shape_cast %get3A_661 : vector<16xf32> to vector<16xf32>
        %get3A_663 = arith.index_cast %add3A_656 : i32 to index
        %get3A_664 = tpu.vector_load %arg13[%get3A_663] {strides = array<i32>} : memref<16384xf32, #tpu.memory_space<vmem>>, vector<16xf32>,
        %get3A_665 = vector.shape_cast %get3A_664 : vector<16xf32> to vector<16xf32>
        %sub3A_666 = arith.subf %broadcast_in_dim3A_19, %get3A_659 : vector<16xf32>
        %sub3A_667 = arith.subf %mul3A_28, %get3A_662 : vector<16xf32>
        %mul3A_668 = arith.mulf %sub3A_666, %sub3A_666 : vector<16xf32>
        %mul3A_669 = arith.mulf %sub3A_667, %sub3A_667 : vector<16xf32>
        %add3A_670 = arith.addf %mul3A_668, %mul3A_669 : vector<16xf32>
        %lt3A_671 = arith.cmpf olt, %add3A_670, %select_n3A_651 : vector<16xf32>
        %lt3A_672 = arith.cmpf olt, %add3A_670, %select_n3A_648 : vector<16xf32>
        %lt3A_673 = arith.cmpf olt, %add3A_670, %select_n3A_644 : vector<16xf32>
        %select_n3A_674 = arith.select %lt3A_673, %add3A_670, %select_n3A_644 : vector<16xi1>, vector<16xf32>
        %select_n3A_675 = arith.select %lt3A_672, %select_n3A_648, %select_n3A_674 : vector<16xi1>, vector<16xf32>
        %select_n3A_676 = arith.select %lt3A_673, %get3A_665, %select_n3A_646 : vector<16xi1>, vector<16xf32>
        %select_n3A_677 = arith.select %lt3A_672, %select_n3A_650, %select_n3A_676 : vector<16xi1>, vector<16xf32>
        %select_n3A_678 = arith.select %lt3A_672, %add3A_670, %select_n3A_648 : vector<16xi1>, vector<16xf32>
        %select_n3A_679 = arith.select %lt3A_671, %select_n3A_651, %select_n3A_678 : vector<16xi1>, vector<16xf32>
        %select_n3A_680 = arith.select %lt3A_672, %get3A_665, %select_n3A_650 : vector<16xi1>, vector<16xf32>
        %select_n3A_681 = arith.select %lt3A_671, %select_n3A_652, %select_n3A_680 : vector<16xi1>, vector<16xf32>
        %select_n3A_682 = arith.select %lt3A_671, %add3A_670, %select_n3A_651 : vector<16xi1>, vector<16xf32>
        %select_n3A_683 = arith.select %lt3A_671, %get3A_665, %select_n3A_652 : vector<16xi1>, vector<16xf32>
        scf.yield %select_n3A_682, %select_n3A_679, %select_n3A_675, %select_n3A_683, %select_n3A_681, %select_n3A_677 : vector<16xf32>, vector<16xf32>, vector<16xf32>, vector<16xf32>, vector<16xf32>, vector<16xf32>
      }
      %sub3A_138 = arith.subi %scan3A_117#1, %min3A_42 : i32
      %sub3A_139 = arith.constant 1 : i32
      %sub3A_140 = arith.constant 1 : i32
      %sub3A_141 = arith.subi %sub3A_139, %sub3A_140 : i32
      %add3A_142 = arith.addi %sub3A_138, %sub3A_141 : i32
      %div3A_143 = arith.constant 1 : i32
      %div3A_144 = arith.divsi %add3A_142, %div3A_143 : i32
      %while3A_145 = arith.constant 1 : i32
      %while3A_146 = arith.constant 0 : i32
      %while3A_147 = arith.subi %div3A_144, %while3A_146 : i32
      %while3A_148 = arith.addi %while3A_146, %while3A_147 : i32
      %while3A_149 = arith.constant 1 : i32
      %while3A_150 = arith.divsi %while3A_147, %while3A_149 : i32
      %while3A_151 = arith.muli %while3A_150, %while3A_149 : i32
      %while3A_152 = arith.addi %while3A_146, %while3A_151 : i32
      %while3A_153 = arith.constant 1 : i32
      %while3A_154:6 = scf.for %while3A_182 = %while3A_146 to %while3A_152 step %while3A_153 iter_args(%while3A_183 = %while3A_137#0, %while3A_184 = %while3A_137#1, %while3A_185 = %while3A_137#2, %while3A_186 = %while3A_137#3, %while3A_187 = %while3A_137#4, %while3A_188 = %while3A_137#5) -> (vector<16xf32>, vector<16xf32>, vector<16xf32>, vector<16xf32>, vector<16xf32>, vector<16xf32>)  : i32 {
        %mul3A_189 = arith.muli %while3A_182, %while3A_145 : i32
        %add3A_190 = arith.addi %min3A_42, %mul3A_189 : i32
        %mul3A_191 = arith.constant 256 : i32
        %mul3A_192 = arith.muli %add3A_190, %mul3A_191 : i32
        %add3A_193 = arith.constant 0 : i32
        %add3A_194 = arith.addi %mul3A_192, %add3A_193 : i32
        %get3A = arith.index_cast %add3A_194 : i32 to index
        %get3A_195 = tpu.vector_load %arg11[%get3A] {strides = array<i32>} : memref<16384xf32, #tpu.memory_space<vmem>>, vector<16xf32>,
        %get3A_196 = vector.shape_cast %get3A_195 : vector<16xf32> to vector<16xf32>
        %get3A_197 = arith.index_cast %add3A_194 : i32 to index
        %get3A_198 = tpu.vector_load %arg12[%get3A_197] {strides = array<i32>} : memref<16384xf32, #tpu.memory_space<vmem>>, vector<16xf32>,
        %get3A_199 = vector.shape_cast %get3A_198 : vector<16xf32> to vector<16xf32>
        %get3A_200 = arith.index_cast %add3A_194 : i32 to index
        %get3A_201 = tpu.vector_load %arg13[%get3A_200] {strides = array<i32>} : memref<16384xf32, #tpu.memory_space<vmem>>, vector<16xf32>,
        %get3A_202 = vector.shape_cast %get3A_201 : vector<16xf32> to vector<16xf32>
        %sub3A_203 = arith.subf %broadcast_in_dim3A_19, %get3A_196 : vector<16xf32>
        %sub3A_204 = arith.subf %mul3A_28, %get3A_199 : vector<16xf32>
        %mul3A_205 = arith.mulf %sub3A_203, %sub3A_203 : vector<16xf32>
        %mul3A_206 = arith.mulf %sub3A_204, %sub3A_204 : vector<16xf32>
        %add3A_207 = arith.addf %mul3A_205, %mul3A_206 : vector<16xf32>
        %lt3A = arith.cmpf olt, %add3A_207, %while3A_183 : vector<16xf32>
        %lt3A_208 = arith.cmpf olt, %add3A_207, %while3A_184 : vector<16xf32>
        %lt3A_209 = arith.cmpf olt, %add3A_207, %while3A_185 : vector<16xf32>
        %select_n3A = arith.select %lt3A_209, %add3A_207, %while3A_185 : vector<16xi1>, vector<16xf32>
        %select_n3A_210 = arith.select %lt3A_208, %while3A_184, %select_n3A : vector<16xi1>, vector<16xf32>
        %select_n3A_211 = arith.select %lt3A_209, %get3A_202, %while3A_188 : vector<16xi1>, vector<16xf32>
        %select_n3A_212 = arith.select %lt3A_208, %while3A_187, %select_n3A_211 : vector<16xi1>, vector<16xf32>
        %select_n3A_213 = arith.select %lt3A_208, %add3A_207, %while3A_184 : vector<16xi1>, vector<16xf32>
        %select_n3A_214 = arith.select %lt3A, %while3A_183, %select_n3A_213 : vector<16xi1>, vector<16xf32>
        %select_n3A_215 = arith.select %lt3A_208, %get3A_202, %while3A_187 : vector<16xi1>, vector<16xf32>
        %select_n3A_216 = arith.select %lt3A, %while3A_186, %select_n3A_215 : vector<16xi1>, vector<16xf32>
        %select_n3A_217 = arith.select %lt3A, %add3A_207, %while3A_183 : vector<16xi1>, vector<16xf32>
        %select_n3A_218 = arith.select %lt3A, %get3A_202, %while3A_186 : vector<16xi1>, vector<16xf32>
        %mul3A_219 = arith.constant 256 : i32
        %mul3A_220 = arith.muli %add3A_190, %mul3A_219 : i32
        %add3A_221 = arith.constant 16 : i32
        %add3A_222 = arith.addi %mul3A_220, %add3A_221 : i32
        %get3A_223 = arith.index_cast %add3A_222 : i32 to index
        %get3A_224 = tpu.vector_load %arg11[%get3A_223] {strides = array<i32>} : memref<16384xf32, #tpu.memory_space<vmem>>, vector<16xf32>,
        %get3A_225 = vector.shape_cast %get3A_224 : vector<16xf32> to vector<16xf32>
        %get3A_226 = arith.index_cast %add3A_222 : i32 to index
        %get3A_227 = tpu.vector_load %arg12[%get3A_226] {strides = array<i32>} : memref<16384xf32, #tpu.memory_space<vmem>>, vector<16xf32>,
        %get3A_228 = vector.shape_cast %get3A_227 : vector<16xf32> to vector<16xf32>
        %get3A_229 = arith.index_cast %add3A_222 : i32 to index
        %get3A_230 = tpu.vector_load %arg13[%get3A_229] {strides = array<i32>} : memref<16384xf32, #tpu.memory_space<vmem>>, vector<16xf32>,
        %get3A_231 = vector.shape_cast %get3A_230 : vector<16xf32> to vector<16xf32>
        %sub3A_232 = arith.subf %broadcast_in_dim3A_19, %get3A_225 : vector<16xf32>
        %sub3A_233 = arith.subf %mul3A_28, %get3A_228 : vector<16xf32>
        %mul3A_234 = arith.mulf %sub3A_232, %sub3A_232 : vector<16xf32>
        %mul3A_235 = arith.mulf %sub3A_233, %sub3A_233 : vector<16xf32>
        %add3A_236 = arith.addf %mul3A_234, %mul3A_235 : vector<16xf32>
        %lt3A_237 = arith.cmpf olt, %add3A_236, %select_n3A_217 : vector<16xf32>
        %lt3A_238 = arith.cmpf olt, %add3A_236, %select_n3A_214 : vector<16xf32>
        %lt3A_239 = arith.cmpf olt, %add3A_236, %select_n3A_210 : vector<16xf32>
        %select_n3A_240 = arith.select %lt3A_239, %add3A_236, %select_n3A_210 : vector<16xi1>, vector<16xf32>
        %select_n3A_241 = arith.select %lt3A_238, %select_n3A_214, %select_n3A_240 : vector<16xi1>, vector<16xf32>
        %select_n3A_242 = arith.select %lt3A_239, %get3A_231, %select_n3A_212 : vector<16xi1>, vector<16xf32>
        %select_n3A_243 = arith.select %lt3A_238, %select_n3A_216, %select_n3A_242 : vector<16xi1>, vector<16xf32>
        %select_n3A_244 = arith.select %lt3A_238, %add3A_236, %select_n3A_214 : vector<16xi1>, vector<16xf32>
        %select_n3A_245 = arith.select %lt3A_237, %select_n3A_217, %select_n3A_244 : vector<16xi1>, vector<16xf32>
        %select_n3A_246 = arith.select %lt3A_238, %get3A_231, %select_n3A_216 : vector<16xi1>, vector<16xf32>
        %select_n3A_247 = arith.select %lt3A_237, %select_n3A_218, %select_n3A_246 : vector<16xi1>, vector<16xf32>
        %select_n3A_248 = arith.select %lt3A_237, %add3A_236, %select_n3A_217 : vector<16xi1>, vector<16xf32>
        %select_n3A_249 = arith.select %lt3A_237, %get3A_231, %select_n3A_218 : vector<16xi1>, vector<16xf32>
        %mul3A_250 = arith.constant 256 : i32
        %mul3A_251 = arith.muli %add3A_190, %mul3A_250 : i32
        %add3A_252 = arith.constant 32 : i32
        %add3A_253 = arith.addi %mul3A_251, %add3A_252 : i32
        %get3A_254 = arith.index_cast %add3A_253 : i32 to index
        %get3A_255 = tpu.vector_load %arg11[%get3A_254] {strides = array<i32>} : memref<16384xf32, #tpu.memory_space<vmem>>, vector<16xf32>,
        %get3A_256 = vector.shape_cast %get3A_255 : vector<16xf32> to vector<16xf32>
        %get3A_257 = arith.index_cast %add3A_253 : i32 to index
        %get3A_258 = tpu.vector_load %arg12[%get3A_257] {strides = array<i32>} : memref<16384xf32, #tpu.memory_space<vmem>>, vector<16xf32>,
        %get3A_259 = vector.shape_cast %get3A_258 : vector<16xf32> to vector<16xf32>
        %get3A_260 = arith.index_cast %add3A_253 : i32 to index
        %get3A_261 = tpu.vector_load %arg13[%get3A_260] {strides = array<i32>} : memref<16384xf32, #tpu.memory_space<vmem>>, vector<16xf32>,
        %get3A_262 = vector.shape_cast %get3A_261 : vector<16xf32> to vector<16xf32>
        %sub3A_263 = arith.subf %broadcast_in_dim3A_19, %get3A_256 : vector<16xf32>
        %sub3A_264 = arith.subf %mul3A_28, %get3A_259 : vector<16xf32>
        %mul3A_265 = arith.mulf %sub3A_263, %sub3A_263 : vector<16xf32>
        %mul3A_266 = arith.mulf %sub3A_264, %sub3A_264 : vector<16xf32>
        %add3A_267 = arith.addf %mul3A_265, %mul3A_266 : vector<16xf32>
        %lt3A_268 = arith.cmpf olt, %add3A_267, %select_n3A_248 : vector<16xf32>
        %lt3A_269 = arith.cmpf olt, %add3A_267, %select_n3A_245 : vector<16xf32>
        %lt3A_270 = arith.cmpf olt, %add3A_267, %select_n3A_241 : vector<16xf32>
        %select_n3A_271 = arith.select %lt3A_270, %add3A_267, %select_n3A_241 : vector<16xi1>, vector<16xf32>
        %select_n3A_272 = arith.select %lt3A_269, %select_n3A_245, %select_n3A_271 : vector<16xi1>, vector<16xf32>
        %select_n3A_273 = arith.select %lt3A_270, %get3A_262, %select_n3A_243 : vector<16xi1>, vector<16xf32>
        %select_n3A_274 = arith.select %lt3A_269, %select_n3A_247, %select_n3A_273 : vector<16xi1>, vector<16xf32>
        %select_n3A_275 = arith.select %lt3A_269, %add3A_267, %select_n3A_245 : vector<16xi1>, vector<16xf32>
        %select_n3A_276 = arith.select %lt3A_268, %select_n3A_248, %select_n3A_275 : vector<16xi1>, vector<16xf32>
        %select_n3A_277 = arith.select %lt3A_269, %get3A_262, %select_n3A_247 : vector<16xi1>, vector<16xf32>
        %select_n3A_278 = arith.select %lt3A_268, %select_n3A_249, %select_n3A_277 : vector<16xi1>, vector<16xf32>
        %select_n3A_279 = arith.select %lt3A_268, %add3A_267, %select_n3A_248 : vector<16xi1>, vector<16xf32>
        %select_n3A_280 = arith.select %lt3A_268, %get3A_262, %select_n3A_249 : vector<16xi1>, vector<16xf32>
        %mul3A_281 = arith.constant 256 : i32
        %mul3A_282 = arith.muli %add3A_190, %mul3A_281 : i32
        %add3A_283 = arith.constant 48 : i32
        %add3A_284 = arith.addi %mul3A_282, %add3A_283 : i32
        %get3A_285 = arith.index_cast %add3A_284 : i32 to index
        %get3A_286 = tpu.vector_load %arg11[%get3A_285] {strides = array<i32>} : memref<16384xf32, #tpu.memory_space<vmem>>, vector<16xf32>,
        %get3A_287 = vector.shape_cast %get3A_286 : vector<16xf32> to vector<16xf32>
        %get3A_288 = arith.index_cast %add3A_284 : i32 to index
        %get3A_289 = tpu.vector_load %arg12[%get3A_288] {strides = array<i32>} : memref<16384xf32, #tpu.memory_space<vmem>>, vector<16xf32>,
        %get3A_290 = vector.shape_cast %get3A_289 : vector<16xf32> to vector<16xf32>
        %get3A_291 = arith.index_cast %add3A_284 : i32 to index
        %get3A_292 = tpu.vector_load %arg13[%get3A_291] {strides = array<i32>} : memref<16384xf32, #tpu.memory_space<vmem>>, vector<16xf32>,
        %get3A_293 = vector.shape_cast %get3A_292 : vector<16xf32> to vector<16xf32>
        %sub3A_294 = arith.subf %broadcast_in_dim3A_19, %get3A_287 : vector<16xf32>
        %sub3A_295 = arith.subf %mul3A_28, %get3A_290 : vector<16xf32>
        %mul3A_296 = arith.mulf %sub3A_294, %sub3A_294 : vector<16xf32>
        %mul3A_297 = arith.mulf %sub3A_295, %sub3A_295 : vector<16xf32>
        %add3A_298 = arith.addf %mul3A_296, %mul3A_297 : vector<16xf32>
        %lt3A_299 = arith.cmpf olt, %add3A_298, %select_n3A_279 : vector<16xf32>
        %lt3A_300 = arith.cmpf olt, %add3A_298, %select_n3A_276 : vector<16xf32>
        %lt3A_301 = arith.cmpf olt, %add3A_298, %select_n3A_272 : vector<16xf32>
        %select_n3A_302 = arith.select %lt3A_301, %add3A_298, %select_n3A_272 : vector<16xi1>, vector<16xf32>
        %select_n3A_303 = arith.select %lt3A_300, %select_n3A_276, %select_n3A_302 : vector<16xi1>, vector<16xf32>
        %select_n3A_304 = arith.select %lt3A_301, %get3A_293, %select_n3A_274 : vector<16xi1>, vector<16xf32>
        %select_n3A_305 = arith.select %lt3A_300, %select_n3A_278, %select_n3A_304 : vector<16xi1>, vector<16xf32>
        %select_n3A_306 = arith.select %lt3A_300, %add3A_298, %select_n3A_276 : vector<16xi1>, vector<16xf32>
        %select_n3A_307 = arith.select %lt3A_299, %select_n3A_279, %select_n3A_306 : vector<16xi1>, vector<16xf32>
        %select_n3A_308 = arith.select %lt3A_300, %get3A_293, %select_n3A_278 : vector<16xi1>, vector<16xf32>
        %select_n3A_309 = arith.select %lt3A_299, %select_n3A_280, %select_n3A_308 : vector<16xi1>, vector<16xf32>
        %select_n3A_310 = arith.select %lt3A_299, %add3A_298, %select_n3A_279 : vector<16xi1>, vector<16xf32>
        %select_n3A_311 = arith.select %lt3A_299, %get3A_293, %select_n3A_280 : vector<16xi1>, vector<16xf32>
        %mul3A_312 = arith.constant 256 : i32
        %mul3A_313 = arith.muli %add3A_190, %mul3A_312 : i32
        %add3A_314 = arith.constant 64 : i32
        %add3A_315 = arith.addi %mul3A_313, %add3A_314 : i32
        %get3A_316 = arith.index_cast %add3A_315 : i32 to index
        %get3A_317 = tpu.vector_load %arg11[%get3A_316] {strides = array<i32>} : memref<16384xf32, #tpu.memory_space<vmem>>, vector<16xf32>,
        %get3A_318 = vector.shape_cast %get3A_317 : vector<16xf32> to vector<16xf32>
        %get3A_319 = arith.index_cast %add3A_315 : i32 to index
        %get3A_320 = tpu.vector_load %arg12[%get3A_319] {strides = array<i32>} : memref<16384xf32, #tpu.memory_space<vmem>>, vector<16xf32>,
        %get3A_321 = vector.shape_cast %get3A_320 : vector<16xf32> to vector<16xf32>
        %get3A_322 = arith.index_cast %add3A_315 : i32 to index
        %get3A_323 = tpu.vector_load %arg13[%get3A_322] {strides = array<i32>} : memref<16384xf32, #tpu.memory_space<vmem>>, vector<16xf32>,
        %get3A_324 = vector.shape_cast %get3A_323 : vector<16xf32> to vector<16xf32>
        %sub3A_325 = arith.subf %broadcast_in_dim3A_19, %get3A_318 : vector<16xf32>
        %sub3A_326 = arith.subf %mul3A_28, %get3A_321 : vector<16xf32>
        %mul3A_327 = arith.mulf %sub3A_325, %sub3A_325 : vector<16xf32>
        %mul3A_328 = arith.mulf %sub3A_326, %sub3A_326 : vector<16xf32>
        %add3A_329 = arith.addf %mul3A_327, %mul3A_328 : vector<16xf32>
        %lt3A_330 = arith.cmpf olt, %add3A_329, %select_n3A_310 : vector<16xf32>
        %lt3A_331 = arith.cmpf olt, %add3A_329, %select_n3A_307 : vector<16xf32>
        %lt3A_332 = arith.cmpf olt, %add3A_329, %select_n3A_303 : vector<16xf32>
        %select_n3A_333 = arith.select %lt3A_332, %add3A_329, %select_n3A_303 : vector<16xi1>, vector<16xf32>
        %select_n3A_334 = arith.select %lt3A_331, %select_n3A_307, %select_n3A_333 : vector<16xi1>, vector<16xf32>
        %select_n3A_335 = arith.select %lt3A_332, %get3A_324, %select_n3A_305 : vector<16xi1>, vector<16xf32>
        %select_n3A_336 = arith.select %lt3A_331, %select_n3A_309, %select_n3A_335 : vector<16xi1>, vector<16xf32>
        %select_n3A_337 = arith.select %lt3A_331, %add3A_329, %select_n3A_307 : vector<16xi1>, vector<16xf32>
        %select_n3A_338 = arith.select %lt3A_330, %select_n3A_310, %select_n3A_337 : vector<16xi1>, vector<16xf32>
        %select_n3A_339 = arith.select %lt3A_331, %get3A_324, %select_n3A_309 : vector<16xi1>, vector<16xf32>
        %select_n3A_340 = arith.select %lt3A_330, %select_n3A_311, %select_n3A_339 : vector<16xi1>, vector<16xf32>
        %select_n3A_341 = arith.select %lt3A_330, %add3A_329, %select_n3A_310 : vector<16xi1>, vector<16xf32>
        %select_n3A_342 = arith.select %lt3A_330, %get3A_324, %select_n3A_311 : vector<16xi1>, vector<16xf32>
        %mul3A_343 = arith.constant 256 : i32
        %mul3A_344 = arith.muli %add3A_190, %mul3A_343 : i32
        %add3A_345 = arith.constant 80 : i32
        %add3A_346 = arith.addi %mul3A_344, %add3A_345 : i32
        %get3A_347 = arith.index_cast %add3A_346 : i32 to index
        %get3A_348 = tpu.vector_load %arg11[%get3A_347] {strides = array<i32>} : memref<16384xf32, #tpu.memory_space<vmem>>, vector<16xf32>,
        %get3A_349 = vector.shape_cast %get3A_348 : vector<16xf32> to vector<16xf32>
        %get3A_350 = arith.index_cast %add3A_346 : i32 to index
        %get3A_351 = tpu.vector_load %arg12[%get3A_350] {strides = array<i32>} : memref<16384xf32, #tpu.memory_space<vmem>>, vector<16xf32>,
        %get3A_352 = vector.shape_cast %get3A_351 : vector<16xf32> to vector<16xf32>
        %get3A_353 = arith.index_cast %add3A_346 : i32 to index
        %get3A_354 = tpu.vector_load %arg13[%get3A_353] {strides = array<i32>} : memref<16384xf32, #tpu.memory_space<vmem>>, vector<16xf32>,
        %get3A_355 = vector.shape_cast %get3A_354 : vector<16xf32> to vector<16xf32>
        %sub3A_356 = arith.subf %broadcast_in_dim3A_19, %get3A_349 : vector<16xf32>
        %sub3A_357 = arith.subf %mul3A_28, %get3A_352 : vector<16xf32>
        %mul3A_358 = arith.mulf %sub3A_356, %sub3A_356 : vector<16xf32>
        %mul3A_359 = arith.mulf %sub3A_357, %sub3A_357 : vector<16xf32>
        %add3A_360 = arith.addf %mul3A_358, %mul3A_359 : vector<16xf32>
        %lt3A_361 = arith.cmpf olt, %add3A_360, %select_n3A_341 : vector<16xf32>
        %lt3A_362 = arith.cmpf olt, %add3A_360, %select_n3A_338 : vector<16xf32>
        %lt3A_363 = arith.cmpf olt, %add3A_360, %select_n3A_334 : vector<16xf32>
        %select_n3A_364 = arith.select %lt3A_363, %add3A_360, %select_n3A_334 : vector<16xi1>, vector<16xf32>
        %select_n3A_365 = arith.select %lt3A_362, %select_n3A_338, %select_n3A_364 : vector<16xi1>, vector<16xf32>
        %select_n3A_366 = arith.select %lt3A_363, %get3A_355, %select_n3A_336 : vector<16xi1>, vector<16xf32>
        %select_n3A_367 = arith.select %lt3A_362, %select_n3A_340, %select_n3A_366 : vector<16xi1>, vector<16xf32>
        %select_n3A_368 = arith.select %lt3A_362, %add3A_360, %select_n3A_338 : vector<16xi1>, vector<16xf32>
        %select_n3A_369 = arith.select %lt3A_361, %select_n3A_341, %select_n3A_368 : vector<16xi1>, vector<16xf32>
        %select_n3A_370 = arith.select %lt3A_362, %get3A_355, %select_n3A_340 : vector<16xi1>, vector<16xf32>
        %select_n3A_371 = arith.select %lt3A_361, %select_n3A_342, %select_n3A_370 : vector<16xi1>, vector<16xf32>
        %select_n3A_372 = arith.select %lt3A_361, %add3A_360, %select_n3A_341 : vector<16xi1>, vector<16xf32>
        %select_n3A_373 = arith.select %lt3A_361, %get3A_355, %select_n3A_342 : vector<16xi1>, vector<16xf32>
        %mul3A_374 = arith.constant 256 : i32
        %mul3A_375 = arith.muli %add3A_190, %mul3A_374 : i32
        %add3A_376 = arith.constant 96 : i32
        %add3A_377 = arith.addi %mul3A_375, %add3A_376 : i32
        %get3A_378 = arith.index_cast %add3A_377 : i32 to index
        %get3A_379 = tpu.vector_load %arg11[%get3A_378] {strides = array<i32>} : memref<16384xf32, #tpu.memory_space<vmem>>, vector<16xf32>,
        %get3A_380 = vector.shape_cast %get3A_379 : vector<16xf32> to vector<16xf32>
        %get3A_381 = arith.index_cast %add3A_377 : i32 to index
        %get3A_382 = tpu.vector_load %arg12[%get3A_381] {strides = array<i32>} : memref<16384xf32, #tpu.memory_space<vmem>>, vector<16xf32>,
        %get3A_383 = vector.shape_cast %get3A_382 : vector<16xf32> to vector<16xf32>
        %get3A_384 = arith.index_cast %add3A_377 : i32 to index
        %get3A_385 = tpu.vector_load %arg13[%get3A_384] {strides = array<i32>} : memref<16384xf32, #tpu.memory_space<vmem>>, vector<16xf32>,
        %get3A_386 = vector.shape_cast %get3A_385 : vector<16xf32> to vector<16xf32>
        %sub3A_387 = arith.subf %broadcast_in_dim3A_19, %get3A_380 : vector<16xf32>
        %sub3A_388 = arith.subf %mul3A_28, %get3A_383 : vector<16xf32>
        %mul3A_389 = arith.mulf %sub3A_387, %sub3A_387 : vector<16xf32>
        %mul3A_390 = arith.mulf %sub3A_388, %sub3A_388 : vector<16xf32>
        %add3A_391 = arith.addf %mul3A_389, %mul3A_390 : vector<16xf32>
        %lt3A_392 = arith.cmpf olt, %add3A_391, %select_n3A_372 : vector<16xf32>
        %lt3A_393 = arith.cmpf olt, %add3A_391, %select_n3A_369 : vector<16xf32>
        %lt3A_394 = arith.cmpf olt, %add3A_391, %select_n3A_365 : vector<16xf32>
        %select_n3A_395 = arith.select %lt3A_394, %add3A_391, %select_n3A_365 : vector<16xi1>, vector<16xf32>
        %select_n3A_396 = arith.select %lt3A_393, %select_n3A_369, %select_n3A_395 : vector<16xi1>, vector<16xf32>
        %select_n3A_397 = arith.select %lt3A_394, %get3A_386, %select_n3A_367 : vector<16xi1>, vector<16xf32>
        %select_n3A_398 = arith.select %lt3A_393, %select_n3A_371, %select_n3A_397 : vector<16xi1>, vector<16xf32>
        %select_n3A_399 = arith.select %lt3A_393, %add3A_391, %select_n3A_369 : vector<16xi1>, vector<16xf32>
        %select_n3A_400 = arith.select %lt3A_392, %select_n3A_372, %select_n3A_399 : vector<16xi1>, vector<16xf32>
        %select_n3A_401 = arith.select %lt3A_393, %get3A_386, %select_n3A_371 : vector<16xi1>, vector<16xf32>
        %select_n3A_402 = arith.select %lt3A_392, %select_n3A_373, %select_n3A_401 : vector<16xi1>, vector<16xf32>
        %select_n3A_403 = arith.select %lt3A_392, %add3A_391, %select_n3A_372 : vector<16xi1>, vector<16xf32>
        %select_n3A_404 = arith.select %lt3A_392, %get3A_386, %select_n3A_373 : vector<16xi1>, vector<16xf32>
        %mul3A_405 = arith.constant 256 : i32
        %mul3A_406 = arith.muli %add3A_190, %mul3A_405 : i32
        %add3A_407 = arith.constant 112 : i32
        %add3A_408 = arith.addi %mul3A_406, %add3A_407 : i32
        %get3A_409 = arith.index_cast %add3A_408 : i32 to index
        %get3A_410 = tpu.vector_load %arg11[%get3A_409] {strides = array<i32>} : memref<16384xf32, #tpu.memory_space<vmem>>, vector<16xf32>,
        %get3A_411 = vector.shape_cast %get3A_410 : vector<16xf32> to vector<16xf32>
        %get3A_412 = arith.index_cast %add3A_408 : i32 to index
        %get3A_413 = tpu.vector_load %arg12[%get3A_412] {strides = array<i32>} : memref<16384xf32, #tpu.memory_space<vmem>>, vector<16xf32>,
        %get3A_414 = vector.shape_cast %get3A_413 : vector<16xf32> to vector<16xf32>
        %get3A_415 = arith.index_cast %add3A_408 : i32 to index
        %get3A_416 = tpu.vector_load %arg13[%get3A_415] {strides = array<i32>} : memref<16384xf32, #tpu.memory_space<vmem>>, vector<16xf32>,
        %get3A_417 = vector.shape_cast %get3A_416 : vector<16xf32> to vector<16xf32>
        %sub3A_418 = arith.subf %broadcast_in_dim3A_19, %get3A_411 : vector<16xf32>
        %sub3A_419 = arith.subf %mul3A_28, %get3A_414 : vector<16xf32>
        %mul3A_420 = arith.mulf %sub3A_418, %sub3A_418 : vector<16xf32>
        %mul3A_421 = arith.mulf %sub3A_419, %sub3A_419 : vector<16xf32>
        %add3A_422 = arith.addf %mul3A_420, %mul3A_421 : vector<16xf32>
        %lt3A_423 = arith.cmpf olt, %add3A_422, %select_n3A_403 : vector<16xf32>
        %lt3A_424 = arith.cmpf olt, %add3A_422, %select_n3A_400 : vector<16xf32>
        %lt3A_425 = arith.cmpf olt, %add3A_422, %select_n3A_396 : vector<16xf32>
        %select_n3A_426 = arith.select %lt3A_425, %add3A_422, %select_n3A_396 : vector<16xi1>, vector<16xf32>
        %select_n3A_427 = arith.select %lt3A_424, %select_n3A_400, %select_n3A_426 : vector<16xi1>, vector<16xf32>
        %select_n3A_428 = arith.select %lt3A_425, %get3A_417, %select_n3A_398 : vector<16xi1>, vector<16xf32>
        %select_n3A_429 = arith.select %lt3A_424, %select_n3A_402, %select_n3A_428 : vector<16xi1>, vector<16xf32>
        %select_n3A_430 = arith.select %lt3A_424, %add3A_422, %select_n3A_400 : vector<16xi1>, vector<16xf32>
        %select_n3A_431 = arith.select %lt3A_423, %select_n3A_403, %select_n3A_430 : vector<16xi1>, vector<16xf32>
        %select_n3A_432 = arith.select %lt3A_424, %get3A_417, %select_n3A_402 : vector<16xi1>, vector<16xf32>
        %select_n3A_433 = arith.select %lt3A_423, %select_n3A_404, %select_n3A_432 : vector<16xi1>, vector<16xf32>
        %select_n3A_434 = arith.select %lt3A_423, %add3A_422, %select_n3A_403 : vector<16xi1>, vector<16xf32>
        %select_n3A_435 = arith.select %lt3A_423, %get3A_417, %select_n3A_404 : vector<16xi1>, vector<16xf32>
        %mul3A_436 = arith.constant 256 : i32
        %mul3A_437 = arith.muli %add3A_190, %mul3A_436 : i32
        %add3A_438 = arith.constant 128 : i32
        %add3A_439 = arith.addi %mul3A_437, %add3A_438 : i32
        %get3A_440 = arith.index_cast %add3A_439 : i32 to index
        %get3A_441 = tpu.vector_load %arg11[%get3A_440] {strides = array<i32>} : memref<16384xf32, #tpu.memory_space<vmem>>, vector<16xf32>,
        %get3A_442 = vector.shape_cast %get3A_441 : vector<16xf32> to vector<16xf32>
        %get3A_443 = arith.index_cast %add3A_439 : i32 to index
        %get3A_444 = tpu.vector_load %arg12[%get3A_443] {strides = array<i32>} : memref<16384xf32, #tpu.memory_space<vmem>>, vector<16xf32>,
        %get3A_445 = vector.shape_cast %get3A_444 : vector<16xf32> to vector<16xf32>
        %get3A_446 = arith.index_cast %add3A_439 : i32 to index
        %get3A_447 = tpu.vector_load %arg13[%get3A_446] {strides = array<i32>} : memref<16384xf32, #tpu.memory_space<vmem>>, vector<16xf32>,
        %get3A_448 = vector.shape_cast %get3A_447 : vector<16xf32> to vector<16xf32>
        %sub3A_449 = arith.subf %broadcast_in_dim3A_19, %get3A_442 : vector<16xf32>
        %sub3A_450 = arith.subf %mul3A_28, %get3A_445 : vector<16xf32>
        %mul3A_451 = arith.mulf %sub3A_449, %sub3A_449 : vector<16xf32>
        %mul3A_452 = arith.mulf %sub3A_450, %sub3A_450 : vector<16xf32>
        %add3A_453 = arith.addf %mul3A_451, %mul3A_452 : vector<16xf32>
        %lt3A_454 = arith.cmpf olt, %add3A_453, %select_n3A_434 : vector<16xf32>
        %lt3A_455 = arith.cmpf olt, %add3A_453, %select_n3A_431 : vector<16xf32>
        %lt3A_456 = arith.cmpf olt, %add3A_453, %select_n3A_427 : vector<16xf32>
        %select_n3A_457 = arith.select %lt3A_456, %add3A_453, %select_n3A_427 : vector<16xi1>, vector<16xf32>
        %select_n3A_458 = arith.select %lt3A_455, %select_n3A_431, %select_n3A_457 : vector<16xi1>, vector<16xf32>
        %select_n3A_459 = arith.select %lt3A_456, %get3A_448, %select_n3A_429 : vector<16xi1>, vector<16xf32>
        %select_n3A_460 = arith.select %lt3A_455, %select_n3A_433, %select_n3A_459 : vector<16xi1>, vector<16xf32>
        %select_n3A_461 = arith.select %lt3A_455, %add3A_453, %select_n3A_431 : vector<16xi1>, vector<16xf32>
        %select_n3A_462 = arith.select %lt3A_454, %select_n3A_434, %select_n3A_461 : vector<16xi1>, vector<16xf32>
        %select_n3A_463 = arith.select %lt3A_455, %get3A_448, %select_n3A_433 : vector<16xi1>, vector<16xf32>
        %select_n3A_464 = arith.select %lt3A_454, %select_n3A_435, %select_n3A_463 : vector<16xi1>, vector<16xf32>
        %select_n3A_465 = arith.select %lt3A_454, %add3A_453, %select_n3A_434 : vector<16xi1>, vector<16xf32>
        %select_n3A_466 = arith.select %lt3A_454, %get3A_448, %select_n3A_435 : vector<16xi1>, vector<16xf32>
        %mul3A_467 = arith.constant 256 : i32
        %mul3A_468 = arith.muli %add3A_190, %mul3A_467 : i32
        %add3A_469 = arith.constant 144 : i32
        %add3A_470 = arith.addi %mul3A_468, %add3A_469 : i32
        %get3A_471 = arith.index_cast %add3A_470 : i32 to index
        %get3A_472 = tpu.vector_load %arg11[%get3A_471] {strides = array<i32>} : memref<16384xf32, #tpu.memory_space<vmem>>, vector<16xf32>,
        %get3A_473 = vector.shape_cast %get3A_472 : vector<16xf32> to vector<16xf32>
        %get3A_474 = arith.index_cast %add3A_470 : i32 to index
        %get3A_475 = tpu.vector_load %arg12[%get3A_474] {strides = array<i32>} : memref<16384xf32, #tpu.memory_space<vmem>>, vector<16xf32>,
        %get3A_476 = vector.shape_cast %get3A_475 : vector<16xf32> to vector<16xf32>
        %get3A_477 = arith.index_cast %add3A_470 : i32 to index
        %get3A_478 = tpu.vector_load %arg13[%get3A_477] {strides = array<i32>} : memref<16384xf32, #tpu.memory_space<vmem>>, vector<16xf32>,
        %get3A_479 = vector.shape_cast %get3A_478 : vector<16xf32> to vector<16xf32>
        %sub3A_480 = arith.subf %broadcast_in_dim3A_19, %get3A_473 : vector<16xf32>
        %sub3A_481 = arith.subf %mul3A_28, %get3A_476 : vector<16xf32>
        %mul3A_482 = arith.mulf %sub3A_480, %sub3A_480 : vector<16xf32>
        %mul3A_483 = arith.mulf %sub3A_481, %sub3A_481 : vector<16xf32>
        %add3A_484 = arith.addf %mul3A_482, %mul3A_483 : vector<16xf32>
        %lt3A_485 = arith.cmpf olt, %add3A_484, %select_n3A_465 : vector<16xf32>
        %lt3A_486 = arith.cmpf olt, %add3A_484, %select_n3A_462 : vector<16xf32>
        %lt3A_487 = arith.cmpf olt, %add3A_484, %select_n3A_458 : vector<16xf32>
        %select_n3A_488 = arith.select %lt3A_487, %add3A_484, %select_n3A_458 : vector<16xi1>, vector<16xf32>
        %select_n3A_489 = arith.select %lt3A_486, %select_n3A_462, %select_n3A_488 : vector<16xi1>, vector<16xf32>
        %select_n3A_490 = arith.select %lt3A_487, %get3A_479, %select_n3A_460 : vector<16xi1>, vector<16xf32>
        %select_n3A_491 = arith.select %lt3A_486, %select_n3A_464, %select_n3A_490 : vector<16xi1>, vector<16xf32>
        %select_n3A_492 = arith.select %lt3A_486, %add3A_484, %select_n3A_462 : vector<16xi1>, vector<16xf32>
        %select_n3A_493 = arith.select %lt3A_485, %select_n3A_465, %select_n3A_492 : vector<16xi1>, vector<16xf32>
        %select_n3A_494 = arith.select %lt3A_486, %get3A_479, %select_n3A_464 : vector<16xi1>, vector<16xf32>
        %select_n3A_495 = arith.select %lt3A_485, %select_n3A_466, %select_n3A_494 : vector<16xi1>, vector<16xf32>
        %select_n3A_496 = arith.select %lt3A_485, %add3A_484, %select_n3A_465 : vector<16xi1>, vector<16xf32>
        %select_n3A_497 = arith.select %lt3A_485, %get3A_479, %select_n3A_466 : vector<16xi1>, vector<16xf32>
        %mul3A_498 = arith.constant 256 : i32
        %mul3A_499 = arith.muli %add3A_190, %mul3A_498 : i32
        %add3A_500 = arith.constant 160 : i32
        %add3A_501 = arith.addi %mul3A_499, %add3A_500 : i32
        %get3A_502 = arith.index_cast %add3A_501 : i32 to index
        %get3A_503 = tpu.vector_load %arg11[%get3A_502] {strides = array<i32>} : memref<16384xf32, #tpu.memory_space<vmem>>, vector<16xf32>,
        %get3A_504 = vector.shape_cast %get3A_503 : vector<16xf32> to vector<16xf32>
        %get3A_505 = arith.index_cast %add3A_501 : i32 to index
        %get3A_506 = tpu.vector_load %arg12[%get3A_505] {strides = array<i32>} : memref<16384xf32, #tpu.memory_space<vmem>>, vector<16xf32>,
        %get3A_507 = vector.shape_cast %get3A_506 : vector<16xf32> to vector<16xf32>
        %get3A_508 = arith.index_cast %add3A_501 : i32 to index
        %get3A_509 = tpu.vector_load %arg13[%get3A_508] {strides = array<i32>} : memref<16384xf32, #tpu.memory_space<vmem>>, vector<16xf32>,
        %get3A_510 = vector.shape_cast %get3A_509 : vector<16xf32> to vector<16xf32>
        %sub3A_511 = arith.subf %broadcast_in_dim3A_19, %get3A_504 : vector<16xf32>
        %sub3A_512 = arith.subf %mul3A_28, %get3A_507 : vector<16xf32>
        %mul3A_513 = arith.mulf %sub3A_511, %sub3A_511 : vector<16xf32>
        %mul3A_514 = arith.mulf %sub3A_512, %sub3A_512 : vector<16xf32>
        %add3A_515 = arith.addf %mul3A_513, %mul3A_514 : vector<16xf32>
        %lt3A_516 = arith.cmpf olt, %add3A_515, %select_n3A_496 : vector<16xf32>
        %lt3A_517 = arith.cmpf olt, %add3A_515, %select_n3A_493 : vector<16xf32>
        %lt3A_518 = arith.cmpf olt, %add3A_515, %select_n3A_489 : vector<16xf32>
        %select_n3A_519 = arith.select %lt3A_518, %add3A_515, %select_n3A_489 : vector<16xi1>, vector<16xf32>
        %select_n3A_520 = arith.select %lt3A_517, %select_n3A_493, %select_n3A_519 : vector<16xi1>, vector<16xf32>
        %select_n3A_521 = arith.select %lt3A_518, %get3A_510, %select_n3A_491 : vector<16xi1>, vector<16xf32>
        %select_n3A_522 = arith.select %lt3A_517, %select_n3A_495, %select_n3A_521 : vector<16xi1>, vector<16xf32>
        %select_n3A_523 = arith.select %lt3A_517, %add3A_515, %select_n3A_493 : vector<16xi1>, vector<16xf32>
        %select_n3A_524 = arith.select %lt3A_516, %select_n3A_496, %select_n3A_523 : vector<16xi1>, vector<16xf32>
        %select_n3A_525 = arith.select %lt3A_517, %get3A_510, %select_n3A_495 : vector<16xi1>, vector<16xf32>
        %select_n3A_526 = arith.select %lt3A_516, %select_n3A_497, %select_n3A_525 : vector<16xi1>, vector<16xf32>
        %select_n3A_527 = arith.select %lt3A_516, %add3A_515, %select_n3A_496 : vector<16xi1>, vector<16xf32>
        %select_n3A_528 = arith.select %lt3A_516, %get3A_510, %select_n3A_497 : vector<16xi1>, vector<16xf32>
        %mul3A_529 = arith.constant 256 : i32
        %mul3A_530 = arith.muli %add3A_190, %mul3A_529 : i32
        %add3A_531 = arith.constant 176 : i32
        %add3A_532 = arith.addi %mul3A_530, %add3A_531 : i32
        %get3A_533 = arith.index_cast %add3A_532 : i32 to index
        %get3A_534 = tpu.vector_load %arg11[%get3A_533] {strides = array<i32>} : memref<16384xf32, #tpu.memory_space<vmem>>, vector<16xf32>,
        %get3A_535 = vector.shape_cast %get3A_534 : vector<16xf32> to vector<16xf32>
        %get3A_536 = arith.index_cast %add3A_532 : i32 to index
        %get3A_537 = tpu.vector_load %arg12[%get3A_536] {strides = array<i32>} : memref<16384xf32, #tpu.memory_space<vmem>>, vector<16xf32>,
        %get3A_538 = vector.shape_cast %get3A_537 : vector<16xf32> to vector<16xf32>
        %get3A_539 = arith.index_cast %add3A_532 : i32 to index
        %get3A_540 = tpu.vector_load %arg13[%get3A_539] {strides = array<i32>} : memref<16384xf32, #tpu.memory_space<vmem>>, vector<16xf32>,
        %get3A_541 = vector.shape_cast %get3A_540 : vector<16xf32> to vector<16xf32>
        %sub3A_542 = arith.subf %broadcast_in_dim3A_19, %get3A_535 : vector<16xf32>
        %sub3A_543 = arith.subf %mul3A_28, %get3A_538 : vector<16xf32>
        %mul3A_544 = arith.mulf %sub3A_542, %sub3A_542 : vector<16xf32>
        %mul3A_545 = arith.mulf %sub3A_543, %sub3A_543 : vector<16xf32>
        %add3A_546 = arith.addf %mul3A_544, %mul3A_545 : vector<16xf32>
        %lt3A_547 = arith.cmpf olt, %add3A_546, %select_n3A_527 : vector<16xf32>
        %lt3A_548 = arith.cmpf olt, %add3A_546, %select_n3A_524 : vector<16xf32>
        %lt3A_549 = arith.cmpf olt, %add3A_546, %select_n3A_520 : vector<16xf32>
        %select_n3A_550 = arith.select %lt3A_549, %add3A_546, %select_n3A_520 : vector<16xi1>, vector<16xf32>
        %select_n3A_551 = arith.select %lt3A_548, %select_n3A_524, %select_n3A_550 : vector<16xi1>, vector<16xf32>
        %select_n3A_552 = arith.select %lt3A_549, %get3A_541, %select_n3A_522 : vector<16xi1>, vector<16xf32>
        %select_n3A_553 = arith.select %lt3A_548, %select_n3A_526, %select_n3A_552 : vector<16xi1>, vector<16xf32>
        %select_n3A_554 = arith.select %lt3A_548, %add3A_546, %select_n3A_524 : vector<16xi1>, vector<16xf32>
        %select_n3A_555 = arith.select %lt3A_547, %select_n3A_527, %select_n3A_554 : vector<16xi1>, vector<16xf32>
        %select_n3A_556 = arith.select %lt3A_548, %get3A_541, %select_n3A_526 : vector<16xi1>, vector<16xf32>
        %select_n3A_557 = arith.select %lt3A_547, %select_n3A_528, %select_n3A_556 : vector<16xi1>, vector<16xf32>
        %select_n3A_558 = arith.select %lt3A_547, %add3A_546, %select_n3A_527 : vector<16xi1>, vector<16xf32>
        %select_n3A_559 = arith.select %lt3A_547, %get3A_541, %select_n3A_528 : vector<16xi1>, vector<16xf32>
        %mul3A_560 = arith.constant 256 : i32
        %mul3A_561 = arith.muli %add3A_190, %mul3A_560 : i32
        %add3A_562 = arith.constant 192 : i32
        %add3A_563 = arith.addi %mul3A_561, %add3A_562 : i32
        %get3A_564 = arith.index_cast %add3A_563 : i32 to index
        %get3A_565 = tpu.vector_load %arg11[%get3A_564] {strides = array<i32>} : memref<16384xf32, #tpu.memory_space<vmem>>, vector<16xf32>,
        %get3A_566 = vector.shape_cast %get3A_565 : vector<16xf32> to vector<16xf32>
        %get3A_567 = arith.index_cast %add3A_563 : i32 to index
        %get3A_568 = tpu.vector_load %arg12[%get3A_567] {strides = array<i32>} : memref<16384xf32, #tpu.memory_space<vmem>>, vector<16xf32>,
        %get3A_569 = vector.shape_cast %get3A_568 : vector<16xf32> to vector<16xf32>
        %get3A_570 = arith.index_cast %add3A_563 : i32 to index
        %get3A_571 = tpu.vector_load %arg13[%get3A_570] {strides = array<i32>} : memref<16384xf32, #tpu.memory_space<vmem>>, vector<16xf32>,
        %get3A_572 = vector.shape_cast %get3A_571 : vector<16xf32> to vector<16xf32>
        %sub3A_573 = arith.subf %broadcast_in_dim3A_19, %get3A_566 : vector<16xf32>
        %sub3A_574 = arith.subf %mul3A_28, %get3A_569 : vector<16xf32>
        %mul3A_575 = arith.mulf %sub3A_573, %sub3A_573 : vector<16xf32>
        %mul3A_576 = arith.mulf %sub3A_574, %sub3A_574 : vector<16xf32>
        %add3A_577 = arith.addf %mul3A_575, %mul3A_576 : vector<16xf32>
        %lt3A_578 = arith.cmpf olt, %add3A_577, %select_n3A_558 : vector<16xf32>
        %lt3A_579 = arith.cmpf olt, %add3A_577, %select_n3A_555 : vector<16xf32>
        %lt3A_580 = arith.cmpf olt, %add3A_577, %select_n3A_551 : vector<16xf32>
        %select_n3A_581 = arith.select %lt3A_580, %add3A_577, %select_n3A_551 : vector<16xi1>, vector<16xf32>
        %select_n3A_582 = arith.select %lt3A_579, %select_n3A_555, %select_n3A_581 : vector<16xi1>, vector<16xf32>
        %select_n3A_583 = arith.select %lt3A_580, %get3A_572, %select_n3A_553 : vector<16xi1>, vector<16xf32>
        %select_n3A_584 = arith.select %lt3A_579, %select_n3A_557, %select_n3A_583 : vector<16xi1>, vector<16xf32>
        %select_n3A_585 = arith.select %lt3A_579, %add3A_577, %select_n3A_555 : vector<16xi1>, vector<16xf32>
        %select_n3A_586 = arith.select %lt3A_578, %select_n3A_558, %select_n3A_585 : vector<16xi1>, vector<16xf32>
        %select_n3A_587 = arith.select %lt3A_579, %get3A_572, %select_n3A_557 : vector<16xi1>, vector<16xf32>
        %select_n3A_588 = arith.select %lt3A_578, %select_n3A_559, %select_n3A_587 : vector<16xi1>, vector<16xf32>
        %select_n3A_589 = arith.select %lt3A_578, %add3A_577, %select_n3A_558 : vector<16xi1>, vector<16xf32>
        %select_n3A_590 = arith.select %lt3A_578, %get3A_572, %select_n3A_559 : vector<16xi1>, vector<16xf32>
        %mul3A_591 = arith.constant 256 : i32
        %mul3A_592 = arith.muli %add3A_190, %mul3A_591 : i32
        %add3A_593 = arith.constant 208 : i32
        %add3A_594 = arith.addi %mul3A_592, %add3A_593 : i32
        %get3A_595 = arith.index_cast %add3A_594 : i32 to index
        %get3A_596 = tpu.vector_load %arg11[%get3A_595] {strides = array<i32>} : memref<16384xf32, #tpu.memory_space<vmem>>, vector<16xf32>,
        %get3A_597 = vector.shape_cast %get3A_596 : vector<16xf32> to vector<16xf32>
        %get3A_598 = arith.index_cast %add3A_594 : i32 to index
        %get3A_599 = tpu.vector_load %arg12[%get3A_598] {strides = array<i32>} : memref<16384xf32, #tpu.memory_space<vmem>>, vector<16xf32>,
        %get3A_600 = vector.shape_cast %get3A_599 : vector<16xf32> to vector<16xf32>
        %get3A_601 = arith.index_cast %add3A_594 : i32 to index
        %get3A_602 = tpu.vector_load %arg13[%get3A_601] {strides = array<i32>} : memref<16384xf32, #tpu.memory_space<vmem>>, vector<16xf32>,
        %get3A_603 = vector.shape_cast %get3A_602 : vector<16xf32> to vector<16xf32>
        %sub3A_604 = arith.subf %broadcast_in_dim3A_19, %get3A_597 : vector<16xf32>
        %sub3A_605 = arith.subf %mul3A_28, %get3A_600 : vector<16xf32>
        %mul3A_606 = arith.mulf %sub3A_604, %sub3A_604 : vector<16xf32>
        %mul3A_607 = arith.mulf %sub3A_605, %sub3A_605 : vector<16xf32>
        %add3A_608 = arith.addf %mul3A_606, %mul3A_607 : vector<16xf32>
        %lt3A_609 = arith.cmpf olt, %add3A_608, %select_n3A_589 : vector<16xf32>
        %lt3A_610 = arith.cmpf olt, %add3A_608, %select_n3A_586 : vector<16xf32>
        %lt3A_611 = arith.cmpf olt, %add3A_608, %select_n3A_582 : vector<16xf32>
        %select_n3A_612 = arith.select %lt3A_611, %add3A_608, %select_n3A_582 : vector<16xi1>, vector<16xf32>
        %select_n3A_613 = arith.select %lt3A_610, %select_n3A_586, %select_n3A_612 : vector<16xi1>, vector<16xf32>
        %select_n3A_614 = arith.select %lt3A_611, %get3A_603, %select_n3A_584 : vector<16xi1>, vector<16xf32>
        %select_n3A_615 = arith.select %lt3A_610, %select_n3A_588, %select_n3A_614 : vector<16xi1>, vector<16xf32>
        %select_n3A_616 = arith.select %lt3A_610, %add3A_608, %select_n3A_586 : vector<16xi1>, vector<16xf32>
        %select_n3A_617 = arith.select %lt3A_609, %select_n3A_589, %select_n3A_616 : vector<16xi1>, vector<16xf32>
        %select_n3A_618 = arith.select %lt3A_610, %get3A_603, %select_n3A_588 : vector<16xi1>, vector<16xf32>
        %select_n3A_619 = arith.select %lt3A_609, %select_n3A_590, %select_n3A_618 : vector<16xi1>, vector<16xf32>
        %select_n3A_620 = arith.select %lt3A_609, %add3A_608, %select_n3A_589 : vector<16xi1>, vector<16xf32>
        %select_n3A_621 = arith.select %lt3A_609, %get3A_603, %select_n3A_590 : vector<16xi1>, vector<16xf32>
        %mul3A_622 = arith.constant 256 : i32
        %mul3A_623 = arith.muli %add3A_190, %mul3A_622 : i32
        %add3A_624 = arith.constant 224 : i32
        %add3A_625 = arith.addi %mul3A_623, %add3A_624 : i32
        %get3A_626 = arith.index_cast %add3A_625 : i32 to index
        %get3A_627 = tpu.vector_load %arg11[%get3A_626] {strides = array<i32>} : memref<16384xf32, #tpu.memory_space<vmem>>, vector<16xf32>,
        %get3A_628 = vector.shape_cast %get3A_627 : vector<16xf32> to vector<16xf32>
        %get3A_629 = arith.index_cast %add3A_625 : i32 to index
        %get3A_630 = tpu.vector_load %arg12[%get3A_629] {strides = array<i32>} : memref<16384xf32, #tpu.memory_space<vmem>>, vector<16xf32>,
        %get3A_631 = vector.shape_cast %get3A_630 : vector<16xf32> to vector<16xf32>
        %get3A_632 = arith.index_cast %add3A_625 : i32 to index
        %get3A_633 = tpu.vector_load %arg13[%get3A_632] {strides = array<i32>} : memref<16384xf32, #tpu.memory_space<vmem>>, vector<16xf32>,
        %get3A_634 = vector.shape_cast %get3A_633 : vector<16xf32> to vector<16xf32>
        %sub3A_635 = arith.subf %broadcast_in_dim3A_19, %get3A_628 : vector<16xf32>
        %sub3A_636 = arith.subf %mul3A_28, %get3A_631 : vector<16xf32>
        %mul3A_637 = arith.mulf %sub3A_635, %sub3A_635 : vector<16xf32>
        %mul3A_638 = arith.mulf %sub3A_636, %sub3A_636 : vector<16xf32>
        %add3A_639 = arith.addf %mul3A_637, %mul3A_638 : vector<16xf32>
        %lt3A_640 = arith.cmpf olt, %add3A_639, %select_n3A_620 : vector<16xf32>
        %lt3A_641 = arith.cmpf olt, %add3A_639, %select_n3A_617 : vector<16xf32>
        %lt3A_642 = arith.cmpf olt, %add3A_639, %select_n3A_613 : vector<16xf32>
        %select_n3A_643 = arith.select %lt3A_642, %add3A_639, %select_n3A_613 : vector<16xi1>, vector<16xf32>
        %select_n3A_644 = arith.select %lt3A_641, %select_n3A_617, %select_n3A_643 : vector<16xi1>, vector<16xf32>
        %select_n3A_645 = arith.select %lt3A_642, %get3A_634, %select_n3A_615 : vector<16xi1>, vector<16xf32>
        %select_n3A_646 = arith.select %lt3A_641, %select_n3A_619, %select_n3A_645 : vector<16xi1>, vector<16xf32>
        %select_n3A_647 = arith.select %lt3A_641, %add3A_639, %select_n3A_617 : vector<16xi1>, vector<16xf32>
        %select_n3A_648 = arith.select %lt3A_640, %select_n3A_620, %select_n3A_647 : vector<16xi1>, vector<16xf32>
        %select_n3A_649 = arith.select %lt3A_641, %get3A_634, %select_n3A_619 : vector<16xi1>, vector<16xf32>
        %select_n3A_650 = arith.select %lt3A_640, %select_n3A_621, %select_n3A_649 : vector<16xi1>, vector<16xf32>
        %select_n3A_651 = arith.select %lt3A_640, %add3A_639, %select_n3A_620 : vector<16xi1>, vector<16xf32>
        %select_n3A_652 = arith.select %lt3A_640, %get3A_634, %select_n3A_621 : vector<16xi1>, vector<16xf32>
        %mul3A_653 = arith.constant 256 : i32
        %mul3A_654 = arith.muli %add3A_190, %mul3A_653 : i32
        %add3A_655 = arith.constant 240 : i32
        %add3A_656 = arith.addi %mul3A_654, %add3A_655 : i32
        %get3A_657 = arith.index_cast %add3A_656 : i32 to index
        %get3A_658 = tpu.vector_load %arg11[%get3A_657] {strides = array<i32>} : memref<16384xf32, #tpu.memory_space<vmem>>, vector<16xf32>,
        %get3A_659 = vector.shape_cast %get3A_658 : vector<16xf32> to vector<16xf32>
        %get3A_660 = arith.index_cast %add3A_656 : i32 to index
        %get3A_661 = tpu.vector_load %arg12[%get3A_660] {strides = array<i32>} : memref<16384xf32, #tpu.memory_space<vmem>>, vector<16xf32>,
        %get3A_662 = vector.shape_cast %get3A_661 : vector<16xf32> to vector<16xf32>
        %get3A_663 = arith.index_cast %add3A_656 : i32 to index
        %get3A_664 = tpu.vector_load %arg13[%get3A_663] {strides = array<i32>} : memref<16384xf32, #tpu.memory_space<vmem>>, vector<16xf32>,
        %get3A_665 = vector.shape_cast %get3A_664 : vector<16xf32> to vector<16xf32>
        %sub3A_666 = arith.subf %broadcast_in_dim3A_19, %get3A_659 : vector<16xf32>
        %sub3A_667 = arith.subf %mul3A_28, %get3A_662 : vector<16xf32>
        %mul3A_668 = arith.mulf %sub3A_666, %sub3A_666 : vector<16xf32>
        %mul3A_669 = arith.mulf %sub3A_667, %sub3A_667 : vector<16xf32>
        %add3A_670 = arith.addf %mul3A_668, %mul3A_669 : vector<16xf32>
        %lt3A_671 = arith.cmpf olt, %add3A_670, %select_n3A_651 : vector<16xf32>
        %lt3A_672 = arith.cmpf olt, %add3A_670, %select_n3A_648 : vector<16xf32>
        %lt3A_673 = arith.cmpf olt, %add3A_670, %select_n3A_644 : vector<16xf32>
        %select_n3A_674 = arith.select %lt3A_673, %add3A_670, %select_n3A_644 : vector<16xi1>, vector<16xf32>
        %select_n3A_675 = arith.select %lt3A_672, %select_n3A_648, %select_n3A_674 : vector<16xi1>, vector<16xf32>
        %select_n3A_676 = arith.select %lt3A_673, %get3A_665, %select_n3A_646 : vector<16xi1>, vector<16xf32>
        %select_n3A_677 = arith.select %lt3A_672, %select_n3A_650, %select_n3A_676 : vector<16xi1>, vector<16xf32>
        %select_n3A_678 = arith.select %lt3A_672, %add3A_670, %select_n3A_648 : vector<16xi1>, vector<16xf32>
        %select_n3A_679 = arith.select %lt3A_671, %select_n3A_651, %select_n3A_678 : vector<16xi1>, vector<16xf32>
        %select_n3A_680 = arith.select %lt3A_672, %get3A_665, %select_n3A_650 : vector<16xi1>, vector<16xf32>
        %select_n3A_681 = arith.select %lt3A_671, %select_n3A_652, %select_n3A_680 : vector<16xi1>, vector<16xf32>
        %select_n3A_682 = arith.select %lt3A_671, %add3A_670, %select_n3A_651 : vector<16xi1>, vector<16xf32>
        %select_n3A_683 = arith.select %lt3A_671, %get3A_665, %select_n3A_652 : vector<16xi1>, vector<16xf32>
        scf.yield %select_n3A_682, %select_n3A_679, %select_n3A_675, %select_n3A_683, %select_n3A_681, %select_n3A_677 : vector<16xf32>, vector<16xf32>, vector<16xf32>, vector<16xf32>, vector<16xf32>, vector<16xf32>
      }
      %while3A_155 = arith.constant 1 : i32
      %while3A_156:6 = scf.for %while3A_182 = %while3A_152 to %while3A_148 step %while3A_155 iter_args(%while3A_183 = %while3A_154#0, %while3A_184 = %while3A_154#1, %while3A_185 = %while3A_154#2, %while3A_186 = %while3A_154#3, %while3A_187 = %while3A_154#4, %while3A_188 = %while3A_154#5) -> (vector<16xf32>, vector<16xf32>, vector<16xf32>, vector<16xf32>, vector<16xf32>, vector<16xf32>)  : i32 {
        %mul3A_189 = arith.muli %while3A_182, %while3A_145 : i32
        %add3A_190 = arith.addi %min3A_42, %mul3A_189 : i32
        %mul3A_191 = arith.constant 256 : i32
        %mul3A_192 = arith.muli %add3A_190, %mul3A_191 : i32
        %add3A_193 = arith.constant 0 : i32
        %add3A_194 = arith.addi %mul3A_192, %add3A_193 : i32
        %get3A = arith.index_cast %add3A_194 : i32 to index
        %get3A_195 = tpu.vector_load %arg11[%get3A] {strides = array<i32>} : memref<16384xf32, #tpu.memory_space<vmem>>, vector<16xf32>,
        %get3A_196 = vector.shape_cast %get3A_195 : vector<16xf32> to vector<16xf32>
        %get3A_197 = arith.index_cast %add3A_194 : i32 to index
        %get3A_198 = tpu.vector_load %arg12[%get3A_197] {strides = array<i32>} : memref<16384xf32, #tpu.memory_space<vmem>>, vector<16xf32>,
        %get3A_199 = vector.shape_cast %get3A_198 : vector<16xf32> to vector<16xf32>
        %get3A_200 = arith.index_cast %add3A_194 : i32 to index
        %get3A_201 = tpu.vector_load %arg13[%get3A_200] {strides = array<i32>} : memref<16384xf32, #tpu.memory_space<vmem>>, vector<16xf32>,
        %get3A_202 = vector.shape_cast %get3A_201 : vector<16xf32> to vector<16xf32>
        %sub3A_203 = arith.subf %broadcast_in_dim3A_19, %get3A_196 : vector<16xf32>
        %sub3A_204 = arith.subf %mul3A_28, %get3A_199 : vector<16xf32>
        %mul3A_205 = arith.mulf %sub3A_203, %sub3A_203 : vector<16xf32>
        %mul3A_206 = arith.mulf %sub3A_204, %sub3A_204 : vector<16xf32>
        %add3A_207 = arith.addf %mul3A_205, %mul3A_206 : vector<16xf32>
        %lt3A = arith.cmpf olt, %add3A_207, %while3A_183 : vector<16xf32>
        %lt3A_208 = arith.cmpf olt, %add3A_207, %while3A_184 : vector<16xf32>
        %lt3A_209 = arith.cmpf olt, %add3A_207, %while3A_185 : vector<16xf32>
        %select_n3A = arith.select %lt3A_209, %add3A_207, %while3A_185 : vector<16xi1>, vector<16xf32>
        %select_n3A_210 = arith.select %lt3A_208, %while3A_184, %select_n3A : vector<16xi1>, vector<16xf32>
        %select_n3A_211 = arith.select %lt3A_209, %get3A_202, %while3A_188 : vector<16xi1>, vector<16xf32>
        %select_n3A_212 = arith.select %lt3A_208, %while3A_187, %select_n3A_211 : vector<16xi1>, vector<16xf32>
        %select_n3A_213 = arith.select %lt3A_208, %add3A_207, %while3A_184 : vector<16xi1>, vector<16xf32>
        %select_n3A_214 = arith.select %lt3A, %while3A_183, %select_n3A_213 : vector<16xi1>, vector<16xf32>
        %select_n3A_215 = arith.select %lt3A_208, %get3A_202, %while3A_187 : vector<16xi1>, vector<16xf32>
        %select_n3A_216 = arith.select %lt3A, %while3A_186, %select_n3A_215 : vector<16xi1>, vector<16xf32>
        %select_n3A_217 = arith.select %lt3A, %add3A_207, %while3A_183 : vector<16xi1>, vector<16xf32>
        %select_n3A_218 = arith.select %lt3A, %get3A_202, %while3A_186 : vector<16xi1>, vector<16xf32>
        %mul3A_219 = arith.constant 256 : i32
        %mul3A_220 = arith.muli %add3A_190, %mul3A_219 : i32
        %add3A_221 = arith.constant 16 : i32
        %add3A_222 = arith.addi %mul3A_220, %add3A_221 : i32
        %get3A_223 = arith.index_cast %add3A_222 : i32 to index
        %get3A_224 = tpu.vector_load %arg11[%get3A_223] {strides = array<i32>} : memref<16384xf32, #tpu.memory_space<vmem>>, vector<16xf32>,
        %get3A_225 = vector.shape_cast %get3A_224 : vector<16xf32> to vector<16xf32>
        %get3A_226 = arith.index_cast %add3A_222 : i32 to index
        %get3A_227 = tpu.vector_load %arg12[%get3A_226] {strides = array<i32>} : memref<16384xf32, #tpu.memory_space<vmem>>, vector<16xf32>,
        %get3A_228 = vector.shape_cast %get3A_227 : vector<16xf32> to vector<16xf32>
        %get3A_229 = arith.index_cast %add3A_222 : i32 to index
        %get3A_230 = tpu.vector_load %arg13[%get3A_229] {strides = array<i32>} : memref<16384xf32, #tpu.memory_space<vmem>>, vector<16xf32>,
        %get3A_231 = vector.shape_cast %get3A_230 : vector<16xf32> to vector<16xf32>
        %sub3A_232 = arith.subf %broadcast_in_dim3A_19, %get3A_225 : vector<16xf32>
        %sub3A_233 = arith.subf %mul3A_28, %get3A_228 : vector<16xf32>
        %mul3A_234 = arith.mulf %sub3A_232, %sub3A_232 : vector<16xf32>
        %mul3A_235 = arith.mulf %sub3A_233, %sub3A_233 : vector<16xf32>
        %add3A_236 = arith.addf %mul3A_234, %mul3A_235 : vector<16xf32>
        %lt3A_237 = arith.cmpf olt, %add3A_236, %select_n3A_217 : vector<16xf32>
        %lt3A_238 = arith.cmpf olt, %add3A_236, %select_n3A_214 : vector<16xf32>
        %lt3A_239 = arith.cmpf olt, %add3A_236, %select_n3A_210 : vector<16xf32>
        %select_n3A_240 = arith.select %lt3A_239, %add3A_236, %select_n3A_210 : vector<16xi1>, vector<16xf32>
        %select_n3A_241 = arith.select %lt3A_238, %select_n3A_214, %select_n3A_240 : vector<16xi1>, vector<16xf32>
        %select_n3A_242 = arith.select %lt3A_239, %get3A_231, %select_n3A_212 : vector<16xi1>, vector<16xf32>
        %select_n3A_243 = arith.select %lt3A_238, %select_n3A_216, %select_n3A_242 : vector<16xi1>, vector<16xf32>
        %select_n3A_244 = arith.select %lt3A_238, %add3A_236, %select_n3A_214 : vector<16xi1>, vector<16xf32>
        %select_n3A_245 = arith.select %lt3A_237, %select_n3A_217, %select_n3A_244 : vector<16xi1>, vector<16xf32>
        %select_n3A_246 = arith.select %lt3A_238, %get3A_231, %select_n3A_216 : vector<16xi1>, vector<16xf32>
        %select_n3A_247 = arith.select %lt3A_237, %select_n3A_218, %select_n3A_246 : vector<16xi1>, vector<16xf32>
        %select_n3A_248 = arith.select %lt3A_237, %add3A_236, %select_n3A_217 : vector<16xi1>, vector<16xf32>
        %select_n3A_249 = arith.select %lt3A_237, %get3A_231, %select_n3A_218 : vector<16xi1>, vector<16xf32>
        %mul3A_250 = arith.constant 256 : i32
        %mul3A_251 = arith.muli %add3A_190, %mul3A_250 : i32
        %add3A_252 = arith.constant 32 : i32
        %add3A_253 = arith.addi %mul3A_251, %add3A_252 : i32
        %get3A_254 = arith.index_cast %add3A_253 : i32 to index
        %get3A_255 = tpu.vector_load %arg11[%get3A_254] {strides = array<i32>} : memref<16384xf32, #tpu.memory_space<vmem>>, vector<16xf32>,
        %get3A_256 = vector.shape_cast %get3A_255 : vector<16xf32> to vector<16xf32>
        %get3A_257 = arith.index_cast %add3A_253 : i32 to index
        %get3A_258 = tpu.vector_load %arg12[%get3A_257] {strides = array<i32>} : memref<16384xf32, #tpu.memory_space<vmem>>, vector<16xf32>,
        %get3A_259 = vector.shape_cast %get3A_258 : vector<16xf32> to vector<16xf32>
        %get3A_260 = arith.index_cast %add3A_253 : i32 to index
        %get3A_261 = tpu.vector_load %arg13[%get3A_260] {strides = array<i32>} : memref<16384xf32, #tpu.memory_space<vmem>>, vector<16xf32>,
        %get3A_262 = vector.shape_cast %get3A_261 : vector<16xf32> to vector<16xf32>
        %sub3A_263 = arith.subf %broadcast_in_dim3A_19, %get3A_256 : vector<16xf32>
        %sub3A_264 = arith.subf %mul3A_28, %get3A_259 : vector<16xf32>
        %mul3A_265 = arith.mulf %sub3A_263, %sub3A_263 : vector<16xf32>
        %mul3A_266 = arith.mulf %sub3A_264, %sub3A_264 : vector<16xf32>
        %add3A_267 = arith.addf %mul3A_265, %mul3A_266 : vector<16xf32>
        %lt3A_268 = arith.cmpf olt, %add3A_267, %select_n3A_248 : vector<16xf32>
        %lt3A_269 = arith.cmpf olt, %add3A_267, %select_n3A_245 : vector<16xf32>
        %lt3A_270 = arith.cmpf olt, %add3A_267, %select_n3A_241 : vector<16xf32>
        %select_n3A_271 = arith.select %lt3A_270, %add3A_267, %select_n3A_241 : vector<16xi1>, vector<16xf32>
        %select_n3A_272 = arith.select %lt3A_269, %select_n3A_245, %select_n3A_271 : vector<16xi1>, vector<16xf32>
        %select_n3A_273 = arith.select %lt3A_270, %get3A_262, %select_n3A_243 : vector<16xi1>, vector<16xf32>
        %select_n3A_274 = arith.select %lt3A_269, %select_n3A_247, %select_n3A_273 : vector<16xi1>, vector<16xf32>
        %select_n3A_275 = arith.select %lt3A_269, %add3A_267, %select_n3A_245 : vector<16xi1>, vector<16xf32>
        %select_n3A_276 = arith.select %lt3A_268, %select_n3A_248, %select_n3A_275 : vector<16xi1>, vector<16xf32>
        %select_n3A_277 = arith.select %lt3A_269, %get3A_262, %select_n3A_247 : vector<16xi1>, vector<16xf32>
        %select_n3A_278 = arith.select %lt3A_268, %select_n3A_249, %select_n3A_277 : vector<16xi1>, vector<16xf32>
        %select_n3A_279 = arith.select %lt3A_268, %add3A_267, %select_n3A_248 : vector<16xi1>, vector<16xf32>
        %select_n3A_280 = arith.select %lt3A_268, %get3A_262, %select_n3A_249 : vector<16xi1>, vector<16xf32>
        %mul3A_281 = arith.constant 256 : i32
        %mul3A_282 = arith.muli %add3A_190, %mul3A_281 : i32
        %add3A_283 = arith.constant 48 : i32
        %add3A_284 = arith.addi %mul3A_282, %add3A_283 : i32
        %get3A_285 = arith.index_cast %add3A_284 : i32 to index
        %get3A_286 = tpu.vector_load %arg11[%get3A_285] {strides = array<i32>} : memref<16384xf32, #tpu.memory_space<vmem>>, vector<16xf32>,
        %get3A_287 = vector.shape_cast %get3A_286 : vector<16xf32> to vector<16xf32>
        %get3A_288 = arith.index_cast %add3A_284 : i32 to index
        %get3A_289 = tpu.vector_load %arg12[%get3A_288] {strides = array<i32>} : memref<16384xf32, #tpu.memory_space<vmem>>, vector<16xf32>,
        %get3A_290 = vector.shape_cast %get3A_289 : vector<16xf32> to vector<16xf32>
        %get3A_291 = arith.index_cast %add3A_284 : i32 to index
        %get3A_292 = tpu.vector_load %arg13[%get3A_291] {strides = array<i32>} : memref<16384xf32, #tpu.memory_space<vmem>>, vector<16xf32>,
        %get3A_293 = vector.shape_cast %get3A_292 : vector<16xf32> to vector<16xf32>
        %sub3A_294 = arith.subf %broadcast_in_dim3A_19, %get3A_287 : vector<16xf32>
        %sub3A_295 = arith.subf %mul3A_28, %get3A_290 : vector<16xf32>
        %mul3A_296 = arith.mulf %sub3A_294, %sub3A_294 : vector<16xf32>
        %mul3A_297 = arith.mulf %sub3A_295, %sub3A_295 : vector<16xf32>
        %add3A_298 = arith.addf %mul3A_296, %mul3A_297 : vector<16xf32>
        %lt3A_299 = arith.cmpf olt, %add3A_298, %select_n3A_279 : vector<16xf32>
        %lt3A_300 = arith.cmpf olt, %add3A_298, %select_n3A_276 : vector<16xf32>
        %lt3A_301 = arith.cmpf olt, %add3A_298, %select_n3A_272 : vector<16xf32>
        %select_n3A_302 = arith.select %lt3A_301, %add3A_298, %select_n3A_272 : vector<16xi1>, vector<16xf32>
        %select_n3A_303 = arith.select %lt3A_300, %select_n3A_276, %select_n3A_302 : vector<16xi1>, vector<16xf32>
        %select_n3A_304 = arith.select %lt3A_301, %get3A_293, %select_n3A_274 : vector<16xi1>, vector<16xf32>
        %select_n3A_305 = arith.select %lt3A_300, %select_n3A_278, %select_n3A_304 : vector<16xi1>, vector<16xf32>
        %select_n3A_306 = arith.select %lt3A_300, %add3A_298, %select_n3A_276 : vector<16xi1>, vector<16xf32>
        %select_n3A_307 = arith.select %lt3A_299, %select_n3A_279, %select_n3A_306 : vector<16xi1>, vector<16xf32>
        %select_n3A_308 = arith.select %lt3A_300, %get3A_293, %select_n3A_278 : vector<16xi1>, vector<16xf32>
        %select_n3A_309 = arith.select %lt3A_299, %select_n3A_280, %select_n3A_308 : vector<16xi1>, vector<16xf32>
        %select_n3A_310 = arith.select %lt3A_299, %add3A_298, %select_n3A_279 : vector<16xi1>, vector<16xf32>
        %select_n3A_311 = arith.select %lt3A_299, %get3A_293, %select_n3A_280 : vector<16xi1>, vector<16xf32>
        %mul3A_312 = arith.constant 256 : i32
        %mul3A_313 = arith.muli %add3A_190, %mul3A_312 : i32
        %add3A_314 = arith.constant 64 : i32
        %add3A_315 = arith.addi %mul3A_313, %add3A_314 : i32
        %get3A_316 = arith.index_cast %add3A_315 : i32 to index
        %get3A_317 = tpu.vector_load %arg11[%get3A_316] {strides = array<i32>} : memref<16384xf32, #tpu.memory_space<vmem>>, vector<16xf32>,
        %get3A_318 = vector.shape_cast %get3A_317 : vector<16xf32> to vector<16xf32>
        %get3A_319 = arith.index_cast %add3A_315 : i32 to index
        %get3A_320 = tpu.vector_load %arg12[%get3A_319] {strides = array<i32>} : memref<16384xf32, #tpu.memory_space<vmem>>, vector<16xf32>,
        %get3A_321 = vector.shape_cast %get3A_320 : vector<16xf32> to vector<16xf32>
        %get3A_322 = arith.index_cast %add3A_315 : i32 to index
        %get3A_323 = tpu.vector_load %arg13[%get3A_322] {strides = array<i32>} : memref<16384xf32, #tpu.memory_space<vmem>>, vector<16xf32>,
        %get3A_324 = vector.shape_cast %get3A_323 : vector<16xf32> to vector<16xf32>
        %sub3A_325 = arith.subf %broadcast_in_dim3A_19, %get3A_318 : vector<16xf32>
        %sub3A_326 = arith.subf %mul3A_28, %get3A_321 : vector<16xf32>
        %mul3A_327 = arith.mulf %sub3A_325, %sub3A_325 : vector<16xf32>
        %mul3A_328 = arith.mulf %sub3A_326, %sub3A_326 : vector<16xf32>
        %add3A_329 = arith.addf %mul3A_327, %mul3A_328 : vector<16xf32>
        %lt3A_330 = arith.cmpf olt, %add3A_329, %select_n3A_310 : vector<16xf32>
        %lt3A_331 = arith.cmpf olt, %add3A_329, %select_n3A_307 : vector<16xf32>
        %lt3A_332 = arith.cmpf olt, %add3A_329, %select_n3A_303 : vector<16xf32>
        %select_n3A_333 = arith.select %lt3A_332, %add3A_329, %select_n3A_303 : vector<16xi1>, vector<16xf32>
        %select_n3A_334 = arith.select %lt3A_331, %select_n3A_307, %select_n3A_333 : vector<16xi1>, vector<16xf32>
        %select_n3A_335 = arith.select %lt3A_332, %get3A_324, %select_n3A_305 : vector<16xi1>, vector<16xf32>
        %select_n3A_336 = arith.select %lt3A_331, %select_n3A_309, %select_n3A_335 : vector<16xi1>, vector<16xf32>
        %select_n3A_337 = arith.select %lt3A_331, %add3A_329, %select_n3A_307 : vector<16xi1>, vector<16xf32>
        %select_n3A_338 = arith.select %lt3A_330, %select_n3A_310, %select_n3A_337 : vector<16xi1>, vector<16xf32>
        %select_n3A_339 = arith.select %lt3A_331, %get3A_324, %select_n3A_309 : vector<16xi1>, vector<16xf32>
        %select_n3A_340 = arith.select %lt3A_330, %select_n3A_311, %select_n3A_339 : vector<16xi1>, vector<16xf32>
        %select_n3A_341 = arith.select %lt3A_330, %add3A_329, %select_n3A_310 : vector<16xi1>, vector<16xf32>
        %select_n3A_342 = arith.select %lt3A_330, %get3A_324, %select_n3A_311 : vector<16xi1>, vector<16xf32>
        %mul3A_343 = arith.constant 256 : i32
        %mul3A_344 = arith.muli %add3A_190, %mul3A_343 : i32
        %add3A_345 = arith.constant 80 : i32
        %add3A_346 = arith.addi %mul3A_344, %add3A_345 : i32
        %get3A_347 = arith.index_cast %add3A_346 : i32 to index
        %get3A_348 = tpu.vector_load %arg11[%get3A_347] {strides = array<i32>} : memref<16384xf32, #tpu.memory_space<vmem>>, vector<16xf32>,
        %get3A_349 = vector.shape_cast %get3A_348 : vector<16xf32> to vector<16xf32>
        %get3A_350 = arith.index_cast %add3A_346 : i32 to index
        %get3A_351 = tpu.vector_load %arg12[%get3A_350] {strides = array<i32>} : memref<16384xf32, #tpu.memory_space<vmem>>, vector<16xf32>,
        %get3A_352 = vector.shape_cast %get3A_351 : vector<16xf32> to vector<16xf32>
        %get3A_353 = arith.index_cast %add3A_346 : i32 to index
        %get3A_354 = tpu.vector_load %arg13[%get3A_353] {strides = array<i32>} : memref<16384xf32, #tpu.memory_space<vmem>>, vector<16xf32>,
        %get3A_355 = vector.shape_cast %get3A_354 : vector<16xf32> to vector<16xf32>
        %sub3A_356 = arith.subf %broadcast_in_dim3A_19, %get3A_349 : vector<16xf32>
        %sub3A_357 = arith.subf %mul3A_28, %get3A_352 : vector<16xf32>
        %mul3A_358 = arith.mulf %sub3A_356, %sub3A_356 : vector<16xf32>
        %mul3A_359 = arith.mulf %sub3A_357, %sub3A_357 : vector<16xf32>
        %add3A_360 = arith.addf %mul3A_358, %mul3A_359 : vector<16xf32>
        %lt3A_361 = arith.cmpf olt, %add3A_360, %select_n3A_341 : vector<16xf32>
        %lt3A_362 = arith.cmpf olt, %add3A_360, %select_n3A_338 : vector<16xf32>
        %lt3A_363 = arith.cmpf olt, %add3A_360, %select_n3A_334 : vector<16xf32>
        %select_n3A_364 = arith.select %lt3A_363, %add3A_360, %select_n3A_334 : vector<16xi1>, vector<16xf32>
        %select_n3A_365 = arith.select %lt3A_362, %select_n3A_338, %select_n3A_364 : vector<16xi1>, vector<16xf32>
        %select_n3A_366 = arith.select %lt3A_363, %get3A_355, %select_n3A_336 : vector<16xi1>, vector<16xf32>
        %select_n3A_367 = arith.select %lt3A_362, %select_n3A_340, %select_n3A_366 : vector<16xi1>, vector<16xf32>
        %select_n3A_368 = arith.select %lt3A_362, %add3A_360, %select_n3A_338 : vector<16xi1>, vector<16xf32>
        %select_n3A_369 = arith.select %lt3A_361, %select_n3A_341, %select_n3A_368 : vector<16xi1>, vector<16xf32>
        %select_n3A_370 = arith.select %lt3A_362, %get3A_355, %select_n3A_340 : vector<16xi1>, vector<16xf32>
        %select_n3A_371 = arith.select %lt3A_361, %select_n3A_342, %select_n3A_370 : vector<16xi1>, vector<16xf32>
        %select_n3A_372 = arith.select %lt3A_361, %add3A_360, %select_n3A_341 : vector<16xi1>, vector<16xf32>
        %select_n3A_373 = arith.select %lt3A_361, %get3A_355, %select_n3A_342 : vector<16xi1>, vector<16xf32>
        %mul3A_374 = arith.constant 256 : i32
        %mul3A_375 = arith.muli %add3A_190, %mul3A_374 : i32
        %add3A_376 = arith.constant 96 : i32
        %add3A_377 = arith.addi %mul3A_375, %add3A_376 : i32
        %get3A_378 = arith.index_cast %add3A_377 : i32 to index
        %get3A_379 = tpu.vector_load %arg11[%get3A_378] {strides = array<i32>} : memref<16384xf32, #tpu.memory_space<vmem>>, vector<16xf32>,
        %get3A_380 = vector.shape_cast %get3A_379 : vector<16xf32> to vector<16xf32>
        %get3A_381 = arith.index_cast %add3A_377 : i32 to index
        %get3A_382 = tpu.vector_load %arg12[%get3A_381] {strides = array<i32>} : memref<16384xf32, #tpu.memory_space<vmem>>, vector<16xf32>,
        %get3A_383 = vector.shape_cast %get3A_382 : vector<16xf32> to vector<16xf32>
        %get3A_384 = arith.index_cast %add3A_377 : i32 to index
        %get3A_385 = tpu.vector_load %arg13[%get3A_384] {strides = array<i32>} : memref<16384xf32, #tpu.memory_space<vmem>>, vector<16xf32>,
        %get3A_386 = vector.shape_cast %get3A_385 : vector<16xf32> to vector<16xf32>
        %sub3A_387 = arith.subf %broadcast_in_dim3A_19, %get3A_380 : vector<16xf32>
        %sub3A_388 = arith.subf %mul3A_28, %get3A_383 : vector<16xf32>
        %mul3A_389 = arith.mulf %sub3A_387, %sub3A_387 : vector<16xf32>
        %mul3A_390 = arith.mulf %sub3A_388, %sub3A_388 : vector<16xf32>
        %add3A_391 = arith.addf %mul3A_389, %mul3A_390 : vector<16xf32>
        %lt3A_392 = arith.cmpf olt, %add3A_391, %select_n3A_372 : vector<16xf32>
        %lt3A_393 = arith.cmpf olt, %add3A_391, %select_n3A_369 : vector<16xf32>
        %lt3A_394 = arith.cmpf olt, %add3A_391, %select_n3A_365 : vector<16xf32>
        %select_n3A_395 = arith.select %lt3A_394, %add3A_391, %select_n3A_365 : vector<16xi1>, vector<16xf32>
        %select_n3A_396 = arith.select %lt3A_393, %select_n3A_369, %select_n3A_395 : vector<16xi1>, vector<16xf32>
        %select_n3A_397 = arith.select %lt3A_394, %get3A_386, %select_n3A_367 : vector<16xi1>, vector<16xf32>
        %select_n3A_398 = arith.select %lt3A_393, %select_n3A_371, %select_n3A_397 : vector<16xi1>, vector<16xf32>
        %select_n3A_399 = arith.select %lt3A_393, %add3A_391, %select_n3A_369 : vector<16xi1>, vector<16xf32>
        %select_n3A_400 = arith.select %lt3A_392, %select_n3A_372, %select_n3A_399 : vector<16xi1>, vector<16xf32>
        %select_n3A_401 = arith.select %lt3A_393, %get3A_386, %select_n3A_371 : vector<16xi1>, vector<16xf32>
        %select_n3A_402 = arith.select %lt3A_392, %select_n3A_373, %select_n3A_401 : vector<16xi1>, vector<16xf32>
        %select_n3A_403 = arith.select %lt3A_392, %add3A_391, %select_n3A_372 : vector<16xi1>, vector<16xf32>
        %select_n3A_404 = arith.select %lt3A_392, %get3A_386, %select_n3A_373 : vector<16xi1>, vector<16xf32>
        %mul3A_405 = arith.constant 256 : i32
        %mul3A_406 = arith.muli %add3A_190, %mul3A_405 : i32
        %add3A_407 = arith.constant 112 : i32
        %add3A_408 = arith.addi %mul3A_406, %add3A_407 : i32
        %get3A_409 = arith.index_cast %add3A_408 : i32 to index
        %get3A_410 = tpu.vector_load %arg11[%get3A_409] {strides = array<i32>} : memref<16384xf32, #tpu.memory_space<vmem>>, vector<16xf32>,
        %get3A_411 = vector.shape_cast %get3A_410 : vector<16xf32> to vector<16xf32>
        %get3A_412 = arith.index_cast %add3A_408 : i32 to index
        %get3A_413 = tpu.vector_load %arg12[%get3A_412] {strides = array<i32>} : memref<16384xf32, #tpu.memory_space<vmem>>, vector<16xf32>,
        %get3A_414 = vector.shape_cast %get3A_413 : vector<16xf32> to vector<16xf32>
        %get3A_415 = arith.index_cast %add3A_408 : i32 to index
        %get3A_416 = tpu.vector_load %arg13[%get3A_415] {strides = array<i32>} : memref<16384xf32, #tpu.memory_space<vmem>>, vector<16xf32>,
        %get3A_417 = vector.shape_cast %get3A_416 : vector<16xf32> to vector<16xf32>
        %sub3A_418 = arith.subf %broadcast_in_dim3A_19, %get3A_411 : vector<16xf32>
        %sub3A_419 = arith.subf %mul3A_28, %get3A_414 : vector<16xf32>
        %mul3A_420 = arith.mulf %sub3A_418, %sub3A_418 : vector<16xf32>
        %mul3A_421 = arith.mulf %sub3A_419, %sub3A_419 : vector<16xf32>
        %add3A_422 = arith.addf %mul3A_420, %mul3A_421 : vector<16xf32>
        %lt3A_423 = arith.cmpf olt, %add3A_422, %select_n3A_403 : vector<16xf32>
        %lt3A_424 = arith.cmpf olt, %add3A_422, %select_n3A_400 : vector<16xf32>
        %lt3A_425 = arith.cmpf olt, %add3A_422, %select_n3A_396 : vector<16xf32>
        %select_n3A_426 = arith.select %lt3A_425, %add3A_422, %select_n3A_396 : vector<16xi1>, vector<16xf32>
        %select_n3A_427 = arith.select %lt3A_424, %select_n3A_400, %select_n3A_426 : vector<16xi1>, vector<16xf32>
        %select_n3A_428 = arith.select %lt3A_425, %get3A_417, %select_n3A_398 : vector<16xi1>, vector<16xf32>
        %select_n3A_429 = arith.select %lt3A_424, %select_n3A_402, %select_n3A_428 : vector<16xi1>, vector<16xf32>
        %select_n3A_430 = arith.select %lt3A_424, %add3A_422, %select_n3A_400 : vector<16xi1>, vector<16xf32>
        %select_n3A_431 = arith.select %lt3A_423, %select_n3A_403, %select_n3A_430 : vector<16xi1>, vector<16xf32>
        %select_n3A_432 = arith.select %lt3A_424, %get3A_417, %select_n3A_402 : vector<16xi1>, vector<16xf32>
        %select_n3A_433 = arith.select %lt3A_423, %select_n3A_404, %select_n3A_432 : vector<16xi1>, vector<16xf32>
        %select_n3A_434 = arith.select %lt3A_423, %add3A_422, %select_n3A_403 : vector<16xi1>, vector<16xf32>
        %select_n3A_435 = arith.select %lt3A_423, %get3A_417, %select_n3A_404 : vector<16xi1>, vector<16xf32>
        %mul3A_436 = arith.constant 256 : i32
        %mul3A_437 = arith.muli %add3A_190, %mul3A_436 : i32
        %add3A_438 = arith.constant 128 : i32
        %add3A_439 = arith.addi %mul3A_437, %add3A_438 : i32
        %get3A_440 = arith.index_cast %add3A_439 : i32 to index
        %get3A_441 = tpu.vector_load %arg11[%get3A_440] {strides = array<i32>} : memref<16384xf32, #tpu.memory_space<vmem>>, vector<16xf32>,
        %get3A_442 = vector.shape_cast %get3A_441 : vector<16xf32> to vector<16xf32>
        %get3A_443 = arith.index_cast %add3A_439 : i32 to index
        %get3A_444 = tpu.vector_load %arg12[%get3A_443] {strides = array<i32>} : memref<16384xf32, #tpu.memory_space<vmem>>, vector<16xf32>,
        %get3A_445 = vector.shape_cast %get3A_444 : vector<16xf32> to vector<16xf32>
        %get3A_446 = arith.index_cast %add3A_439 : i32 to index
        %get3A_447 = tpu.vector_load %arg13[%get3A_446] {strides = array<i32>} : memref<16384xf32, #tpu.memory_space<vmem>>, vector<16xf32>,
        %get3A_448 = vector.shape_cast %get3A_447 : vector<16xf32> to vector<16xf32>
        %sub3A_449 = arith.subf %broadcast_in_dim3A_19, %get3A_442 : vector<16xf32>
        %sub3A_450 = arith.subf %mul3A_28, %get3A_445 : vector<16xf32>
        %mul3A_451 = arith.mulf %sub3A_449, %sub3A_449 : vector<16xf32>
        %mul3A_452 = arith.mulf %sub3A_450, %sub3A_450 : vector<16xf32>
        %add3A_453 = arith.addf %mul3A_451, %mul3A_452 : vector<16xf32>
        %lt3A_454 = arith.cmpf olt, %add3A_453, %select_n3A_434 : vector<16xf32>
        %lt3A_455 = arith.cmpf olt, %add3A_453, %select_n3A_431 : vector<16xf32>
        %lt3A_456 = arith.cmpf olt, %add3A_453, %select_n3A_427 : vector<16xf32>
        %select_n3A_457 = arith.select %lt3A_456, %add3A_453, %select_n3A_427 : vector<16xi1>, vector<16xf32>
        %select_n3A_458 = arith.select %lt3A_455, %select_n3A_431, %select_n3A_457 : vector<16xi1>, vector<16xf32>
        %select_n3A_459 = arith.select %lt3A_456, %get3A_448, %select_n3A_429 : vector<16xi1>, vector<16xf32>
        %select_n3A_460 = arith.select %lt3A_455, %select_n3A_433, %select_n3A_459 : vector<16xi1>, vector<16xf32>
        %select_n3A_461 = arith.select %lt3A_455, %add3A_453, %select_n3A_431 : vector<16xi1>, vector<16xf32>
        %select_n3A_462 = arith.select %lt3A_454, %select_n3A_434, %select_n3A_461 : vector<16xi1>, vector<16xf32>
        %select_n3A_463 = arith.select %lt3A_455, %get3A_448, %select_n3A_433 : vector<16xi1>, vector<16xf32>
        %select_n3A_464 = arith.select %lt3A_454, %select_n3A_435, %select_n3A_463 : vector<16xi1>, vector<16xf32>
        %select_n3A_465 = arith.select %lt3A_454, %add3A_453, %select_n3A_434 : vector<16xi1>, vector<16xf32>
        %select_n3A_466 = arith.select %lt3A_454, %get3A_448, %select_n3A_435 : vector<16xi1>, vector<16xf32>
        %mul3A_467 = arith.constant 256 : i32
        %mul3A_468 = arith.muli %add3A_190, %mul3A_467 : i32
        %add3A_469 = arith.constant 144 : i32
        %add3A_470 = arith.addi %mul3A_468, %add3A_469 : i32
        %get3A_471 = arith.index_cast %add3A_470 : i32 to index
        %get3A_472 = tpu.vector_load %arg11[%get3A_471] {strides = array<i32>} : memref<16384xf32, #tpu.memory_space<vmem>>, vector<16xf32>,
        %get3A_473 = vector.shape_cast %get3A_472 : vector<16xf32> to vector<16xf32>
        %get3A_474 = arith.index_cast %add3A_470 : i32 to index
        %get3A_475 = tpu.vector_load %arg12[%get3A_474] {strides = array<i32>} : memref<16384xf32, #tpu.memory_space<vmem>>, vector<16xf32>,
        %get3A_476 = vector.shape_cast %get3A_475 : vector<16xf32> to vector<16xf32>
        %get3A_477 = arith.index_cast %add3A_470 : i32 to index
        %get3A_478 = tpu.vector_load %arg13[%get3A_477] {strides = array<i32>} : memref<16384xf32, #tpu.memory_space<vmem>>, vector<16xf32>,
        %get3A_479 = vector.shape_cast %get3A_478 : vector<16xf32> to vector<16xf32>
        %sub3A_480 = arith.subf %broadcast_in_dim3A_19, %get3A_473 : vector<16xf32>
        %sub3A_481 = arith.subf %mul3A_28, %get3A_476 : vector<16xf32>
        %mul3A_482 = arith.mulf %sub3A_480, %sub3A_480 : vector<16xf32>
        %mul3A_483 = arith.mulf %sub3A_481, %sub3A_481 : vector<16xf32>
        %add3A_484 = arith.addf %mul3A_482, %mul3A_483 : vector<16xf32>
        %lt3A_485 = arith.cmpf olt, %add3A_484, %select_n3A_465 : vector<16xf32>
        %lt3A_486 = arith.cmpf olt, %add3A_484, %select_n3A_462 : vector<16xf32>
        %lt3A_487 = arith.cmpf olt, %add3A_484, %select_n3A_458 : vector<16xf32>
        %select_n3A_488 = arith.select %lt3A_487, %add3A_484, %select_n3A_458 : vector<16xi1>, vector<16xf32>
        %select_n3A_489 = arith.select %lt3A_486, %select_n3A_462, %select_n3A_488 : vector<16xi1>, vector<16xf32>
        %select_n3A_490 = arith.select %lt3A_487, %get3A_479, %select_n3A_460 : vector<16xi1>, vector<16xf32>
        %select_n3A_491 = arith.select %lt3A_486, %select_n3A_464, %select_n3A_490 : vector<16xi1>, vector<16xf32>
        %select_n3A_492 = arith.select %lt3A_486, %add3A_484, %select_n3A_462 : vector<16xi1>, vector<16xf32>
        %select_n3A_493 = arith.select %lt3A_485, %select_n3A_465, %select_n3A_492 : vector<16xi1>, vector<16xf32>
        %select_n3A_494 = arith.select %lt3A_486, %get3A_479, %select_n3A_464 : vector<16xi1>, vector<16xf32>
        %select_n3A_495 = arith.select %lt3A_485, %select_n3A_466, %select_n3A_494 : vector<16xi1>, vector<16xf32>
        %select_n3A_496 = arith.select %lt3A_485, %add3A_484, %select_n3A_465 : vector<16xi1>, vector<16xf32>
        %select_n3A_497 = arith.select %lt3A_485, %get3A_479, %select_n3A_466 : vector<16xi1>, vector<16xf32>
        %mul3A_498 = arith.constant 256 : i32
        %mul3A_499 = arith.muli %add3A_190, %mul3A_498 : i32
        %add3A_500 = arith.constant 160 : i32
        %add3A_501 = arith.addi %mul3A_499, %add3A_500 : i32
        %get3A_502 = arith.index_cast %add3A_501 : i32 to index
        %get3A_503 = tpu.vector_load %arg11[%get3A_502] {strides = array<i32>} : memref<16384xf32, #tpu.memory_space<vmem>>, vector<16xf32>,
        %get3A_504 = vector.shape_cast %get3A_503 : vector<16xf32> to vector<16xf32>
        %get3A_505 = arith.index_cast %add3A_501 : i32 to index
        %get3A_506 = tpu.vector_load %arg12[%get3A_505] {strides = array<i32>} : memref<16384xf32, #tpu.memory_space<vmem>>, vector<16xf32>,
        %get3A_507 = vector.shape_cast %get3A_506 : vector<16xf32> to vector<16xf32>
        %get3A_508 = arith.index_cast %add3A_501 : i32 to index
        %get3A_509 = tpu.vector_load %arg13[%get3A_508] {strides = array<i32>} : memref<16384xf32, #tpu.memory_space<vmem>>, vector<16xf32>,
        %get3A_510 = vector.shape_cast %get3A_509 : vector<16xf32> to vector<16xf32>
        %sub3A_511 = arith.subf %broadcast_in_dim3A_19, %get3A_504 : vector<16xf32>
        %sub3A_512 = arith.subf %mul3A_28, %get3A_507 : vector<16xf32>
        %mul3A_513 = arith.mulf %sub3A_511, %sub3A_511 : vector<16xf32>
        %mul3A_514 = arith.mulf %sub3A_512, %sub3A_512 : vector<16xf32>
        %add3A_515 = arith.addf %mul3A_513, %mul3A_514 : vector<16xf32>
        %lt3A_516 = arith.cmpf olt, %add3A_515, %select_n3A_496 : vector<16xf32>
        %lt3A_517 = arith.cmpf olt, %add3A_515, %select_n3A_493 : vector<16xf32>
        %lt3A_518 = arith.cmpf olt, %add3A_515, %select_n3A_489 : vector<16xf32>
        %select_n3A_519 = arith.select %lt3A_518, %add3A_515, %select_n3A_489 : vector<16xi1>, vector<16xf32>
        %select_n3A_520 = arith.select %lt3A_517, %select_n3A_493, %select_n3A_519 : vector<16xi1>, vector<16xf32>
        %select_n3A_521 = arith.select %lt3A_518, %get3A_510, %select_n3A_491 : vector<16xi1>, vector<16xf32>
        %select_n3A_522 = arith.select %lt3A_517, %select_n3A_495, %select_n3A_521 : vector<16xi1>, vector<16xf32>
        %select_n3A_523 = arith.select %lt3A_517, %add3A_515, %select_n3A_493 : vector<16xi1>, vector<16xf32>
        %select_n3A_524 = arith.select %lt3A_516, %select_n3A_496, %select_n3A_523 : vector<16xi1>, vector<16xf32>
        %select_n3A_525 = arith.select %lt3A_517, %get3A_510, %select_n3A_495 : vector<16xi1>, vector<16xf32>
        %select_n3A_526 = arith.select %lt3A_516, %select_n3A_497, %select_n3A_525 : vector<16xi1>, vector<16xf32>
        %select_n3A_527 = arith.select %lt3A_516, %add3A_515, %select_n3A_496 : vector<16xi1>, vector<16xf32>
        %select_n3A_528 = arith.select %lt3A_516, %get3A_510, %select_n3A_497 : vector<16xi1>, vector<16xf32>
        %mul3A_529 = arith.constant 256 : i32
        %mul3A_530 = arith.muli %add3A_190, %mul3A_529 : i32
        %add3A_531 = arith.constant 176 : i32
        %add3A_532 = arith.addi %mul3A_530, %add3A_531 : i32
        %get3A_533 = arith.index_cast %add3A_532 : i32 to index
        %get3A_534 = tpu.vector_load %arg11[%get3A_533] {strides = array<i32>} : memref<16384xf32, #tpu.memory_space<vmem>>, vector<16xf32>,
        %get3A_535 = vector.shape_cast %get3A_534 : vector<16xf32> to vector<16xf32>
        %get3A_536 = arith.index_cast %add3A_532 : i32 to index
        %get3A_537 = tpu.vector_load %arg12[%get3A_536] {strides = array<i32>} : memref<16384xf32, #tpu.memory_space<vmem>>, vector<16xf32>,
        %get3A_538 = vector.shape_cast %get3A_537 : vector<16xf32> to vector<16xf32>
        %get3A_539 = arith.index_cast %add3A_532 : i32 to index
        %get3A_540 = tpu.vector_load %arg13[%get3A_539] {strides = array<i32>} : memref<16384xf32, #tpu.memory_space<vmem>>, vector<16xf32>,
        %get3A_541 = vector.shape_cast %get3A_540 : vector<16xf32> to vector<16xf32>
        %sub3A_542 = arith.subf %broadcast_in_dim3A_19, %get3A_535 : vector<16xf32>
        %sub3A_543 = arith.subf %mul3A_28, %get3A_538 : vector<16xf32>
        %mul3A_544 = arith.mulf %sub3A_542, %sub3A_542 : vector<16xf32>
        %mul3A_545 = arith.mulf %sub3A_543, %sub3A_543 : vector<16xf32>
        %add3A_546 = arith.addf %mul3A_544, %mul3A_545 : vector<16xf32>
        %lt3A_547 = arith.cmpf olt, %add3A_546, %select_n3A_527 : vector<16xf32>
        %lt3A_548 = arith.cmpf olt, %add3A_546, %select_n3A_524 : vector<16xf32>
        %lt3A_549 = arith.cmpf olt, %add3A_546, %select_n3A_520 : vector<16xf32>
        %select_n3A_550 = arith.select %lt3A_549, %add3A_546, %select_n3A_520 : vector<16xi1>, vector<16xf32>
        %select_n3A_551 = arith.select %lt3A_548, %select_n3A_524, %select_n3A_550 : vector<16xi1>, vector<16xf32>
        %select_n3A_552 = arith.select %lt3A_549, %get3A_541, %select_n3A_522 : vector<16xi1>, vector<16xf32>
        %select_n3A_553 = arith.select %lt3A_548, %select_n3A_526, %select_n3A_552 : vector<16xi1>, vector<16xf32>
        %select_n3A_554 = arith.select %lt3A_548, %add3A_546, %select_n3A_524 : vector<16xi1>, vector<16xf32>
        %select_n3A_555 = arith.select %lt3A_547, %select_n3A_527, %select_n3A_554 : vector<16xi1>, vector<16xf32>
        %select_n3A_556 = arith.select %lt3A_548, %get3A_541, %select_n3A_526 : vector<16xi1>, vector<16xf32>
        %select_n3A_557 = arith.select %lt3A_547, %select_n3A_528, %select_n3A_556 : vector<16xi1>, vector<16xf32>
        %select_n3A_558 = arith.select %lt3A_547, %add3A_546, %select_n3A_527 : vector<16xi1>, vector<16xf32>
        %select_n3A_559 = arith.select %lt3A_547, %get3A_541, %select_n3A_528 : vector<16xi1>, vector<16xf32>
        %mul3A_560 = arith.constant 256 : i32
        %mul3A_561 = arith.muli %add3A_190, %mul3A_560 : i32
        %add3A_562 = arith.constant 192 : i32
        %add3A_563 = arith.addi %mul3A_561, %add3A_562 : i32
        %get3A_564 = arith.index_cast %add3A_563 : i32 to index
        %get3A_565 = tpu.vector_load %arg11[%get3A_564] {strides = array<i32>} : memref<16384xf32, #tpu.memory_space<vmem>>, vector<16xf32>,
        %get3A_566 = vector.shape_cast %get3A_565 : vector<16xf32> to vector<16xf32>
        %get3A_567 = arith.index_cast %add3A_563 : i32 to index
        %get3A_568 = tpu.vector_load %arg12[%get3A_567] {strides = array<i32>} : memref<16384xf32, #tpu.memory_space<vmem>>, vector<16xf32>,
        %get3A_569 = vector.shape_cast %get3A_568 : vector<16xf32> to vector<16xf32>
        %get3A_570 = arith.index_cast %add3A_563 : i32 to index
        %get3A_571 = tpu.vector_load %arg13[%get3A_570] {strides = array<i32>} : memref<16384xf32, #tpu.memory_space<vmem>>, vector<16xf32>,
        %get3A_572 = vector.shape_cast %get3A_571 : vector<16xf32> to vector<16xf32>
        %sub3A_573 = arith.subf %broadcast_in_dim3A_19, %get3A_566 : vector<16xf32>
        %sub3A_574 = arith.subf %mul3A_28, %get3A_569 : vector<16xf32>
        %mul3A_575 = arith.mulf %sub3A_573, %sub3A_573 : vector<16xf32>
        %mul3A_576 = arith.mulf %sub3A_574, %sub3A_574 : vector<16xf32>
        %add3A_577 = arith.addf %mul3A_575, %mul3A_576 : vector<16xf32>
        %lt3A_578 = arith.cmpf olt, %add3A_577, %select_n3A_558 : vector<16xf32>
        %lt3A_579 = arith.cmpf olt, %add3A_577, %select_n3A_555 : vector<16xf32>
        %lt3A_580 = arith.cmpf olt, %add3A_577, %select_n3A_551 : vector<16xf32>
        %select_n3A_581 = arith.select %lt3A_580, %add3A_577, %select_n3A_551 : vector<16xi1>, vector<16xf32>
        %select_n3A_582 = arith.select %lt3A_579, %select_n3A_555, %select_n3A_581 : vector<16xi1>, vector<16xf32>
        %select_n3A_583 = arith.select %lt3A_580, %get3A_572, %select_n3A_553 : vector<16xi1>, vector<16xf32>
        %select_n3A_584 = arith.select %lt3A_579, %select_n3A_557, %select_n3A_583 : vector<16xi1>, vector<16xf32>
        %select_n3A_585 = arith.select %lt3A_579, %add3A_577, %select_n3A_555 : vector<16xi1>, vector<16xf32>
        %select_n3A_586 = arith.select %lt3A_578, %select_n3A_558, %select_n3A_585 : vector<16xi1>, vector<16xf32>
        %select_n3A_587 = arith.select %lt3A_579, %get3A_572, %select_n3A_557 : vector<16xi1>, vector<16xf32>
        %select_n3A_588 = arith.select %lt3A_578, %select_n3A_559, %select_n3A_587 : vector<16xi1>, vector<16xf32>
        %select_n3A_589 = arith.select %lt3A_578, %add3A_577, %select_n3A_558 : vector<16xi1>, vector<16xf32>
        %select_n3A_590 = arith.select %lt3A_578, %get3A_572, %select_n3A_559 : vector<16xi1>, vector<16xf32>
        %mul3A_591 = arith.constant 256 : i32
        %mul3A_592 = arith.muli %add3A_190, %mul3A_591 : i32
        %add3A_593 = arith.constant 208 : i32
        %add3A_594 = arith.addi %mul3A_592, %add3A_593 : i32
        %get3A_595 = arith.index_cast %add3A_594 : i32 to index
        %get3A_596 = tpu.vector_load %arg11[%get3A_595] {strides = array<i32>} : memref<16384xf32, #tpu.memory_space<vmem>>, vector<16xf32>,
        %get3A_597 = vector.shape_cast %get3A_596 : vector<16xf32> to vector<16xf32>
        %get3A_598 = arith.index_cast %add3A_594 : i32 to index
        %get3A_599 = tpu.vector_load %arg12[%get3A_598] {strides = array<i32>} : memref<16384xf32, #tpu.memory_space<vmem>>, vector<16xf32>,
        %get3A_600 = vector.shape_cast %get3A_599 : vector<16xf32> to vector<16xf32>
        %get3A_601 = arith.index_cast %add3A_594 : i32 to index
        %get3A_602 = tpu.vector_load %arg13[%get3A_601] {strides = array<i32>} : memref<16384xf32, #tpu.memory_space<vmem>>, vector<16xf32>,
        %get3A_603 = vector.shape_cast %get3A_602 : vector<16xf32> to vector<16xf32>
        %sub3A_604 = arith.subf %broadcast_in_dim3A_19, %get3A_597 : vector<16xf32>
        %sub3A_605 = arith.subf %mul3A_28, %get3A_600 : vector<16xf32>
        %mul3A_606 = arith.mulf %sub3A_604, %sub3A_604 : vector<16xf32>
        %mul3A_607 = arith.mulf %sub3A_605, %sub3A_605 : vector<16xf32>
        %add3A_608 = arith.addf %mul3A_606, %mul3A_607 : vector<16xf32>
        %lt3A_609 = arith.cmpf olt, %add3A_608, %select_n3A_589 : vector<16xf32>
        %lt3A_610 = arith.cmpf olt, %add3A_608, %select_n3A_586 : vector<16xf32>
        %lt3A_611 = arith.cmpf olt, %add3A_608, %select_n3A_582 : vector<16xf32>
        %select_n3A_612 = arith.select %lt3A_611, %add3A_608, %select_n3A_582 : vector<16xi1>, vector<16xf32>
        %select_n3A_613 = arith.select %lt3A_610, %select_n3A_586, %select_n3A_612 : vector<16xi1>, vector<16xf32>
        %select_n3A_614 = arith.select %lt3A_611, %get3A_603, %select_n3A_584 : vector<16xi1>, vector<16xf32>
        %select_n3A_615 = arith.select %lt3A_610, %select_n3A_588, %select_n3A_614 : vector<16xi1>, vector<16xf32>
        %select_n3A_616 = arith.select %lt3A_610, %add3A_608, %select_n3A_586 : vector<16xi1>, vector<16xf32>
        %select_n3A_617 = arith.select %lt3A_609, %select_n3A_589, %select_n3A_616 : vector<16xi1>, vector<16xf32>
        %select_n3A_618 = arith.select %lt3A_610, %get3A_603, %select_n3A_588 : vector<16xi1>, vector<16xf32>
        %select_n3A_619 = arith.select %lt3A_609, %select_n3A_590, %select_n3A_618 : vector<16xi1>, vector<16xf32>
        %select_n3A_620 = arith.select %lt3A_609, %add3A_608, %select_n3A_589 : vector<16xi1>, vector<16xf32>
        %select_n3A_621 = arith.select %lt3A_609, %get3A_603, %select_n3A_590 : vector<16xi1>, vector<16xf32>
        %mul3A_622 = arith.constant 256 : i32
        %mul3A_623 = arith.muli %add3A_190, %mul3A_622 : i32
        %add3A_624 = arith.constant 224 : i32
        %add3A_625 = arith.addi %mul3A_623, %add3A_624 : i32
        %get3A_626 = arith.index_cast %add3A_625 : i32 to index
        %get3A_627 = tpu.vector_load %arg11[%get3A_626] {strides = array<i32>} : memref<16384xf32, #tpu.memory_space<vmem>>, vector<16xf32>,
        %get3A_628 = vector.shape_cast %get3A_627 : vector<16xf32> to vector<16xf32>
        %get3A_629 = arith.index_cast %add3A_625 : i32 to index
        %get3A_630 = tpu.vector_load %arg12[%get3A_629] {strides = array<i32>} : memref<16384xf32, #tpu.memory_space<vmem>>, vector<16xf32>,
        %get3A_631 = vector.shape_cast %get3A_630 : vector<16xf32> to vector<16xf32>
        %get3A_632 = arith.index_cast %add3A_625 : i32 to index
        %get3A_633 = tpu.vector_load %arg13[%get3A_632] {strides = array<i32>} : memref<16384xf32, #tpu.memory_space<vmem>>, vector<16xf32>,
        %get3A_634 = vector.shape_cast %get3A_633 : vector<16xf32> to vector<16xf32>
        %sub3A_635 = arith.subf %broadcast_in_dim3A_19, %get3A_628 : vector<16xf32>
        %sub3A_636 = arith.subf %mul3A_28, %get3A_631 : vector<16xf32>
        %mul3A_637 = arith.mulf %sub3A_635, %sub3A_635 : vector<16xf32>
        %mul3A_638 = arith.mulf %sub3A_636, %sub3A_636 : vector<16xf32>
        %add3A_639 = arith.addf %mul3A_637, %mul3A_638 : vector<16xf32>
        %lt3A_640 = arith.cmpf olt, %add3A_639, %select_n3A_620 : vector<16xf32>
        %lt3A_641 = arith.cmpf olt, %add3A_639, %select_n3A_617 : vector<16xf32>
        %lt3A_642 = arith.cmpf olt, %add3A_639, %select_n3A_613 : vector<16xf32>
        %select_n3A_643 = arith.select %lt3A_642, %add3A_639, %select_n3A_613 : vector<16xi1>, vector<16xf32>
        %select_n3A_644 = arith.select %lt3A_641, %select_n3A_617, %select_n3A_643 : vector<16xi1>, vector<16xf32>
        %select_n3A_645 = arith.select %lt3A_642, %get3A_634, %select_n3A_615 : vector<16xi1>, vector<16xf32>
        %select_n3A_646 = arith.select %lt3A_641, %select_n3A_619, %select_n3A_645 : vector<16xi1>, vector<16xf32>
        %select_n3A_647 = arith.select %lt3A_641, %add3A_639, %select_n3A_617 : vector<16xi1>, vector<16xf32>
        %select_n3A_648 = arith.select %lt3A_640, %select_n3A_620, %select_n3A_647 : vector<16xi1>, vector<16xf32>
        %select_n3A_649 = arith.select %lt3A_641, %get3A_634, %select_n3A_619 : vector<16xi1>, vector<16xf32>
        %select_n3A_650 = arith.select %lt3A_640, %select_n3A_621, %select_n3A_649 : vector<16xi1>, vector<16xf32>
        %select_n3A_651 = arith.select %lt3A_640, %add3A_639, %select_n3A_620 : vector<16xi1>, vector<16xf32>
        %select_n3A_652 = arith.select %lt3A_640, %get3A_634, %select_n3A_621 : vector<16xi1>, vector<16xf32>
        %mul3A_653 = arith.constant 256 : i32
        %mul3A_654 = arith.muli %add3A_190, %mul3A_653 : i32
        %add3A_655 = arith.constant 240 : i32
        %add3A_656 = arith.addi %mul3A_654, %add3A_655 : i32
        %get3A_657 = arith.index_cast %add3A_656 : i32 to index
        %get3A_658 = tpu.vector_load %arg11[%get3A_657] {strides = array<i32>} : memref<16384xf32, #tpu.memory_space<vmem>>, vector<16xf32>,
        %get3A_659 = vector.shape_cast %get3A_658 : vector<16xf32> to vector<16xf32>
        %get3A_660 = arith.index_cast %add3A_656 : i32 to index
        %get3A_661 = tpu.vector_load %arg12[%get3A_660] {strides = array<i32>} : memref<16384xf32, #tpu.memory_space<vmem>>, vector<16xf32>,
        %get3A_662 = vector.shape_cast %get3A_661 : vector<16xf32> to vector<16xf32>
        %get3A_663 = arith.index_cast %add3A_656 : i32 to index
        %get3A_664 = tpu.vector_load %arg13[%get3A_663] {strides = array<i32>} : memref<16384xf32, #tpu.memory_space<vmem>>, vector<16xf32>,
        %get3A_665 = vector.shape_cast %get3A_664 : vector<16xf32> to vector<16xf32>
        %sub3A_666 = arith.subf %broadcast_in_dim3A_19, %get3A_659 : vector<16xf32>
        %sub3A_667 = arith.subf %mul3A_28, %get3A_662 : vector<16xf32>
        %mul3A_668 = arith.mulf %sub3A_666, %sub3A_666 : vector<16xf32>
        %mul3A_669 = arith.mulf %sub3A_667, %sub3A_667 : vector<16xf32>
        %add3A_670 = arith.addf %mul3A_668, %mul3A_669 : vector<16xf32>
        %lt3A_671 = arith.cmpf olt, %add3A_670, %select_n3A_651 : vector<16xf32>
        %lt3A_672 = arith.cmpf olt, %add3A_670, %select_n3A_648 : vector<16xf32>
        %lt3A_673 = arith.cmpf olt, %add3A_670, %select_n3A_644 : vector<16xf32>
        %select_n3A_674 = arith.select %lt3A_673, %add3A_670, %select_n3A_644 : vector<16xi1>, vector<16xf32>
        %select_n3A_675 = arith.select %lt3A_672, %select_n3A_648, %select_n3A_674 : vector<16xi1>, vector<16xf32>
        %select_n3A_676 = arith.select %lt3A_673, %get3A_665, %select_n3A_646 : vector<16xi1>, vector<16xf32>
        %select_n3A_677 = arith.select %lt3A_672, %select_n3A_650, %select_n3A_676 : vector<16xi1>, vector<16xf32>
        %select_n3A_678 = arith.select %lt3A_672, %add3A_670, %select_n3A_648 : vector<16xi1>, vector<16xf32>
        %select_n3A_679 = arith.select %lt3A_671, %select_n3A_651, %select_n3A_678 : vector<16xi1>, vector<16xf32>
        %select_n3A_680 = arith.select %lt3A_672, %get3A_665, %select_n3A_650 : vector<16xi1>, vector<16xf32>
        %select_n3A_681 = arith.select %lt3A_671, %select_n3A_652, %select_n3A_680 : vector<16xi1>, vector<16xf32>
        %select_n3A_682 = arith.select %lt3A_671, %add3A_670, %select_n3A_651 : vector<16xi1>, vector<16xf32>
        %select_n3A_683 = arith.select %lt3A_671, %get3A_665, %select_n3A_652 : vector<16xi1>, vector<16xf32>
        scf.yield %select_n3A_682, %select_n3A_679, %select_n3A_675, %select_n3A_683, %select_n3A_681, %select_n3A_677 : vector<16xf32>, vector<16xf32>, vector<16xf32>, vector<16xf32>, vector<16xf32>, vector<16xf32>
      }
      %mul3A_157 = arith.constant 16 : i32
      %mul3A_158 = arith.muli %scan3A_12, %mul3A_157 : i32
      %swap3A = arith.index_cast %mul3A_158 : i32 to index
      %swap3A_159 = tpu.vector_load %arg17[%swap3A] {strides = array<i32>} : memref<2048xf32, #tpu.memory_space<vmem>>, vector<16xf32>,
      %swap3A_160 = vector.shape_cast %swap3A_159 : vector<16xf32> to vector<16xf32>
      %swap3A_161 = vector.shape_cast %while3A_156#0 : vector<16xf32> to vector<16xf32>
      tpu.vector_store %arg17[%swap3A], %swap3A_161 {strides = array<i32>} : memref<2048xf32, #tpu.memory_space<vmem>>, vector<16xf32>,
      %swap3A_162 = arith.index_cast %mul3A_158 : i32 to index
      %swap3A_163 = tpu.vector_load %arg18[%swap3A_162] {strides = array<i32>} : memref<2048xf32, #tpu.memory_space<vmem>>, vector<16xf32>,
      %swap3A_164 = vector.shape_cast %swap3A_163 : vector<16xf32> to vector<16xf32>
      %swap3A_165 = vector.shape_cast %while3A_156#1 : vector<16xf32> to vector<16xf32>
      tpu.vector_store %arg18[%swap3A_162], %swap3A_165 {strides = array<i32>} : memref<2048xf32, #tpu.memory_space<vmem>>, vector<16xf32>,
      %swap3A_166 = arith.index_cast %mul3A_158 : i32 to index
      %swap3A_167 = tpu.vector_load %arg19[%swap3A_166] {strides = array<i32>} : memref<2048xf32, #tpu.memory_space<vmem>>, vector<16xf32>,
      %swap3A_168 = vector.shape_cast %swap3A_167 : vector<16xf32> to vector<16xf32>
      %swap3A_169 = vector.shape_cast %while3A_156#2 : vector<16xf32> to vector<16xf32>
      tpu.vector_store %arg19[%swap3A_166], %swap3A_169 {strides = array<i32>} : memref<2048xf32, #tpu.memory_space<vmem>>, vector<16xf32>,
      %swap3A_170 = arith.index_cast %mul3A_158 : i32 to index
      %swap3A_171 = tpu.vector_load %arg14[%swap3A_170] {strides = array<i32>} : memref<2048xf32, #tpu.memory_space<vmem>>, vector<16xf32>,
      %swap3A_172 = vector.shape_cast %swap3A_171 : vector<16xf32> to vector<16xf32>
      %swap3A_173 = vector.shape_cast %while3A_156#3 : vector<16xf32> to vector<16xf32>
      tpu.vector_store %arg14[%swap3A_170], %swap3A_173 {strides = array<i32>} : memref<2048xf32, #tpu.memory_space<vmem>>, vector<16xf32>,
      %swap3A_174 = arith.index_cast %mul3A_158 : i32 to index
      %swap3A_175 = tpu.vector_load %arg15[%swap3A_174] {strides = array<i32>} : memref<2048xf32, #tpu.memory_space<vmem>>, vector<16xf32>,
      %swap3A_176 = vector.shape_cast %swap3A_175 : vector<16xf32> to vector<16xf32>
      %swap3A_177 = vector.shape_cast %while3A_156#4 : vector<16xf32> to vector<16xf32>
      tpu.vector_store %arg15[%swap3A_174], %swap3A_177 {strides = array<i32>} : memref<2048xf32, #tpu.memory_space<vmem>>, vector<16xf32>,
      %swap3A_178 = arith.index_cast %mul3A_158 : i32 to index
      %swap3A_179 = tpu.vector_load %arg16[%swap3A_178] {strides = array<i32>} : memref<2048xf32, #tpu.memory_space<vmem>>, vector<16xf32>,
      %swap3A_180 = vector.shape_cast %swap3A_179 : vector<16xf32> to vector<16xf32>
      %swap3A_181 = vector.shape_cast %while3A_156#5 : vector<16xf32> to vector<16xf32>
      tpu.vector_store %arg16[%swap3A_178], %swap3A_181 {strides = array<i32>} : memref<2048xf32, #tpu.memory_space<vmem>>, vector<16xf32>,
    }
    %scan3A_8 = arith.constant 128 : i32
    %mul3A = arith.constant 16 : i32
    %mul3A_9 = arith.muli %arg0, %mul3A : i32
    %add3A = arith.addi %mul3A_9, %arg1 : i32
    %mul3A_10 = arith.constant 2048 : i32
    %mul3A_11 = arith.muli %add3A, %mul3A_10 : i32
    "tpu.region"() ({
      %run_scoped3A = tpu.sem_alloc : memref<!tpu.dma_semaphore, #tpu.memory_space<semaphore_mem>>
      %dma_start3A = tpu.memref_slice %arg5[%mul3A_11] : memref<65536xf32, #tpu.memory_space<hbm>> -> memref<2048xf32, #tpu.memory_space<hbm>>
      %dma_start3A_12 = tpu.memref_slice %arg5[%mul3A_11] : memref<65536xf32, #tpu.memory_space<hbm>> -> memref<2048xf32, #tpu.memory_space<hbm>>
      tpu.enqueue_dma source(%arg14 : memref<2048xf32, #tpu.memory_space<vmem>>) target(%dma_start3A_12 : memref<2048xf32, #tpu.memory_space<hbm>>) target_semaphore(%run_scoped3A : memref<!tpu.dma_semaphore, #tpu.memory_space<semaphore_mem>>)
      %dma_wait3A = tpu.memref_slice %arg5[%mul3A_11] : memref<65536xf32, #tpu.memory_space<hbm>> -> memref<2048xf32, #tpu.memory_space<hbm>>
      %dma_wait3A_13 = tpu.memref_slice %arg5[%mul3A_11] : memref<65536xf32, #tpu.memory_space<hbm>> -> memref<2048xf32, #tpu.memory_space<hbm>>
      tpu.wait_dma2 semaphore(%run_scoped3A : memref<!tpu.dma_semaphore, #tpu.memory_space<semaphore_mem>>) src(%arg14 : memref<2048xf32, #tpu.memory_space<vmem>>) dst(%dma_wait3A_13 : memref<2048xf32, #tpu.memory_space<hbm>>)
      tpu.yield
    }) : () -> ()
    "tpu.region"() ({
      %run_scoped3A = tpu.sem_alloc : memref<!tpu.dma_semaphore, #tpu.memory_space<semaphore_mem>>
      %dma_start3A = tpu.memref_slice %arg6[%mul3A_11] : memref<65536xf32, #tpu.memory_space<hbm>> -> memref<2048xf32, #tpu.memory_space<hbm>>
      %dma_start3A_12 = tpu.memref_slice %arg6[%mul3A_11] : memref<65536xf32, #tpu.memory_space<hbm>> -> memref<2048xf32, #tpu.memory_space<hbm>>
      tpu.enqueue_dma source(%arg15 : memref<2048xf32, #tpu.memory_space<vmem>>) target(%dma_start3A_12 : memref<2048xf32, #tpu.memory_space<hbm>>) target_semaphore(%run_scoped3A : memref<!tpu.dma_semaphore, #tpu.memory_space<semaphore_mem>>)
      %dma_wait3A = tpu.memref_slice %arg6[%mul3A_11] : memref<65536xf32, #tpu.memory_space<hbm>> -> memref<2048xf32, #tpu.memory_space<hbm>>
      %dma_wait3A_13 = tpu.memref_slice %arg6[%mul3A_11] : memref<65536xf32, #tpu.memory_space<hbm>> -> memref<2048xf32, #tpu.memory_space<hbm>>
      tpu.wait_dma2 semaphore(%run_scoped3A : memref<!tpu.dma_semaphore, #tpu.memory_space<semaphore_mem>>) src(%arg15 : memref<2048xf32, #tpu.memory_space<vmem>>) dst(%dma_wait3A_13 : memref<2048xf32, #tpu.memory_space<hbm>>)
      tpu.yield
    }) : () -> ()
    "tpu.region"() ({
      %run_scoped3A = tpu.sem_alloc : memref<!tpu.dma_semaphore, #tpu.memory_space<semaphore_mem>>
      %dma_start3A = tpu.memref_slice %arg7[%mul3A_11] : memref<65536xf32, #tpu.memory_space<hbm>> -> memref<2048xf32, #tpu.memory_space<hbm>>
      %dma_start3A_12 = tpu.memref_slice %arg7[%mul3A_11] : memref<65536xf32, #tpu.memory_space<hbm>> -> memref<2048xf32, #tpu.memory_space<hbm>>
      tpu.enqueue_dma source(%arg16 : memref<2048xf32, #tpu.memory_space<vmem>>) target(%dma_start3A_12 : memref<2048xf32, #tpu.memory_space<hbm>>) target_semaphore(%run_scoped3A : memref<!tpu.dma_semaphore, #tpu.memory_space<semaphore_mem>>)
      %dma_wait3A = tpu.memref_slice %arg7[%mul3A_11] : memref<65536xf32, #tpu.memory_space<hbm>> -> memref<2048xf32, #tpu.memory_space<hbm>>
      %dma_wait3A_13 = tpu.memref_slice %arg7[%mul3A_11] : memref<65536xf32, #tpu.memory_space<hbm>> -> memref<2048xf32, #tpu.memory_space<hbm>>
      tpu.wait_dma2 semaphore(%run_scoped3A : memref<!tpu.dma_semaphore, #tpu.memory_space<semaphore_mem>>) src(%arg16 : memref<2048xf32, #tpu.memory_space<vmem>>) dst(%dma_wait3A_13 : memref<2048xf32, #tpu.memory_space<hbm>>)
      tpu.yield
    }) : () -> ()
    "tpu.region"() ({
      %run_scoped3A = tpu.sem_alloc : memref<!tpu.dma_semaphore, #tpu.memory_space<semaphore_mem>>
      %dma_start3A = tpu.memref_slice %arg8[%mul3A_11] : memref<65536xf32, #tpu.memory_space<hbm>> -> memref<2048xf32, #tpu.memory_space<hbm>>
      %dma_start3A_12 = tpu.memref_slice %arg8[%mul3A_11] : memref<65536xf32, #tpu.memory_space<hbm>> -> memref<2048xf32, #tpu.memory_space<hbm>>
      tpu.enqueue_dma source(%arg17 : memref<2048xf32, #tpu.memory_space<vmem>>) target(%dma_start3A_12 : memref<2048xf32, #tpu.memory_space<hbm>>) target_semaphore(%run_scoped3A : memref<!tpu.dma_semaphore, #tpu.memory_space<semaphore_mem>>)
      %dma_wait3A = tpu.memref_slice %arg8[%mul3A_11] : memref<65536xf32, #tpu.memory_space<hbm>> -> memref<2048xf32, #tpu.memory_space<hbm>>
      %dma_wait3A_13 = tpu.memref_slice %arg8[%mul3A_11] : memref<65536xf32, #tpu.memory_space<hbm>> -> memref<2048xf32, #tpu.memory_space<hbm>>
      tpu.wait_dma2 semaphore(%run_scoped3A : memref<!tpu.dma_semaphore, #tpu.memory_space<semaphore_mem>>) src(%arg17 : memref<2048xf32, #tpu.memory_space<vmem>>) dst(%dma_wait3A_13 : memref<2048xf32, #tpu.memory_space<hbm>>)
      tpu.yield
    }) : () -> ()
    "tpu.region"() ({
      %run_scoped3A = tpu.sem_alloc : memref<!tpu.dma_semaphore, #tpu.memory_space<semaphore_mem>>
      %dma_start3A = tpu.memref_slice %arg9[%mul3A_11] : memref<65536xf32, #tpu.memory_space<hbm>> -> memref<2048xf32, #tpu.memory_space<hbm>>
      %dma_start3A_12 = tpu.memref_slice %arg9[%mul3A_11] : memref<65536xf32, #tpu.memory_space<hbm>> -> memref<2048xf32, #tpu.memory_space<hbm>>
      tpu.enqueue_dma source(%arg18 : memref<2048xf32, #tpu.memory_space<vmem>>) target(%dma_start3A_12 : memref<2048xf32, #tpu.memory_space<hbm>>) target_semaphore(%run_scoped3A : memref<!tpu.dma_semaphore, #tpu.memory_space<semaphore_mem>>)
      %dma_wait3A = tpu.memref_slice %arg9[%mul3A_11] : memref<65536xf32, #tpu.memory_space<hbm>> -> memref<2048xf32, #tpu.memory_space<hbm>>
      %dma_wait3A_13 = tpu.memref_slice %arg9[%mul3A_11] : memref<65536xf32, #tpu.memory_space<hbm>> -> memref<2048xf32, #tpu.memory_space<hbm>>
      tpu.wait_dma2 semaphore(%run_scoped3A : memref<!tpu.dma_semaphore, #tpu.memory_space<semaphore_mem>>) src(%arg18 : memref<2048xf32, #tpu.memory_space<vmem>>) dst(%dma_wait3A_13 : memref<2048xf32, #tpu.memory_space<hbm>>)
      tpu.yield
    }) : () -> ()
    "tpu.region"() ({
      %run_scoped3A = tpu.sem_alloc : memref<!tpu.dma_semaphore, #tpu.memory_space<semaphore_mem>>
      %dma_start3A = tpu.memref_slice %arg10[%mul3A_11] : memref<65536xf32, #tpu.memory_space<hbm>> -> memref<2048xf32, #tpu.memory_space<hbm>>
      %dma_start3A_12 = tpu.memref_slice %arg10[%mul3A_11] : memref<65536xf32, #tpu.memory_space<hbm>> -> memref<2048xf32, #tpu.memory_space<hbm>>
      tpu.enqueue_dma source(%arg19 : memref<2048xf32, #tpu.memory_space<vmem>>) target(%dma_start3A_12 : memref<2048xf32, #tpu.memory_space<hbm>>) target_semaphore(%run_scoped3A : memref<!tpu.dma_semaphore, #tpu.memory_space<semaphore_mem>>)
      %dma_wait3A = tpu.memref_slice %arg10[%mul3A_11] : memref<65536xf32, #tpu.memory_space<hbm>> -> memref<2048xf32, #tpu.memory_space<hbm>>
      %dma_wait3A_13 = tpu.memref_slice %arg10[%mul3A_11] : memref<65536xf32, #tpu.memory_space<hbm>> -> memref<2048xf32, #tpu.memory_space<hbm>>
      tpu.wait_dma2 semaphore(%run_scoped3A : memref<!tpu.dma_semaphore, #tpu.memory_space<semaphore_mem>>) src(%arg19 : memref<2048xf32, #tpu.memory_space<vmem>>) dst(%dma_wait3A_13 : memref<2048xf32, #tpu.memory_space<hbm>>)
      tpu.yield
    }) : () -> ()
    return
  }
}

module attributes {stable_mosaic.version = 14 : i64} {
  func.func @_sph_sort_kernel(%arg0: i32, %arg1: memref<1x1x1024xf32, #tpu.memory_space<vmem>>, %arg2: memref<1x1x1024xf32, #tpu.memory_space<vmem>>, %arg3: memref<1x1x1024xf32, #tpu.memory_space<vmem>>, %arg4: memref<1x1024x16xf32, #tpu.memory_space<vmem>>, %arg5: memref<1x1024x16xf32, #tpu.memory_space<vmem>>, %arg6: memref<1x1024x16xf32, #tpu.memory_space<vmem>>) attributes {dimension_semantics = [#tpu.dimension_semantics<arbitrary>], iteration_bounds = array<i64: 2>, scalar_prefetch = 0 : i64, scratch_operands = 0 : i64, tpu.core_type = #tpu.core_type<tc>, window_params = [{transform_indices = @transform_0, window_bounds = array<i64: 1, 1, 1024>}, {transform_indices = @transform_1, window_bounds = array<i64: 1, 1, 1024>}, {transform_indices = @transform_2, window_bounds = array<i64: 1, 1, 1024>}, {transform_indices = @transform_3, window_bounds = array<i64: 1, 1024, 16>}, {transform_indices = @transform_4, window_bounds = array<i64: 1, 1024, 16>}, {transform_indices = @transform_5, window_bounds = array<i64: 1, 1024, 16>}]} {
    %get3A = arith.constant 0 : index
    %get3A_0 = arith.constant 0 : index
    %get3A_1 = arith.constant 0 : index
    %get3A_2 = vector.load %arg1[%get3A, %get3A_0, %get3A_1] : memref<1x1x1024xf32, #tpu.memory_space<vmem>>, vector<1x1x1024xf32>
    %get3A_3 = vector.shape_cast %get3A_2 : vector<1x1x1024xf32> to vector<1x1024xf32>
    %get3A_4 = arith.constant 0 : index
    %get3A_5 = arith.constant 0 : index
    %get3A_6 = arith.constant 0 : index
    %get3A_7 = vector.load %arg2[%get3A_4, %get3A_5, %get3A_6] : memref<1x1x1024xf32, #tpu.memory_space<vmem>>, vector<1x1x1024xf32>
    %get3A_8 = vector.shape_cast %get3A_7 : vector<1x1x1024xf32> to vector<1x1024xf32>
    %get3A_9 = arith.constant 0 : index
    %get3A_10 = arith.constant 0 : index
    %get3A_11 = arith.constant 0 : index
    %get3A_12 = vector.load %arg3[%get3A_9, %get3A_10, %get3A_11] : memref<1x1x1024xf32, #tpu.memory_space<vmem>>, vector<1x1x1024xf32>
    %get3A_13 = vector.shape_cast %get3A_12 : vector<1x1x1024xf32> to vector<1x1024xf32>
    %mul3A = arith.mulf %get3A_3, %get3A_3 : vector<1x1024xf32>
    %mul3A_14 = arith.mulf %get3A_8, %get3A_8 : vector<1x1024xf32>
    %add3A = arith.addf %mul3A, %mul3A_14 : vector<1x1024xf32>
    %mul3A_15 = arith.mulf %get3A_13, %get3A_13 : vector<1x1024xf32>
    %add3A_16 = arith.addf %add3A, %mul3A_15 : vector<1x1024xf32>
    %sqrt3A = math.sqrt %add3A_16 : vector<1x1024xf32>
    %mul3A_17 = arith.mulf %get3A_8, %get3A_8 : vector<1x1024xf32>
    %mul3A_18 = arith.mulf %get3A_13, %get3A_13 : vector<1x1024xf32>
    %add3A_19 = arith.addf %mul3A_17, %mul3A_18 : vector<1x1024xf32>
    %sqrt3A_20 = math.sqrt %add3A_19 : vector<1x1024xf32>
    %div3A = arith.divf %get3A_3, %sqrt3A : vector<1x1024xf32>
    %jit3A = arith.constant -1.000000e+00 : f32
    %jit3A_21 = arith.constant 1.000000e+00 : f32
    %max3A = vector.broadcast %jit3A : f32 to vector<1x1024xf32>
    %max3A_22 = arith.maximumf %max3A, %div3A : vector<1x1024xf32>
    %min3A = vector.broadcast %jit3A_21 : f32 to vector<1x1024xf32>
    %min3A_23 = arith.minimumf %min3A, %max3A_22 : vector<1x1024xf32>
    %sub3A = arith.constant 1.000000e+00 : f32
    %sub3A_24 = vector.broadcast %sub3A : f32 to vector<1x1024xf32>
    %sub3A_25 = arith.subf %sub3A_24, %min3A_23 : vector<1x1024xf32>
    %add3A_26 = arith.constant 1.000000e+00 : f32
    %add3A_27 = vector.broadcast %add3A_26 : f32 to vector<1x1024xf32>
    %add3A_28 = arith.addf %add3A_27, %min3A_23 : vector<1x1024xf32>
    %mul3A_29 = arith.mulf %sub3A_25, %add3A_28 : vector<1x1024xf32>
    %sqrt3A_30 = math.sqrt %mul3A_29 : vector<1x1024xf32>
    %atan23A = math.atan2 %sqrt3A_30, %min3A_23 : vector<1x1024xf32>
    %div3A_31 = arith.divf %get3A_8, %sqrt3A_20 : vector<1x1024xf32>
    %jit3A_32 = arith.constant -1.000000e+00 : f32
    %jit3A_33 = arith.constant 1.000000e+00 : f32
    %max3A_34 = vector.broadcast %jit3A_32 : f32 to vector<1x1024xf32>
    %max3A_35 = arith.maximumf %max3A_34, %div3A_31 : vector<1x1024xf32>
    %min3A_36 = vector.broadcast %jit3A_33 : f32 to vector<1x1024xf32>
    %min3A_37 = arith.minimumf %min3A_36, %max3A_35 : vector<1x1024xf32>
    %sub3A_38 = arith.constant 1.000000e+00 : f32
    %sub3A_39 = vector.broadcast %sub3A_38 : f32 to vector<1x1024xf32>
    %sub3A_40 = arith.subf %sub3A_39, %min3A_37 : vector<1x1024xf32>
    %add3A_41 = arith.constant 1.000000e+00 : f32
    %add3A_42 = vector.broadcast %add3A_41 : f32 to vector<1x1024xf32>
    %add3A_43 = arith.addf %add3A_42, %min3A_37 : vector<1x1024xf32>
    %mul3A_44 = arith.mulf %sub3A_40, %add3A_43 : vector<1x1024xf32>
    %sqrt3A_45 = math.sqrt %mul3A_44 : vector<1x1024xf32>
    %atan23A_46 = math.atan2 %sqrt3A_45, %min3A_37 : vector<1x1024xf32>
    %lt3A = arith.constant 0.000000e+00 : f32
    %lt3A_47 = vector.broadcast %lt3A : f32 to vector<1x1024xf32>
    %lt3A_48 = arith.cmpf olt, %get3A_13, %lt3A_47 : vector<1x1024xf32>
    %sub3A_49 = arith.constant 6.28318548 : f32
    %sub3A_50 = vector.broadcast %sub3A_49 : f32 to vector<1x1024xf32>
    %sub3A_51 = arith.subf %sub3A_50, %atan23A_46 : vector<1x1024xf32>
    %select_n3A = arith.select %lt3A_48, %sub3A_51, %atan23A_46 : vector<1x1024xi1>, vector<1x1024xf32>
    %sub3A_52 = arith.constant 3.14159274 : f32
    %sub3A_53 = vector.broadcast %sub3A_52 : f32 to vector<1x1024xf32>
    %sub3A_54 = arith.subf %select_n3A, %sub3A_53 : vector<1x1024xf32>
    %broadcast_in_dim3A = arith.constant 1.000000e+00 : f32
    %broadcast_in_dim3A_55 = vector.broadcast %broadcast_in_dim3A : f32 to vector<1x1024xf32>
    %dot_general3A = arith.constant dense<0.000000e+00> : vector<1024x1024xf32>
    %dot_general3A_56 = tpu.matmul %atan23A, %broadcast_in_dim3A_55, %dot_general3A {dimension_numbers = #tpu.dot_dimension_numbers<[0], [0], [1], [1], [0, 1, 1, 1], [], []>, precision = #tpu.contract_precision<fp32>, transpose_lhs_hint = false} : vector<1x1024xf32>, vector<1x1024xf32>, vector<1024x1024xf32> -> vector<1024x1024xf32>
    %iota3A = tpu.iota {dimensions = array<i32: 0>} : vector<1024x1024xi32>
    %iota3A_57 = tpu.iota {dimensions = array<i32: 1>} : vector<1024x1024xi32>
    %lt3A_58 = vector.broadcast %atan23A : vector<1x1024xf32> to vector<1024x1024xf32>
    %lt3A_59 = arith.cmpf olt, %dot_general3A_56, %lt3A_58 : vector<1024x1024xf32>
    %eq3A = vector.broadcast %atan23A : vector<1x1024xf32> to vector<1024x1024xf32>
    %eq3A_60 = arith.cmpf oeq, %dot_general3A_56, %eq3A : vector<1024x1024xf32>
    %lt3A_61 = arith.cmpi slt, %iota3A, %iota3A_57 : vector<1024x1024xi32>
    %and3A = arith.andi %eq3A_60, %lt3A_61 : vector<1024x1024xi1>
    %or3A = arith.ori %lt3A_59, %and3A : vector<1024x1024xi1>
    %convert_element_type3A = arith.extui %or3A : vector<1024x1024xi1> to vector<1024x1024xi32>
    %convert_element_type3A_62 = arith.sitofp %convert_element_type3A : vector<1024x1024xi32> to vector<1024x1024xf32>
    %reduce_sum3A = arith.constant dense<0.000000e+00> : vector<1024xf32>
    %reduce_sum3A_63 = vector.multi_reduction <add>, %convert_element_type3A_62, %reduce_sum3A [0] : vector<1024x1024xf32> to vector<1024xf32>
    %broadcast_in_dim3A_64 = vector.shape_cast %reduce_sum3A_63 : vector<1024xf32> to vector<1x1024xf32>
    %dot_general3A_65 = arith.constant dense<0.000000e+00> : vector<1024x1024xf32>
    %dot_general3A_66 = tpu.matmul %broadcast_in_dim3A_64, %broadcast_in_dim3A_55, %dot_general3A_65 {dimension_numbers = #tpu.dot_dimension_numbers<[0], [0], [1], [1], [0, 1, 1, 1], [], []>, precision = #tpu.contract_precision<fp32>, transpose_lhs_hint = false} : vector<1x1024xf32>, vector<1x1024xf32>, vector<1024x1024xf32> -> vector<1024x1024xf32>
    %convert_element_type3A_67 = arith.fptosi %dot_general3A_66 : vector<1024x1024xf32> to vector<1024x1024xi32>
    %eq3A_68 = arith.cmpi eq, %convert_element_type3A_67, %iota3A_57 : vector<1024x1024xi32>
    %convert_element_type3A_69 = arith.extui %eq3A_68 : vector<1024x1024xi1> to vector<1024x1024xi32>
    %convert_element_type3A_70 = arith.sitofp %convert_element_type3A_69 : vector<1024x1024xi32> to vector<1024x1024xf32>
    %concatenate3A = tpu.concatenate %atan23A, %sub3A_54, %sqrt3A in 0 : vector<1x1024xf32>, vector<1x1024xf32>, vector<1x1024xf32> -> vector<3x1024xf32>
    %dot_general3A_71 = arith.constant dense<0.000000e+00> : vector<3x1024xf32>
    %dot_general3A_72 = tpu.matmul %concatenate3A, %convert_element_type3A_70, %dot_general3A_71 {dimension_numbers = #tpu.dot_dimension_numbers<[1], [0], [0], [1], [0, 0, 1, 1], [], []>, precision = #tpu.contract_precision<fp32>, transpose_lhs_hint = false} : vector<3x1024xf32>, vector<1024x1024xf32>, vector<3x1024xf32> -> vector<3x1024xf32>
    %broadcast_in_dim3A_73 = arith.constant 1.000000e+00 : f32
    %broadcast_in_dim3A_74 = vector.broadcast %broadcast_in_dim3A_73 : f32 to vector<1x16xf32>
    %slice3A = vector.extract_strided_slice %dot_general3A_72 {offsets = [0, 0], sizes = [1, 1024], strides = [1, 1]} : vector<3x1024xf32> to vector<1x1024xf32>
    %dot_general3A_75 = arith.constant dense<0.000000e+00> : vector<1024x16xf32>
    %dot_general3A_76 = tpu.matmul %slice3A, %broadcast_in_dim3A_74, %dot_general3A_75 {dimension_numbers = #tpu.dot_dimension_numbers<[0], [0], [1], [1], [0, 1, 1, 1], [], []>, precision = #tpu.contract_precision<fp32>, transpose_lhs_hint = false} : vector<1x1024xf32>, vector<1x16xf32>, vector<1024x16xf32> -> vector<1024x16xf32>
    %reshape3A = vector.shape_cast %dot_general3A_76 : vector<1024x16xf32> to vector<1x1024x16xf32>
    %swap3A = arith.constant 0 : index
    %swap3A_77 = arith.constant 0 : index
    %swap3A_78 = arith.constant 0 : index
    %swap3A_79 = vector.load %arg4[%swap3A, %swap3A_77, %swap3A_78] : memref<1x1024x16xf32, #tpu.memory_space<vmem>>, vector<1x1024x16xf32>
    tpu.vector_store %arg4[%swap3A, %swap3A_77, %swap3A_78], %reshape3A {strides = array<i32>} : memref<1x1024x16xf32, #tpu.memory_space<vmem>>, vector<1x1024x16xf32>,
    %slice3A_80 = vector.extract_strided_slice %dot_general3A_72 {offsets = [1, 0], sizes = [1, 1024], strides = [1, 1]} : vector<3x1024xf32> to vector<1x1024xf32>
    %dot_general3A_81 = arith.constant dense<0.000000e+00> : vector<1024x16xf32>
    %dot_general3A_82 = tpu.matmul %slice3A_80, %broadcast_in_dim3A_74, %dot_general3A_81 {dimension_numbers = #tpu.dot_dimension_numbers<[0], [0], [1], [1], [0, 1, 1, 1], [], []>, precision = #tpu.contract_precision<fp32>, transpose_lhs_hint = false} : vector<1x1024xf32>, vector<1x16xf32>, vector<1024x16xf32> -> vector<1024x16xf32>
    %reshape3A_83 = vector.shape_cast %dot_general3A_82 : vector<1024x16xf32> to vector<1x1024x16xf32>
    %swap3A_84 = arith.constant 0 : index
    %swap3A_85 = arith.constant 0 : index
    %swap3A_86 = arith.constant 0 : index
    %swap3A_87 = vector.load %arg5[%swap3A_84, %swap3A_85, %swap3A_86] : memref<1x1024x16xf32, #tpu.memory_space<vmem>>, vector<1x1024x16xf32>
    tpu.vector_store %arg5[%swap3A_84, %swap3A_85, %swap3A_86], %reshape3A_83 {strides = array<i32>} : memref<1x1024x16xf32, #tpu.memory_space<vmem>>, vector<1x1024x16xf32>,
    %slice3A_88 = vector.extract_strided_slice %dot_general3A_72 {offsets = [2, 0], sizes = [1, 1024], strides = [1, 1]} : vector<3x1024xf32> to vector<1x1024xf32>
    %dot_general3A_89 = arith.constant dense<0.000000e+00> : vector<1024x16xf32>
    %dot_general3A_90 = tpu.matmul %slice3A_88, %broadcast_in_dim3A_74, %dot_general3A_89 {dimension_numbers = #tpu.dot_dimension_numbers<[0], [0], [1], [1], [0, 1, 1, 1], [], []>, precision = #tpu.contract_precision<fp32>, transpose_lhs_hint = false} : vector<1x1024xf32>, vector<1x16xf32>, vector<1024x16xf32> -> vector<1024x16xf32>
    %reshape3A_91 = vector.shape_cast %dot_general3A_90 : vector<1024x16xf32> to vector<1x1024x16xf32>
    %swap3A_92 = arith.constant 0 : index
    %swap3A_93 = arith.constant 0 : index
    %swap3A_94 = arith.constant 0 : index
    %swap3A_95 = vector.load %arg6[%swap3A_92, %swap3A_93, %swap3A_94] : memref<1x1024x16xf32, #tpu.memory_space<vmem>>, vector<1x1024x16xf32>
    tpu.vector_store %arg6[%swap3A_92, %swap3A_93, %swap3A_94], %reshape3A_91 {strides = array<i32>} : memref<1x1024x16xf32, #tpu.memory_space<vmem>>, vector<1x1024x16xf32>,
    return
  }
  func.func @transform_0(%arg0: i32) -> (i32, i32, i32) {
    %c0_i32 = arith.constant 0 : i32
    %c0_i32_0 = arith.constant 0 : i32
    %c0_i32_1 = arith.constant 0 : i32
    return %arg0, %c0_i32, %c0_i32_0 : i32, i32, i32
  }
  func.func @transform_1(%arg0: i32) -> (i32, i32, i32) {
    %c0_i32 = arith.constant 0 : i32
    %c0_i32_0 = arith.constant 0 : i32
    %c0_i32_1 = arith.constant 0 : i32
    return %arg0, %c0_i32, %c0_i32_0 : i32, i32, i32
  }
  func.func @transform_2(%arg0: i32) -> (i32, i32, i32) {
    %c0_i32 = arith.constant 0 : i32
    %c0_i32_0 = arith.constant 0 : i32
    %c0_i32_1 = arith.constant 0 : i32
    return %arg0, %c0_i32, %c0_i32_0 : i32, i32, i32
  }
  func.func @transform_3(%arg0: i32) -> (i32, i32, i32) {
    %c0_i32 = arith.constant 0 : i32
    %c0_i32_0 = arith.constant 0 : i32
    %c0_i32_1 = arith.constant 0 : i32
    return %arg0, %c0_i32, %c0_i32_0 : i32, i32, i32
  }
  func.func @transform_4(%arg0: i32) -> (i32, i32, i32) {
    %c0_i32 = arith.constant 0 : i32
    %c0_i32_0 = arith.constant 0 : i32
    %c0_i32_1 = arith.constant 0 : i32
    return %arg0, %c0_i32, %c0_i32_0 : i32, i32, i32
  }
  func.func @transform_5(%arg0: i32) -> (i32, i32, i32) {
    %c0_i32 = arith.constant 0 : i32
    %c0_i32_0 = arith.constant 0 : i32
    %c0_i32_1 = arith.constant 0 : i32
    return %arg0, %c0_i32, %c0_i32_0 : i32, i32, i32
  }
}

module attributes {stable_mosaic.version = 14 : i64} {
  func.func @_sht_kernel(%arg0: memref<256x256xf32, #tpu.memory_space<vmem>>, %arg1: memref<256x256xf32, #tpu.memory_space<vmem>>, %arg2: memref<256x256xf32, #tpu.memory_space<vmem>>, %arg3: memref<256x256xf32, #tpu.memory_space<vmem>>, %arg4: memref<256x256xf32, #tpu.memory_space<vmem>>, %arg5: memref<256x256xf32, #tpu.memory_space<vmem>>, %arg6: memref<2x50x50xf32, #tpu.memory_space<vmem>>, %arg7: memref<256x50xf32, #tpu.memory_space<vmem>>, %arg8: memref<128x50x50xf32, #tpu.memory_space<vmem>>, %arg9: memref<50x1xf32, #tpu.memory_space<vmem>>, %arg10: memref<1x1xf32, #tpu.memory_space<vmem>>) attributes {dimension_semantics = [], scalar_prefetch = 0 : i64, scratch_operands = 0 : i64, tpu.core_type = #tpu.core_type<tc>} {
    %get3A = arith.constant 0 : index
    %get3A_0 = arith.constant 0 : index
    %get3A_1 = vector.load %arg3[%get3A, %get3A_0] : memref<256x256xf32, #tpu.memory_space<vmem>>, vector<256x256xf32>
    %max3A = arith.constant 9.99999996E-13 : f32
    %max3A_2 = vector.broadcast %max3A : f32 to vector<256x256xf32>
    %max3A_3 = arith.maximumf %get3A_1, %max3A_2 : vector<256x256xf32>
    %sqrt3A = math.sqrt %max3A_3 : vector<256x256xf32>
    %get3A_4 = arith.constant 0 : index
    %get3A_5 = arith.constant 0 : index
    %get3A_6 = vector.load %arg4[%get3A_4, %get3A_5] : memref<256x256xf32, #tpu.memory_space<vmem>>, vector<256x256xf32>
    %max3A_7 = arith.constant 9.99999996E-13 : f32
    %max3A_8 = vector.broadcast %max3A_7 : f32 to vector<256x256xf32>
    %max3A_9 = arith.maximumf %get3A_6, %max3A_8 : vector<256x256xf32>
    %sqrt3A_10 = math.sqrt %max3A_9 : vector<256x256xf32>
    %get3A_11 = arith.constant 0 : index
    %get3A_12 = arith.constant 0 : index
    %get3A_13 = vector.load %arg5[%get3A_11, %get3A_12] : memref<256x256xf32, #tpu.memory_space<vmem>>, vector<256x256xf32>
    %max3A_14 = arith.constant 9.99999996E-13 : f32
    %max3A_15 = vector.broadcast %max3A_14 : f32 to vector<256x256xf32>
    %max3A_16 = arith.maximumf %get3A_13, %max3A_15 : vector<256x256xf32>
    %sqrt3A_17 = math.sqrt %max3A_16 : vector<256x256xf32>
    %get3A_18 = arith.constant 0 : index
    %get3A_19 = arith.constant 0 : index
    %get3A_20 = vector.load %arg0[%get3A_18, %get3A_19] : memref<256x256xf32, #tpu.memory_space<vmem>>, vector<256x256xf32>
    %mul3A = arith.mulf %get3A_20, %sqrt3A : vector<256x256xf32>
    %get3A_21 = arith.constant 0 : index
    %get3A_22 = arith.constant 0 : index
    %get3A_23 = vector.load %arg1[%get3A_21, %get3A_22] : memref<256x256xf32, #tpu.memory_space<vmem>>, vector<256x256xf32>
    %mul3A_24 = arith.mulf %get3A_23, %sqrt3A_10 : vector<256x256xf32>
    %add3A = arith.addf %mul3A, %mul3A_24 : vector<256x256xf32>
    %get3A_25 = arith.constant 0 : index
    %get3A_26 = arith.constant 0 : index
    %get3A_27 = vector.load %arg2[%get3A_25, %get3A_26] : memref<256x256xf32, #tpu.memory_space<vmem>>, vector<256x256xf32>
    %mul3A_28 = arith.mulf %get3A_27, %sqrt3A_17 : vector<256x256xf32>
    %add3A_29 = arith.addf %add3A, %mul3A_28 : vector<256x256xf32>
    %add3A_30 = arith.addf %sqrt3A, %sqrt3A_10 : vector<256x256xf32>
    %add3A_31 = arith.addf %add3A_30, %sqrt3A_17 : vector<256x256xf32>
    %div3A = arith.divf %add3A_29, %add3A_31 : vector<256x256xf32>
    %get3A_32 = arith.constant 0 : index
    %get3A_33 = arith.constant 0 : index
    %get3A_34 = vector.load %arg7[%get3A_32, %get3A_33] : memref<256x50xf32, #tpu.memory_space<vmem>>, vector<256x50xf32>
    %dot_general3A = arith.constant dense<0.000000e+00> : vector<256x50xf32>
    %dot_general3A_35 = tpu.matmul %div3A, %get3A_34, %dot_general3A {dimension_numbers = #tpu.dot_dimension_numbers<[1], [0], [0], [1], [0, 0, 1, 1], [], []>, precision = #tpu.contract_precision<fp32>, transpose_lhs_hint = false} : vector<256x256xf32>, vector<256x50xf32>, vector<256x50xf32> -> vector<256x50xf32>
    %mul3A_36 = arith.constant 0.0245436933 : f32
    %mul3A_37 = vector.broadcast %mul3A_36 : f32 to vector<256x50xf32>
    %mul3A_38 = arith.mulf %dot_general3A_35, %mul3A_37 : vector<256x50xf32>
    %get3A_39 = arith.constant 0 : index
    %get3A_40 = arith.constant 0 : index
    %get3A_41 = arith.constant 0 : index
    %get3A_42 = vector.load %arg8[%get3A_39, %get3A_40, %get3A_41] : memref<128x50x50xf32, #tpu.memory_space<vmem>>, vector<128x50x50xf32>
    %get3A_43 = arith.constant 0 : index
    %get3A_44 = arith.constant 0 : index
    %get3A_45 = vector.load %arg9[%get3A_43, %get3A_44] : memref<50x1xf32, #tpu.memory_space<vmem>>, vector<50x1xf32>
    %slice3A = vector.extract_strided_slice %mul3A_38 {offsets = [0, 0], sizes = [128, 50], strides = [1, 1]} : vector<256x50xf32> to vector<128x50xf32>
    %broadcast_in_dim3A = vector.shape_cast %slice3A : vector<128x50xf32> to vector<128x1x50xf32>
    %mul3A_46 = vector.broadcast %broadcast_in_dim3A : vector<128x1x50xf32> to vector<128x50x50xf32>
    %mul3A_47 = arith.mulf %get3A_42, %mul3A_46 : vector<128x50x50xf32>
    %reduce_sum3A = arith.constant dense<0.000000e+00> : vector<50x50xf32>
    %reduce_sum3A_48 = vector.multi_reduction <add>, %mul3A_47, %reduce_sum3A [0] : vector<128x50x50xf32> to vector<50x50xf32>
    %get3A_49 = arith.constant 0 : index
    %get3A_50 = arith.constant 0 : index
    %get3A_51 = arith.constant 0 : index
    %get3A_52 = vector.load %arg6[%get3A_49, %get3A_50, %get3A_51] : memref<2x50x50xf32, #tpu.memory_space<vmem>>, vector<1x50x50xf32>
    %get3A_53 = vector.shape_cast %get3A_52 : vector<1x50x50xf32> to vector<50x50xf32>
    %sub3A = arith.subf %reduce_sum3A_48, %get3A_53 : vector<50x50xf32>
    %mul3A_54 = arith.mulf %sub3A, %sub3A : vector<50x50xf32>
    %mul3A_55 = vector.broadcast %get3A_45 : vector<50x1xf32> to vector<50x50xf32>
    %mul3A_56 = arith.mulf %mul3A_54, %mul3A_55 : vector<50x50xf32>
    %reduce_sum3A_57 = vector.shape_cast %mul3A_56 : vector<50x50xf32> to vector<1x50x50xf32>
    %reduce_sum3A_58 = arith.constant dense<0.000000e+00> : vector<1xf32>
    %reduce_sum3A_59 = vector.multi_reduction <add>, %reduce_sum3A_57, %reduce_sum3A_58 [1, 2] : vector<1x50x50xf32> to vector<1xf32>
    %reduce_sum3A_60 = vector.shape_cast %reduce_sum3A_59 : vector<1xf32> to vector<1x1x1xf32>
    %reduce_sum3A_61 = vector.extract %reduce_sum3A_60[0, 0, 0] : f32 from vector<1x1x1xf32>
    %add3A_62 = arith.constant 0.000000e+00 : f32
    %add3A_63 = arith.addf %add3A_62, %reduce_sum3A_61 : f32
    %slice3A_64 = vector.extract_strided_slice %mul3A_38 {offsets = [128, 0], sizes = [128, 50], strides = [1, 1]} : vector<256x50xf32> to vector<128x50xf32>
    %broadcast_in_dim3A_65 = vector.shape_cast %slice3A_64 : vector<128x50xf32> to vector<128x1x50xf32>
    %mul3A_66 = vector.broadcast %broadcast_in_dim3A_65 : vector<128x1x50xf32> to vector<128x50x50xf32>
    %mul3A_67 = arith.mulf %get3A_42, %mul3A_66 : vector<128x50x50xf32>
    %reduce_sum3A_68 = arith.constant dense<0.000000e+00> : vector<50x50xf32>
    %reduce_sum3A_69 = vector.multi_reduction <add>, %mul3A_67, %reduce_sum3A_68 [0] : vector<128x50x50xf32> to vector<50x50xf32>
    %get3A_70 = arith.constant 1 : index
    %get3A_71 = arith.constant 0 : index
    %get3A_72 = arith.constant 0 : index
    %get3A_73 = vector.load %arg6[%get3A_70, %get3A_71, %get3A_72] : memref<2x50x50xf32, #tpu.memory_space<vmem>>, vector<1x50x50xf32>
    %get3A_74 = vector.shape_cast %get3A_73 : vector<1x50x50xf32> to vector<50x50xf32>
    %sub3A_75 = arith.subf %reduce_sum3A_69, %get3A_74 : vector<50x50xf32>
    %mul3A_76 = arith.mulf %sub3A_75, %sub3A_75 : vector<50x50xf32>
    %mul3A_77 = vector.broadcast %get3A_45 : vector<50x1xf32> to vector<50x50xf32>
    %mul3A_78 = arith.mulf %mul3A_76, %mul3A_77 : vector<50x50xf32>
    %reduce_sum3A_79 = vector.shape_cast %mul3A_78 : vector<50x50xf32> to vector<1x50x50xf32>
    %reduce_sum3A_80 = arith.constant dense<0.000000e+00> : vector<1xf32>
    %reduce_sum3A_81 = vector.multi_reduction <add>, %reduce_sum3A_79, %reduce_sum3A_80 [1, 2] : vector<1x50x50xf32> to vector<1xf32>
    %reduce_sum3A_82 = vector.shape_cast %reduce_sum3A_81 : vector<1xf32> to vector<1x1x1xf32>
    %reduce_sum3A_83 = vector.extract %reduce_sum3A_82[0, 0, 0] : f32 from vector<1x1x1xf32>
    %add3A_84 = arith.addf %add3A_63, %reduce_sum3A_83 : f32
    %div3A_85 = arith.constant 2.000000e+00 : f32
    %div3A_86 = arith.divf %add3A_84, %div3A_85 : f32
    %reshape3A = vector.broadcast %div3A_86 : f32 to vector<1x1xf32>
    %swap3A = arith.constant 0 : index
    %swap3A_87 = arith.constant 0 : index
    %swap3A_88 = vector.load %arg10[%swap3A, %swap3A_87] : memref<1x1xf32, #tpu.memory_space<vmem>>, vector<1x1xf32>
    tpu.vector_store %arg10[%swap3A, %swap3A_87], %reshape3A {strides = array<i32>} : memref<1x1xf32, #tpu.memory_space<vmem>>, vector<1x1xf32>,
    return
  }
}

</mosaic_0001>

<sc_bundles>
// kernel: kernel.5.cloned.1.call-start
scs
__scs_entry_jumppad:
0x0: {  	(pc) =	sbr.rel $0x88, $3  }
0x1: {  	(tag) =	ssettag $0x0;
	lr =	simm.s32 $0x1  }
0x2: {  	[smem:$0x3F9F] =	sst lr;
	_ =	strace $0xD0000000  }
0x3: {  	_ = 	snop  }
0x4: {  	_ = 	snop  }
0x5: {  	_ = 	snop  }
0x6: {  	_ = 	snop  }
0x7: {  	_ = 	snop  }
__scs_overlays_trampoline_lowered:
0x8: {  	[smem:$0x3FAE] =	sst s0  }
0x9: {  	[smem:$0x3FAF] =	sst s1  }
0xa: {  	[smem:$0x3FB0] =	sst s2  }
0xb: {  	[smem:$0x3FB1] =	sst s3  }
0xc: {  	[smem:$0x3FB2] =	sst s4  }
0xd: {  	[smem:$0x3FB3] =	sst s5  }
0xe: {  	[smem:$0x3FB4] =	sst s6  }
0xf: {  	[smem:$0x3FB5] =	sst s7  }
0x10: {  	[smem:$0x3FB6] =	sst s8  }
0x11: {  	[smem:$0x3FB7] =	sst s9;
	s0 =	simm.s32 @!p0 $0x0  }
0x12: {  	s1 =	sld [smem:$0x3F9D];
	s0 =	simm.s32 @p0 $0x1  }
0x13: {  	[smem:$0x3FB8] =	sst s0;
	s0 =	simm.s32 @!p1 $0x0  }
0x14: {  	s2 =	sld [smem:$0x3F9C];
	s0 =	simm.s32 @p1 $0x1  }
0x15: {  	[smem:$0x3FB9] =	sst s0;
	s0 =	simm.s32 @!p2 $0x0  }
0x16: {  	s3 =	sld [smem:$0x3FDB];
	s0 =	simm.s32 @p2 $0x1  }
0x17: {  	s4 =	simm.s32 $0x1BF5;
	[smem:$0x3FBB] =	sst s0  }
0x18: {  	s0 =	sld [smem:$0x3F9E];
	_ =	swait.ge [sflag:s4], $0x0  }
0x19: {  	s7 =	sld [smem:$0x3F9F]  }
0x1a: {  	s8 =	sadd.s32 $0xFFFFE003, lr  }
0x1b: {  	s9 =	sadd.s32 $0xFFFFFEF7, lr;
	s5 =	simm.s32 $0xFFFFFFFF;
	p2 =	slt.u32 s8, $0xFFFFF086  }
0x1c: {  	p1 =	slt.u32 s9, $0xF7A;
	s5 =	simm.s32 @!p2 $0x0  }
0x1d: {  	s5 =	simm.s32 @p1 $0x1;
	p0 =	seq.s32 s7, s2  }
0x1e: {  	s7 =	smul.u32 @!p0 $0xF7A, s2;
	p2 =	seq.s32 @!p0 s5, $0x0  }
0x1f: {  	s9 =	smul.u32 $0xF7A, s1;
	s8 =	simm.s32 @!p0 $0x1BF5;
	p2 =	por !p2, p0  }
0x20: {  	[sflag:s8] =	ssyncset.s32 @!p0 $0xFFFFF086;
	s6 =	sadd.s32 @!p0 s3, s7;
	s7 =	simm.s32 @!p0 $0x108  }
0x21: {  	s3 =	sadd.s32 s3, s9;
	s6 =	sadd.s32 @!p0 $0x88, s6;
	s7 =	simm.s32 @p2 $0x1082  }
0x22: {  	[simem:s7], [sflag:s8] =	dma.local @!p0 [hbm:s6], $0xF7A  }
0x23: {  	s9 =	sor.u32 $0xD0000000, s2;
	s6 =	simm.s32 $0x108;
	_ =	swait.ge @!p0 [sflag:s8], $0x0  }
0x24: {  	s3 =	sadd.s32 $0x88, s3;
	s6 =	simm.s32 @!p1 $0x1082;
	[sflag:s4] =	ssyncset.s32 $0xFFFFF086  }
0x25: {  	[simem:s6], [sflag:s4] =	dma.local [hbm:s3], $0xF7A  }
0x26: {  	[smem:$0x3F9F] =	sst s1;
	(tag) =	ssettag s2;
	_ =	strace s9  }
0x27: {  	s1 =	sld [smem:$0x3FAF]  }
0x28: {  	s2 =	sld [smem:$0x3FB0]  }
0x29: {  	s4 =	sld [smem:$0x3FB2]  }
0x2a: {  	p0 =	seq.s32 s5, $0x0;
	s5 =	sld [smem:$0x3FB3]  }
0x2b: {  	s6 =	sld [smem:$0x3FB4]  }
0x2c: {  	s7 =	sld [smem:$0x3FB5]  }
0x2d: {  	s3 =	simm.s32 $0x108;
	s8 =	sld [smem:$0x3FB6]  }
0x2e: {  	s3 =	simm.s32 @!p0 $0x1082;
	s9 =	sld [smem:$0x3FB7]  }
0x2f: {  	lr =	sadd.s32 s0, s3;
	s0 =	sld [smem:$0x3FAE]  }
0x30: {  	s3 =	sld [smem:$0x3FB1]  }
0x31: {  	[smem:$0x3FBA] =	sst s10  }
0x32: {  	s10 =	sld [smem:$0x3FB8];
	_ =	sdelay $0x3  }
0x33: {  	p0 =	seq.s32 s10, $0x1;
	s10 =	sld [smem:$0x3FBA];
	_ =	sdelay $0x3  }
0x34: {  	[smem:$0x3FBA] =	sst s10  }
0x35: {  	s10 =	sld [smem:$0x3FB9];
	_ =	sdelay $0x3  }
0x36: {  	p1 =	seq.s32 s10, $0x1;
	s10 =	sld [smem:$0x3FBA];
	_ =	sdelay $0x3  }
0x37: {  	[smem:$0x3FBA] =	sst s10  }
0x38: {  	s10 =	sld [smem:$0x3FBB]  }
0x39: {  	_ = 	snop;
	(pc) =	sbr.ind lr, $3  }
0x3a: {  	_ = 	snop  }
0x3b: {  	_ = 	snop  }
0x3c: {  	p2 =	seq.s32 s10, $0x1;
	s10 =	sld [smem:$0x3FBA]  }
0x3d: {  	_ =	shalt  }
0x3e: {  	_ =	shalt  }
0x3f: {  	_ =	shalt  }
0x40: {  	_ =	shalt  }
0x41: {  	_ =	shalt  }
0x42: {  	_ =	shalt  }
0x43: {  	_ =	shalt  }
0x44: {  	_ =	shalt  }
0x45: {  	_ =	shalt  }
0x46: {  	_ =	shalt  }
0x47: {  	_ =	shalt  }
0x48: {  	_ =	shalt  }
0x49: {  	_ =	shalt  }
0x4a: {  	_ =	shalt  }
0x4b: {  	_ =	shalt  }
0x4c: {  	_ =	shalt  }
0x4d: {  	_ =	shalt  }
0x4e: {  	_ =	shalt  }
0x4f: {  	_ =	shalt  }
0x50: {  	_ =	shalt  }
0x51: {  	_ =	shalt  }
0x52: {  	_ =	shalt  }
0x53: {  	_ =	shalt  }
0x54: {  	_ =	shalt  }
0x55: {  	_ =	shalt  }
0x56: {  	_ =	shalt  }
0x57: {  	_ =	shalt  }
0x58: {  	_ =	shalt  }
0x59: {  	_ =	shalt  }
0x5a: {  	_ =	shalt  }
0x5b: {  	_ =	shalt  }
0x5c: {  	_ =	shalt  }
0x5d: {  	_ =	shalt  }
0x5e: {  	_ =	shalt  }
0x5f: {  	_ =	shalt  }
0x60: {  	_ =	shalt  }
0x61: {  	_ =	shalt  }
0x62: {  	_ =	shalt  }
0x63: {  	_ =	shalt  }
0x64: {  	_ =	shalt  }
0x65: {  	_ =	shalt  }
0x66: {  	_ =	shalt  }
0x67: {  	_ =	shalt  }
0x68: {  	_ =	shalt  }
0x69: {  	_ =	shalt  }
0x6a: {  	_ =	shalt  }
0x6b: {  	_ =	shalt  }
0x6c: {  	_ =	shalt  }
0x6d: {  	_ =	shalt  }
0x6e: {  	_ =	shalt  }
0x6f: {  	_ =	shalt  }
0x70: {  	_ =	shalt  }
0x71: {  	_ =	shalt  }
0x72: {  	_ =	shalt  }
0x73: {  	_ =	shalt  }
0x74: {  	_ =	shalt  }
0x75: {  	_ =	shalt  }
0x76: {  	_ =	shalt  }
0x77: {  	_ =	shalt  }
0x78: {  	_ =	shalt  }
0x79: {  	_ =	shalt  }
0x7a: {  	_ =	shalt  }
0x7b: {  	_ =	shalt  }
0x7c: {  	_ =	shalt  }
0x7d: {  	_ =	shalt  }
0x7e: {  	_ =	shalt  }
0x7f: {  	_ =	shalt  }
0x80: {  	_ =	shalt  }
0x81: {  	_ =	shalt  }
0x82: {  	_ =	shalt  }
0x83: {  	_ =	shalt  }
0x84: {  	_ =	shalt  }
0x85: {  	_ =	shalt  }
0x86: {  	_ =	shalt  }
0x87: {  	_ =	shalt  }
.Lfunc_end0:
.L_simem_size_0:
called_computation_lowered:
.L_overlay_start_0:
0x88: {  	s2 =	sld [smem:$0x3FD9]  }
0x89: {  	s3 =	sld [smem:$0x3FFE];
	_ =	sdelay $0x1  }
0x8a: {  	s1 =	srdreg.scid  }
0x8b: {  	s0 =	sand.u32 $0x1, s1  }
0x8c: {  	s16 =	sshll.u32 s0, $0xA;
	s2 =	sadd.s32 s3, s2  }
0x8d: {  	s2 =	sadd.s32 s2, s16  }
0x8e: {  	[smem:$0x3FC6] =	sst s2  }
0x8f: {  	_ = 	snop  }
0x90: {  	(tm) =	ssettm $0x1  }
0x91: {  	s17 =	sld [smem:$0x3FFB];
	_ =	sdelay $0x3  }
0x92: {  	_ =	strace s17  }
0x93: {  	s2 =	sld [smem:$0x3FFC];
	_ =	sdelay $0x3  }
0x94: {  	_ =	strace s2  }
0x95: {  	s2 =	sld [smem:$0x3FFD];
	_ =	sdelay $0x3  }
0x96: {  	_ =	strace s2  }
0x97: {  	_ =	strace $0x8FFFFFFF  }
0x98: {  	s18 =	sld [smem:$0x3FDB];
	_ =	sdelay $0x1  }
0x99: {  	s19 =	simm.s32 $_scs_section_size  }
0x9a: {  	s4 =	simm.s32 $_size__tile_overlayer_lowered;
	s5 =	simm.s32 $_tile_overlayer_lowered  }
0x9b: {  	s22 =	simm.s32 $0x1BFF;
	s21 =	sshll.u32 s5, $0x1;
	s2 =	sadd.s32 s19, s18  }
0x9c: {  	s6 =	simm.s32 $0x0;
	s20 =	sshll.u32 s4, $0x1;
	s4 =	sadd.s32 s21, s2  }
0x9d: {  	[timem:s6], [sflag:s22] =	dma.local [hbm:s4], s20  }
0x9e: {  	_ =	swait.ge [sflag:s22], s20  }
0x9f: {  	s3 =	ssub.s32 $0x0, s20;
	[sflag:s22] =	ssyncset.done $0x0  }
0xa0: {  	[sflag:s22] =	ssyncadd.s32 s3;
	_ =	sdelay $0x1  }
0xa1: {  	s23 =	simm.s32 $0x1B8B  }
0xa2: {  	_ =	swait.ge [sflag:s23], $0x1  }
0xa3: {  	[sflag:s23] =	ssyncset.done $0x0  }
0xa4: {  	s25 =	simm.s32 $0x1B8E;
	s24 =	sld [smem:$0x3FFE];
	[sflag:s23] =	ssyncadd.s32 $0xFFFFFFFF  }
0xa5: {  	s26 =	simm.s32 $execute0_lowered;
	[smem:$0x3FD2] =	sst s25  }
0xa6: {  	s4 =	sshll.u32 s26, $0x1;
	_ =	strace $0x80000046;
	[dreg:$0x1] =	wrdreg $0xFFFFFFFF  }
0xa7: {  	s28 =	simm.s32 $_size_execute0_lowered;
	s2 =	sadd.s32 s2, s4;
	[dreg:$0x0] =	wrdreg $0x0  }
0xa8: {  	s4 =	sshll.u32 s28, $0x1;
	[dreg:$0x2] =	wrdreg s2  }
0xa9: {  	[dreg:$0x3] =	wrdreg s4  }
0xaa: {  	[dreg:$0x4] =	wrdreg $0xC0  }
0xab: {  	_ =	task [dreg:s6], $0x5FFFF  }
0xac: {  	[dreg:$0x1] =	wrdreg $0xFFFFFFFF  }
0xad: {  	[dreg:$0x0] =	wrdreg $0x60  }
0xae: {  	[dreg:$0x2] =	wrdreg s24  }
0xaf: {  	[dreg:$0x3] =	wrdreg $0x9  }
0xb0: {  	_ =	task.clear_ibuf [dreg:s6], $0x4FFFF;
	_ =	strace $0x90000046  }
0xb1: {  	s29 =	simm.s32 $0x9;
	_ =	strace $0x80000048  }
0xb2: {  	_ =	swait.ge [sflag:s29], $0x1  }
0xb3: {  	[sflag:s29] =	ssyncadd.s32 $0xFFFFFFFF  }
0xb4: {  	_ =	strace $0x90000048  }
0xb5: {  	_ =	sfence  }
0xb6: {  	s30 =	sld [smem:$0x0];
	_ =	sdelay $0x2  }
0xb7: {  	s31 =	sshll.u32 s1, $0xD;
	s1 =	sshrl.u32 s1, $0x2  }
0xb8: {  	s3 =	sand.u32 $0x4000, s31;
	s1 =	sadd.s32 s1, s30  }
0xb9: {  	s0 =	sor.u32 s3, s0;
	s1 =	sshll.u32 s1, $0x11  }
0xba: {  	s0 =	sor.u32 s1, s0  }
0xbb: {  	s0 =	sadd.s32 $0x8F2B, s0  }
0xbc: {  	[sflag:s0] =	ssyncadd.remote.s32 $0x1  }
0xbd: {  	_ =	sfence.sel $0xFFFF  }
0xbe: {  	[dreg:$0x0] =	wrdreg $0xFFFFFFFF;
	(pc) =	sbr.abs _section_cstart, $3  }
0xbf: {  	[dreg:$0x1] =	wrdreg $0xFFFFFFFF  }
0xc0: {  	_ =	task.clear_ibuf [dreg:s6], $0x2FFFF;
	_ =	strace $0x9FFFFFFF  }
0xc1: {  	(tm) =	ssettm $0x7FFFFFFF  }
tec
execute0_lowered:
.L_overlay_start_1:
0x0: {  	(tag) =	ssettag $0x1  }
0x1: {  	s0 =	rddreg [dreg:$0x0]  }
0x2: {  	s1 =	simm.s32 $0x0;
	s2 =	srdreg.scid;
	s13 =	simm.s32 $0x80  }
0x3: {  	s14 =	simm.s32 $0x100;
	s15 =	simm.s32 $0x1;
	s24 =	simm.s32 $0x0  }
0x4: {  	[smem:$0x7FF] =	sst s1;
	s3 =	sand.u32 $0x1, s2;
	s2 =	stileid.u32  }
0x5: {  	_ =	strace $0x80000047;
	s4 =	sshll.u32 s3, $0x4;
	s5 =	sshll.u32 s3, $0xC  }
0x6: {  	s6 =	sshll.u32 s2, $0x8;
	s3 =	ssub.s32 $0x2, s3;
	s7 =	sadd.s32 s4, s0  }
.Ltmp0:
0x7: {  	s30 =	sor.u32 s6, s5;
	s31 =	sshrl.u32 s3, $0x1;
	(pc) =	sbr.rel .LBB2_1-.Ltmp0, $4  }
0x8: {  	s0 =	sadd.s32 s30, s0;
	s12 =	ssub.s32 s3, s31;
	s3 =	sadd.s32 $0x3600, s7  }
0x9: {  	s4 =	sadd.s32 $0x1600, s7;
	s5 =	sadd.s32 $0x2600, s7;
	s6 =	sadd.s32 $0x4600, s0  }
0xa: {  	s7 =	sadd.s32 $0x6600, s0;
	s8 =	sadd.s32 $0x8600, s0;
	s9 =	sadd.s32 $0xA600, s0  }
0xb: {  	s10 =	sadd.s32 $0xC600, s0;
	s11 =	sadd.s32 $0xE600, s0;
	s12 =	smax.u32 s12, $0x1  }
.LBB2_16:
0xc: {  	s0 =	simm.s32 $0xC000  }
0xd: {  	[hbm4b:s6+s1] =	stream.linear.scatter [tilespmem:s0], [sflag:$0x1], $0x800, $0x38;
	[tilespmem:$0xF000] =	vst v63  }
0xe: {  	_ =	swait.ge [sflag:s15], $0x800  }
0xf: {  	[sflag:s15] =	ssyncset.done $0x0  }
0x10: {  	s26 =	simm.s32 $0xC800;
	[sflag:s15] =	ssyncadd.s32 $0xFFFFF800  }
0x11: {  	[hbm4b:s7+s1] =	stream.linear.scatter [tilespmem:s26], [sflag:$0x1], $0x800, $0x38;
	[tilespmem:$0xF000] =	vst v63  }
0x12: {  	_ =	swait.ge [sflag:s15], $0x800  }
0x13: {  	[sflag:s15] =	ssyncset.done $0x0  }
0x14: {  	s28 =	simm.s32 $0xD000;
	[sflag:s15] =	ssyncadd.s32 $0xFFFFF800  }
0x15: {  	[hbm4b:s8+s1] =	stream.linear.scatter [tilespmem:s28], [sflag:$0x1], $0x800, $0x38;
	[tilespmem:$0xF000] =	vst v63  }
0x16: {  	_ =	swait.ge [sflag:s15], $0x800  }
0x17: {  	[sflag:s15] =	ssyncset.done $0x0  }
0x18: {  	s29 =	simm.s32 $0xD800;
	[sflag:s15] =	ssyncadd.s32 $0xFFFFF800  }
0x19: {  	[hbm4b:s9+s1] =	stream.linear.scatter [tilespmem:s29], [sflag:$0x1], $0x800, $0x38;
	[tilespmem:$0xF000] =	vst v63  }
0x1a: {  	_ =	swait.ge [sflag:s15], $0x800  }
0x1b: {  	[sflag:s15] =	ssyncset.done $0x0  }
0x1c: {  	s30 =	simm.s32 $0xE000;
	[sflag:s15] =	ssyncadd.s32 $0xFFFFF800  }
0x1d: {  	[hbm4b:s10+s1] =	stream.linear.scatter [tilespmem:s30], [sflag:$0x1], $0x800, $0x38;
	[tilespmem:$0xF000] =	vst v63  }
0x1e: {  	s24 =	sadd.s32 $0x1, s24;
	_ =	swait.ge [sflag:s15], $0x800  }
0x1f: {  	p0 =	sne.s32 s24, s12;
	[sflag:s15] =	ssyncset.done $0x0  }
.Ltmp1:
0x20: {  	s31 =	simm.s32 $0xE800;
	[sflag:s15] =	ssyncadd.s32 $0xFFFFF800;
	(pc) =	sbr.rel @!p0 .LBB2_17-.Ltmp1, $4  }
0x21: {  	[hbm4b:s11+s1] =	stream.linear.scatter [tilespmem:s31], [sflag:$0x1], $0x800, $0x38;
	[tilespmem:$0xF000] =	vst v63  }
0x22: {  	_ =	swait.ge [sflag:s15], $0x800  }
0x23: {  	[sflag:s15] =	ssyncset.done $0x0  }
0x24: {  	[sflag:s15] =	ssyncadd.s32 $0xFFFFF800  }
.LBB2_1:
0x25: {  	[tilespmem:s1], [sflag:$0x1] =	stream.strided.gather [hbm4b:s3+s13], $0x4000, s14, s13, $0x38;
	[tilespmem:$0xF000] =	vst v63  }
0x26: {  	_ =	swait.ge [sflag:s15], $0x4000  }
0x27: {  	[sflag:s15] =	ssyncset.done $0x0  }
0x28: {  	s0 =	simm.s32 $0x4000;
	[sflag:s15] =	ssyncadd.s32 $0xFFFFC000  }
0x29: {  	[tilespmem:s0], [sflag:$0x1] =	stream.strided.gather [hbm4b:s4+s13], $0x4000, s14, s13, $0x38;
	[tilespmem:$0xF000] =	vst v63  }
0x2a: {  	_ =	swait.ge [sflag:s15], $0x4000  }
0x2b: {  	[sflag:s15] =	ssyncset.done $0x0  }
.Ltmp2:
0x2c: {  	s31 =	simm.s32 $0x8000;
	[sflag:s15] =	ssyncadd.s32 $0xFFFFC000;
	(pc) =	sbr.rel .LBB2_2-.Ltmp2, $4  }
0x2d: {  	[tilespmem:s31], [sflag:$0x1] =	stream.strided.gather [hbm4b:s5+s13], $0x4000, s14, s13, $0x38;
	[tilespmem:$0xF000] =	vst v63  }
0x2e: {  	_ =	swait.ge [sflag:s15], $0x4000  }
0x2f: {  	[sflag:s15] =	ssyncset.done $0x0  }
0x30: {  	s25 =	simm.s32 $0x0;
	[sflag:s15] =	ssyncadd.s32 $0xFFFFC000  }
.LBB2_14:
0x31: {  	v6 =	vld [tilespmem:$0x1FFE0]  }
0x32: {  	v2 =	vld [tilespmem:$0x1FE40]  }
0x33: {  	v5 =	vld [tilespmem:$0x1FE30]  }
0x34: {  	v8 =	vld [tilespmem:$0x1FFF0];
	_ =	sdelay $0x1  }
0x35: {  	v3 =	vadd.f32 v3, v4  }
0x36: {  	v4 =	vmul.f32 v20, v20;
	vm0 =	vlt.f32 v60, v6;
	vm1 =	vlt.f32 v60, v2  }
0x37: {  	v1 =	vsel vm0, v60, v6;
	v2 =	vsel vm1, v60, v2;
	v5 =	vsel vm1, v47, v5  }
0x38: {  	v1 =	vsel vm9, v32, v1;
	v2 =	vsel vm0, v6, v2;
	v6 =	vsel vm0, v47, v8  }
0x39: {  	v5 =	vsel vm0, v8, v5;
	vm15 =	vlt.f32 v55, v1;
	v6 =	vsel vm9, v40, v6  }
0x3a: {  	vm4 =	vlt.f32 v55, v2;
	v7 =	vsel vm15, v55, v1;
	v26 =	vsel vm15, v42, v6  }
0x3b: {  	v2 =	vsel vm4, v55, v2;
	v5 =	vsel vm4, v42, v5;
	v7 =	vsel vm8, v61, v7  }
0x3c: {  	v8 =	vsel vm8, v59, v26;
	v1 =	vsel vm15, v1, v2;
	v5 =	vsel vm15, v6, v5  }
0x3d: {  	v59 =	vmul.f32 v35, v35;
	vm0 =	vlt.f32 v51, v7;
	vm13 =	vlt.f32 v51, v1  }
0x3e: {  	v9 =	vsel vm0, v51, v7;
	v10 =	vsel vm0, v33, v8;
	v1 =	vsel vm13, v51, v1  }
0x3f: {  	v5 =	vsel vm13, v33, v5;
	v9 =	vsel vm7, v58, v9;
	v32 =	vsel vm7, v57, v10  }
0x40: {  	v1 =	vsel vm0, v7, v1;
	v5 =	vsel vm0, v8, v5;
	vm7 =	vlt.f32 v48, v9  }
0x41: {  	vm15 =	vlt.f32 v48, v1;
	v6 =	vsel vm7, v48, v9;
	v10 =	vsel vm7, v25, v32  }
0x42: {  	v1 =	vsel vm15, v48, v1;
	v5 =	vsel vm15, v25, v5;
	v6 =	vsel vm6, v56, v6  }
0x43: {  	v7 =	vsel vm6, v54, v10;
	v1 =	vsel vm7, v9, v1;
	vm6 =	vlt.f32 v46, v6  }
0x44: {  	v2 =	vsel vm7, v32, v5;
	vm9 =	vlt.f32 v46, v1;
	v40 =	vsel vm6, v46, v6  }
0x45: {  	v11 =	vsel vm6, v24, v7;
	v1 =	vsel vm9, v46, v1;
	v2 =	vsel vm9, v24, v2  }
0x46: {  	v10 =	vsel vm5, v53, v40;
	v42 =	vsel vm5, v52, v11;
	v1 =	vsel vm6, v6, v1  }
0x47: {  	v2 =	vsel vm6, v7, v2;
	vm8 =	vlt.f32 v43, v10;
	vm13 =	vlt.f32 v43, v1  }
0x48: {  	v47 =	vsel vm8, v43, v10;
	v11 =	vsel vm8, v23, v42;
	v1 =	vsel vm13, v43, v1  }
0x49: {  	v2 =	vsel vm13, v23, v2;
	v8 =	vsel vm12, v50, v47;
	v11 =	vsel vm12, v49, v11  }
0x4a: {  	v56 =	vld [tilespmem:$0x1FD40];
	v1 =	vsel vm8, v10, v1;
	v2 =	vsel vm8, v42, v2;
	vm4 =	vlt.f32 v39, v8  }
0x4b: {  	vm12 =	vlt.f32 v27, v28;
	v5 =	vsel vm4, v39, v8;
	v6 =	vsel vm4, v21, v11  }
0x4c: {  	v5 =	vsel vm14, v45, v5;
	v6 =	vsel vm14, v44, v6;
	vm14 =	vlt.f32 v39, v1  }
0x4d: {  	v52 =	vsel vm12, v12, v19;
	v1 =	vsel vm14, v39, v1;
	vm15 =	vlt.f32 v37, v5  }
0x4e: {  	v2 =	vsel vm14, v21, v2;
	v1 =	vsel vm4, v8, v1;
	v7 =	vsel vm15, v37, v5  }
0x4f: {  	v48 =	vsel vm15, v17, v6;
	v2 =	vsel vm4, v11, v2;
	v11 =	vmul.f32 v56, v56  }
0x50: {  	vm3 =	vlt.f32 v37, v1;
	v7 =	vsel vm2, v41, v7;
	v8 =	vsel vm2, v15, v48  }
0x51: {  	v1 =	vsel vm3, v37, v1;
	vm6 =	vlt.f32 v34, v7;
	v2 =	vsel vm3, v17, v2  }
0x52: {  	v1 =	vsel vm15, v5, v1;
	v5 =	vmul.f32 v22, v22;
	v49 =	vsel vm6, v34, v7  }
0x53: {  	v50 =	vsel vm6, v16, v8;
	v2 =	vsel vm15, v6, v2;
	vm7 =	vlt.f32 v34, v1  }
0x54: {  	v9 =	vsel vm11, v38, v49;
	v10 =	vsel vm11, v36, v50;
	v1 =	vsel vm7, v34, v1  }
0x55: {  	v0 =	vadd.f32 v5, v0;
	v2 =	vsel vm7, v16, v2;
	v5 =	vmul.f32 v18, v18  }
0x56: {  	vm9 =	vlt.f32 v29, v9;
	v1 =	vsel vm6, v7, v1;
	v2 =	vsel vm6, v8, v2  }
0x57: {  	v54 =	vld [tilespmem:$0x1FD30];
	v6 =	vsel vm9, v14, v10;
	v7 =	vsel vm12, v27, v28;
	vm8 =	vlt.f32 v29, v1  }
0x58: {  	v4 =	vadd.f32 v5, v4;
	v5 =	vsel vm9, v29, v9;
	v6 =	vsel vm10, v30, v6  }
0x59: {  	vm13 =	vlt.f32 v3, v7;
	v1 =	vsel vm8, v29, v1;
	v5 =	vsel vm10, v31, v5  }
0x5a: {  	v2 =	vsel vm8, v14, v2;
	v53 =	vsel vm13, v3, v7;
	v1 =	vsel vm9, v9, v1  }
0x5b: {  	v2 =	vsel vm9, v10, v2;
	vm11 =	vlt.f32 v27, v5;
	vm10 =	vlt.f32 v27, v1  }
0x5c: {  	v9 =	vmul.f32 v54, v54;
	vm4 =	vlt.f32 v0, v53;
	v1 =	vsel vm10, v27, v1  }
0x5d: {  	v51 =	vsel vm11, v12, v6;
	v1 =	vsel vm11, v5, v1;
	v5 =	vsel vm11, v27, v5  }
0x5e: {  	v2 =	vsel vm10, v12, v2;
	v5 =	vsel vm12, v28, v5;
	vm14 =	vlt.f32 v3, v1  }
0x5f: {  	v2 =	vsel vm11, v6, v2;
	v6 =	vld [tilespmem:s0+$0xFFFFFFD0];
	vm15 =	vlt.f32 v3, v5;
	v1 =	vsel vm14, v3, v1  }
0x60: {  	v8 =	vsel vm12, v19, v51;
	v2 =	vsel vm14, v13, v2;
	v1 =	vsel vm15, v5, v1  }
0x61: {  	v3 =	vsel vm15, v3, v5;
	v5 =	vsel vm15, v13, v8;
	v2 =	vsel vm15, v8, v2  }
0x62: {  	v3 =	vsel vm13, v7, v3;
	v5 =	vsel vm13, v52, v5;
	vm5 =	vlt.f32 v0, v1  }
0x63: {  	v7 =	vsel vm13, v13, v52;
	vm6 =	vlt.f32 v0, v3;
	v1 =	vsel vm5, v0, v1  }
0x64: {  	v55 =	vld [tilespmem:s0+$0xFFFFFFE0];
	v2 =	vsel vm5, v6, v2;
	v57 =	vsel vm6, v0, v3;
	v0 =	vsel vm4, v0, v53  }
0x65: {  	v58 =	vsel vm6, v6, v5;
	v1 =	vsel vm6, v3, v1;
	v2 =	vsel vm6, v5, v2  }
0x66: {  	v5 =	vadd.f32 v11, v9;
	v12 =	vsel vm4, v7, v58;
	v7 =	vsel vm4, v6, v7;
	v6 =	vld [tilespmem:$0x1FD20]  }
0x67: {  	v10 =	vsel vm4, v53, v57;
	vm7 =	vlt.f32 v4, v0;
	vm9 =	vlt.f32 v4, v1  }
0x68: {  	vm8 =	vlt.f32 v4, v10;
	v60 =	vsel vm7, v4, v0;
	v1 =	vsel vm9, v4, v1  }
0x69: {  	v2 =	vsel vm9, v55, v2;
	v3 =	vsel vm8, v4, v10;
	v1 =	vsel vm8, v10, v1  }
0x6a: {  	vm10 =	vlt.f32 v5, v60;
	v2 =	vsel vm8, v12, v2;
	v0 =	vsel vm7, v0, v3  }
0x6b: {  	v3 =	vsel vm8, v55, v12;
	vm11 =	vlt.f32 v5, v1;
	v6 =	vmul.f32 v6, v6  }
0x6c: {  	v3 =	vsel vm7, v7, v3;
	v7 =	vsel vm7, v55, v7;
	v1 =	vsel vm11, v5, v1  }
0x6d: {  	v2 =	vsel vm11, v62, v2;
	vm12 =	vlt.f32 v5, v0;
	v4 =	vadd.f32 v6, v59;
	v6 =	vld [tilespmem:s0+$0x0]  }
0x6e: {  	v1 =	vsel vm12, v0, v1;
	v0 =	vsel vm12, v5, v0;
	v5 =	vsel vm10, v5, v60  }
0x6f: {  	v61 =	vsel vm10, v62, v7;
	v63 =	vsel vm12, v62, v3;
	v0 =	vsel vm10, v60, v0  }
0x70: {  	v2 =	vsel vm12, v3, v2;
	v7 =	vsel vm10, v7, v63;
	vm14 =	vlt.f32 v4, v0  }
0x71: {  	vm13 =	vlt.f32 v4, v1;
	vm15 =	vlt.f32 v4, v5;
	v3 =	vsel vm14, v4, v0  }
0x72: {  	v1 =	vsel vm13, v4, v1;
	v3 =	vsel vm15, v5, v3;
	v9 =	vsel vm14, v6, v7  }
0x73: {  	v32 =	vsel vm15, v4, v5;
	v2 =	vsel vm13, v6, v2;
	[tilespmem:$0x1FFE0] =	vst v3;
	v3 =	vsel vm15, v61, v9  }
0x74: {  	v5 =	vsel vm14, v0, v1;
	v40 =	vsel vm15, v6, v61;
	v4 =	vsel vm14, v7, v2;
	[tilespmem:$0x1FFF0] =	vst v3  }
.LBB2_15:
0x75: {  	v0 =	vld [tilespmem:$0x1FFE0];
	s25 =	sadd.s32 $0x1, s25  }
0x76: {  	[tilespmem:s26+$0xD800] =	vst v32;
	v63 =	vld [tilespmem:$0x1FFF0];
	p0 =	sne.s32 s25, $0x80  }
.Ltmp3:
0x77: {  	[tilespmem:s26+$0xE800] =	vst v5;
	(pc) =	sbr.rel @!p0 .LBB2_16-.Ltmp3, $4  }
0x78: {  	[tilespmem:s26+$0xC000] =	vst v40  }
0x79: {  	[tilespmem:s26+$0xD000] =	vst v4  }
0x7a: {  	[tilespmem:s26+$0xE000] =	vst v0  }
0x7b: {  	[tilespmem:s26+$0xC800] =	vst v63  }
.LBB2_2:
0x7c: {  	v0 =	vld [tilespmem:$0x2000];
	_ =	sdelay $0x4  }
0x7d: {  	(v2sf) =	vpush v0, $0x0;
	_ =	sdelay $0x9  }
0x7e: {  	s0 =	sand.u32 $0x70, s25  }
0x7f: {  	s0 =	sor.u32 s2, s0  }
0x80: {  	s0 =	scvt.s32.f32 s0;
	_ =	sdelay $0x1  }
0x81: {  	s28 =	smul.f32 $2.454369330e-02, s0  }
0x82: {  	s20 =	spop (v2sf)  }
0x83: {  	p0 =	sle.f32 s20, s28  }
0x84: {  	s0 =	simm.s32 $0x60  }
0x85: {  	s0 =	simm.s32 @!p0 $0x20  }
0x86: {  	s16 =	sshll.u32 s0, $0x7  }
0x87: {  	v0 =	vld [tilespmem:s16+$0x0];
	_ =	sdelay $0x4  }
0x88: {  	(v2sf) =	vpush v0, $0x0;
	_ =	sdelay $0xe  }
0x89: {  	s21 =	spop (v2sf)  }
0x8a: {  	s17 =	simm.s32 $0x20;
	s16 =	simm.s32 $0x40;
	p1 =	sle.f32 s21, s28  }
0x8b: {  	s17 =	simm.s32 @!p0 $0x0;
	s0 =	sshrl.u32 s0, $0x1;
	s16 =	simm.s32 @!p0 $0x20  }
0x8c: {  	s17 =	smov.u32 @p1 s0;
	s0 =	smov.u32 @p1 s16  }
0x8d: {  	s16 =	sadd.s32 s17, s0  }
0x8e: {  	s16 =	sshll.u32 s16, $0x7  }
0x8f: {  	v0 =	vld [tilespmem:s16+$0x0];
	_ =	sdelay $0x4  }
0x90: {  	(v2sf) =	vpush v0, $0x0;
	_ =	sdelay $0xd  }
0x91: {  	s22 =	sadd.s32 $0xFFFFFFFF, s0  }
0x92: {  	s18 =	sxor.u32 s22, s17;
	s19 =	spop (v2sf)  }
0x93: {  	s16 =	sor.u32 s22, s17;
	s18 =	sshrl.u32 s18, $0x1;
	p0 =	sle.f32 s19, s28  }
0x94: {  	s16 =	ssub.s32 s16, s18  }
0x95: {  	s17 =	smov.u32 @p0 s16;
	s16 =	smov.u32 @p0 s0  }
0x96: {  	s0 =	sadd.s32 s17, s16  }
0x97: {  	s23 =	sshll.u32 s0, $0x7  }
0x98: {  	s18 =	sand.u32 $0x7FFFFF00, s23  }
0x99: {  	v0 =	vld [tilespmem:s18+$0x0];
	_ =	sdelay $0x4  }
0x9a: {  	(v2sf) =	vpush v0, $0x0;
	_ =	sdelay $0xe  }
0x9b: {  	s26 =	spop (v2sf)  }
0x9c: {  	p0 =	sle.f32 s26, s28  }
0x9d: {  	s0 =	sshrl.u32 s0, $0x1  }
0x9e: {  	s17 =	smov.u32 @p0 s0;
	s0 =	smov.u32 @p0 s16  }
0x9f: {  	s16 =	sadd.s32 s17, s0  }
0xa0: {  	s16 =	sshll.u32 s16, $0x7  }
0xa1: {  	s16 =	sand.u32 $0x7FFFFF00, s16  }
0xa2: {  	v0 =	vld [tilespmem:s16+$0x0];
	_ =	sdelay $0x4  }
0xa3: {  	(v2sf) =	vpush v0, $0x0;
	_ =	sdelay $0xe  }
0xa4: {  	s18 =	sxor.u32 s17, s0;
	s19 =	spop (v2sf)  }
0xa5: {  	s20 =	sand.u32 s17, s0;
	s16 =	sshrl.u32 s18, $0x1;
	p0 =	sle.f32 s19, s28  }
0xa6: {  	s16 =	sadd.s32 s16, s20  }
0xa7: {  	s17 =	smov.u32 @p0 s16;
	s16 =	smov.u32 @p0 s0  }
0xa8: {  	s0 =	sadd.s32 s17, s16  }
0xa9: {  	s0 =	sshll.u32 s0, $0x7  }
0xaa: {  	s0 =	sand.u32 $0x7FFFFF00, s0  }
0xab: {  	v0 =	vld [tilespmem:s0+$0x0];
	_ =	sdelay $0x4  }
0xac: {  	(v2sf) =	vpush v0, $0x0;
	_ =	sdelay $0xe  }
0xad: {  	s21 =	sand.u32 s17, s16;
	s16 =	sxor.u32 s17, s16;
	s22 =	spop (v2sf)  }
0xae: {  	s16 =	sshrl.u32 s16, $0x1;
	p0 =	sle.f32 s22, s28  }
0xaf: {  	s0 =	sadd.s32 s16, s21  }
0xb0: {  	s17 =	smov.u32 @p0 s0  }
0xb1: {  	s0 =	smax.u32 s17, $0x3;
	s29 =	smin.u32 s17, $0x3C  }
0xb2: {  	s26 =	sshll.u32 s25, $0x4;
	s31 =	sadd.s32 $0xFFFFFFFD, s0;
	s30 =	sadd.s32 $0x4, s29  }
0xb3: {  	s23 =	sand.u32 $0xF0, s26;
	v0 =	vlaneseq.u32;
	s19 =	ssub.s32 s30, s31  }
0xb4: {  	v0 =	vor.u32 s23, v0;
	p0 =	slt.s32 s19, $0x1  }
.Ltmp4:
0xb5: {  	v0 =	vcvt.s32.f32 v0;
	(pc) =	sbr.rel @p0 .LBB2_3-.Ltmp4, $3  }
0xb6: {  	_ = 	snop  }
0xb7: {  	v0 =	vadd.f32 $-1.280000000e+02, v0;
	_ =	sdelay $0x1  }
0xb8: {  	v1 =	vmov s28;
	v2 =	vmul.f32 $2.454369330e-02, v0  }
0xb9: {  	s16 =	sshll.u32 s0, $0xA  }
0xba: {  	s16 =	sshra.s32 s16, $0x2  }
0xbb: {  	s17 =	sadd.s32 $0xFFFFFD00, s16  }
0xbc: {  	s18 =	sadd.s32 $0x3D00, s16;
	v0 =	vld [tilespmem:s17+$0xF0]  }
0xbd: {  	v3 =	vld [tilespmem:s18+$0xF0]  }
0xbe: {  	v4 =	vld [tilespmem:s17+$0xE0]  }
0xbf: {  	v5 =	vld [tilespmem:s18+$0xE0]  }
0xc0: {  	v6 =	vld [tilespmem:s17+$0xD0]  }
0xc1: {  	v7 =	vld [tilespmem:s18+$0xD0]  }
0xc2: {  	v8 =	vld [tilespmem:s17+$0xC0]  }
0xc3: {  	v9 =	vld [tilespmem:s18+$0xC0]  }
0xc4: {  	v10 =	vld [tilespmem:s17+$0xB0]  }
0xc5: {  	v11 =	vld [tilespmem:s18+$0xB0]  }
0xc6: {  	v13 =	vld [tilespmem:s17+$0xA0]  }
0xc7: {  	v15 =	vld [tilespmem:s17+$0x90]  }
0xc8: {  	v16 =	vld [tilespmem:s18+$0x90]  }
0xc9: {  	v17 =	vld [tilespmem:s17+$0x80]  }
0xca: {  	v18 =	vld [tilespmem:s18+$0x80]  }
0xcb: {  	v19 =	vld [tilespmem:s17+$0x70]  }
0xcc: {  	v20 =	vld [tilespmem:s18+$0x70]  }
0xcd: {  	v21 =	vld [tilespmem:s17+$0x60];
	v0 =	vsub.f32 v1, v0  }
0xce: {  	v62 =	vsub.f32 v1, v4;
	v4 =	vld [tilespmem:s18+$0x50];
	v14 =	vsub.f32 v1, v6  }
0xcf: {  	v12 =	vsub.f32 v2, v7;
	v6 =	vsub.f32 v1, v8;
	v8 =	vld [tilespmem:s17+$0x10]  }
0xd0: {  	v7 =	vsub.f32 v1, v10;
	v23 =	vsub.f32 v2, v11;
	v10 =	vld [tilespmem:s17+$0x0]  }
0xd1: {  	v24 =	vsub.f32 v1, v15;
	v11 =	vld [tilespmem:s18+$0x0];
	[tilespmem:$0x1FF90] =	vst v0;
	v0 =	vsub.f32 v2, v3  }
0xd2: {  	v16 =	vsub.f32 v2, v16;
	v25 =	vsub.f32 v1, v17;
	v17 =	vld [tilespmem:s17+$0x20]  }
0xd3: {  	v52 =	vimm.f32 $0.0e+00;
	v15 =	vsub.f32 v1, v19;
	v19 =	vld [tilespmem:s18+$0x20];
	[tilespmem:$0x1FFA0] =	vst v0;
	v0 =	vsub.f32 v2, v5  }
0xd4: {  	v56 =	vimm.f32 $+Inf;
	v26 =	vsub.f32 v2, v18;
	v28 =	vsub.f32 v2, v20;
	v3 =	vld [tilespmem:s17+$0x50]  }
0xd5: {  	v48 =	vimm.f32 $0.0e+00;
	[tilespmem:$0x1FFB0] =	vst v0;
	v0 =	vsub.f32 v2, v9;
	v9 =	vsub.f32 v1, v13;
	v13 =	vld [tilespmem:s18+$0x10]  }
0xd6: {  	v61 =	vimm.f32 $+Inf;
	v27 =	vld [tilespmem:s18+$0x30];
	v21 =	vsub.f32 v1, v21;
	v4 =	vsub.f32 v2, v4  }
0xd7: {  	v60 =	vimm.f32 $0.0e+00;
	v5 =	vld [tilespmem:s17+$0x40];
	v10 =	vsub.f32 v1, v10;
	v11 =	vsub.f32 v2, v11  }
0xd8: {  	v20 =	vld [tilespmem:s17+$0x30];
	v18 =	vimm.f32 $+Inf;
	v8 =	vsub.f32 v1, v8;
	v17 =	vsub.f32 v1, v17  }
0xd9: {  	v19 =	vsub.f32 v2, v19;
	v10 =	vmul.f32 v10, v10;
	v11 =	vmul.f32 v11, v11  }
0xda: {  	v29 =	vld [tilespmem:s18+$0x40];
	v3 =	vsub.f32 v1, v3;
	v8 =	vmul.f32 v8, v8;
	v13 =	vsub.f32 v2, v13  }
0xdb: {  	v4 =	vmul.f32 v4, v4;
	v55 =	vadd.f32 v11, v10;
	v11 =	vmul.f32 v17, v17  }
0xdc: {  	v22 =	vld [tilespmem:s18+$0x60];
	v5 =	vsub.f32 v1, v5;
	v3 =	vmul.f32 v3, v3;
	v10 =	vmul.f32 v13, v13  }
0xdd: {  	s16 =	sadd.s32 $0x7D00, s16;
	v17 =	vsub.f32 v2, v27;
	vm9 =	vlt.f32 v55, v18;
	v13 =	vsub.f32 v1, v20  }
0xde: {  	v44 =	vld [tilespmem:s16+$0x0];
	v36 =	vadd.f32 v4, v3;
	v50 =	vadd.f32 v10, v8;
	v8 =	vmul.f32 v19, v19  }
0xdf: {  	v4 =	vld [tilespmem:s18+$0xA0];
	v58 =	vsel vm9, v55, v18;
	v10 =	vsub.f32 v2, v29;
	v13 =	vmul.f32 v13, v13  }
0xe0: {  	v37 =	vld [tilespmem:s16+$0x10];
	vm8 =	vlt.f32 v50, v58;
	v45 =	vadd.f32 v8, v11;
	v8 =	vmul.f32 v17, v17  }
0xe1: {  	v22 =	vsub.f32 v2, v22;
	v27 =	vld [tilespmem:s16+$0x20];
	v5 =	vmul.f32 v5, v5;
	v54 =	vsel vm8, v50, v58  }
0xe2: {  	vm7 =	vlt.f32 v45, v54;
	v42 =	vadd.f32 v8, v13;
	v8 =	vmul.f32 v10, v10  }
0xe3: {  	v3 =	vmul.f32 v22, v22;
	v59 =	vsel vm9, v44, v52;
	v20 =	vld [tilespmem:s16+$0x30];
	v51 =	vsel vm7, v45, v54  }
0xe4: {  	v4 =	vsub.f32 v2, v4;
	vm6 =	vlt.f32 v42, v51;
	v39 =	vadd.f32 v8, v5  }
0xe5: {  	v19 =	vld [tilespmem:s16+$0x40];
	v57 =	vsel vm8, v37, v59;
	v5 =	vmul.f32 v21, v21;
	v46 =	vsel vm6, v42, v51  }
0xe6: {  	v53 =	vsel vm7, v27, v57;
	v8 =	vmul.f32 v15, v15;
	vm5 =	vlt.f32 v39, v46  }
0xe7: {  	v17 =	vld [tilespmem:s16+$0x50];
	v34 =	vadd.f32 v3, v5;
	v3 =	vmul.f32 v28, v28;
	v43 =	vsel vm5, v39, v46  }
0xe8: {  	v49 =	vsel vm6, v20, v53;
	v5 =	vmul.f32 v25, v25;
	vm12 =	vlt.f32 v36, v43  }
0xe9: {  	v15 =	vld [tilespmem:s16+$0x60];
	v31 =	vadd.f32 v3, v8;
	v3 =	vmul.f32 v26, v26;
	v40 =	vsel vm12, v36, v43  }
0xea: {  	v13 =	vld [tilespmem:s16+$0x70];
	v47 =	vsel vm5, v19, v49;
	v8 =	vmul.f32 v24, v24;
	vm14 =	vlt.f32 v34, v40  }
0xeb: {  	v11 =	vld [tilespmem:s16+$0x80];
	v28 =	vadd.f32 v3, v5;
	v3 =	vmul.f32 v16, v16;
	v35 =	vsel vm14, v34, v40  }
0xec: {  	p0 =	sne.s32 s19, $0x1;
	v4 =	vmul.f32 v4, v4;
	v10 =	vld [tilespmem:s16+$0x90];
	v41 =	vsel vm12, v17, v47;
	vm2 =	vlt.f32 v31, v35  }
.Ltmp5:
0xed: {  	v24 =	vadd.f32 v3, v8;
	v3 =	vmul.f32 v9, v9;
	v33 =	vsel vm2, v31, v35;
	(pc) =	sbr.rel @!p0 .LBB2_6-.Ltmp5, $4  }
0xee: {  	v5 =	vmul.f32 v7, v7;
	v38 =	vsel vm14, v15, v41;
	vm11 =	vlt.f32 v28, v33  }
0xef: {  	v63 =	vld [tilespmem:s16+$0xB0];
	v32 =	vsel vm2, v13, v38;
	v21 =	vadd.f32 v4, v3;
	v26 =	vsel vm11, v28, v33  }
0xf0: {  	v29 =	vld [tilespmem:s16+$0xE0];
	[tilespmem:$0x1FFC0] =	vst v11;
	v4 =	vmul.f32 v23, v23;
	v25 =	vsel vm11, v11, v32;
	vm10 =	vlt.f32 v24, v26  }
0xf1: {  	s19 =	sadd.s32 $0xFFFFFFFF, s19;
	[tilespmem:$0x1FFD0] =	vst v10;
	v8 =	vld [tilespmem:s16+$0xA0];
	v3 =	vmul.f32 v6, v6;
	v22 =	vsel vm10, v24, v26;
	v16 =	vsel vm10, v10, v25  }
.LBB2_5:
0xf2: {  	v11 =	vld [tilespmem:s16+$0xC0]  }
0xf3: {  	v0 =	vmul.f32 v0, v0;
	vm15 =	vlt.f32 v21, v22;
	v30 =	vadd.f32 v4, v5  }
0xf4: {  	[tilespmem:$0x1FE90] =	vst v13;
	v13 =	vsel vm15, v21, v22  }
0xf5: {  	v4 =	vmul.f32 v14, v14;
	v6 =	vadd.f32 v0, v3;
	vm13 =	vlt.f32 v30, v13  }
0xf6: {  	v0 =	vmul.f32 v12, v12;
	[tilespmem:$0x1FEA0] =	vst v8;
	v5 =	vsel vm15, v8, v16;
	v7 =	vsel vm13, v30, v13  }
0xf7: {  	[tilespmem:$0x1FEE0] =	vst v11;
	v8 =	vsel vm13, v63, v5;
	vm0 =	vlt.f32 v6, v7  }
0xf8: {  	[tilespmem:$0x1FED0] =	vst v5;
	v5 =	vadd.f32 v0, v4;
	v4 =	vsel vm0, v11, v8;
	v11 =	vld [tilespmem:$0x1FF90];
	_ =	sdelay $0x1  }
0xf9: {  	v3 =	vimm.s32 $0x0;
	v0 =	vld [tilespmem:$0x1FFB0]  }
0xfa: {  	s18 =	sadd.s32 $0x100, s18;
	v3 =	vsel vm0, $0xFFFFFFFF, v3  }
0xfb: {  	s17 =	sadd.s32 $0x100, s17;
	v12 =	vld [tilespmem:s18+$0xF0];
	[tilespmem:$0x1FEF0] =	vst v3;
	v3 =	vsel vm0, v6, v7  }
0xfc: {  	v9 =	vld [tilespmem:s17+$0xE0];
	[tilespmem:$0x1FEC0] =	vst v63;
	vm0 =	vlt.f32 v5, v3;
	v63 =	vmul.f32 v11, v11;
	v11 =	vimm.s32 $0x0  }
0xfd: {  	v23 =	vmov v52;
	v52 =	vmov v18;
	v18 =	vld [tilespmem:s16+$0xD0];
	v11 =	vsel vm0, $0xFFFFFFFF, v11  }
0xfe: {  	v62 =	vmul.f32 v62, v62;
	v0 =	vmul.f32 v0, v0;
	[tilespmem:$0x1FF10] =	vst v11;
	v11 =	vld [tilespmem:$0x1FFA0]  }
0xff: {  	v14 =	vld [tilespmem:s17+$0xF0]  }
0x100: {  	v10 =	vld [tilespmem:s18+$0xE0];
	v12 =	vsub.f32 v2, v12;
	v0 =	vadd.f32 v0, v62  }
0x101: {  	[tilespmem:$0x1FEB0] =	vst v16;
	v9 =	vsub.f32 v1, v9;
	v62 =	vsel vm0, v5, v3  }
0x102: {  	v16 =	vsel vm0, v18, v4;
	[tilespmem:$0x1FFA0] =	vst v12;
	v12 =	vimm.s32 $0x0;
	vm0 =	vlt.f32 v0, v62  }
0x103: {  	[tilespmem:$0x1FF30] =	vst v9;
	v12 =	vsel vm0, $0xFFFFFFFF, v12;
	v11 =	vmul.f32 v11, v11  }
0x104: {  	v14 =	vsub.f32 v1, v14;
	v9 =	vsel vm0, v29, v16;
	[tilespmem:$0x1FF20] =	vst v12  }
0x105: {  	[tilespmem:$0x1FF70] =	vst v9;
	v9 =	vsub.f32 v2, v10;
	v12 =	vadd.f32 v11, v63  }
0x106: {  	vm3 =	vmmov vm11;
	[tilespmem:$0x1FF90] =	vst v14;
	v14 =	vsel vm0, v0, v62  }
0x107: {  	vm4 =	vmmov vm10;
	[tilespmem:$0x1FFB0] =	vst v9;
	v9 =	vimm.s32 $0x0;
	vm1 =	vlt.f32 v12, v14  }
0x108: {  	[tilespmem:$0x1FF40] =	vst v16;
	vm0 =	vlt.f32 v55, v52;
	v16 =	vimm.s32 $0x0;
	v9 =	vsel vm1, $0xFFFFFFFF, v9  }
0x109: {  	v10 =	vsel vm0, v44, v23;
	vm1 =	vlt.f32 v55, v56;
	[tilespmem:$0x1FF60] =	vst v9;
	v9 =	vsel vm0, v55, v52  }
0x10a: {  	[tilespmem:$0x1FF00] =	vst v18;
	v11 =	vsel vm1, v55, v56;
	v18 =	vsel vm1, v44, v48;
	v9 =	vsel vm1, v56, v9  }
0x10b: {  	v10 =	vsel vm1, v48, v10;
	v11 =	vsel vm9, v61, v11;
	vm0 =	vlt.f32 v50, v9  }
0x10c: {  	v18 =	vsel vm9, v60, v18;
	vm9 =	vlt.f32 v50, v11;
	v9 =	vsel vm0, v50, v9  }
0x10d: {  	v55 =	vsel vm9, v37, v18;
	v9 =	vsel vm9, v11, v9;
	v11 =	vsel vm9, v50, v11  }
0x10e: {  	v44 =	vsel vm8, v59, v55;
	v11 =	vsel vm8, v58, v11;
	vm8 =	vlt.f32 v45, v9  }
0x10f: {  	v10 =	vsel vm0, v37, v10;
	vm1 =	vlt.f32 v45, v11;
	v9 =	vsel vm8, v45, v9  }
0x110: {  	v10 =	vsel vm9, v18, v10;
	v9 =	vsel vm1, v11, v9;
	v11 =	vsel vm1, v45, v11  }
0x111: {  	v10 =	vsel vm8, v27, v10;
	v11 =	vsel vm7, v54, v11;
	vm0 =	vlt.f32 v42, v9  }
0x112: {  	v56 =	vsel vm1, v27, v44;
	vm11 =	vlt.f32 v42, v11;
	v9 =	vsel vm0, v42, v9  }
0x113: {  	v10 =	vsel vm1, v44, v10;
	v9 =	vsel vm11, v11, v9;
	v11 =	vsel vm11, v42, v11  }
0x114: {  	v37 =	vsel vm7, v57, v56;
	v11 =	vsel vm6, v51, v11;
	vm10 =	vlt.f32 v39, v9  }
0x115: {  	v10 =	vsel vm0, v20, v10;
	vm9 =	vlt.f32 v39, v11;
	v9 =	vsel vm10, v39, v9  }
0x116: {  	v18 =	vsel vm11, v20, v37;
	v9 =	vsel vm9, v11, v9;
	v11 =	vsel vm9, v39, v11  }
0x117: {  	v18 =	vsel vm6, v53, v18;
	v11 =	vsel vm5, v46, v11;
	vm8 =	vlt.f32 v36, v9  }
0x118: {  	v27 =	vsel vm9, v19, v18;
	vm7 =	vlt.f32 v36, v11;
	v9 =	vsel vm8, v36, v9  }
0x119: {  	v27 =	vsel vm5, v49, v27;
	v9 =	vsel vm7, v11, v9;
	v11 =	vsel vm7, v36, v11  }
0x11a: {  	v57 =	vsel vm7, v17, v27;
	v11 =	vsel vm12, v43, v11;
	vm6 =	vlt.f32 v34, v9  }
0x11b: {  	v58 =	vld [tilespmem:$0x1FE90];
	v36 =	vsel vm12, v47, v57;
	vm0 =	vlt.f32 v34, v11;
	v9 =	vsel vm6, v34, v9  }
0x11c: {  	v9 =	vsel vm0, v11, v9;
	v11 =	vsel vm0, v34, v11;
	v20 =	vsel vm0, v15, v36  }
0x11d: {  	v11 =	vsel vm14, v40, v11;
	v20 =	vsel vm14, v41, v20;
	vm14 =	vlt.f32 v31, v9  }
0x11e: {  	v59 =	vld [tilespmem:$0x1FFC0];
	v10 =	vsel vm11, v37, v10;
	vm5 =	vlt.f32 v31, v11;
	v9 =	vsel vm14, v31, v9  }
0x11f: {  	v10 =	vsel vm10, v19, v10;
	v9 =	vsel vm5, v11, v9;
	v11 =	vsel vm5, v31, v11  }
0x120: {  	v31 =	vsel vm5, v58, v20;
	v11 =	vsel vm2, v35, v11;
	vm1 =	vlt.f32 v28, v9  }
0x121: {  	v31 =	vsel vm2, v38, v31;
	vm2 =	vlt.f32 v28, v11;
	v9 =	vsel vm1, v28, v9  }
0x122: {  	v16 =	vsel vm1, $0xFFFFFFFF, v16;
	v9 =	vsel vm2, v11, v9;
	v11 =	vsel vm2, v28, v11  }
0x123: {  	v19 =	vsel vm2, v59, v31;
	v11 =	vsel vm3, v33, v11;
	vm1 =	vlt.f32 v24, v9  }
0x124: {  	v19 =	vsel vm3, v32, v19;
	vm3 =	vlt.f32 v24, v11;
	v9 =	vsel vm1, v24, v9  }
0x125: {  	v9 =	vsel vm3, v11, v9;
	v11 =	vsel vm3, v24, v11  }
0x126: {  	[tilespmem:$0x1FF50] =	vst v16;
	v16 =	vimm.s32 $0x0;
	v11 =	vsel vm4, v26, v11;
	vm11 =	vlt.f32 v21, v9  }
0x127: {  	v37 =	vld [tilespmem:$0x1FFD0];
	v16 =	vsel vm1, $0xFFFFFFFF, v16;
	vm1 =	vlt.f32 v21, v11;
	v9 =	vsel vm11, v21, v9  }
0x128: {  	v10 =	vsel vm9, v18, v10;
	v9 =	vsel vm1, v11, v9;
	v11 =	vsel vm1, v21, v11  }
0x129: {  	v10 =	vsel vm8, v17, v10;
	v41 =	vld [tilespmem:$0x1FEA0];
	v11 =	vsel vm15, v22, v11;
	vm10 =	vlt.f32 v30, v9  }
0x12a: {  	v10 =	vsel vm7, v27, v10;
	[tilespmem:$0x1FF80] =	vst v16;
	v16 =	vld [tilespmem:$0x1FEB0];
	vm7 =	vlt.f32 v30, v11;
	v9 =	vsel vm10, v30, v9  }
0x12b: {  	v42 =	vld [tilespmem:$0x1FEC0];
	v9 =	vsel vm7, v11, v9;
	v11 =	vsel vm7, v30, v11  }
0x12c: {  	v18 =	vsel vm3, v37, v19;
	v11 =	vsel vm13, v13, v11;
	v13 =	vld [tilespmem:$0x1FED0]  }
0x12d: {  	v24 =	vsel vm4, v25, v18  }
0x12e: {  	v18 =	vsel vm1, v41, v24  }
0x12f: {  	v22 =	vsel vm15, v16, v18  }
0x130: {  	v18 =	vsel vm7, v42, v22  }
0x131: {  	v16 =	vsel vm13, v13, v18;
	v13 =	vld [tilespmem:$0x1FEF0];
	_ =	sdelay $0x2  }
0x132: {  	v45 =	vld [tilespmem:$0x1FEE0]  }
0x133: {  	v46 =	vld [tilespmem:$0x1FF00];
	vm8 =	vlt.f32 v6, v9  }
0x134: {  	vm9 =	vlt.f32 v6, v11;
	v9 =	vsel vm8, v6, v9;
	vm4 =	vnez.u8 v13;
	v13 =	vld [tilespmem:$0x1FF10]  }
0x135: {  	v9 =	vsel vm9, v11, v9;
	v6 =	vsel vm9, v6, v11  }
0x136: {  	v10 =	vsel vm6, v15, v10;
	vm15 =	vlt.f32 v5, v9;
	v6 =	vsel vm4, v7, v6  }
0x137: {  	v9 =	vsel vm15, v5, v9;
	v11 =	vsel vm9, v45, v16;
	vm13 =	vlt.f32 v5, v6  }
0x138: {  	v8 =	vsel vm4, v8, v11;
	v7 =	vsel vm0, v36, v10;
	v9 =	vsel vm13, v6, v9  }
0x139: {  	v5 =	vsel vm13, v5, v6;
	v6 =	vsel vm13, v46, v8;
	vm0 =	vnez.u8 v13  }
0x13a: {  	v30 =	vsel vm0, v4, v6;
	v6 =	vld [tilespmem:$0x1FF20];
	_ =	sdelay $0x4  }
0x13b: {  	vm4 =	vnez.u8 v6;
	v6 =	vld [tilespmem:$0x1FF40]  }
0x13c: {  	v23 =	vld [tilespmem:s18+$0xD0];
	vm12 =	vlt.f32 v0, v9;
	v3 =	vsel vm0, v3, v5  }
0x13d: {  	v63 =	vmov v29;
	v29 =	vld [tilespmem:s18+$0x90];
	v5 =	vsel vm12, v0, v9;
	vm0 =	vlt.f32 v0, v3  }
0x13e: {  	v52 =	vld [tilespmem:s18+$0x70];
	v4 =	vsel vm14, v58, v7;
	v5 =	vsel vm0, v3, v5  }
0x13f: {  	v53 =	vld [tilespmem:s18+$0x60];
	v0 =	vsel vm0, v0, v3;
	v3 =	vsel vm0, v63, v30;
	vm6 =	vlt.f32 v12, v5  }
0x140: {  	v33 =	vsel vm4, v6, v3;
	v3 =	vsel vm5, v20, v4;
	v4 =	vsel vm6, v12, v5;
	v5 =	vld [tilespmem:$0x1FF50]  }
0x141: {  	v17 =	vld [tilespmem:s16+$0xF0]  }
0x142: {  	v27 =	vld [tilespmem:s17+$0xB0]  }
0x143: {  	v15 =	vld [tilespmem:s18+$0xB0]  }
0x144: {  	v28 =	vld [tilespmem:s17+$0xA0]  }
0x145: {  	vm5 =	vnez.u8 v5;
	v5 =	vld [tilespmem:$0x1FF60]  }
0x146: {  	v25 =	vld [tilespmem:s17+$0xC0]  }
0x147: {  	v26 =	vld [tilespmem:s18+$0xC0];
	v0 =	vsel vm4, v62, v0  }
0x148: {  	v21 =	vld [tilespmem:s17+$0xD0];
	vm4 =	vlt.f32 v12, v0  }
0x149: {  	v11 =	vld [tilespmem:s18+$0xA0];
	v18 =	vsel vm4, v0, v4  }
0x14a: {  	v10 =	vld [tilespmem:s17+$0x90];
	v0 =	vsel vm4, v12, v0;
	v3 =	vsel vm5, v59, v3;
	vm5 =	vnez.u8 v5  }
0x14b: {  	v56 =	vsel vm5, v14, v0;
	v0 =	vsel vm2, v31, v3;
	v3 =	vld [tilespmem:$0x1FF80]  }
0x14c: {  	v5 =	vld [tilespmem:$0x1FF70]  }
0x14d: {  	v13 =	vld [tilespmem:s17+$0x70]  }
0x14e: {  	v9 =	vld [tilespmem:s18+$0x80]  }
0x14f: {  	v32 =	vsub.f32 v2, v53;
	v7 =	vsub.f32 v1, v28;
	v20 =	vld [tilespmem:s17+$0x60]  }
0x150: {  	v10 =	vsub.f32 v1, v10;
	v4 =	vsel vm4, v17, v33;
	v59 =	vld [tilespmem:s17+$0x50];
	vm2 =	vnez.u8 v3  }
0x151: {  	v28 =	vsub.f32 v2, v52;
	v31 =	vld [tilespmem:s18+$0x50];
	v48 =	vsel vm5, v5, v4;
	v4 =	vsel vm2, v37, v0  }
0x152: {  	v61 =	vsel vm5, v12, v14;
	v14 =	vsub.f32 v1, v21;
	v21 =	vld [tilespmem:s17+$0x40];
	v6 =	vsel vm3, v19, v4  }
0x153: {  	v12 =	vsub.f32 v2, v23;
	v23 =	vld [tilespmem:s17+$0x10];
	v4 =	vsub.f32 v2, v15;
	v15 =	vsel vm11, v41, v6  }
0x154: {  	v3 =	vsub.f32 v1, v25;
	v25 =	vld [tilespmem:s18+$0x0];
	v6 =	vsub.f32 v2, v11;
	v11 =	vsel vm1, v24, v15  }
0x155: {  	v7 =	vmul.f32 v7, v7;
	v13 =	vsub.f32 v1, v13;
	v19 =	vld [tilespmem:s18+$0x40];
	v11 =	vsel vm10, v42, v11  }
0x156: {  	v9 =	vsub.f32 v2, v9;
	v34 =	vsub.f32 v1, v59;
	v15 =	vld [tilespmem:s17+$0x0];
	v11 =	vsel vm7, v22, v11  }
0x157: {  	v60 =	vsel vm5, v17, v5;
	v5 =	vsub.f32 v1, v27;
	v22 =	vld [tilespmem:s18+$0x10];
	v11 =	vsel vm8, v45, v11  }
0x158: {  	v27 =	vld [tilespmem:s17+$0x20];
	v31 =	vsub.f32 v2, v31;
	v21 =	vsub.f32 v1, v21;
	v11 =	vsel vm9, v16, v11  }
0x159: {  	v23 =	vsub.f32 v1, v23;
	v24 =	vsub.f32 v2, v29;
	v16 =	vld [tilespmem:s18+$0x20];
	v11 =	vsel vm15, v46, v11  }
0x15a: {  	v29 =	vsub.f32 v1, v20;
	v20 =	vld [tilespmem:s17+$0x30];
	v35 =	vsub.f32 v2, v19;
	v8 =	vsel vm13, v8, v11  }
0x15b: {  	v19 =	vld [tilespmem:s18+$0x30];
	v11 =	vsub.f32 v1, v15;
	v15 =	vsub.f32 v2, v25;
	v8 =	vsel vm12, v63, v8  }
0x15c: {  	v0 =	vsub.f32 v2, v26;
	v22 =	vsub.f32 v2, v22;
	v8 =	vsel vm0, v30, v8  }
0x15d: {  	v47 =	vld [tilespmem:s17+$0x80];
	v11 =	vmul.f32 v11, v11;
	v15 =	vmul.f32 v15, v15;
	v8 =	vsel vm6, v17, v8  }
0x15e: {  	v17 =	vsub.f32 v1, v27;
	v16 =	vsub.f32 v2, v16;
	v52 =	vsel vm4, v33, v8  }
0x15f: {  	v55 =	vadd.f32 v15, v11;
	v8 =	vmul.f32 v23, v23;
	v11 =	vmul.f32 v22, v22  }
0x160: {  	s16 =	sadd.s32 $0x100, s16;
	v19 =	vsub.f32 v2, v19;
	v15 =	vmul.f32 v17, v17;
	v17 =	vsub.f32 v1, v20  }
0x161: {  	v44 =	vld [tilespmem:s16+$0x0];
	vm9 =	vlt.f32 v55, v61;
	v50 =	vadd.f32 v11, v8;
	v8 =	vmul.f32 v16, v16  }
0x162: {  	v26 =	vsub.f32 v1, v47;
	v58 =	vsel vm9, v55, v61;
	v11 =	vmul.f32 v17, v17  }
0x163: {  	v37 =	vld [tilespmem:s16+$0x10];
	vm8 =	vlt.f32 v50, v58;
	v45 =	vadd.f32 v8, v15;
	v8 =	vmul.f32 v19, v19  }
0x164: {  	v5 =	vmul.f32 v5, v5;
	v15 =	vmul.f32 v21, v21;
	v54 =	vsel vm8, v50, v58  }
0x165: {  	v27 =	vld [tilespmem:s16+$0x20];
	vm7 =	vlt.f32 v45, v54;
	v42 =	vadd.f32 v8, v11;
	v8 =	vmul.f32 v35, v35  }
0x166: {  	v59 =	vsel vm9, v44, v60;
	v11 =	vmul.f32 v34, v34;
	v51 =	vsel vm7, v45, v54  }
0x167: {  	v20 =	vld [tilespmem:s16+$0x30];
	vm6 =	vlt.f32 v42, v51;
	v39 =	vadd.f32 v8, v15;
	v8 =	vmul.f32 v31, v31  }
0x168: {  	v16 =	vmul.f32 v29, v29;
	v57 =	vsel vm8, v37, v59;
	v46 =	vsel vm6, v42, v51  }
0x169: {  	v19 =	vld [tilespmem:s16+$0x40];
	vm5 =	vlt.f32 v39, v46;
	v36 =	vadd.f32 v8, v11;
	v8 =	vmul.f32 v32, v32  }
0x16a: {  	v53 =	vsel vm7, v27, v57;
	v11 =	vmul.f32 v13, v13;
	v43 =	vsel vm5, v39, v46  }
0x16b: {  	v17 =	vld [tilespmem:s16+$0x50];
	vm12 =	vlt.f32 v36, v43;
	v34 =	vadd.f32 v8, v16;
	v8 =	vmul.f32 v28, v28  }
0x16c: {  	v15 =	vld [tilespmem:s16+$0x60];
	v49 =	vsel vm6, v20, v53;
	v16 =	vmul.f32 v26, v26;
	v40 =	vsel vm12, v36, v43  }
0x16d: {  	v13 =	vld [tilespmem:s16+$0x70];
	vm14 =	vlt.f32 v34, v40;
	v31 =	vadd.f32 v8, v11;
	v8 =	vmul.f32 v9, v9  }
0x16e: {  	v47 =	vsel vm5, v19, v49;
	v11 =	vld [tilespmem:s16+$0x80];
	v9 =	vmul.f32 v10, v10;
	v35 =	vsel vm14, v34, v40  }
0x16f: {  	p0 =	sne.s32 s19, $0x1;
	v10 =	vld [tilespmem:s16+$0x90];
	vm2 =	vlt.f32 v31, v35;
	v28 =	vadd.f32 v8, v16;
	v8 =	vmul.f32 v24, v24  }
.Ltmp6:
0x170: {  	v3 =	vmul.f32 v3, v3;
	v41 =	vsel vm12, v17, v47;
	v33 =	vsel vm2, v31, v35;
	(pc) =	sbr.rel @p0 .LBB2_5-.Ltmp6, $4  }
0x171: {  	v62 =	vld [tilespmem:$0x1FF30];
	v38 =	vsel vm14, v15, v41;
	vm11 =	vlt.f32 v28, v33;
	v24 =	vadd.f32 v8, v9  }
0x172: {  	v6 =	vmul.f32 v6, v6;
	v63 =	vld [tilespmem:s16+$0xB0];
	v32 =	vsel vm2, v13, v38;
	v26 =	vsel vm11, v28, v33  }
0x173: {  	v4 =	vmul.f32 v4, v4;
	v29 =	vld [tilespmem:s16+$0xE0];
	[tilespmem:$0x1FFC0] =	vst v11;
	v25 =	vsel vm11, v11, v32;
	vm10 =	vlt.f32 v24, v26  }
0x174: {  	s19 =	sadd.s32 $0xFFFFFFFF, s19;
	v21 =	vadd.f32 v6, v7;
	v8 =	vld [tilespmem:s16+$0xA0];
	[tilespmem:$0x1FFD0] =	vst v10;
	v22 =	vsel vm10, v24, v26;
	v16 =	vsel vm10, v10, v25  }
.LBB2_6:
0x175: {  	vm0 =	vlt.f32 v55, v56  }
0x176: {  	vm1 =	vlt.f32 v55, v18;
	v0 =	vmul.f32 v0, v0;
	v4 =	vadd.f32 v4, v5  }
0x177: {  	v6 =	vsel vm0, v55, v56;
	v7 =	vsel vm1, v55, v18;
	v52 =	vsel vm1, v44, v52  }
0x178: {  	v9 =	vsel vm0, v44, v48;
	v6 =	vsel vm9, v61, v6;
	v7 =	vsel vm0, v56, v7  }
0x179: {  	v9 =	vsel vm9, v60, v9;
	v0 =	vadd.f32 v0, v3;
	vm15 =	vlt.f32 v50, v6  }
0x17a: {  	vm4 =	vlt.f32 v50, v7;
	v30 =	vmovc v8;
	v10 =	vsel vm15, v50, v6;
	v8 =	vsel vm0, v48, v52  }
0x17b: {  	v11 =	vsel vm15, v37, v9;
	v7 =	vsel vm4, v50, v7;
	v10 =	vsel vm8, v58, v10  }
0x17c: {  	v11 =	vsel vm8, v59, v11;
	v8 =	vsel vm4, v37, v8;
	v6 =	vsel vm15, v6, v7  }
0x17d: {  	vm0 =	vlt.f32 v45, v10;
	v8 =	vsel vm15, v9, v8;
	vm13 =	vlt.f32 v45, v6  }
0x17e: {  	v55 =	vsel vm0, v45, v10;
	v56 =	vsel vm0, v27, v11;
	v6 =	vsel vm13, v45, v6  }
0x17f: {  	v8 =	vsel vm13, v27, v8;
	v23 =	vsel vm7, v54, v55;
	v7 =	vsel vm7, v57, v56  }
0x180: {  	v6 =	vsel vm0, v10, v6;
	v8 =	vsel vm0, v11, v8;
	vm7 =	vlt.f32 v42, v23  }
0x181: {  	vm15 =	vlt.f32 v42, v6;
	v57 =	vsel vm7, v42, v23;
	v18 =	vsel vm7, v20, v7  }
0x182: {  	v6 =	vsel vm15, v42, v6;
	v8 =	vsel vm15, v20, v8;
	v9 =	vsel vm6, v51, v57  }
0x183: {  	v58 =	vsel vm6, v53, v18;
	v6 =	vsel vm7, v23, v6;
	v7 =	vsel vm7, v7, v8  }
0x184: {  	v53 =	vmul.f32 v62, v62;
	vm6 =	vlt.f32 v39, v9;
	vm9 =	vlt.f32 v39, v6  }
0x185: {  	v59 =	vsel vm6, v39, v9;
	v60 =	vsel vm6, v19, v58;
	v6 =	vsel vm9, v39, v6  }
0x186: {  	v7 =	vsel vm9, v19, v7;
	v18 =	vsel vm5, v46, v59;
	v6 =	vsel vm6, v9, v6  }
0x187: {  	v61 =	vsel vm5, v49, v60;
	vm8 =	vlt.f32 v36, v18;
	vm13 =	vlt.f32 v36, v6  }
0x188: {  	v7 =	vsel vm6, v58, v7;
	v27 =	vsel vm8, v36, v18;
	v6 =	vsel vm13, v36, v6  }
0x189: {  	v7 =	vsel vm13, v17, v7;
	v11 =	vsel vm12, v43, v27;
	v27 =	vsel vm8, v17, v61  }
0x18a: {  	v6 =	vsel vm8, v18, v6;
	v7 =	vsel vm8, v61, v7;
	vm4 =	vlt.f32 v34, v11  }
0x18b: {  	v58 =	vld [tilespmem:$0x1FF90];
	v27 =	vsel vm12, v47, v27;
	vm12 =	vlt.f32 v21, v22;
	v37 =	vsel vm4, v34, v11  }
0x18c: {  	v39 =	vsel vm4, v15, v27;
	v47 =	vsel vm12, v21, v22;
	v49 =	vsel vm12, v30, v16  }
0x18d: {  	v8 =	vsel vm14, v40, v37;
	v9 =	vsel vm14, v41, v39;
	vm14 =	vlt.f32 v34, v6  }
0x18e: {  	vm13 =	vlt.f32 v4, v47;
	v6 =	vsel vm14, v34, v6;
	vm15 =	vlt.f32 v31, v8  }
0x18f: {  	v43 =	vld [tilespmem:$0x1FFC0];
	v7 =	vsel vm14, v15, v7;
	v50 =	vsel vm13, v4, v47;
	v52 =	vsel vm13, v63, v49  }
0x190: {  	v51 =	vld [tilespmem:s16+$0xC0];
	v15 =	vmul.f32 v58, v58;
	v6 =	vsel vm4, v11, v6;
	v40 =	vsel vm15, v31, v8  }
0x191: {  	v41 =	vsel vm15, v13, v9;
	v7 =	vsel vm4, v27, v7;
	vm4 =	vlt.f32 v0, v50  }
0x192: {  	vm3 =	vlt.f32 v31, v6;
	v10 =	vsel vm2, v35, v40;
	v11 =	vsel vm2, v38, v41  }
0x193: {  	v6 =	vsel vm3, v31, v6;
	vm6 =	vlt.f32 v28, v10;
	v7 =	vsel vm3, v13, v7  }
0x194: {  	v45 =	vld [tilespmem:$0x1FFD0];
	v6 =	vsel vm15, v8, v6;
	v42 =	vsel vm6, v28, v10;
	v44 =	vsel vm6, v43, v11  }
0x195: {  	v7 =	vsel vm15, v9, v7;
	v9 =	vsel vm4, v51, v52;
	vm7 =	vlt.f32 v28, v6  }
0x196: {  	v8 =	vsel vm11, v33, v42;
	v6 =	vsel vm7, v28, v6;
	v5 =	vsel vm7, v43, v7  }
0x197: {  	v7 =	vmul.f32 v12, v12;
	v3 =	vsel vm6, v10, v6;
	v6 =	vmul.f32 v14, v14  }
0x198: {  	v55 =	vld [tilespmem:$0x1FFB0];
	v13 =	vsel vm11, v32, v44;
	vm9 =	vlt.f32 v24, v8;
	v5 =	vsel vm6, v11, v5  }
0x199: {  	v46 =	vsel vm9, v45, v13;
	vm8 =	vlt.f32 v24, v3;
	v6 =	vadd.f32 v7, v6  }
0x19a: {  	v3 =	vsel vm8, v24, v3;
	v7 =	vsel vm9, v24, v8;
	v5 =	vsel vm8, v45, v5  }
0x19b: {  	v3 =	vsel vm9, v8, v3;
	v7 =	vsel vm10, v26, v7;
	v8 =	vsel vm10, v25, v46  }
0x19c: {  	v59 =	vld [tilespmem:$0x1FFA0];
	v5 =	vsel vm9, v13, v5;
	vm10 =	vlt.f32 v21, v3;
	vm11 =	vlt.f32 v21, v7  }
0x19d: {  	v13 =	vmul.f32 v55, v55;
	v3 =	vsel vm10, v21, v3;
	v48 =	vsel vm11, v30, v8  }
0x19e: {  	v5 =	vsel vm10, v30, v5;
	v3 =	vsel vm11, v7, v3;
	v7 =	vsel vm11, v21, v7  }
0x19f: {  	v10 =	vsel vm12, v16, v48;
	v7 =	vsel vm12, v22, v7;
	vm14 =	vlt.f32 v4, v3  }
0x1a0: {  	v5 =	vsel vm11, v8, v5;
	vm15 =	vlt.f32 v4, v7;
	v3 =	vsel vm14, v4, v3  }
0x1a1: {  	v8 =	vmul.f32 v59, v59;
	v5 =	vsel vm14, v63, v5;
	v3 =	vsel vm15, v7, v3  }
0x1a2: {  	v4 =	vsel vm15, v4, v7;
	v7 =	vsel vm15, v63, v10;
	v5 =	vsel vm15, v10, v5  }
0x1a3: {  	v4 =	vsel vm13, v47, v4;
	v7 =	vsel vm13, v49, v7;
	vm5 =	vlt.f32 v0, v3  }
0x1a4: {  	v54 =	vld [tilespmem:s16+$0xD0];
	vm6 =	vlt.f32 v0, v4;
	v3 =	vsel vm5, v0, v3;
	v5 =	vsel vm5, v51, v5  }
0x1a5: {  	v56 =	vsel vm6, v0, v4;
	v0 =	vsel vm4, v0, v50;
	v57 =	vsel vm6, v51, v7  }
0x1a6: {  	v3 =	vsel vm6, v4, v3;
	v5 =	vsel vm6, v7, v5;
	v7 =	vadd.f32 v13, v53  }
0x1a7: {  	v12 =	vsel vm4, v50, v56;
	v14 =	vsel vm4, v52, v57;
	vm7 =	vlt.f32 v6, v0  }
0x1a8: {  	vm9 =	vlt.f32 v6, v3;
	vm8 =	vlt.f32 v6, v12;
	v60 =	vsel vm7, v6, v0  }
0x1a9: {  	v3 =	vsel vm9, v6, v3;
	v5 =	vsel vm9, v54, v5;
	v4 =	vsel vm8, v6, v12  }
0x1aa: {  	v6 =	vadd.f32 v8, v15;
	v3 =	vsel vm8, v12, v3;
	vm10 =	vlt.f32 v7, v60  }
0x1ab: {  	v5 =	vsel vm8, v14, v5;
	v0 =	vsel vm7, v0, v4;
	v4 =	vsel vm8, v54, v14  }
0x1ac: {  	vm11 =	vlt.f32 v7, v3;
	v4 =	vsel vm7, v9, v4;
	v9 =	vsel vm7, v54, v9  }
0x1ad: {  	v61 =	vld [tilespmem:s16+$0xF0];
	v3 =	vsel vm11, v7, v3;
	v5 =	vsel vm11, v29, v5;
	vm12 =	vlt.f32 v7, v0  }
0x1ae: {  	v3 =	vsel vm12, v0, v3;
	v0 =	vsel vm12, v7, v0;
	v7 =	vsel vm10, v7, v60  }
0x1af: {  	v62 =	vsel vm10, v29, v9;
	v63 =	vsel vm12, v29, v4;
	v0 =	vsel vm10, v60, v0  }
.Ltmp7:
0x1b0: {  	v4 =	vsel vm12, v4, v5;
	v9 =	vsel vm10, v9, v63;
	vm14 =	vlt.f32 v6, v0;
	(pc) =	sbr.rel .LBB2_7-.Ltmp7, $4  }
0x1b1: {  	vm13 =	vlt.f32 v6, v3;
	vm15 =	vlt.f32 v6, v7;
	v5 =	vsel vm14, v6, v0  }
0x1b2: {  	v3 =	vsel vm13, v6, v3;
	v11 =	vsel vm14, v61, v9;
	v5 =	vsel vm15, v7, v5  }
0x1b3: {  	v4 =	vsel vm13, v61, v4;
	v32 =	vsel vm15, v6, v7;
	[tilespmem:$0x1FFE0] =	vst v5;
	v5 =	vsel vm15, v62, v11  }
0x1b4: {  	v40 =	vsel vm15, v61, v62;
	v4 =	vsel vm14, v9, v4;
	[tilespmem:$0x1FFF0] =	vst v5;
	v5 =	vsel vm14, v0, v3  }
.LBB2_3:
0x1b5: {  	v0 =	vimm.f32 $+Inf  }
0x1b6: {  	v40 =	vimm.f32 $0.0e+00;
	[tilespmem:$0x1FFE0] =	vst v0;
	v0 =	vimm.f32 $0.0e+00  }
0x1b7: {  	v32 =	vimm.f32 $+Inf;
	v5 =	vimm.f32 $+Inf;
	v4 =	vimm.f32 $0.0e+00;
	[tilespmem:$0x1FFF0] =	vst v0  }
.LBB2_7:
0x1b8: {  	(v2sf) =	vpush v5, $0x0  }
0x1b9: {  	(v2sf) =	vpush v5, $0x1  }
0x1ba: {  	(v2sf) =	vpush v5, $0x2  }
0x1bb: {  	(v2sf) =	vpush v5, $0x3  }
0x1bc: {  	(v2sf) =	vpush v5, $0x4  }
0x1bd: {  	s0 =	sadd.s32 $0xFFFFFFFE, s0;
	(v2sf) =	vpush v5, $0x5  }
0x1be: {  	s19 =	sshrl.u32 s0, $0x1;
	(v2sf) =	vpush v5, $0x6  }
0x1bf: {  	s0 =	sshll.u32 s19, $0x4;
	(v2sf) =	vpush v5, $0x7  }
0x1c0: {  	s0 =	smax.u32 s0, $0x1;
	(v2sf) =	vpush v5, $0x8  }
0x1c1: {  	s0 =	sshll.u32 s0, $0x4;
	(v2sf) =	vpush v5, $0x9  }
0x1c2: {  	s0 =	sand.u32 $0x3FFFFF10, s0;
	(v2sf) =	vpush v5, $0xA  }
0x1c3: {  	v0 =	vld [tilespmem:s0+$0xFFFFFFF0];
	(v2sf) =	vpush v5, $0xB  }
0x1c4: {  	(v2sf) =	vpush v5, $0xC  }
0x1c5: {  	(v2sf) =	vpush v5, $0xD  }
0x1c6: {  	(v2sf) =	vpush v5, $0xE  }
0x1c7: {  	s23 =	spop (v2sf);
	(v2sf) =	vpush v5, $0xF  }
0x1c8: {  	s16 =	spop (v2sf);
	(v2sf) =	vpush v0, $0x0  }
0x1c9: {  	s17 =	spop (v2sf)  }
0x1ca: {  	s18 =	spop (v2sf)  }
0x1cb: {  	s20 =	spop (v2sf)  }
0x1cc: {  	s21 =	spop (v2sf)  }
0x1cd: {  	s0 =	smax.f32 s23, s16;
	s22 =	spop (v2sf)  }
0x1ce: {  	s0 =	smax.f32 s0, s17;
	s16 =	spop (v2sf)  }
0x1cf: {  	s0 =	smax.f32 s0, s18;
	s17 =	spop (v2sf)  }
0x1d0: {  	s0 =	smax.f32 s0, s20;
	s18 =	spop (v2sf)  }
0x1d1: {  	s0 =	smax.f32 s0, s21;
	s20 =	spop (v2sf)  }
0x1d2: {  	s0 =	smax.f32 s0, s22;
	s23 =	spop (v2sf)  }
0x1d3: {  	s0 =	smax.f32 s0, s16;
	s22 =	spop (v2sf)  }
0x1d4: {  	s0 =	smax.f32 s0, s17;
	s16 =	spop (v2sf)  }
0x1d5: {  	s0 =	smax.f32 s0, s18;
	s17 =	spop (v2sf)  }
0x1d6: {  	s0 =	smax.f32 s0, s20;
	s18 =	spop (v2sf)  }
0x1d7: {  	s0 =	smax.f32 s0, s23;
	s23 =	spop (v2sf)  }
0x1d8: {  	s0 =	smax.f32 s0, s22;
	s20 =	ssub.f32 s28, s23  }
0x1d9: {  	s0 =	smax.f32 s0, s16  }
0x1da: {  	s0 =	smax.f32 s0, s17;
	s17 =	smul.f32 s20, s20  }
0x1db: {  	s0 =	smax.f32 s0, s18  }
0x1dc: {  	p0 =	sle.f32 s0, s17  }
0x1dd: {  	s16 =	sadd.s32 $0xFFFFFFFF, s19  }
0x1de: {  	p1 =	seq.s32 s19, $0x0;
	s16 =	smov.u32 @p0 s31  }
0x1df: {  	s19 =	simm.s32 @!p0 $0x0;
	s16 =	smov.u32 @p1 s31  }
0x1e0: {  	s18 =	sadd.s32 s16, s19  }
0x1e1: {  	s17 =	sadd.s32 $0x1, s18  }
0x1e2: {  	s17 =	sshrl.u32 s17, $0x1  }
0x1e3: {  	s20 =	sshll.u32 s17, $0x4  }
0x1e4: {  	s18 =	smax.u32 s20, $0x1  }
0x1e5: {  	s18 =	sshll.u32 s18, $0x4  }
0x1e6: {  	s18 =	sand.u32 $0x3FFFFF10, s18  }
0x1e7: {  	v0 =	vld [tilespmem:s18+$0xFFFFFFF0];
	_ =	sdelay $0x4  }
0x1e8: {  	(v2sf) =	vpush v0, $0x0;
	_ =	sdelay $0xe  }
0x1e9: {  	s21 =	spop (v2sf)  }
0x1ea: {  	s18 =	ssub.f32 s28, s21;
	_ =	sdelay $0x1  }
0x1eb: {  	s18 =	smul.f32 s18, s18;
	_ =	sdelay $0x1  }
0x1ec: {  	p3 =	sle.f32 s0, s18  }
0x1ed: {  	p4 =	seq.s32 s17, $0x0  }
0x1ee: {  	s18 =	sadd.s32 $0xFFFFFFFF, s17;
	p0 =	por p4, p3  }
0x1ef: {  	s19 =	smov.u32 @p0 s17;
	s18 =	smov.u32 @p0 s16  }
0x1f0: {  	s16 =	sadd.s32 s18, s19  }
0x1f1: {  	s16 =	sadd.s32 $0x1, s16  }
0x1f2: {  	s16 =	sshrl.u32 s16, $0x1  }
0x1f3: {  	s22 =	sshll.u32 s16, $0x4  }
0x1f4: {  	s17 =	smax.u32 s22, $0x1  }
0x1f5: {  	s17 =	sshll.u32 s17, $0x4  }
0x1f6: {  	s17 =	sand.u32 $0x3FFFFF10, s17  }
0x1f7: {  	v0 =	vld [tilespmem:s17+$0xFFFFFFF0];
	_ =	sdelay $0x4  }
0x1f8: {  	(v2sf) =	vpush v0, $0x0;
	_ =	sdelay $0xe  }
0x1f9: {  	s23 =	spop (v2sf)  }
0x1fa: {  	s17 =	ssub.f32 s28, s23;
	_ =	sdelay $0x1  }
0x1fb: {  	s17 =	smul.f32 s17, s17;
	_ =	sdelay $0x1  }
0x1fc: {  	p5 =	sle.f32 s0, s17  }
0x1fd: {  	p6 =	seq.s32 s16, $0x0  }
0x1fe: {  	s20 =	sadd.s32 $0xFFFFFFFF, s16;
	p0 =	por p6, p5  }
0x1ff: {  	s19 =	smov.u32 @p0 s16;
	s20 =	smov.u32 @p0 s18  }
0x200: {  	s16 =	sadd.s32 s20, s19  }
0x201: {  	s16 =	sadd.s32 $0x1, s16  }
0x202: {  	s16 =	sshrl.u32 s16, $0x1  }
0x203: {  	s18 =	sshll.u32 s16, $0x4  }
0x204: {  	s17 =	smax.u32 s18, $0x1  }
0x205: {  	s17 =	sshll.u32 s17, $0x4  }
0x206: {  	s17 =	sand.u32 $0x3FFFFF10, s17  }
0x207: {  	v0 =	vld [tilespmem:s17+$0xFFFFFFF0];
	_ =	sdelay $0x4  }
0x208: {  	(v2sf) =	vpush v0, $0x0;
	_ =	sdelay $0xe  }
0x209: {  	s21 =	spop (v2sf)  }
0x20a: {  	s17 =	ssub.f32 s28, s21;
	_ =	sdelay $0x1  }
0x20b: {  	s17 =	smul.f32 s17, s17;
	_ =	sdelay $0x1  }
0x20c: {  	p1 =	sle.f32 s0, s17  }
0x20d: {  	p2 =	seq.s32 s16, $0x0  }
0x20e: {  	s17 =	sadd.s32 $0xFFFFFFFF, s16;
	p0 =	por p2, p1  }
0x20f: {  	s19 =	smov.u32 @p0 s16;
	s17 =	smov.u32 @p0 s20  }
0x210: {  	s16 =	sadd.s32 s17, s19  }
0x211: {  	s16 =	sadd.s32 $0x1, s16  }
0x212: {  	s18 =	sshrl.u32 s16, $0x1  }
0x213: {  	s21 =	sshrl.u32 s29, $0x1;
	s16 =	sshll.u32 s18, $0x4  }
0x214: {  	s22 =	smax.u32 s16, $0x1;
	s16 =	sadd.s32 $0x22, s21  }
0x215: {  	s20 =	sshll.u32 s22, $0x4;
	s23 =	sshll.u32 s16, $0x4  }
0x216: {  	s20 =	sand.u32 $0x3FFFFF10, s20;
	s22 =	smin.u32 s23, $0x3FF  }
0x217: {  	v0 =	vld [tilespmem:s20+$0xFFFFFFF0];
	s22 =	sshll.u32 s22, $0x4  }
0x218: {  	v3 =	vld [tilespmem:s22+$0x0];
	_ =	sdelay $0x3  }
0x219: {  	(v2sf) =	vpush v0, $0x0  }
0x21a: {  	(v2sf) =	vpush v3, $0x0;
	_ =	sdelay $0xd  }
0x21b: {  	s20 =	spop (v2sf)  }
0x21c: {  	s23 =	spop (v2sf)  }
0x21d: {  	s22 =	ssub.f32 s23, s28;
	_ =	sdelay $0x1  }
0x21e: {  	s22 =	smul.f32 s22, s22;
	_ =	sdelay $0x1  }
0x21f: {  	p0 =	sle.f32 s0, s22  }
0x220: {  	s21 =	sadd.s32 $0x23, s21  }
0x221: {  	p1 =	seq.s32 s16, $0x40;
	s21 =	smov.u32 @p0 s30  }
0x222: {  	s16 =	simm.s32 @!p0 $0x40;
	s21 =	smov.u32 @p1 s30  }
0x223: {  	s23 =	sadd.s32 s21, s16  }
0x224: {  	s22 =	sshrl.u32 s23, $0x1  }
0x225: {  	s23 =	sshll.u32 s22, $0x4  }
0x226: {  	s23 =	smin.u32 s23, $0x3FF  }
0x227: {  	s23 =	sshll.u32 s23, $0x4  }
0x228: {  	v0 =	vld [tilespmem:s23+$0x0];
	_ =	sdelay $0x4  }
0x229: {  	(v2sf) =	vpush v0, $0x0;
	_ =	sdelay $0xe  }
0x22a: {  	s23 =	spop (v2sf)  }
0x22b: {  	s23 =	ssub.f32 s23, s28;
	_ =	sdelay $0x1  }
0x22c: {  	s23 =	smul.f32 s23, s23;
	_ =	sdelay $0x1  }
0x22d: {  	p3 =	sle.f32 s0, s23  }
0x22e: {  	p4 =	seq.s32 s22, $0x40  }
0x22f: {  	s23 =	sadd.s32 $0x1, s22;
	p0 =	por p4, p3  }
0x230: {  	s23 =	smov.u32 @p0 s21;
	s16 =	smov.u32 @p0 s22  }
0x231: {  	s21 =	sxor.u32 s23, s16  }
0x232: {  	s22 =	sand.u32 s23, s16;
	s21 =	sshrl.u32 s21, $0x1  }
0x233: {  	s21 =	sadd.s32 s21, s22  }
0x234: {  	s22 =	sshll.u32 s21, $0x4  }
0x235: {  	s22 =	smin.u32 s22, $0x3FF  }
0x236: {  	s22 =	sshll.u32 s22, $0x4  }
0x237: {  	v0 =	vld [tilespmem:s22+$0x0];
	_ =	sdelay $0x4  }
0x238: {  	(v2sf) =	vpush v0, $0x0;
	_ =	sdelay $0xe  }
0x239: {  	s22 =	spop (v2sf)  }
0x23a: {  	s22 =	ssub.f32 s22, s28;
	_ =	sdelay $0x1  }
0x23b: {  	s22 =	smul.f32 s22, s22;
	_ =	sdelay $0x1  }
0x23c: {  	p5 =	sle.f32 s0, s22  }
0x23d: {  	p6 =	seq.s32 s21, $0x40  }
0x23e: {  	s22 =	sadd.s32 $0x1, s21;
	p0 =	por p6, p5  }
0x23f: {  	s22 =	smov.u32 @p0 s23;
	s16 =	smov.u32 @p0 s21  }
0x240: {  	s21 =	sxor.u32 s22, s16  }
0x241: {  	s23 =	sand.u32 s22, s16;
	s21 =	sshrl.u32 s21, $0x1  }
0x242: {  	s21 =	sadd.s32 s21, s23  }
0x243: {  	s23 =	sshll.u32 s21, $0x4  }
0x244: {  	s23 =	smin.u32 s23, $0x3FF  }
0x245: {  	s23 =	sshll.u32 s23, $0x4  }
0x246: {  	v0 =	vld [tilespmem:s23+$0x0];
	_ =	sdelay $0x4  }
0x247: {  	(v2sf) =	vpush v0, $0x0;
	_ =	sdelay $0xe  }
0x248: {  	s23 =	spop (v2sf)  }
0x249: {  	s23 =	ssub.f32 s23, s28;
	_ =	sdelay $0x1  }
0x24a: {  	s23 =	smul.f32 s23, s23;
	_ =	sdelay $0x1  }
0x24b: {  	p2 =	sle.f32 s0, s23  }
0x24c: {  	p3 =	seq.s32 s21, $0x40  }
0x24d: {  	s23 =	sadd.s32 $0x1, s21;
	p0 =	por p3, p2  }
0x24e: {  	s23 =	smov.u32 @p0 s22;
	s16 =	smov.u32 @p0 s21  }
0x24f: {  	s21 =	sadd.s32 s23, s16  }
0x250: {  	s21 =	sshrl.u32 s21, $0x1  }
0x251: {  	s22 =	sshll.u32 s21, $0x4  }
0x252: {  	s22 =	smin.u32 s22, $0x3FF  }
0x253: {  	s22 =	sshll.u32 s22, $0x4  }
0x254: {  	v0 =	vld [tilespmem:s22+$0x0];
	_ =	sdelay $0x4  }
0x255: {  	(v2sf) =	vpush v0, $0x0;
	_ =	sdelay $0xd  }
0x256: {  	s20 =	ssub.f32 s28, s20  }
0x257: {  	s22 =	spop (v2sf)  }
0x258: {  	s20 =	smul.f32 s20, s20;
	s22 =	ssub.f32 s22, s28  }
0x259: {  	_ = 	snop  }
0x25a: {  	p4 =	sle.f32 s0, s20;
	s22 =	smul.f32 s22, s22  }
0x25b: {  	p5 =	seq.s32 s18, $0x0  }
0x25c: {  	p0 =	por p5, p4;
	p2 =	sle.f32 s0, s22  }
0x25d: {  	s19 =	smov.u32 @p0 s18;
	s18 =	sadd.s32 $0xFFFFFFFF, s18;
	p6 =	seq.s32 s21, $0x40  }
0x25e: {  	s18 =	smov.u32 @p0 s17;
	s17 =	sadd.s32 $0x1, s21;
	p0 =	por p6, p2  }
0x25f: {  	s18 =	sadd.s32 s18, s19;
	s17 =	smov.u32 @p0 s23;
	s16 =	smov.u32 @p0 s21  }
0x260: {  	s18 =	sadd.s32 $0x1, s18;
	s17 =	sadd.s32 s17, s16  }
0x261: {  	s20 =	sshrl.u32 s18, $0x1;
	s17 =	sshrl.u32 s17, $0x1  }
0x262: {  	s18 =	sshll.u32 s20, $0x4;
	s22 =	sshll.u32 s17, $0x4  }
0x263: {  	s18 =	smax.u32 s18, $0x1;
	s21 =	smin.u32 s22, $0x3FF  }
0x264: {  	s18 =	sshll.u32 s18, $0x4;
	s21 =	sshll.u32 s21, $0x4  }
0x265: {  	s18 =	sand.u32 $0x3FFFFF10, s18;
	v0 =	vld [tilespmem:s21+$0x0]  }
0x266: {  	v3 =	vld [tilespmem:s18+$0xFFFFFFF0];
	_ =	sdelay $0x3  }
0x267: {  	(v2sf) =	vpush v0, $0x0  }
0x268: {  	(v2sf) =	vpush v3, $0x0;
	_ =	sdelay $0xd  }
0x269: {  	s18 =	spop (v2sf)  }
0x26a: {  	s23 =	spop (v2sf)  }
0x26b: {  	s21 =	ssub.f32 s28, s23;
	_ =	sdelay $0x1  }
0x26c: {  	s21 =	smul.f32 s21, s21;
	_ =	sdelay $0x1  }
0x26d: {  	p0 =	sle.f32 s0, s21;
	_ =	sdelay $0x1  }
0x26e: {  	p1 =	seq.s32 s20, $0x0;
	s19 =	smov.u32 @p0 s20  }
0x26f: {  	s19 =	smov.u32 @p1 s20  }
0x270: {  	s21 =	ssub.s32 s31, s19  }
0x271: {  	p0 =	slt.s32 s21, $0x1  }
.Ltmp8:
0x272: {  	_ = 	snop;
	(pc) =	sbr.rel @p0 .LBB2_11-.Ltmp8, $1  }
0x273: {  	_ =	sdelay $0x3  }
0x274: {  	s19 =	sshll.u32 s19, $0xA  }
0x275: {  	s22 =	sshra.s32 s19, $0x2  }
0x276: {  	s19 =	sor.u32 $0x80, s22  }
0x277: {  	s20 =	sadd.s32 $0x4080, s22;
	v0 =	vld [tilespmem:s19+$0x70]  }
0x278: {  	v3 =	vld [tilespmem:s20+$0x70]  }
0x279: {  	[tilespmem:$0x1FE30] =	vst v4;
	v4 =	vld [tilespmem:s19+$0x60]  }
0x27a: {  	[tilespmem:$0x1FE40] =	vst v5;
	v5 =	vld [tilespmem:s20+$0x60]  }
0x27b: {  	v6 =	vld [tilespmem:s19+$0x50]  }
0x27c: {  	v8 =	vld [tilespmem:s20+$0x50]  }
0x27d: {  	v9 =	vld [tilespmem:s19+$0x40]  }
0x27e: {  	v10 =	vld [tilespmem:s20+$0x40]  }
0x27f: {  	v11 =	vld [tilespmem:s19+$0x30]  }
0x280: {  	v12 =	vld [tilespmem:s20+$0x30]  }
0x281: {  	v13 =	vld [tilespmem:s19+$0x20]  }
0x282: {  	v14 =	vld [tilespmem:s20+$0x20]  }
0x283: {  	v15 =	vld [tilespmem:s19+$0x10]  }
0x284: {  	v16 =	vld [tilespmem:s20+$0x10]  }
0x285: {  	v17 =	vld [tilespmem:s19+$0x0]  }
0x286: {  	v19 =	vld [tilespmem:s20+$0x0]  }
0x287: {  	v21 =	vld [tilespmem:s19+$0xFFFFFFF0]  }
0x288: {  	v23 =	vld [tilespmem:s20+$0xFFFFFFF0]  }
0x289: {  	v24 =	vld [tilespmem:s19+$0xFFFFFFE0];
	v35 =	vsub.f32 v1, v0  }
0x28a: {  	v52 =	vld [tilespmem:s20+$0xFFFFFFC0];
	v3 =	vsub.f32 v2, v3;
	v20 =	vsub.f32 v1, v6  }
0x28b: {  	v53 =	vld [tilespmem:s19+$0xFFFFFF90];
	v63 =	vsub.f32 v2, v8;
	v6 =	vsub.f32 v1, v9  }
0x28c: {  	v0 =	vld [tilespmem:s20+$0xFFFFFFE0];
	v18 =	vsub.f32 v2, v10;
	v10 =	vsub.f32 v2, v12  }
0x28d: {  	v12 =	vsub.f32 v1, v13;
	v13 =	vsub.f32 v2, v14;
	v14 =	vld [tilespmem:s19+$0xFFFFFF80]  }
0x28e: {  	v9 =	vsub.f32 v1, v11;
	v26 =	vsub.f32 v2, v16;
	v16 =	vld [tilespmem:s20+$0xFFFFFF80]  }
0x28f: {  	v7 =	vsub.f32 v1, v15;
	v27 =	vsub.f32 v2, v19;
	v19 =	vld [tilespmem:s20+$0xFFFFFF90]  }
0x290: {  	v17 =	vsub.f32 v1, v17;
	v28 =	vsub.f32 v1, v21;
	v21 =	vld [tilespmem:s19+$0xFFFFFFA0]  }
0x291: {  	v29 =	vsub.f32 v2, v23;
	v30 =	vsub.f32 v1, v24;
	v23 =	vld [tilespmem:s20+$0xFFFFFFA0]  }
0x292: {  	[tilespmem:$0x1FE50] =	vst v3;
	v3 =	vsub.f32 v1, v4;
	v4 =	vsub.f32 v2, v5;
	v5 =	vld [tilespmem:s19+$0xFFFFFFC0]  }
0x293: {  	v8 =	vsub.f32 v2, v52;
	v11 =	vsub.f32 v1, v53  }
0x294: {  	v24 =	vld [tilespmem:s19+$0xFFFFFFB0];
	v14 =	vsub.f32 v1, v14;
	v16 =	vsub.f32 v2, v16  }
0x295: {  	v25 =	vld [tilespmem:s20+$0xFFFFFFB0];
	v11 =	vmul.f32 v11, v11;
	v0 =	vsub.f32 v2, v0;
	v19 =	vsub.f32 v2, v19  }
0x296: {  	[tilespmem:$0x1FE60] =	vst v3;
	v3 =	vld [tilespmem:s19+$0xFFFFFFD0];
	v23 =	vsub.f32 v2, v23;
	v14 =	vmul.f32 v14, v14;
	v16 =	vmul.f32 v16, v16  }
0x297: {  	v8 =	vmul.f32 v8, v8;
	v21 =	vsub.f32 v1, v21;
	v5 =	vsub.f32 v1, v5  }
0x298: {  	[tilespmem:$0x1FE70] =	vst v4;
	v4 =	vld [tilespmem:s20+$0xFFFFFFD0];
	v54 =	vmul.f32 v23, v23;
	v60 =	vadd.f32 v16, v14;
	v14 =	vmul.f32 v19, v19  }
0x299: {  	v0 =	vmul.f32 v0, v0;
	v16 =	vmul.f32 v21, v21;
	v19 =	vsub.f32 v1, v24  }
0x29a: {  	s31 =	sadd.s32 $0x8080, s22;
	v21 =	vsub.f32 v2, v25;
	vm9 =	vlt.f32 v60, v32;
	v55 =	vadd.f32 v14, v11  }
0x29b: {  	v47 =	vld [tilespmem:s31+$0xFFFFFF80];
	v3 =	vsub.f32 v1, v3;
	v14 =	vmul.f32 v19, v19;
	v61 =	vsel vm9, v60, v32  }
0x29c: {  	v51 =	vadd.f32 v54, v16;
	v62 =	vmul.f32 v21, v21;
	vm8 =	vlt.f32 v55, v61  }
0x29d: {  	v4 =	vsub.f32 v2, v4;
	v5 =	vmul.f32 v5, v5;
	v58 =	vsel vm8, v55, v61  }
0x29e: {  	v3 =	vmul.f32 v3, v3;
	v48 =	vadd.f32 v62, v14;
	vm7 =	vlt.f32 v51, v58  }
0x29f: {  	v46 =	vadd.f32 v8, v5;
	v4 =	vmul.f32 v4, v4;
	v56 =	vsel vm7, v51, v58  }
0x2a0: {  	v42 =	vld [tilespmem:s31+$0xFFFFFF90];
	v5 =	vmul.f32 v30, v30;
	v59 =	vsel vm9, v47, v40;
	vm6 =	vlt.f32 v48, v56  }
0x2a1: {  	v33 =	vld [tilespmem:s31+$0xFFFFFFA0];
	v43 =	vadd.f32 v4, v3;
	v3 =	vmul.f32 v28, v28;
	v53 =	vsel vm6, v48, v56  }
0x2a2: {  	v25 =	vld [tilespmem:s31+$0xFFFFFFB0];
	v39 =	vadd.f32 v0, v5;
	v0 =	vmul.f32 v29, v29;
	vm5 =	vlt.f32 v46, v53  }
0x2a3: {  	v24 =	vld [tilespmem:s31+$0xFFFFFFC0];
	v4 =	vmul.f32 v17, v17;
	v5 =	vmul.f32 v12, v12;
	v50 =	vsel vm5, v46, v53  }
0x2a4: {  	v23 =	vld [tilespmem:s31+$0xFFFFFFD0];
	v37 =	vadd.f32 v0, v3;
	v0 =	vmul.f32 v27, v27;
	vm12 =	vlt.f32 v43, v50  }
0x2a5: {  	v21 =	vld [tilespmem:s31+$0xFFFFFFE0];
	v57 =	vsel vm8, v42, v59;
	v3 =	vmul.f32 v7, v7;
	v45 =	vsel vm12, v43, v50  }
0x2a6: {  	v19 =	vld [tilespmem:s31+$0xFFFFFFF0];
	v54 =	vsel vm7, v33, v57;
	v34 =	vadd.f32 v0, v4;
	vm14 =	vlt.f32 v39, v45  }
0x2a7: {  	v17 =	vld [tilespmem:s31+$0x0];
	v0 =	vmul.f32 v26, v26;
	v52 =	vsel vm6, v25, v54;
	v41 =	vsel vm14, v39, v45  }
0x2a8: {  	p0 =	sne.s32 s21, $0x1;
	v7 =	vld [tilespmem:s31+$0x10];
	v4 =	vmul.f32 v9, v9;
	v49 =	vsel vm5, v24, v52;
	vm2 =	vlt.f32 v37, v41  }
.Ltmp9:
0x2a9: {  	v29 =	vadd.f32 v0, v3;
	v44 =	vsel vm12, v23, v49;
	v38 =	vsel vm2, v37, v41;
	(pc) =	sbr.rel @!p0 .LBB2_10-.Ltmp9, $4  }
0x2aa: {  	v0 =	vmul.f32 v13, v13;
	v15 =	vsel vm14, v21, v44;
	vm11 =	vlt.f32 v34, v38  }
0x2ab: {  	v22 =	vld [tilespmem:s31+$0x20];
	v3 =	vmul.f32 v10, v10;
	v36 =	vsel vm2, v19, v15;
	v31 =	vsel vm11, v34, v38  }
0x2ac: {  	v16 =	vld [tilespmem:s31+$0x60];
	v27 =	vadd.f32 v0, v5;
	v30 =	vsel vm11, v17, v36;
	vm10 =	vlt.f32 v29, v31  }
0x2ad: {  	s21 =	sadd.s32 $0xFFFFFFFF, s21;
	v14 =	vld [tilespmem:s31+$0x30];
	[tilespmem:$0x1FE80] =	vst v7;
	v0 =	vmul.f32 v6, v6;
	v28 =	vsel vm10, v29, v31;
	v26 =	vsel vm10, v7, v30  }
.LBB2_9:
0x2ae: {  	v4 =	vadd.f32 v3, v4;
	v3 =	vmul.f32 v18, v18;
	_ =	sdelay $0x1  }
0x2af: {  	v9 =	vmul.f32 v20, v20;
	v12 =	vadd.f32 v3, v0;
	v0 =	vmul.f32 v63, v63  }
0x2b0: {  	v7 =	vld [tilespmem:$0x1FE60]  }
0x2b1: {  	v11 =	vadd.f32 v0, v9;
	v0 =	vld [tilespmem:$0x1FE70];
	_ =	sdelay $0x2  }
0x2b2: {  	vm15 =	vlt.f32 v27, v28  }
0x2b3: {  	v5 =	vsel vm15, v27, v28  }
0x2b4: {  	v62 =	vld [tilespmem:s31+$0x40];
	s19 =	sadd.s32 $0x100, s19;
	[tilespmem:$0x1FD60] =	vst v22;
	v6 =	vsel vm15, v22, v26;
	v22 =	vmul.f32 v7, v7;
	v0 =	vmul.f32 v0, v0  }
0x2b5: {  	v20 =	vld [tilespmem:s19+$0x70];
	vm13 =	vlt.f32 v4, v5  }
0x2b6: {  	s20 =	sadd.s32 $0x100, s20;
	[tilespmem:$0x1FD80] =	vst v14;
	v10 =	vsel vm13, v14, v6;
	v14 =	vmul.f32 v35, v35;
	v35 =	vadd.f32 v0, v22;
	v0 =	vld [tilespmem:$0x1FE50]  }
0x2b7: {  	v18 =	vld [tilespmem:s20+$0x70];
	v8 =	vsel vm13, v4, v5  }
0x2b8: {  	[tilespmem:$0x1FD50] =	vst v17;
	v3 =	vimm.s32 $0x0;
	v7 =	vld [tilespmem:s19+$0x60];
	vm0 =	vlt.f32 v12, v8  }
0x2b9: {  	[tilespmem:$0x1FD70] =	vst v26;
	v17 =	vld [tilespmem:s31+$0x50];
	v3 =	vsel vm0, $0xFFFFFFFF, v3;
	v9 =	vsel vm0, v12, v8  }
0x2ba: {  	v13 =	vld [tilespmem:s20+$0x60];
	v26 =	vsel vm0, v62, v10;
	[tilespmem:$0x1FDA0] =	vst v3;
	vm0 =	vlt.f32 v11, v9;
	v3 =	vimm.s32 $0x0  }
0x2bb: {  	v3 =	vsel vm0, $0xFFFFFFFF, v3;
	v22 =	vmul.f32 v0, v0;
	v0 =	vsub.f32 v1, v20  }
0x2bc: {  	v18 =	vsub.f32 v2, v18;
	[tilespmem:$0x1FDB0] =	vst v3  }
0x2bd: {  	v7 =	vsub.f32 v1, v7;
	[tilespmem:$0x1FE20] =	vst v0;
	v0 =	vsel vm0, v11, v9  }
0x2be: {  	v3 =	vmovc v19;
	v19 =	vsel vm0, v17, v26;
	[tilespmem:$0x1FE50] =	vst v18;
	v18 =	vimm.s32 $0x0;
	vm0 =	vlt.f32 v35, v0  }
0x2bf: {  	[tilespmem:$0x1FE60] =	vst v7;
	v7 =	vsub.f32 v2, v13;
	v18 =	vsel vm0, $0xFFFFFFFF, v18  }
0x2c0: {  	[tilespmem:$0x1FDD0] =	vst v18;
	v18 =	vadd.f32 v22, v14  }
0x2c1: {  	[tilespmem:$0x1FE70] =	vst v7;
	v7 =	vld [tilespmem:$0x1FE40];
	v20 =	vsel vm0, v35, v0  }
0x2c2: {  	v63 =	vld [tilespmem:$0x1FFE0];
	v13 =	vimm.s32 $0x0;
	vm1 =	vlt.f32 v18, v20  }
0x2c3: {  	[tilespmem:$0x1FD90] =	vst v62;
	v62 =	vld [tilespmem:$0x1FFF0];
	v13 =	vsel vm1, $0xFFFFFFFF, v13  }
0x2c4: {  	[tilespmem:$0x1FE00] =	vst v13;
	v13 =	vld [tilespmem:$0x1FE30];
	_ =	sdelay $0x1  }
0x2c5: {  	v22 =	vmov v16;
	v16 =	vsel vm0, v16, v19;
	vm0 =	vlt.f32 v60, v7  }
0x2c6: {  	vm3 =	vmmov vm11;
	v7 =	vsel vm0, v60, v7;
	vm1 =	vlt.f32 v60, v63  }
0x2c7: {  	vm4 =	vmmov vm10;
	v7 =	vsel vm1, v63, v7;
	v14 =	vsel vm1, v60, v63  }
0x2c8: {  	v63 =	vsel vm1, v47, v62;
	v14 =	vsel vm9, v32, v14;
	v13 =	vsel vm0, v47, v13  }
0x2c9: {  	v47 =	vsel vm9, v40, v63;
	vm0 =	vlt.f32 v55, v7;
	vm9 =	vlt.f32 v55, v14  }
0x2ca: {  	v13 =	vsel vm1, v62, v13;
	v7 =	vsel vm0, v55, v7;
	v40 =	vsel vm9, v42, v47  }
0x2cb: {  	v7 =	vsel vm9, v14, v7;
	v14 =	vsel vm9, v55, v14;
	v55 =	vsel vm8, v59, v40  }
0x2cc: {  	v13 =	vsel vm0, v42, v13;
	v14 =	vsel vm8, v61, v14;
	vm8 =	vlt.f32 v51, v7  }
0x2cd: {  	v13 =	vsel vm9, v47, v13;
	vm1 =	vlt.f32 v51, v14;
	v7 =	vsel vm8, v51, v7  }
0x2ce: {  	v13 =	vsel vm8, v33, v13;
	v7 =	vsel vm1, v14, v7;
	v14 =	vsel vm1, v51, v14  }
0x2cf: {  	v51 =	vsel vm1, v33, v55;
	v14 =	vsel vm7, v58, v14;
	vm0 =	vlt.f32 v48, v7  }
0x2d0: {  	v13 =	vsel vm1, v55, v13;
	vm11 =	vlt.f32 v48, v14;
	v7 =	vsel vm0, v48, v7  }
0x2d1: {  	v42 =	vsel vm7, v57, v51;
	v7 =	vsel vm11, v14, v7;
	v14 =	vsel vm11, v48, v14  }
0x2d2: {  	v13 =	vsel vm0, v25, v13;
	v14 =	vsel vm6, v56, v14;
	vm10 =	vlt.f32 v46, v7  }
0x2d3: {  	v59 =	vsel vm11, v25, v42;
	vm9 =	vlt.f32 v46, v14;
	v7 =	vsel vm10, v46, v7  }
0x2d4: {  	v13 =	vsel vm11, v42, v13;
	v7 =	vsel vm9, v14, v7;
	v14 =	vsel vm9, v46, v14  }
0x2d5: {  	v47 =	vsel vm6, v54, v59;
	v14 =	vsel vm5, v53, v14;
	vm8 =	vlt.f32 v43, v7  }
0x2d6: {  	v60 =	vsel vm9, v24, v47;
	vm7 =	vlt.f32 v43, v14;
	v7 =	vsel vm8, v43, v7  }
0x2d7: {  	v33 =	vsel vm5, v52, v60;
	v7 =	vsel vm7, v14, v7;
	v14 =	vsel vm7, v43, v14  }
0x2d8: {  	v61 =	vsel vm7, v23, v33;
	v14 =	vsel vm12, v50, v14;
	vm6 =	vlt.f32 v39, v7  }
0x2d9: {  	v43 =	vsel vm12, v49, v61;
	vm0 =	vlt.f32 v39, v14;
	v7 =	vsel vm6, v39, v7  }
0x2da: {  	v7 =	vsel vm0, v14, v7;
	v14 =	vsel vm0, v39, v14;
	v25 =	vsel vm0, v21, v43  }
0x2db: {  	v14 =	vsel vm14, v45, v14;
	v25 =	vsel vm14, v44, v25;
	vm14 =	vlt.f32 v37, v7  }
0x2dc: {  	v13 =	vsel vm10, v24, v13;
	vm5 =	vlt.f32 v37, v14;
	v7 =	vsel vm14, v37, v7  }
0x2dd: {  	v63 =	vld [tilespmem:$0x1FD50];
	v7 =	vsel vm5, v14, v7;
	v14 =	vsel vm5, v37, v14;
	v62 =	vsel vm5, v3, v25  }
0x2de: {  	[tilespmem:$0x1FDE0] =	vst v19;
	v19 =	vmovc v3;
	v3 =	vimm.s32 $0x0;
	v14 =	vsel vm2, v41, v14;
	vm1 =	vlt.f32 v34, v7  }
0x2df: {  	v37 =	vsel vm2, v15, v62;
	vm2 =	vlt.f32 v34, v14;
	v7 =	vsel vm1, v34, v7  }
0x2e0: {  	v13 =	vsel vm9, v47, v13;
	v15 =	vld [tilespmem:$0x1FE80];
	v3 =	vsel vm1, $0xFFFFFFFF, v3;
	v7 =	vsel vm2, v14, v7  }
0x2e1: {  	[tilespmem:$0x1FDF0] =	vst v3;
	v14 =	vsel vm2, v34, v14;
	v3 =	vimm.s32 $0x0;
	vm1 =	vlt.f32 v29, v7  }
0x2e2: {  	v44 =	vld [tilespmem:$0x1FD60];
	v24 =	vsel vm2, v63, v37;
	v14 =	vsel vm3, v38, v14;
	v3 =	vsel vm1, $0xFFFFFFFF, v3  }
0x2e3: {  	v24 =	vsel vm3, v36, v24;
	vm3 =	vlt.f32 v29, v14;
	v7 =	vsel vm1, v29, v7;
	[tilespmem:$0x1FE10] =	vst v3;
	v3 =	vld [tilespmem:$0x1FD70]  }
0x2e4: {  	v13 =	vsel vm8, v23, v13;
	v7 =	vsel vm3, v14, v7;
	v14 =	vsel vm3, v29, v14  }
0x2e5: {  	v29 =	vsel vm3, v15, v24;
	v14 =	vsel vm4, v31, v14;
	vm11 =	vlt.f32 v27, v7  }
0x2e6: {  	v47 =	vld [tilespmem:$0x1FD80];
	v29 =	vsel vm4, v30, v29;
	vm1 =	vlt.f32 v27, v14;
	v7 =	vsel vm11, v27, v7  }
0x2e7: {  	v7 =	vsel vm1, v14, v7;
	v14 =	vsel vm1, v27, v14;
	v27 =	vsel vm1, v44, v29  }
0x2e8: {  	[tilespmem:$0x1FDC0] =	vst v26;
	v14 =	vsel vm15, v28, v14;
	vm10 =	vlt.f32 v4, v7;
	v26 =	vsel vm15, v3, v27;
	v3 =	vld [tilespmem:$0x1FDA0]  }
0x2e9: {  	v48 =	vld [tilespmem:$0x1FD90];
	v13 =	vsel vm7, v33, v13;
	vm7 =	vlt.f32 v4, v14;
	v7 =	vsel vm10, v4, v7  }
0x2ea: {  	v7 =	vsel vm7, v14, v7;
	v4 =	vsel vm7, v4, v14  }
0x2eb: {  	v14 =	vsel vm7, v47, v26;
	v4 =	vsel vm13, v5, v4;
	vm8 =	vlt.f32 v12, v7  }
0x2ec: {  	v14 =	vsel vm13, v6, v14;
	vm9 =	vlt.f32 v12, v4;
	v7 =	vsel vm8, v12, v7  }
0x2ed: {  	v53 =	vld [tilespmem:$0x1FDB0];
	v7 =	vsel vm9, v4, v7;
	v4 =	vsel vm9, v12, v4;
	vm4 =	vnez.u8 v3  }
0x2ee: {  	v12 =	vsel vm9, v48, v14;
	v4 =	vsel vm4, v8, v4  }
0x2ef: {  	v54 =	vld [tilespmem:$0x1FDC0];
	v49 =	vsel vm4, v10, v12;
	vm13 =	vlt.f32 v11, v4  }
0x2f0: {  	v50 =	vmovc v17;
	v6 =	vsel vm6, v21, v13;
	vm15 =	vlt.f32 v11, v7;
	v51 =	vsel vm13, v17, v49;
	v17 =	vld [tilespmem:$0x1FDD0]  }
0x2f1: {  	v3 =	vsel vm0, v43, v6;
	v6 =	vsel vm15, v11, v7  }
0x2f2: {  	vm0 =	vnez.u8 v53;
	v6 =	vsel vm13, v4, v6;
	v4 =	vsel vm13, v11, v4  }
0x2f3: {  	v4 =	vsel vm0, v9, v4;
	vm12 =	vlt.f32 v35, v6  }
0x2f4: {  	v9 =	vsel vm0, v54, v51;
	vm0 =	vlt.f32 v35, v4;
	v6 =	vsel vm12, v35, v6  }
0x2f5: {  	v6 =	vsel vm0, v4, v6;
	v4 =	vsel vm0, v35, v4;
	vm4 =	vnez.u8 v17  }
0x2f6: {  	v0 =	vsel vm4, v0, v4;
	v4 =	vld [tilespmem:$0x1FDE0];
	_ =	sdelay $0x1  }
0x2f7: {  	v55 =	vld [tilespmem:s19+$0x0]  }
0x2f8: {  	v57 =	vld [tilespmem:s19+$0xFFFFFFF0]  }
0x2f9: {  	v58 =	vld [tilespmem:s20+$0xFFFFFFF0];
	v3 =	vsel vm14, v19, v3;
	v19 =	vsel vm0, v22, v9;
	vm6 =	vlt.f32 v18, v6  }
0x2fa: {  	v19 =	vsel vm4, v4, v19;
	v4 =	vsel vm6, v18, v6;
	v6 =	vld [tilespmem:$0x1FDF0]  }
0x2fb: {  	v56 =	vld [tilespmem:s20+$0x0]  }
0x2fc: {  	v59 =	vld [tilespmem:s20+$0xFFFFFFE0]  }
0x2fd: {  	v52 =	vld [tilespmem:s20+$0x10]  }
0x2fe: {  	v23 =	vld [tilespmem:s31+$0x70]  }
0x2ff: {  	v3 =	vsel vm5, v25, v3;
	vm5 =	vnez.u8 v6;
	v6 =	vld [tilespmem:$0x1FE00]  }
0x300: {  	v30 =	vld [tilespmem:s19+$0x50]  }
0x301: {  	v31 =	vld [tilespmem:s20+$0x40]  }
0x302: {  	v28 =	vld [tilespmem:s19+$0x40];
	vm4 =	vlt.f32 v18, v0  }
0x303: {  	v27 =	vld [tilespmem:s20+$0x50];
	v4 =	vsel vm4, v0, v4  }
0x304: {  	v5 =	vld [tilespmem:s19+$0x30];
	v0 =	vsel vm4, v18, v0;
	v3 =	vsel vm5, v63, v3;
	vm5 =	vnez.u8 v6  }
0x305: {  	v13 =	vld [tilespmem:s20+$0x30];
	[tilespmem:$0x1FE40] =	vst v4;
	v4 =	vsel vm4, v23, v19;
	v0 =	vsel vm5, v20, v0  }
0x306: {  	v21 =	vld [tilespmem:s19+$0x20];
	[tilespmem:$0x1FFE0] =	vst v0;
	v0 =	vsel vm5, v16, v4  }
0x307: {  	[tilespmem:$0x1FFF0] =	vst v0;
	v0 =	vsel vm2, v37, v3;
	v3 =	vld [tilespmem:$0x1FE10]  }
0x308: {  	v12 =	vld [tilespmem:s20+$0x20]  }
0x309: {  	v36 =	vsub.f32 v2, v59;
	v7 =	vld [tilespmem:s19+$0x10]  }
0x30a: {  	v10 =	vsub.f32 v1, v55;
	v25 =	vld [tilespmem:s19+$0xFFFFFFE0]  }
0x30b: {  	v62 =	vmul.f32 v36, v36;
	v35 =	vld [tilespmem:s20+$0xFFFFFFD0]  }
0x30c: {  	v11 =	vsub.f32 v2, v56;
	v10 =	vmul.f32 v10, v10;
	v17 =	vld [tilespmem:s19+$0xFFFFFFD0];
	vm2 =	vnez.u8 v3  }
0x30d: {  	v32 =	vsel vm5, v18, v20;
	v20 =	vsub.f32 v1, v30;
	v30 =	vld [tilespmem:s19+$0xFFFFFFA0];
	v3 =	vsel vm2, v15, v0  }
0x30e: {  	v7 =	vsub.f32 v1, v7;
	v40 =	vsel vm5, v23, v16;
	v16 =	vld [tilespmem:s19+$0xFFFFFFC0];
	v6 =	vsel vm3, v24, v3  }
0x30f: {  	v4 =	vsub.f32 v1, v5;
	v15 =	vld [tilespmem:s19+$0xFFFFFF90];
	v3 =	vsub.f32 v2, v13;
	v13 =	vsel vm11, v44, v6  }
0x310: {  	v5 =	vsub.f32 v2, v12;
	v6 =	vsub.f32 v1, v21;
	v21 =	vld [tilespmem:s20+$0xFFFFFF80];
	v12 =	vsel vm1, v29, v13  }
0x311: {  	v7 =	vmul.f32 v7, v7;
	v34 =	vsub.f32 v2, v35;
	v13 =	vld [tilespmem:s19+$0xFFFFFF80];
	v12 =	vsel vm10, v47, v12  }
0x312: {  	v17 =	vsub.f32 v1, v17;
	v63 =	vsub.f32 v2, v27;
	v24 =	vld [tilespmem:s20+$0xFFFFFFC0];
	v12 =	vsel vm7, v26, v12  }
0x313: {  	v27 =	vsub.f32 v2, v52;
	v18 =	vsub.f32 v2, v31;
	v26 =	vld [tilespmem:s20+$0xFFFFFF90];
	v12 =	vsel vm8, v48, v12  }
0x314: {  	v31 =	vsub.f32 v1, v25;
	v25 =	vld [tilespmem:s19+$0xFFFFFFB0];
	v16 =	vsub.f32 v1, v16;
	v12 =	vsel vm9, v14, v12  }
0x315: {  	v0 =	vsub.f32 v1, v28;
	v28 =	vsub.f32 v1, v57;
	v14 =	vld [tilespmem:s20+$0xFFFFFFA0];
	v12 =	vsel vm15, v50, v12  }
0x316: {  	v8 =	vsel vm13, v49, v12;
	v12 =	vsub.f32 v1, v13;
	v13 =	vsub.f32 v2, v21;
	v21 =	vld [tilespmem:s20+$0xFFFFFFB0]  }
0x317: {  	v5 =	vmul.f32 v5, v5;
	v15 =	vsub.f32 v1, v15;
	v37 =	vsub.f32 v2, v24  }
0x318: {  	v24 =	vsub.f32 v2, v26;
	v38 =	vmul.f32 v12, v12;
	v12 =	vmul.f32 v13, v13  }
0x319: {  	v29 =	vsub.f32 v2, v58;
	v39 =	vmul.f32 v15, v15;
	v13 =	vsub.f32 v1, v30  }
0x31a: {  	v14 =	vsub.f32 v2, v14;
	v41 =	vmul.f32 v24, v24;
	v60 =	vadd.f32 v12, v38  }
0x31b: {  	v12 =	vmul.f32 v13, v13;
	v13 =	vsub.f32 v1, v25;
	v15 =	vsub.f32 v2, v21  }
0x31c: {  	v55 =	vadd.f32 v41, v39;
	v43 =	vmul.f32 v14, v14;
	vm9 =	vlt.f32 v60, v32  }
0x31d: {  	v46 =	vmul.f32 v37, v37;
	v44 =	vmul.f32 v13, v13;
	v61 =	vsel vm9, v60, v32  }
0x31e: {  	v51 =	vadd.f32 v43, v12;
	v45 =	vmul.f32 v15, v15;
	vm8 =	vlt.f32 v55, v61  }
0x31f: {  	v50 =	vmul.f32 v34, v34;
	v8 =	vsel vm12, v22, v8;
	v58 =	vsel vm8, v55, v61  }
0x320: {  	s31 =	sadd.s32 $0x100, s31;
	v12 =	vmul.f32 v16, v16;
	v48 =	vadd.f32 v45, v44;
	vm7 =	vlt.f32 v51, v58  }
0x321: {  	v47 =	vld [tilespmem:s31+$0xFFFFFF80];
	v49 =	vmul.f32 v17, v17;
	v8 =	vsel vm0, v9, v8;
	v56 =	vsel vm7, v51, v58  }
0x322: {  	v42 =	vld [tilespmem:s31+$0xFFFFFF90];
	v8 =	vsel vm6, v23, v8;
	v46 =	vadd.f32 v46, v12;
	vm6 =	vlt.f32 v48, v56  }
0x323: {  	v33 =	vld [tilespmem:s31+$0xFFFFFFA0];
	v34 =	vmul.f32 v28, v28;
	v37 =	vmul.f32 v29, v29;
	v53 =	vsel vm6, v48, v56  }
0x324: {  	v25 =	vld [tilespmem:s31+$0xFFFFFFB0];
	v43 =	vadd.f32 v50, v49;
	v12 =	vmul.f32 v31, v31;
	vm5 =	vlt.f32 v46, v53  }
0x325: {  	v4 =	vmul.f32 v4, v4;
	v37 =	vadd.f32 v37, v34;
	v24 =	vld [tilespmem:s31+$0xFFFFFFC0];
	v50 =	vsel vm5, v46, v53  }
0x326: {  	v23 =	vld [tilespmem:s31+$0xFFFFFFD0];
	v59 =	vsel vm9, v47, v40;
	v39 =	vadd.f32 v62, v12;
	vm12 =	vlt.f32 v43, v50  }
0x327: {  	v38 =	vmul.f32 v11, v11;
	v21 =	vld [tilespmem:s31+$0xFFFFFFE0];
	v57 =	vsel vm8, v42, v59;
	v45 =	vsel vm12, v43, v50  }
0x328: {  	v8 =	vsel vm4, v19, v8;
	v19 =	vld [tilespmem:s31+$0xFFFFFFF0];
	v54 =	vsel vm7, v33, v57;
	vm14 =	vlt.f32 v39, v45  }
0x329: {  	v17 =	vld [tilespmem:s31+$0x0];
	v34 =	vadd.f32 v38, v10;
	v52 =	vsel vm6, v25, v54;
	v41 =	vsel vm14, v39, v45  }
0x32a: {  	p0 =	sne.s32 s21, $0x1;
	v9 =	vld [tilespmem:s31+$0x10];
	v62 =	vmul.f32 v27, v27;
	v49 =	vsel vm5, v24, v52;
	vm2 =	vlt.f32 v37, v41  }
.Ltmp10:
0x32b: {  	v0 =	vmul.f32 v0, v0;
	v44 =	vsel vm12, v23, v49;
	v38 =	vsel vm2, v37, v41;
	(pc) =	sbr.rel @p0 .LBB2_9-.Ltmp10, $4  }
0x32c: {  	v35 =	vld [tilespmem:$0x1FE20];
	v29 =	vadd.f32 v62, v7;
	v15 =	vsel vm14, v21, v44;
	vm11 =	vlt.f32 v34, v38  }
0x32d: {  	v6 =	vmul.f32 v6, v6;
	v22 =	vld [tilespmem:s31+$0x20];
	v36 =	vsel vm2, v19, v15;
	v31 =	vsel vm11, v34, v38  }
0x32e: {  	v3 =	vmul.f32 v3, v3;
	[tilespmem:$0x1FE30] =	vst v8;
	v14 =	vld [tilespmem:s31+$0x30];
	v30 =	vsel vm11, v17, v36;
	vm10 =	vlt.f32 v29, v31  }
0x32f: {  	s21 =	sadd.s32 $0xFFFFFFFF, s21;
	[tilespmem:$0x1FE80] =	vst v9;
	v16 =	vld [tilespmem:s31+$0x60];
	v27 =	vadd.f32 v5, v6;
	v28 =	vsel vm10, v29, v31;
	v26 =	vsel vm10, v9, v30  }
.LBB2_10:
0x330: {  	v8 =	vld [tilespmem:$0x1FFE0]  }
0x331: {  	v6 =	vld [tilespmem:$0x1FE40]  }
0x332: {  	v7 =	vld [tilespmem:$0x1FE30]  }
0x333: {  	v10 =	vld [tilespmem:$0x1FFF0];
	_ =	sdelay $0x1  }
0x334: {  	vm0 =	vlt.f32 v60, v8  }
0x335: {  	v3 =	vadd.f32 v3, v4;
	vm1 =	vlt.f32 v60, v6;
	v5 =	vsel vm0, v60, v8  }
0x336: {  	v6 =	vsel vm1, v60, v6;
	v7 =	vsel vm1, v47, v7;
	v5 =	vsel vm9, v32, v5  }
0x337: {  	v6 =	vsel vm0, v8, v6;
	v32 =	vsel vm0, v47, v10;
	v7 =	vsel vm0, v10, v7  }
0x338: {  	vm15 =	vlt.f32 v55, v5;
	v8 =	vsel vm9, v40, v32;
	vm4 =	vlt.f32 v55, v6  }
0x339: {  	v9 =	vsel vm15, v55, v5;
	v47 =	vsel vm15, v42, v8;
	v6 =	vsel vm4, v55, v6  }
0x33a: {  	v7 =	vsel vm4, v42, v7;
	v9 =	vsel vm8, v61, v9;
	v10 =	vsel vm8, v59, v47  }
0x33b: {  	v5 =	vsel vm15, v5, v6;
	v7 =	vsel vm15, v8, v7;
	vm0 =	vlt.f32 v51, v9  }
0x33c: {  	vm13 =	vlt.f32 v51, v5;
	v11 =	vsel vm0, v51, v9;
	v12 =	vsel vm0, v33, v10  }
0x33d: {  	v5 =	vsel vm13, v51, v5;
	v7 =	vsel vm13, v33, v7;
	v11 =	vsel vm7, v58, v11  }
0x33e: {  	v6 =	vsel vm7, v57, v12;
	v5 =	vsel vm0, v9, v5;
	v7 =	vsel vm0, v10, v7  }
0x33f: {  	v58 =	vmul.f32 v35, v35;
	vm7 =	vlt.f32 v48, v11;
	vm15 =	vlt.f32 v48, v5  }
0x340: {  	v59 =	vsel vm7, v48, v11;
	v12 =	vsel vm7, v25, v6;
	v5 =	vsel vm15, v48, v5  }
0x341: {  	v7 =	vsel vm15, v25, v7;
	v8 =	vsel vm6, v56, v59;
	v60 =	vsel vm6, v54, v12  }
0x342: {  	v5 =	vsel vm7, v11, v5;
	v6 =	vsel vm7, v6, v7;
	vm6 =	vlt.f32 v46, v8  }
0x343: {  	vm9 =	vlt.f32 v46, v5;
	v61 =	vsel vm6, v46, v8;
	v13 =	vsel vm6, v24, v60  }
0x344: {  	v5 =	vsel vm9, v46, v5;
	v6 =	vsel vm9, v24, v6;
	v12 =	vsel vm5, v53, v61  }
0x345: {  	v62 =	vsel vm5, v52, v13;
	v5 =	vsel vm6, v8, v5;
	vm8 =	vlt.f32 v43, v12  }
0x346: {  	v6 =	vsel vm6, v60, v6;
	vm13 =	vlt.f32 v43, v5;
	v32 =	vsel vm8, v43, v12  }
0x347: {  	v13 =	vsel vm8, v23, v62;
	v5 =	vsel vm13, v43, v5;
	v6 =	vsel vm13, v23, v6  }
0x348: {  	v10 =	vsel vm12, v50, v32;
	v13 =	vsel vm12, v49, v13;
	v5 =	vsel vm8, v12, v5  }
0x349: {  	v6 =	vsel vm8, v62, v6;
	vm12 =	vlt.f32 v27, v28;
	vm4 =	vlt.f32 v39, v10  }
0x34a: {  	v55 =	vld [tilespmem:$0x1FE70];
	v47 =	vsel vm12, v27, v28;
	v49 =	vsel vm12, v22, v26;
	v7 =	vsel vm4, v39, v10  }
0x34b: {  	v33 =	vsel vm4, v21, v13;
	vm13 =	vlt.f32 v3, v47;
	v7 =	vsel vm14, v45, v7  }
0x34c: {  	v8 =	vsel vm14, v44, v33;
	vm14 =	vlt.f32 v39, v5;
	v50 =	vsel vm13, v3, v47  }
0x34d: {  	v52 =	vsel vm13, v14, v49;
	v5 =	vsel vm14, v39, v5;
	vm15 =	vlt.f32 v37, v7  }
0x34e: {  	v6 =	vsel vm14, v21, v6;
	v5 =	vsel vm4, v10, v5;
	v40 =	vsel vm15, v37, v7  }
0x34f: {  	v42 =	vsel vm15, v19, v8;
	v6 =	vsel vm4, v13, v6;
	v13 =	vmul.f32 v55, v55  }
0x350: {  	vm3 =	vlt.f32 v37, v5;
	v9 =	vsel vm2, v41, v40;
	v10 =	vsel vm2, v15, v42  }
0x351: {  	v5 =	vsel vm3, v37, v5;
	vm6 =	vlt.f32 v34, v9;
	v6 =	vsel vm3, v19, v6  }
0x352: {  	v45 =	vld [tilespmem:$0x1FE80];
	v5 =	vsel vm15, v7, v5;
	v7 =	vmul.f32 v18, v18;
	v43 =	vsel vm6, v34, v9  }
0x353: {  	v44 =	vsel vm6, v17, v10;
	v6 =	vsel vm15, v8, v6;
	vm7 =	vlt.f32 v34, v5  }
0x354: {  	v11 =	vsel vm11, v38, v43;
	v12 =	vsel vm11, v36, v44;
	v5 =	vsel vm7, v34, v5  }
0x355: {  	v51 =	vld [tilespmem:s31+$0x40];
	v0 =	vadd.f32 v7, v0;
	v7 =	vmul.f32 v63, v63;
	vm9 =	vlt.f32 v29, v11  }
0x356: {  	v4 =	vsel vm6, v9, v5;
	v5 =	vsel vm7, v17, v6;
	v6 =	vmul.f32 v20, v20  }
0x357: {  	v53 =	vld [tilespmem:$0x1FE60];
	v46 =	vsel vm9, v45, v12;
	v5 =	vsel vm6, v10, v5;
	vm8 =	vlt.f32 v29, v4  }
0x358: {  	v8 =	vsel vm10, v30, v46;
	vm4 =	vlt.f32 v0, v50;
	v6 =	vadd.f32 v7, v6  }
0x359: {  	v4 =	vsel vm8, v29, v4;
	v7 =	vsel vm9, v29, v11;
	v5 =	vsel vm8, v45, v5  }
0x35a: {  	v9 =	vsel vm4, v51, v52;
	v4 =	vsel vm9, v11, v4;
	v7 =	vsel vm10, v31, v7  }
0x35b: {  	v59 =	vld [tilespmem:$0x1FE50];
	v5 =	vsel vm9, v12, v5;
	vm10 =	vlt.f32 v27, v4;
	vm11 =	vlt.f32 v27, v7  }
0x35c: {  	v11 =	vmul.f32 v53, v53;
	v4 =	vsel vm10, v27, v4;
	v48 =	vsel vm11, v22, v8  }
0x35d: {  	v5 =	vsel vm10, v22, v5;
	v4 =	vsel vm11, v7, v4;
	v7 =	vsel vm11, v27, v7  }
0x35e: {  	v10 =	vsel vm12, v26, v48;
	v7 =	vsel vm12, v28, v7;
	vm14 =	vlt.f32 v3, v4  }
0x35f: {  	v5 =	vsel vm11, v8, v5;
	vm15 =	vlt.f32 v3, v7;
	v4 =	vsel vm14, v3, v4  }
0x360: {  	v8 =	vmul.f32 v59, v59;
	v5 =	vsel vm14, v14, v5;
	v4 =	vsel vm15, v7, v4  }
0x361: {  	v3 =	vsel vm15, v3, v7;
	v7 =	vsel vm15, v14, v10;
	v5 =	vsel vm15, v10, v5  }
0x362: {  	v3 =	vsel vm13, v47, v3;
	v7 =	vsel vm13, v49, v7;
	vm5 =	vlt.f32 v0, v4  }
0x363: {  	v54 =	vld [tilespmem:s31+$0x50];
	vm6 =	vlt.f32 v0, v3;
	v4 =	vsel vm5, v0, v4;
	v5 =	vsel vm5, v51, v5  }
0x364: {  	v56 =	vsel vm6, v0, v3;
	v0 =	vsel vm4, v0, v50;
	v57 =	vsel vm6, v51, v7  }
0x365: {  	v3 =	vsel vm6, v3, v4;
	v5 =	vsel vm6, v7, v5;
	v7 =	vadd.f32 v13, v11  }
0x366: {  	v12 =	vsel vm4, v50, v56;
	v14 =	vsel vm4, v52, v57;
	vm7 =	vlt.f32 v6, v0  }
0x367: {  	vm9 =	vlt.f32 v6, v3;
	vm8 =	vlt.f32 v6, v12;
	v60 =	vsel vm7, v6, v0  }
0x368: {  	v3 =	vsel vm9, v6, v3;
	v5 =	vsel vm9, v54, v5;
	v4 =	vsel vm8, v6, v12  }
0x369: {  	v6 =	vadd.f32 v8, v58;
	v3 =	vsel vm8, v12, v3;
	vm10 =	vlt.f32 v7, v60  }
0x36a: {  	v5 =	vsel vm8, v14, v5;
	v0 =	vsel vm7, v0, v4;
	v4 =	vsel vm8, v54, v14  }
0x36b: {  	vm11 =	vlt.f32 v7, v3;
	v4 =	vsel vm7, v9, v4;
	v9 =	vsel vm7, v54, v9  }
0x36c: {  	v61 =	vld [tilespmem:s31+$0x70];
	v3 =	vsel vm11, v7, v3;
	v5 =	vsel vm11, v16, v5;
	vm12 =	vlt.f32 v7, v0  }
0x36d: {  	v3 =	vsel vm12, v0, v3;
	v0 =	vsel vm12, v7, v0;
	v7 =	vsel vm10, v7, v60  }
0x36e: {  	v62 =	vsel vm10, v16, v9;
	v63 =	vsel vm12, v16, v4;
	v0 =	vsel vm10, v60, v0  }
0x36f: {  	v4 =	vsel vm12, v4, v5;
	v9 =	vsel vm10, v9, v63;
	vm14 =	vlt.f32 v6, v0  }
0x370: {  	vm13 =	vlt.f32 v6, v3;
	vm15 =	vlt.f32 v6, v7;
	v5 =	vsel vm14, v6, v0  }
0x371: {  	v3 =	vsel vm13, v6, v3;
	v11 =	vsel vm14, v61, v9;
	v5 =	vsel vm15, v7, v5  }
0x372: {  	v4 =	vsel vm13, v61, v4;
	v32 =	vsel vm15, v6, v7;
	[tilespmem:$0x1FFE0] =	vst v5;
	v5 =	vsel vm15, v62, v11  }
0x373: {  	v40 =	vsel vm15, v61, v62;
	v4 =	vsel vm14, v9, v4;
	[tilespmem:$0x1FFF0] =	vst v5;
	v5 =	vsel vm14, v0, v3  }
.LBB2_11:
0x374: {  	s18 =	ssub.f32 s18, s28;
	_ =	sdelay $0x1  }
0x375: {  	s18 =	smul.f32 s18, s18;
	_ =	sdelay $0x1  }
0x376: {  	p0 =	sle.f32 s0, s18;
	_ =	sdelay $0x1  }
0x377: {  	p1 =	seq.s32 s17, $0x40;
	s16 =	smov.u32 @p0 s17  }
0x378: {  	s16 =	smov.u32 @p1 s17  }
0x379: {  	s18 =	ssub.s32 s16, s30  }
0x37a: {  	p0 =	slt.s32 s18, $0x1  }
.Ltmp11:
0x37b: {  	_ = 	snop;
	(pc) =	sbr.rel @p0 .LBB2_15-.Ltmp11, $1  }
0x37c: {  	_ =	sdelay $0x3  }
0x37d: {  	s0 =	sshll.u32 s29, $0x8  }
0x37e: {  	s16 =	sadd.s32 $0x4F0, s0  }
0x37f: {  	s17 =	sadd.s32 $0x44F0, s0;
	v0 =	vld [tilespmem:s16+$0x0]  }
0x380: {  	v3 =	vld [tilespmem:s17+$0x0]  }
0x381: {  	[tilespmem:$0x1FE30] =	vst v4;
	v4 =	vld [tilespmem:s16+$0xFFFFFFF0]  }
0x382: {  	[tilespmem:$0x1FE40] =	vst v5;
	v5 =	vld [tilespmem:s17+$0xFFFFFFF0]  }
0x383: {  	v6 =	vld [tilespmem:s16+$0xFFFFFFE0]  }
0x384: {  	v7 =	vld [tilespmem:s17+$0xFFFFFFE0]  }
0x385: {  	v8 =	vld [tilespmem:s16+$0xFFFFFFD0]  }
0x386: {  	v9 =	vld [tilespmem:s17+$0xFFFFFFD0]  }
0x387: {  	v10 =	vld [tilespmem:s16+$0xFFFFFFC0]  }
0x388: {  	v11 =	vld [tilespmem:s17+$0xFFFFFFC0]  }
0x389: {  	v12 =	vld [tilespmem:s16+$0xFFFFFFB0]  }
0x38a: {  	v13 =	vld [tilespmem:s17+$0xFFFFFFB0]  }
0x38b: {  	v14 =	vld [tilespmem:s16+$0xFFFFFFA0]  }
0x38c: {  	v15 =	vld [tilespmem:s17+$0xFFFFFFA0]  }
0x38d: {  	v16 =	vld [tilespmem:s16+$0xFFFFFF90]  }
0x38e: {  	v17 =	vld [tilespmem:s17+$0xFFFFFF90]  }
0x38f: {  	v19 =	vld [tilespmem:s16+$0xFFFFFF80]  }
0x390: {  	v21 =	vld [tilespmem:s17+$0xFFFFFF80]  }
0x391: {  	v23 =	vld [tilespmem:s16+$0xFFFFFF70]  }
0x392: {  	v53 =	vld [tilespmem:s16+$0xFFFFFF20];
	v35 =	vsub.f32 v1, v0;
	v3 =	vsub.f32 v2, v3  }
0x393: {  	v24 =	vld [tilespmem:s17+$0xFFFFFF10];
	v20 =	vsub.f32 v1, v6;
	v18 =	vsub.f32 v2, v7  }
0x394: {  	v0 =	vld [tilespmem:s17+$0xFFFFFF70];
	v6 =	vsub.f32 v1, v8;
	v22 =	vsub.f32 v2, v9  }
0x395: {  	v7 =	vld [tilespmem:s17+$0xFFFFFF50];
	v8 =	vsub.f32 v1, v10;
	v9 =	vsub.f32 v2, v11  }
0x396: {  	v11 =	vsub.f32 v1, v12;
	v12 =	vsub.f32 v2, v13;
	v13 =	vld [tilespmem:s16+$0xFFFFFF10]  }
0x397: {  	v14 =	vsub.f32 v1, v14;
	v26 =	vsub.f32 v2, v17;
	v17 =	vld [tilespmem:s17+$0xFFFFFF20]  }
0x398: {  	v30 =	vsub.f32 v2, v15;
	v28 =	vsub.f32 v1, v23;
	v23 =	vld [tilespmem:s17+$0xFFFFFF30]  }
0x399: {  	v27 =	vsub.f32 v2, v21;
	v21 =	vld [tilespmem:s16+$0xFFFFFF30];
	v24 =	vsub.f32 v2, v24  }
0x39a: {  	[tilespmem:$0x1FD20] =	vst v3;
	v3 =	vsub.f32 v1, v4;
	v4 =	vsub.f32 v2, v5;
	v5 =	vld [tilespmem:s16+$0xFFFFFF50]  }
0x39b: {  	v16 =	vsub.f32 v1, v16;
	v10 =	vsub.f32 v1, v53  }
0x39c: {  	v25 =	vld [tilespmem:s16+$0xFFFFFF40];
	v19 =	vsub.f32 v1, v19;
	v24 =	vmul.f32 v24, v24;
	v13 =	vsub.f32 v1, v13  }
0x39d: {  	v29 =	vld [tilespmem:s17+$0xFFFFFF40];
	v10 =	vmul.f32 v10, v10;
	v0 =	vsub.f32 v2, v0;
	v23 =	vsub.f32 v2, v23  }
0x39e: {  	[tilespmem:$0x1FD30] =	vst v3;
	v3 =	vld [tilespmem:s16+$0xFFFFFF60];
	v7 =	vsub.f32 v2, v7;
	v17 =	vsub.f32 v2, v17;
	v13 =	vmul.f32 v13, v13  }
0x39f: {  	v21 =	vsub.f32 v1, v21;
	v5 =	vsub.f32 v1, v5;
	v54 =	vmul.f32 v23, v23  }
0x3a0: {  	[tilespmem:$0x1FD40] =	vst v4;
	v4 =	vld [tilespmem:s17+$0xFFFFFF60];
	v7 =	vmul.f32 v7, v7;
	v60 =	vadd.f32 v24, v13;
	v13 =	vmul.f32 v17, v17  }
0x3a1: {  	v0 =	vmul.f32 v0, v0;
	v17 =	vmul.f32 v21, v21;
	v21 =	vsub.f32 v1, v25  }
0x3a2: {  	s0 =	sadd.s32 $0x84F0, s0;
	v24 =	vsub.f32 v2, v29;
	vm9 =	vlt.f32 v60, v32;
	v55 =	vadd.f32 v13, v10  }
0x3a3: {  	v47 =	vld [tilespmem:s0+$0xFFFFFF10];
	v3 =	vsub.f32 v1, v3;
	v13 =	vmul.f32 v21, v21;
	v61 =	vsel vm9, v60, v32  }
0x3a4: {  	v51 =	vadd.f32 v54, v17;
	v63 =	vmul.f32 v24, v24;
	vm8 =	vlt.f32 v55, v61  }
0x3a5: {  	v4 =	vsub.f32 v2, v4;
	v5 =	vmul.f32 v5, v5;
	v58 =	vsel vm8, v55, v61  }
0x3a6: {  	v3 =	vmul.f32 v3, v3;
	v48 =	vadd.f32 v63, v13;
	vm7 =	vlt.f32 v51, v58  }
0x3a7: {  	v46 =	vadd.f32 v7, v5;
	v4 =	vmul.f32 v4, v4;
	v56 =	vsel vm7, v51, v58  }
0x3a8: {  	v42 =	vld [tilespmem:s0+$0xFFFFFF20];
	v5 =	vmul.f32 v28, v28;
	v59 =	vsel vm9, v47, v40;
	vm6 =	vlt.f32 v48, v56  }
0x3a9: {  	v33 =	vld [tilespmem:s0+$0xFFFFFF30];
	v43 =	vadd.f32 v4, v3;
	v3 =	vmul.f32 v19, v19;
	v53 =	vsel vm6, v48, v56  }
0x3aa: {  	v25 =	vld [tilespmem:s0+$0xFFFFFF40];
	v39 =	vadd.f32 v0, v5;
	v0 =	vmul.f32 v27, v27;
	vm5 =	vlt.f32 v46, v53  }
0x3ab: {  	v24 =	vld [tilespmem:s0+$0xFFFFFF50];
	v4 =	vmul.f32 v16, v16;
	v5 =	vmul.f32 v11, v11;
	v50 =	vsel vm5, v46, v53  }
0x3ac: {  	v23 =	vld [tilespmem:s0+$0xFFFFFF60];
	v37 =	vadd.f32 v0, v3;
	v0 =	vmul.f32 v26, v26;
	vm12 =	vlt.f32 v43, v50  }
0x3ad: {  	v21 =	vld [tilespmem:s0+$0xFFFFFF70];
	v57 =	vsel vm8, v42, v59;
	v3 =	vmul.f32 v14, v14;
	v45 =	vsel vm12, v43, v50  }
0x3ae: {  	v17 =	vld [tilespmem:s0+$0xFFFFFF80];
	v54 =	vsel vm7, v33, v57;
	v34 =	vadd.f32 v0, v4;
	vm14 =	vlt.f32 v39, v45  }
0x3af: {  	v16 =	vld [tilespmem:s0+$0xFFFFFF90];
	v0 =	vmul.f32 v30, v30;
	v52 =	vsel vm6, v25, v54;
	v41 =	vsel vm14, v39, v45  }
0x3b0: {  	p0 =	sne.s32 s18, $0x1;
	v14 =	vld [tilespmem:s0+$0xFFFFFFA0];
	v4 =	vmul.f32 v8, v8;
	v49 =	vsel vm5, v24, v52;
	vm2 =	vlt.f32 v37, v41  }
.Ltmp12:
0x3b1: {  	v29 =	vadd.f32 v0, v3;
	v44 =	vsel vm12, v23, v49;
	v38 =	vsel vm2, v37, v41;
	(pc) =	sbr.rel @!p0 .LBB2_14-.Ltmp12, $4  }
0x3b2: {  	v0 =	vmul.f32 v12, v12;
	v15 =	vsel vm14, v21, v44;
	vm11 =	vlt.f32 v34, v38  }
0x3b3: {  	v12 =	vld [tilespmem:s0+$0xFFFFFFB0];
	v3 =	vmul.f32 v9, v9;
	v36 =	vsel vm2, v17, v15;
	v31 =	vsel vm11, v34, v38  }
0x3b4: {  	v62 =	vld [tilespmem:s0+$0xFFFFFFF0];
	v27 =	vadd.f32 v0, v5;
	v30 =	vsel vm11, v16, v36;
	vm10 =	vlt.f32 v29, v31  }
0x3b5: {  	s18 =	sadd.s32 $0xFFFFFFFF, s18;
	v13 =	vld [tilespmem:s0+$0xFFFFFFC0];
	v0 =	vmul.f32 v6, v6;
	v28 =	vsel vm10, v29, v31;
	v19 =	vsel vm10, v14, v30  }
.LBB2_13:
0x3b6: {  	v6 =	vadd.f32 v3, v4;
	v3 =	vmul.f32 v22, v22  }
0x3b7: {  	vm15 =	vlt.f32 v27, v28;
	v7 =	vmul.f32 v20, v20  }
0x3b8: {  	[tilespmem:$0x1FC50] =	vst v12;
	v8 =	vsel vm15, v12, v19;
	v12 =	vadd.f32 v3, v0;
	v0 =	vmul.f32 v18, v18  }
0x3b9: {  	v9 =	vld [tilespmem:$0x1FD30]  }
0x3ba: {  	v11 =	vadd.f32 v0, v7;
	v0 =	vld [tilespmem:$0x1FD40];
	_ =	sdelay $0x4  }
0x3bb: {  	v5 =	vld [tilespmem:s0+$0xFFFFFFD0];
	s16 =	sadd.s32 $0x100, s16;
	v4 =	vsel vm15, v27, v28;
	v22 =	vmul.f32 v9, v9;
	v0 =	vmul.f32 v0, v0  }
0x3bc: {  	v20 =	vld [tilespmem:s16+$0x0];
	vm13 =	vlt.f32 v6, v4  }
0x3bd: {  	[tilespmem:$0x1FC40] =	vst v14;
	s17 =	sadd.s32 $0x100, s17;
	v14 =	vmul.f32 v35, v35;
	v3 =	vsel vm13, v6, v4;
	v35 =	vadd.f32 v0, v22;
	v0 =	vld [tilespmem:$0x1FD20]  }
0x3be: {  	[tilespmem:$0x1FC60] =	vst v19;
	v63 =	vimm.s32 $0x0;
	v18 =	vld [tilespmem:s17+$0x0];
	vm0 =	vlt.f32 v12, v3  }
0x3bf: {  	[tilespmem:$0x1FC30] =	vst v16;
	v9 =	vsel vm0, $0xFFFFFFFF, v63  }
0x3c0: {  	v16 =	vld [tilespmem:s0+$0xFFFFFFE0];
	v10 =	vsel vm13, v13, v8;
	[tilespmem:$0x1FC90] =	vst v9;
	v9 =	vsel vm0, v12, v3  }
0x3c1: {  	v7 =	vld [tilespmem:s17+$0xFFFFFFF0];
	[tilespmem:$0x1FC80] =	vst v5;
	v26 =	vsel vm0, v5, v10;
	v5 =	vimm.s32 $0x0;
	vm0 =	vlt.f32 v11, v9  }
0x3c2: {  	[tilespmem:$0x1FC70] =	vst v13;
	v13 =	vld [tilespmem:s16+$0xFFFFFFF0];
	v19 =	vsel vm0, $0xFFFFFFFF, v5;
	v22 =	vmul.f32 v0, v0;
	v0 =	vsub.f32 v1, v20  }
0x3c3: {  	v18 =	vsub.f32 v2, v18;
	[tilespmem:$0x1FCA0] =	vst v19  }
0x3c4: {  	[tilespmem:$0x1FD10] =	vst v0;
	v0 =	vsel vm0, v11, v9  }
0x3c5: {  	v19 =	vsel vm0, v16, v26;
	[tilespmem:$0x1FD20] =	vst v18;
	v18 =	vimm.s32 $0x0;
	vm0 =	vlt.f32 v35, v0  }
0x3c6: {  	v7 =	vsub.f32 v2, v7;
	v18 =	vsel vm0, $0xFFFFFFFF, v18  }
0x3c7: {  	v13 =	vsub.f32 v1, v13;
	[tilespmem:$0x1FCC0] =	vst v18;
	v18 =	vadd.f32 v22, v14  }
0x3c8: {  	[tilespmem:$0x1FD40] =	vst v7;
	v7 =	vld [tilespmem:$0x1FE40];
	v20 =	vsel vm0, v35, v0  }
0x3c9: {  	v63 =	vld [tilespmem:$0x1FFE0];
	[tilespmem:$0x1FD30] =	vst v13;
	v13 =	vimm.s32 $0x0;
	vm1 =	vlt.f32 v18, v20  }
0x3ca: {  	v5 =	vmov v17;
	v17 =	vld [tilespmem:$0x1FFF0];
	v13 =	vsel vm1, $0xFFFFFFFF, v13  }
0x3cb: {  	[tilespmem:$0x1FCF0] =	vst v13;
	v13 =	vld [tilespmem:$0x1FE30];
	_ =	sdelay $0x1  }
0x3cc: {  	v22 =	vsel vm0, v62, v19;
	vm0 =	vlt.f32 v60, v7  }
0x3cd: {  	v7 =	vsel vm0, v60, v7;
	vm1 =	vlt.f32 v60, v63  }
0x3ce: {  	vm3 =	vmmov vm11;
	v7 =	vsel vm1, v63, v7;
	v14 =	vsel vm1, v60, v63  }
0x3cf: {  	v63 =	vsel vm1, v47, v17;
	v14 =	vsel vm9, v32, v14;
	v13 =	vsel vm0, v47, v13  }
0x3d0: {  	v47 =	vsel vm9, v40, v63;
	vm0 =	vlt.f32 v55, v7;
	vm9 =	vlt.f32 v55, v14  }
0x3d1: {  	v13 =	vsel vm1, v17, v13;
	v7 =	vsel vm0, v55, v7;
	v60 =	vsel vm9, v42, v47  }
0x3d2: {  	v7 =	vsel vm9, v14, v7;
	v14 =	vsel vm9, v55, v14;
	v55 =	vsel vm8, v59, v60  }
0x3d3: {  	v13 =	vsel vm0, v42, v13;
	v14 =	vsel vm8, v61, v14;
	vm8 =	vlt.f32 v51, v7  }
0x3d4: {  	v13 =	vsel vm9, v47, v13;
	vm1 =	vlt.f32 v51, v14;
	v7 =	vsel vm8, v51, v7  }
0x3d5: {  	vm4 =	vmmov vm10;
	v13 =	vsel vm8, v33, v13;
	v7 =	vsel vm1, v14, v7  }
0x3d6: {  	v14 =	vsel vm1, v51, v14;
	v63 =	vsel vm1, v33, v55;
	v13 =	vsel vm1, v55, v13  }
0x3d7: {  	v14 =	vsel vm7, v58, v14;
	v42 =	vsel vm7, v57, v63;
	vm0 =	vlt.f32 v48, v7  }
0x3d8: {  	vm11 =	vlt.f32 v48, v14;
	v7 =	vsel vm0, v48, v7;
	v13 =	vsel vm0, v25, v13  }
0x3d9: {  	v7 =	vsel vm11, v14, v7;
	v14 =	vsel vm11, v48, v14;
	v32 =	vsel vm11, v25, v42  }
0x3da: {  	v13 =	vsel vm11, v42, v13;
	v14 =	vsel vm6, v56, v14;
	vm10 =	vlt.f32 v46, v7  }
0x3db: {  	v47 =	vsel vm6, v54, v32;
	vm9 =	vlt.f32 v46, v14;
	v7 =	vsel vm10, v46, v7  }
0x3dc: {  	v13 =	vsel vm10, v24, v13;
	v7 =	vsel vm9, v14, v7;
	v14 =	vsel vm9, v46, v14  }
0x3dd: {  	v40 =	vsel vm9, v24, v47;
	v14 =	vsel vm5, v53, v14;
	vm8 =	vlt.f32 v43, v7  }
0x3de: {  	v13 =	vsel vm9, v47, v13;
	vm7 =	vlt.f32 v43, v14;
	v7 =	vsel vm8, v43, v7  }
0x3df: {  	v33 =	vsel vm5, v52, v40;
	v7 =	vsel vm7, v14, v7;
	v14 =	vsel vm7, v43, v14  }
0x3e0: {  	v46 =	vsel vm7, v23, v33;
	v14 =	vsel vm12, v50, v14;
	vm6 =	vlt.f32 v39, v7  }
0x3e1: {  	v43 =	vsel vm12, v49, v46;
	vm0 =	vlt.f32 v39, v14;
	v7 =	vsel vm6, v39, v7  }
0x3e2: {  	v7 =	vsel vm0, v14, v7;
	v14 =	vsel vm0, v39, v14;
	v25 =	vsel vm0, v21, v43  }
0x3e3: {  	v14 =	vsel vm14, v45, v14;
	v25 =	vsel vm14, v44, v25;
	vm14 =	vlt.f32 v37, v7  }
0x3e4: {  	v17 =	vld [tilespmem:$0x1FC30];
	v13 =	vsel vm8, v23, v13;
	vm5 =	vlt.f32 v37, v14;
	v7 =	vsel vm14, v37, v7  }
0x3e5: {  	v7 =	vsel vm5, v14, v7;
	v14 =	vsel vm5, v37, v14;
	v48 =	vsel vm5, v5, v25  }
0x3e6: {  	[tilespmem:$0x1FCD0] =	vst v19;
	v19 =	vmovc v5;
	v5 =	vimm.s32 $0x0;
	v14 =	vsel vm2, v41, v14;
	vm1 =	vlt.f32 v34, v7  }
0x3e7: {  	v37 =	vsel vm2, v15, v48;
	vm2 =	vlt.f32 v34, v14;
	v7 =	vsel vm1, v34, v7  }
0x3e8: {  	v5 =	vsel vm1, $0xFFFFFFFF, v5;
	v7 =	vsel vm2, v14, v7;
	v14 =	vsel vm2, v34, v14  }
0x3e9: {  	v49 =	vld [tilespmem:$0x1FC40];
	v24 =	vsel vm2, v17, v37;
	v14 =	vsel vm3, v38, v14;
	vm1 =	vlt.f32 v29, v7  }
0x3ea: {  	v24 =	vsel vm3, v36, v24;
	vm3 =	vlt.f32 v29, v14;
	v7 =	vsel vm1, v29, v7  }
0x3eb: {  	v52 =	vld [tilespmem:$0x1FC90];
	[tilespmem:$0x1FCE0] =	vst v5;
	v5 =	vimm.s32 $0x0;
	v7 =	vsel vm3, v14, v7;
	v14 =	vsel vm3, v29, v14  }
0x3ec: {  	v15 =	vld [tilespmem:$0x1FC50];
	v5 =	vsel vm1, $0xFFFFFFFF, v5;
	v14 =	vsel vm4, v31, v14;
	vm11 =	vlt.f32 v27, v7  }
0x3ed: {  	v13 =	vsel vm7, v33, v13;
	[tilespmem:$0x1FD00] =	vst v5;
	v5 =	vld [tilespmem:$0x1FC60];
	vm1 =	vlt.f32 v27, v14;
	v7 =	vsel vm11, v27, v7  }
0x3ee: {  	v50 =	vld [tilespmem:$0x1FC70];
	v29 =	vsel vm3, v49, v24;
	v7 =	vsel vm1, v14, v7;
	v14 =	vsel vm1, v27, v14  }
0x3ef: {  	v29 =	vsel vm4, v30, v29;
	v14 =	vsel vm15, v28, v14;
	vm10 =	vlt.f32 v6, v7  }
0x3f0: {  	v51 =	vld [tilespmem:$0x1FC80];
	vm4 =	vnez.u8 v52;
	vm7 =	vlt.f32 v6, v14;
	v7 =	vsel vm10, v6, v7  }
0x3f1: {  	v27 =	vsel vm1, v15, v29;
	v7 =	vsel vm7, v14, v7;
	v6 =	vsel vm7, v6, v14  }
0x3f2: {  	[tilespmem:$0x1FCB0] =	vst v26;
	v26 =	vsel vm15, v5, v27;
	v4 =	vsel vm13, v4, v6;
	vm8 =	vlt.f32 v12, v7  }
0x3f3: {  	v14 =	vsel vm7, v50, v26;
	vm9 =	vlt.f32 v12, v4;
	v7 =	vsel vm8, v12, v7  }
0x3f4: {  	v56 =	vld [tilespmem:$0x1FCA0];
	v14 =	vsel vm13, v8, v14;
	v7 =	vsel vm9, v4, v7;
	v4 =	vsel vm9, v12, v4  }
0x3f5: {  	v12 =	vsel vm9, v51, v14;
	v3 =	vsel vm4, v3, v4  }
0x3f6: {  	v57 =	vld [tilespmem:$0x1FCB0];
	v8 =	vsel vm4, v10, v12;
	vm13 =	vlt.f32 v11, v3  }
0x3f7: {  	v53 =	vmovc v16;
	v6 =	vsel vm6, v21, v13;
	vm15 =	vlt.f32 v11, v7;
	v54 =	vsel vm13, v16, v8;
	v16 =	vld [tilespmem:$0x1FCC0]  }
0x3f8: {  	v4 =	vsel vm0, v43, v6;
	v6 =	vsel vm15, v11, v7  }
0x3f9: {  	vm0 =	vnez.u8 v56;
	v6 =	vsel vm13, v3, v6;
	v3 =	vsel vm13, v11, v3  }
0x3fa: {  	v3 =	vsel vm0, v9, v3;
	vm12 =	vlt.f32 v35, v6  }
0x3fb: {  	v9 =	vsel vm0, v57, v54;
	vm0 =	vlt.f32 v35, v3;
	v6 =	vsel vm12, v35, v6  }
0x3fc: {  	v6 =	vsel vm0, v3, v6;
	v3 =	vsel vm0, v35, v3;
	vm4 =	vnez.u8 v16  }
0x3fd: {  	v0 =	vsel vm4, v0, v3;
	v3 =	vld [tilespmem:$0x1FCD0];
	_ =	sdelay $0x1  }
0x3fe: {  	v59 =	vld [tilespmem:s17+$0xFFFFFF90]  }
0x3ff: {  	v60 =	vld [tilespmem:s16+$0xFFFFFF80]  }
0x400: {  	v61 =	vld [tilespmem:s17+$0xFFFFFF80];
	v4 =	vsel vm14, v19, v4;
	v19 =	vsel vm0, v62, v9;
	vm6 =	vlt.f32 v18, v6  }
0x401: {  	v19 =	vsel vm4, v3, v19;
	v3 =	vsel vm5, v25, v4;
	v4 =	vsel vm6, v18, v6;
	v6 =	vld [tilespmem:$0x1FCE0]  }
0x402: {  	v55 =	vld [tilespmem:s17+$0xFFFFFFA0]  }
0x403: {  	v58 =	vld [tilespmem:s16+$0xFFFFFF90]  }
0x404: {  	v63 =	vld [tilespmem:s17+$0xFFFFFF70]  }
0x405: {  	v23 =	vld [tilespmem:s0+$0x0]  }
0x406: {  	vm5 =	vnez.u8 v6;
	v6 =	vld [tilespmem:$0x1FCF0]  }
0x407: {  	v30 =	vld [tilespmem:s16+$0xFFFFFFE0]  }
0x408: {  	v31 =	vld [tilespmem:s17+$0xFFFFFFD0]  }
0x409: {  	v28 =	vld [tilespmem:s16+$0xFFFFFFD0];
	vm4 =	vlt.f32 v18, v0  }
0x40a: {  	v27 =	vld [tilespmem:s17+$0xFFFFFFE0];
	v4 =	vsel vm4, v0, v4  }
0x40b: {  	v5 =	vld [tilespmem:s16+$0xFFFFFFC0];
	v0 =	vsel vm4, v18, v0;
	v3 =	vsel vm5, v17, v3;
	vm5 =	vnez.u8 v6  }
0x40c: {  	v13 =	vld [tilespmem:s17+$0xFFFFFFC0];
	[tilespmem:$0x1FE40] =	vst v4;
	v4 =	vsel vm4, v23, v19;
	v0 =	vsel vm5, v20, v0  }
0x40d: {  	v7 =	vld [tilespmem:s16+$0xFFFFFFA0];
	[tilespmem:$0x1FFE0] =	vst v0;
	v0 =	vsel vm5, v22, v4  }
0x40e: {  	[tilespmem:$0x1FFF0] =	vst v0;
	v0 =	vsel vm2, v37, v3;
	v3 =	vld [tilespmem:$0x1FD00]  }
0x40f: {  	v21 =	vld [tilespmem:s16+$0xFFFFFFB0]  }
0x410: {  	v12 =	vld [tilespmem:s17+$0xFFFFFFB0]  }
0x411: {  	v36 =	vsub.f32 v2, v63;
	v35 =	vld [tilespmem:s17+$0xFFFFFF60]  }
0x412: {  	v10 =	vsub.f32 v1, v58;
	v7 =	vsub.f32 v1, v7;
	v16 =	vld [tilespmem:s16+$0xFFFFFF50]  }
0x413: {  	v63 =	vmul.f32 v36, v36;
	v11 =	vsub.f32 v2, v59;
	v25 =	vld [tilespmem:s16+$0xFFFFFF70];
	vm2 =	vnez.u8 v3  }
0x414: {  	v10 =	vmul.f32 v10, v10;
	v7 =	vmul.f32 v7, v7;
	v17 =	vld [tilespmem:s16+$0xFFFFFF60];
	v3 =	vsel vm2, v49, v0  }
0x415: {  	v32 =	vsel vm5, v18, v20;
	v20 =	vsub.f32 v1, v30;
	v30 =	vld [tilespmem:s16+$0xFFFFFF30];
	v6 =	vsel vm3, v24, v3  }
0x416: {  	v4 =	vsub.f32 v1, v5;
	v24 =	vld [tilespmem:s17+$0xFFFFFF50];
	v3 =	vsub.f32 v2, v13;
	v13 =	vsel vm11, v15, v6  }
0x417: {  	v5 =	vsub.f32 v2, v12;
	v6 =	vsub.f32 v1, v21;
	v21 =	vld [tilespmem:s17+$0xFFFFFF10];
	v12 =	vsel vm1, v29, v13  }
0x418: {  	v38 =	vsub.f32 v2, v35;
	v16 =	vsub.f32 v1, v16;
	v13 =	vld [tilespmem:s16+$0xFFFFFF10];
	v12 =	vsel vm10, v50, v12  }
0x419: {  	v40 =	vsel vm5, v23, v22;
	v18 =	vsub.f32 v2, v27;
	v15 =	vld [tilespmem:s16+$0xFFFFFF20];
	v12 =	vsel vm7, v26, v12  }
0x41a: {  	v27 =	vsub.f32 v2, v55;
	v17 =	vsub.f32 v1, v17;
	v26 =	vld [tilespmem:s17+$0xFFFFFF20];
	v12 =	vsel vm8, v51, v12  }
0x41b: {  	v22 =	vsub.f32 v2, v31;
	v31 =	vsub.f32 v1, v25;
	v25 =	vld [tilespmem:s16+$0xFFFFFF40];
	v12 =	vsel vm9, v14, v12  }
0x41c: {  	v0 =	vsub.f32 v1, v28;
	v28 =	vsub.f32 v1, v60;
	v14 =	vld [tilespmem:s17+$0xFFFFFF30];
	v12 =	vsel vm15, v53, v12  }
0x41d: {  	v8 =	vsel vm13, v8, v12;
	v12 =	vsub.f32 v1, v13;
	v13 =	vsub.f32 v2, v21;
	v21 =	vld [tilespmem:s17+$0xFFFFFF40]  }
0x41e: {  	v5 =	vmul.f32 v5, v5;
	v39 =	vsub.f32 v2, v24;
	v15 =	vsub.f32 v1, v15  }
0x41f: {  	v24 =	vsub.f32 v2, v26;
	v42 =	vmul.f32 v12, v12;
	v12 =	vmul.f32 v13, v13  }
0x420: {  	v29 =	vsub.f32 v2, v61;
	v43 =	vmul.f32 v15, v15;
	v13 =	vsub.f32 v1, v30  }
0x421: {  	v14 =	vsub.f32 v2, v14;
	v44 =	vmul.f32 v24, v24;
	v60 =	vadd.f32 v12, v42  }
0x422: {  	v12 =	vmul.f32 v13, v13;
	v13 =	vsub.f32 v1, v25;
	v15 =	vsub.f32 v2, v21  }
0x423: {  	v55 =	vadd.f32 v44, v43;
	v45 =	vmul.f32 v14, v14;
	vm9 =	vlt.f32 v60, v32  }
0x424: {  	v50 =	vmul.f32 v17, v17;
	v46 =	vmul.f32 v13, v13;
	v61 =	vsel vm9, v60, v32  }
0x425: {  	v51 =	vadd.f32 v45, v12;
	v48 =	vmul.f32 v15, v15;
	vm8 =	vlt.f32 v55, v61  }
0x426: {  	v49 =	vmul.f32 v39, v39;
	v8 =	vsel vm12, v62, v8;
	v58 =	vsel vm8, v55, v61  }
0x427: {  	s0 =	sadd.s32 $0x100, s0;
	v12 =	vmul.f32 v16, v16;
	v48 =	vadd.f32 v48, v46;
	vm7 =	vlt.f32 v51, v58  }
0x428: {  	v47 =	vld [tilespmem:s0+$0xFFFFFF10];
	v62 =	vmul.f32 v38, v38;
	v8 =	vsel vm0, v9, v8;
	v56 =	vsel vm7, v51, v58  }
0x429: {  	v8 =	vsel vm6, v23, v8;
	v42 =	vld [tilespmem:s0+$0xFFFFFF20];
	v46 =	vadd.f32 v49, v12;
	vm6 =	vlt.f32 v48, v56  }
0x42a: {  	v33 =	vld [tilespmem:s0+$0xFFFFFF30];
	v4 =	vmul.f32 v4, v4;
	v34 =	vmul.f32 v28, v28;
	v53 =	vsel vm6, v48, v56  }
0x42b: {  	v25 =	vld [tilespmem:s0+$0xFFFFFF40];
	v43 =	vadd.f32 v62, v50;
	v12 =	vmul.f32 v31, v31;
	vm5 =	vlt.f32 v46, v53  }
0x42c: {  	v0 =	vmul.f32 v0, v0;
	v41 =	vmul.f32 v29, v29;
	v24 =	vld [tilespmem:s0+$0xFFFFFF50];
	v50 =	vsel vm5, v46, v53  }
0x42d: {  	v23 =	vld [tilespmem:s0+$0xFFFFFF60];
	v59 =	vsel vm9, v47, v40;
	v39 =	vadd.f32 v63, v12;
	vm12 =	vlt.f32 v43, v50  }
0x42e: {  	v21 =	vld [tilespmem:s0+$0xFFFFFF70];
	v62 =	vmul.f32 v11, v11;
	v57 =	vsel vm8, v42, v59;
	v45 =	vsel vm12, v43, v50  }
0x42f: {  	v17 =	vld [tilespmem:s0+$0xFFFFFF80];
	v37 =	vadd.f32 v41, v34;
	v54 =	vsel vm7, v33, v57;
	vm14 =	vlt.f32 v39, v45  }
0x430: {  	v16 =	vld [tilespmem:s0+$0xFFFFFF90];
	v34 =	vadd.f32 v62, v10;
	v52 =	vsel vm6, v25, v54;
	v41 =	vsel vm14, v39, v45  }
0x431: {  	p0 =	sne.s32 s18, $0x1;
	v14 =	vld [tilespmem:s0+$0xFFFFFFA0];
	v63 =	vmul.f32 v27, v27;
	v49 =	vsel vm5, v24, v52;
	vm2 =	vlt.f32 v37, v41  }
.Ltmp13:
0x432: {  	v3 =	vmul.f32 v3, v3;
	v44 =	vsel vm12, v23, v49;
	v38 =	vsel vm2, v37, v41;
	(pc) =	sbr.rel @p0 .LBB2_13-.Ltmp13, $4  }
0x433: {  	v35 =	vld [tilespmem:$0x1FD10];
	v29 =	vadd.f32 v63, v7;
	v15 =	vsel vm14, v21, v44;
	vm11 =	vlt.f32 v34, v38  }
0x434: {  	v6 =	vmul.f32 v6, v6;
	v13 =	vld [tilespmem:s0+$0xFFFFFFC0];
	v36 =	vsel vm2, v17, v15;
	v31 =	vsel vm11, v34, v38  }
0x435: {  	v8 =	vsel vm4, v19, v8;
	v62 =	vld [tilespmem:s0+$0xFFFFFFF0];
	v30 =	vsel vm11, v16, v36;
	vm10 =	vlt.f32 v29, v31  }
0x436: {  	s18 =	sadd.s32 $0xFFFFFFFF, s18;
	[tilespmem:$0x1FE30] =	vst v8;
	v12 =	vld [tilespmem:s0+$0xFFFFFFB0];
	v27 =	vadd.f32 v5, v6;
	v28 =	vsel vm10, v29, v31;
	v19 =	vsel vm10, v14, v30  }
.Ltmp14:
0x437: {  	_ = 	snop;
	(pc) =	sbr.rel .LBB2_14-.Ltmp14, $1  }
0x438: {  	_ =	sdelay $0x3  }
.LBB2_17:
0x439: {  	_ =	sfence.sel $0x180000  }
0x43a: {  	[bflag:$0x0] =	sbarrier.arrive $0xFFFF  }
0x43b: {  	_ =	strace $0x90000047  }
0x43c: {  	[bflag:$0x2] =	sbarrier.arrive $0xFFFF  }
0x43d: {  	p0 =	sne.s32 s2, $0x0;
	s0 =	rddreg [dreg:$0x1]  }
0x43e: {  	s0 =	sadd.s32 @!p0 $0x100000, s0  }
0x43f: {  	[sflag:s0] =	ssyncadd.tile.s32 @!p0 $0x1;
	_ =	shalt  }
.Lfunc_end2:
_tile_overlayer_lowered:
.L_overlay_start_2:
0x440: {  	(tag) =	ssettag $0x2  }
0x441: {  	s0 =	rddreg [dreg:$0x0];
	s2 =	stileid.u32  }
0x442: {  	s1 =	rddreg [dreg:$0x1];
	p0 =	sne.s32 s2, $0x0  }
0x443: {  	s3 =	rddreg [dreg:$0x2];
	[bflag:$0x3] =	sbarrier.arrive $0xFFFF;
	s2 =	simm.s32 @!p0 $0x1C01  }
0x444: {  	[timem:s3], [sflag:s2] =	dma.local @!p0 [hbm:s0], s1  }
0x445: {  	s0 =	simm.s32 @!p0 $0x1  }
0x446: {  	_ =	swait.ge @!p0 [sflag:s0], s1  }
0x447: {  	s1 =	ssub.s32 @!p0 $0x0, s1;
	[sflag:s0] =	ssyncset.done @!p0 $0x0  }
0x448: {  	[sflag:s0] =	ssyncadd.s32 @!p0 s1  }
0x449: {  	[bflag:$0x3] =	sbarrier.arrive $0xFFFF  }
0x44a: {  	_ =	shalt  }

</sc_bundles>
